<compile_context>
chip_gen: v7x
topology: tpu7x:2x2x1
jax: 0.10.2.dev20260603
libtpu: 0.0.44.dev20260713+nightly
codegen_flags: <defaults>
</compile_context>

<pallas_src>
import jax
import jax.numpy as jnp
from jax import lax
from jax.experimental import pallas as pl
from jax.experimental.pallas import tpu as pltpu
from jax.experimental.pallas import tpu_sc as plsc

N = 65536
NS = 16
CHUNK = N // NS
VPC = CHUNK // 16
NB = 1024
SLICE = NB // NS
LN2 = 0.6931471805599453
NEG = -3.0e38


def _ln_vec(x):
    bits = lax.bitcast_convert_type(x, jnp.int32)
    k = ((bits >> 23) & 0xFF) - 127
    m = lax.bitcast_convert_type((bits & 0x007FFFFF) | 0x3F800000, jnp.float32)
    adj = m > 1.4142135623730951
    m = jnp.where(adj, m * 0.5, m)
    kf = k.astype(jnp.float32) + jnp.where(adj, 1.0, 0.0)
    r = (m - 1.0) / (m + 1.0)
    r2 = r * r
    p = 2.0 * r * (1.0 + r2 * (0.3333333333 + r2 * (0.2 + r2 * 0.1428571429)))
    return kf * LN2 + p


def _body(outs_hbm, te_hbm, tt_hbm, out_hbm,
          outs_v, te_v, tt_v, ev_v, fidx_v, bases_v, maxflat, cnt_v, lmax_v,
          svec_v, sca_v, cmax_v, ccnt_v, fin_v,
          sh_max, sh_cnt, sh_sca, sh_fin, dsem, osem):
    wid = lax.axis_index("s")
    base = wid * CHUNK
    in_descs = [
        pltpu.async_copy(outs_hbm.at[pl.ds(base, CHUNK)], outs_v, osem),
        pltpu.async_copy(te_hbm.at[pl.ds(base, CHUNK)], te_v, dsem),
        pltpu.async_copy(tt_hbm.at[pl.ds(base, CHUNK)], tt_v, dsem),
    ]

    lane = lax.iota(jnp.int32, 16)
    zero = jnp.zeros((16,), jnp.float32)
    neg = jnp.full((16,), NEG, jnp.float32)

    @plsc.parallel_loop(0, NB * 16 // (16 * 8))
    def _init(k):
        for u in range(8):
            maxflat[pl.ds((k * 8 + u) * 16, 16)] = neg

    @plsc.parallel_loop(0, NB // (16 * 8))
    def _initc(k):
        for u in range(8):
            cnt_v[pl.ds((k * 8 + u) * 16, 16)] = zero

    in_descs[0].wait()

    @plsc.parallel_loop(0, VPC // 16)
    def _passa(k):
        acc = zero
        for u in range(16):
            j = k * 16 + u
            e = jnp.exp(outs_v[pl.ds(j * 16, 16)])
            cs = plsc.cumsum(e)
            ev_v[pl.ds(j * 16, 16)] = cs
            acc = jnp.where(lane == u, cs[15], acc)
        bases_v[pl.ds(k * 16, 16)] = acc

    def scan_body(k, tot):
        sv = bases_v[pl.ds(k * 16, 16)]
        cs = plsc.cumsum(sv)
        bases_v[pl.ds(k * 16, 16)] = cs - sv + tot
        return tot + cs[15]
    tot = lax.fori_loop(0, VPC // 16, scan_body, jnp.float32(0.0))

    in_descs[1].wait()
    in_descs[2].wait()

    def passb_body(k, carry):
        s1v, obsv = carry
        bvec = bases_v[pl.ds(k * 16, 16)]
        for half in range(2):
            cs, ts, tes, os_ = [], [], [], []
            for u8 in range(8):
                j = k * 16 + half * 8 + u8
                cs.append(ev_v[pl.ds(j * 16, 16)])
                ts.append(tt_v[pl.ds(j * 16, 16)])
                tes.append(te_v[pl.ds(j * 16, 16)])
                os_.append(outs_v[pl.ds(j * 16, 16)])
            for u8 in range(8):
                u = half * 8 + u8
                c = cs[u8] + bvec[u]
                t = jnp.abs(ts[u8])
                ef = tes[u8].astype(jnp.float32)
                plsc.store_scatter(maxflat, [lane * NB + t], c)
                plsc.addupdate_scatter(cnt_v, [t], ef)
                s1v = s1v + os_[u8] * ef
                obsv = obsv + ef
        return (s1v, obsv)
    s1v, obsv = lax.fori_loop(0, VPC // 16, passb_body, (zero, zero))

    @plsc.parallel_loop(0, NB // 16)
    def _red(k):
        m = maxflat[pl.ds(k * 16, 16)]
        for l in range(1, 16):
            m = jnp.maximum(m, maxflat[pl.ds(l * NB + k * 16, 16)])
        lmax_v[pl.ds(k * 16, 16)] = m

    s1 = jnp.sum(s1v)
    obs = jnp.sum(obsv)
    svec = jnp.where(lane == 0, tot,
                     jnp.where(lane == 1, s1,
                               jnp.where(lane == 2, obs, jnp.float32(0.0))))
    svec_v[...] = svec
    pltpu.sync_copy(svec_v, sh_sca.at[pl.ds(wid * 16, 16)])
    descs = []
    for m in range(NS):
        descs.append(pltpu.async_copy(
            lmax_v.at[pl.ds(m * SLICE, SLICE)],
            sh_max.at[pl.ds(m * NB + wid * SLICE, SLICE)], dsem))
        descs.append(pltpu.async_copy(
            cnt_v.at[pl.ds(m * SLICE, SLICE)],
            sh_cnt.at[pl.ds(m * NB + wid * SLICE, SLICE)], dsem))
    for d in descs:
        d.wait()
    plsc.subcore_barrier()

    pltpu.sync_copy(sh_sca, sca_v)
    bases = []
    b = jnp.float32(0.0)
    s1g = jnp.float32(0.0)
    obsg = jnp.float32(0.0)
    for w in range(NS):
        bases.append(b)
        row = sca_v[pl.ds(w * 16, 16)]
        b = b + row[0]
        s1g = s1g + row[1]
        obsg = obsg + row[2]

    pltpu.sync_copy(sh_max.at[pl.ds(wid * NB, NB)], cmax_v)
    pltpu.sync_copy(sh_cnt.at[pl.ds(wid * NB, NB)], ccnt_v)
    part = zero
    for k in range(SLICE // 16):
        m = cmax_v[pl.ds(k * 16, 16)] + bases[0]
        cc = ccnt_v[pl.ds(k * 16, 16)]
        for w in range(1, NS):
            m = jnp.maximum(m, cmax_v[pl.ds(w * SLICE + k * 16, 16)] + bases[w])
            cc = cc + ccnt_v[pl.ds(w * SLICE + k * 16, 16)]
        m = jnp.maximum(m, jnp.float32(1.0))
        part = part + cc * _ln_vec(m)
    s2p = jnp.sum(part)

    svec_v[...] = jnp.where(lane == 0, s2p, jnp.float32(0.0))
    pltpu.sync_copy(svec_v, sh_fin.at[pl.ds(wid * 16, 16)])
    plsc.subcore_barrier()

    @pl.when(wid == 0)
    def _finish():
        pltpu.sync_copy(sh_fin, fin_v)
        s2g = jnp.float32(0.0)
        for w in range(NS):
            s2g = s2g + fin_v[pl.ds(w * 16, 16)][0]
        svec_v[...] = (zero + (s2g - s1g)) / (zero + obsg)
        pltpu.sync_copy(svec_v, out_hbm)


_surv_loss_sc = pl.kernel(
    _body,
    out_type=jax.ShapeDtypeStruct((16,), jnp.float32),
    mesh=plsc.VectorSubcoreMesh(core_axis_name="c", subcore_axis_name="s",
                                num_cores=1),
    scratch_types=[
        pltpu.VMEM((CHUNK,), jnp.float32),
        pltpu.VMEM((CHUNK,), jnp.int32),
        pltpu.VMEM((CHUNK,), jnp.int32),
        pltpu.VMEM((CHUNK,), jnp.float32),
        pltpu.VMEM((CHUNK,), jnp.int32),
        pltpu.VMEM((VPC,), jnp.float32),
        pltpu.VMEM((16 * NB,), jnp.float32),
        pltpu.VMEM((NB,), jnp.float32),
        pltpu.VMEM((NB,), jnp.float32),
        pltpu.VMEM((16,), jnp.float32),
        pltpu.VMEM((NS * 16,), jnp.float32),
        pltpu.VMEM((NB,), jnp.float32),
        pltpu.VMEM((NB,), jnp.float32),
        pltpu.VMEM((NS * 16,), jnp.float32),
        pltpu.VMEM_SHARED((NS * NB,), jnp.float32),
        pltpu.VMEM_SHARED((NS * NB,), jnp.float32),
        pltpu.VMEM_SHARED((NS * 16,), jnp.float32),
        pltpu.VMEM_SHARED((NS * 16,), jnp.float32),
        pltpu.SemaphoreType.DMA,
        pltpu.SemaphoreType.DMA,
    ],
    compiler_params=pltpu.CompilerParams(needs_layout_passes=False),
)


def kernel(outs, T_E, T_T):
    return _surv_loss_sc(outs, T_E, T_T)[0]

# --- scband reference (transcript-rebuilt; emitter-appended) ---
"""Pipeline reference for scband-surv-loss-26448408609261 (READ-ONLY COPY).

The authoritative reference and input builder live on the scoring server;
editing this copy changes nothing except your own understanding.
"""

import jax, jax.numpy as jnp
import numpy as np

def setup_inputs(seed: int = 0) -> dict:
    key = jax.random.key(seed)
    k1, k2, k3 = jax.random.split(key, 3)
    N = 65536
    outs = jax.random.normal(k1, (N,), dtype=jnp.float32)
    T_E = jax.random.randint(k2, (N,), 0, 2, dtype=jnp.int32)
    T_T = jax.random.randint(k3, (N,), 0, 1000, dtype=jnp.int32)
    return {"outs": outs, "T_E": T_E, "T_T": T_T}

def reference(outs, T_E, T_T):
    E = jnp.squeeze(T_E)
    Y_c = jnp.squeeze(T_T)
    Y_hat_c = jnp.squeeze(outs).astype(jnp.float32)
    Y_label_T = jnp.abs(Y_c).astype(jnp.float32)
    E = jnp.where(E > 0, 1, E)
    Y_label_E = E.astype(jnp.float32)
    Obs = jnp.sum(Y_label_E)
    Y_hat_hr = jnp.exp(Y_hat_c)
    Y_hat_cumsum = jnp.log(jnp.cumsum(Y_hat_hr))
    N = Y_label_T.shape[0]
    # unique with first-appearance order in original; sorted-unique gives identical
    # loss since we only sum seg_max * seg_count over segments
    _, seg_ids = jnp.unique(Y_label_T, return_inverse=True, size=N, fill_value=-1.0)
    seg_ids = seg_ids.reshape(-1)
    # original inits segment buffers to zero, so max has an implicit 0 floor
    loss_s2_v = jnp.zeros((N,), dtype=jnp.float32).at[seg_ids].max(Y_hat_cumsum)
    loss_s2_count = jnp.zeros((N,), dtype=jnp.float32).at[seg_ids].add(Y_label_E)
    loss_s2 = jnp.sum(loss_s2_v * loss_s2_count)
    loss_s1 = jnp.sum(Y_hat_c * Y_label_E)
    loss = (loss_s2 - loss_s1) / Obs
    return loss

if __name__ == "__main__":
    import jax
    _d = setup_inputs()
    print(jax.jit(kernel)(*tuple(_d.values())))

</pallas_src>

<mosaic_0001>
#map = affine_map<(d0, d1) -> (0)>
module attributes {stable_mosaic.version = 14 : i64} {
  func.func @_body(%arg0: i32, %arg1: i32, %arg2: memref<65536xf32, #tpu.memory_space<hbm>>, %arg3: memref<65536xi32, #tpu.memory_space<hbm>>, %arg4: memref<65536xi32, #tpu.memory_space<hbm>>, %arg5: memref<16xf32, #tpu.memory_space<hbm>>, %arg6: memref<4096xf32, #tpu.memory_space<vmem>>, %arg7: memref<4096xi32, #tpu.memory_space<vmem>>, %arg8: memref<4096xi32, #tpu.memory_space<vmem>>, %arg9: memref<4096xf32, #tpu.memory_space<vmem>>, %arg10: memref<4096xi32, #tpu.memory_space<vmem>>, %arg11: memref<256xf32, #tpu.memory_space<vmem>>, %arg12: memref<16384xf32, #tpu.memory_space<vmem>>, %arg13: memref<1024xf32, #tpu.memory_space<vmem>>, %arg14: memref<1024xf32, #tpu.memory_space<vmem>>, %arg15: memref<16xf32, #tpu.memory_space<vmem>>, %arg16: memref<256xf32, #tpu.memory_space<vmem>>, %arg17: memref<1024xf32, #tpu.memory_space<vmem>>, %arg18: memref<1024xf32, #tpu.memory_space<vmem>>, %arg19: memref<256xf32, #tpu.memory_space<vmem>>, %arg20: memref<16384xf32, #tpu.memory_space<vmem_shared>>, %arg21: memref<16384xf32, #tpu.memory_space<vmem_shared>>, %arg22: memref<256xf32, #tpu.memory_space<vmem_shared>>, %arg23: memref<256xf32, #tpu.memory_space<vmem_shared>>, %arg24: memref<!tpu.dma_semaphore, #tpu.memory_space<semaphore_mem>>, %arg25: memref<!tpu.dma_semaphore, #tpu.memory_space<semaphore_mem>>) attributes {dimension_semantics = [#tpu.dimension_semantics<core_parallel>, #tpu.dimension_semantics<subcore_parallel>], iteration_bounds = array<i64: 1, 16>, scalar_prefetch = 0 : i64, scratch_operands = 20 : i64, tpu.core_type = #tpu.core_type<sc_vector_subcore>, window_params = [{transform_indices = #map}, {transform_indices = #map}, {transform_indices = #map}, {transform_indices = #map}]} {
    %mul3A = arith.constant 4096 : i32
    %mul3A_0 = arith.muli %arg1, %mul3A : i32
    %dma_start3A = tpu.memref_slice %arg2[%mul3A_0] : memref<65536xf32, #tpu.memory_space<hbm>> -> memref<4096xf32, #tpu.memory_space<hbm>>
    %dma_start3A_1 = tpu.memref_slice %arg2[%mul3A_0] : memref<65536xf32, #tpu.memory_space<hbm>> -> memref<4096xf32, #tpu.memory_space<hbm>>
    tpu.enqueue_dma source(%dma_start3A_1 : memref<4096xf32, #tpu.memory_space<hbm>>) target(%arg6 : memref<4096xf32, #tpu.memory_space<vmem>>) target_semaphore(%arg25 : memref<!tpu.dma_semaphore, #tpu.memory_space<semaphore_mem>>)
    %dma_start3A_2 = tpu.memref_slice %arg3[%mul3A_0] : memref<65536xi32, #tpu.memory_space<hbm>> -> memref<4096xi32, #tpu.memory_space<hbm>>
    %dma_start3A_3 = tpu.memref_slice %arg3[%mul3A_0] : memref<65536xi32, #tpu.memory_space<hbm>> -> memref<4096xi32, #tpu.memory_space<hbm>>
    tpu.enqueue_dma source(%dma_start3A_3 : memref<4096xi32, #tpu.memory_space<hbm>>) target(%arg7 : memref<4096xi32, #tpu.memory_space<vmem>>) target_semaphore(%arg24 : memref<!tpu.dma_semaphore, #tpu.memory_space<semaphore_mem>>)
    %dma_start3A_4 = tpu.memref_slice %arg4[%mul3A_0] : memref<65536xi32, #tpu.memory_space<hbm>> -> memref<4096xi32, #tpu.memory_space<hbm>>
    %dma_start3A_5 = tpu.memref_slice %arg4[%mul3A_0] : memref<65536xi32, #tpu.memory_space<hbm>> -> memref<4096xi32, #tpu.memory_space<hbm>>
    tpu.enqueue_dma source(%dma_start3A_5 : memref<4096xi32, #tpu.memory_space<hbm>>) target(%arg8 : memref<4096xi32, #tpu.memory_space<vmem>>) target_semaphore(%arg24 : memref<!tpu.dma_semaphore, #tpu.memory_space<semaphore_mem>>)
    %iota3A = tpu.iota {dimensions = array<i32: 0>} : vector<16xi32>
    %broadcast_in_dim3A = arith.constant 0.000000e+00 : f32
    %broadcast_in_dim3A_6 = vector.broadcast %broadcast_in_dim3A : f32 to vector<16xf32>
    %broadcast_in_dim3A_7 = arith.constant -3.000000e+38 : f32
    %broadcast_in_dim3A_8 = vector.broadcast %broadcast_in_dim3A_7 : f32 to vector<16xf32>
    %parallel_loop3A = arith.constant 0 : i32
    %parallel_loop3A_9 = arith.constant 128 : i32
    %parallel_loop3A_10 = arith.constant 1 : i32
    scf.for %parallel_loop3A_1535 = %parallel_loop3A to %parallel_loop3A_9 step %parallel_loop3A_10  : i32 {
      %parallel_loop3A_1536 = arith.constant 8 : i32
      %parallel_loop3A_1537 = arith.muli %parallel_loop3A_1535, %parallel_loop3A_1536 : i32
      %parallel_loop3A_1538 = arith.constant 0 : i32
      %parallel_loop3A_1539 = arith.addi %parallel_loop3A_1537, %parallel_loop3A_1538 : i32
      %parallel_loop3A_1540 = arith.constant 16 : i32
      %parallel_loop3A_1541 = arith.muli %parallel_loop3A_1539, %parallel_loop3A_1540 : i32
      %parallel_loop3A_1542 = arith.index_cast %parallel_loop3A_1541 : i32 to index
      %parallel_loop3A_1543 = tpu.vector_load %arg12[%parallel_loop3A_1542] {strides = array<i32>} : memref<16384xf32, #tpu.memory_space<vmem>>, vector<16xf32>,
      tpu.vector_store %arg12[%parallel_loop3A_1542], %broadcast_in_dim3A_8 {strides = array<i32>} : memref<16384xf32, #tpu.memory_space<vmem>>, vector<16xf32>,
      %parallel_loop3A_1544 = arith.constant 8 : i32
      %parallel_loop3A_1545 = arith.muli %parallel_loop3A_1535, %parallel_loop3A_1544 : i32
      %parallel_loop3A_1546 = arith.constant 1 : i32
      %parallel_loop3A_1547 = arith.addi %parallel_loop3A_1545, %parallel_loop3A_1546 : i32
      %parallel_loop3A_1548 = arith.constant 16 : i32
      %parallel_loop3A_1549 = arith.muli %parallel_loop3A_1547, %parallel_loop3A_1548 : i32
      %parallel_loop3A_1550 = arith.index_cast %parallel_loop3A_1549 : i32 to index
      %parallel_loop3A_1551 = tpu.vector_load %arg12[%parallel_loop3A_1550] {strides = array<i32>} : memref<16384xf32, #tpu.memory_space<vmem>>, vector<16xf32>,
      tpu.vector_store %arg12[%parallel_loop3A_1550], %broadcast_in_dim3A_8 {strides = array<i32>} : memref<16384xf32, #tpu.memory_space<vmem>>, vector<16xf32>,
      %parallel_loop3A_1552 = arith.constant 8 : i32
      %parallel_loop3A_1553 = arith.muli %parallel_loop3A_1535, %parallel_loop3A_1552 : i32
      %parallel_loop3A_1554 = arith.constant 2 : i32
      %parallel_loop3A_1555 = arith.addi %parallel_loop3A_1553, %parallel_loop3A_1554 : i32
      %parallel_loop3A_1556 = arith.constant 16 : i32
      %parallel_loop3A_1557 = arith.muli %parallel_loop3A_1555, %parallel_loop3A_1556 : i32
      %parallel_loop3A_1558 = arith.index_cast %parallel_loop3A_1557 : i32 to index
      %parallel_loop3A_1559 = tpu.vector_load %arg12[%parallel_loop3A_1558] {strides = array<i32>} : memref<16384xf32, #tpu.memory_space<vmem>>, vector<16xf32>,
      tpu.vector_store %arg12[%parallel_loop3A_1558], %broadcast_in_dim3A_8 {strides = array<i32>} : memref<16384xf32, #tpu.memory_space<vmem>>, vector<16xf32>,
      %parallel_loop3A_1560 = arith.constant 8 : i32
      %parallel_loop3A_1561 = arith.muli %parallel_loop3A_1535, %parallel_loop3A_1560 : i32
      %parallel_loop3A_1562 = arith.constant 3 : i32
      %parallel_loop3A_1563 = arith.addi %parallel_loop3A_1561, %parallel_loop3A_1562 : i32
      %parallel_loop3A_1564 = arith.constant 16 : i32
      %parallel_loop3A_1565 = arith.muli %parallel_loop3A_1563, %parallel_loop3A_1564 : i32
      %parallel_loop3A_1566 = arith.index_cast %parallel_loop3A_1565 : i32 to index
      %parallel_loop3A_1567 = tpu.vector_load %arg12[%parallel_loop3A_1566] {strides = array<i32>} : memref<16384xf32, #tpu.memory_space<vmem>>, vector<16xf32>,
      tpu.vector_store %arg12[%parallel_loop3A_1566], %broadcast_in_dim3A_8 {strides = array<i32>} : memref<16384xf32, #tpu.memory_space<vmem>>, vector<16xf32>,
      %parallel_loop3A_1568 = arith.constant 8 : i32
      %parallel_loop3A_1569 = arith.muli %parallel_loop3A_1535, %parallel_loop3A_1568 : i32
      %parallel_loop3A_1570 = arith.constant 4 : i32
      %parallel_loop3A_1571 = arith.addi %parallel_loop3A_1569, %parallel_loop3A_1570 : i32
      %parallel_loop3A_1572 = arith.constant 16 : i32
      %parallel_loop3A_1573 = arith.muli %parallel_loop3A_1571, %parallel_loop3A_1572 : i32
      %parallel_loop3A_1574 = arith.index_cast %parallel_loop3A_1573 : i32 to index
      %parallel_loop3A_1575 = tpu.vector_load %arg12[%parallel_loop3A_1574] {strides = array<i32>} : memref<16384xf32, #tpu.memory_space<vmem>>, vector<16xf32>,
      tpu.vector_store %arg12[%parallel_loop3A_1574], %broadcast_in_dim3A_8 {strides = array<i32>} : memref<16384xf32, #tpu.memory_space<vmem>>, vector<16xf32>,
      %parallel_loop3A_1576 = arith.constant 8 : i32
      %parallel_loop3A_1577 = arith.muli %parallel_loop3A_1535, %parallel_loop3A_1576 : i32
      %parallel_loop3A_1578 = arith.constant 5 : i32
      %parallel_loop3A_1579 = arith.addi %parallel_loop3A_1577, %parallel_loop3A_1578 : i32
      %parallel_loop3A_1580 = arith.constant 16 : i32
      %parallel_loop3A_1581 = arith.muli %parallel_loop3A_1579, %parallel_loop3A_1580 : i32
      %parallel_loop3A_1582 = arith.index_cast %parallel_loop3A_1581 : i32 to index
      %parallel_loop3A_1583 = tpu.vector_load %arg12[%parallel_loop3A_1582] {strides = array<i32>} : memref<16384xf32, #tpu.memory_space<vmem>>, vector<16xf32>,
      tpu.vector_store %arg12[%parallel_loop3A_1582], %broadcast_in_dim3A_8 {strides = array<i32>} : memref<16384xf32, #tpu.memory_space<vmem>>, vector<16xf32>,
      %parallel_loop3A_1584 = arith.constant 8 : i32
      %parallel_loop3A_1585 = arith.muli %parallel_loop3A_1535, %parallel_loop3A_1584 : i32
      %parallel_loop3A_1586 = arith.constant 6 : i32
      %parallel_loop3A_1587 = arith.addi %parallel_loop3A_1585, %parallel_loop3A_1586 : i32
      %parallel_loop3A_1588 = arith.constant 16 : i32
      %parallel_loop3A_1589 = arith.muli %parallel_loop3A_1587, %parallel_loop3A_1588 : i32
      %parallel_loop3A_1590 = arith.index_cast %parallel_loop3A_1589 : i32 to index
      %parallel_loop3A_1591 = tpu.vector_load %arg12[%parallel_loop3A_1590] {strides = array<i32>} : memref<16384xf32, #tpu.memory_space<vmem>>, vector<16xf32>,
      tpu.vector_store %arg12[%parallel_loop3A_1590], %broadcast_in_dim3A_8 {strides = array<i32>} : memref<16384xf32, #tpu.memory_space<vmem>>, vector<16xf32>,
      %parallel_loop3A_1592 = arith.constant 8 : i32
      %parallel_loop3A_1593 = arith.muli %parallel_loop3A_1535, %parallel_loop3A_1592 : i32
      %parallel_loop3A_1594 = arith.constant 7 : i32
      %parallel_loop3A_1595 = arith.addi %parallel_loop3A_1593, %parallel_loop3A_1594 : i32
      %parallel_loop3A_1596 = arith.constant 16 : i32
      %parallel_loop3A_1597 = arith.muli %parallel_loop3A_1595, %parallel_loop3A_1596 : i32
      %parallel_loop3A_1598 = arith.index_cast %parallel_loop3A_1597 : i32 to index
      %parallel_loop3A_1599 = tpu.vector_load %arg12[%parallel_loop3A_1598] {strides = array<i32>} : memref<16384xf32, #tpu.memory_space<vmem>>, vector<16xf32>,
      tpu.vector_store %arg12[%parallel_loop3A_1598], %broadcast_in_dim3A_8 {strides = array<i32>} : memref<16384xf32, #tpu.memory_space<vmem>>, vector<16xf32>,
    } {sc.loop_unroll_factor = 1 : i64, sc.parallel_access}
    %parallel_loop3A_11 = arith.constant 0 : i32
    %parallel_loop3A_12 = arith.constant 8 : i32
    %parallel_loop3A_13 = arith.constant 1 : i32
    scf.for %parallel_loop3A_1535 = %parallel_loop3A_11 to %parallel_loop3A_12 step %parallel_loop3A_13  : i32 {
      %parallel_loop3A_1536 = arith.constant 8 : i32
      %parallel_loop3A_1537 = arith.muli %parallel_loop3A_1535, %parallel_loop3A_1536 : i32
      %parallel_loop3A_1538 = arith.constant 0 : i32
      %parallel_loop3A_1539 = arith.addi %parallel_loop3A_1537, %parallel_loop3A_1538 : i32
      %parallel_loop3A_1540 = arith.constant 16 : i32
      %parallel_loop3A_1541 = arith.muli %parallel_loop3A_1539, %parallel_loop3A_1540 : i32
      %parallel_loop3A_1542 = arith.index_cast %parallel_loop3A_1541 : i32 to index
      %parallel_loop3A_1543 = tpu.vector_load %arg13[%parallel_loop3A_1542] {strides = array<i32>} : memref<1024xf32, #tpu.memory_space<vmem>>, vector<16xf32>,
      tpu.vector_store %arg13[%parallel_loop3A_1542], %broadcast_in_dim3A_6 {strides = array<i32>} : memref<1024xf32, #tpu.memory_space<vmem>>, vector<16xf32>,
      %parallel_loop3A_1544 = arith.constant 8 : i32
      %parallel_loop3A_1545 = arith.muli %parallel_loop3A_1535, %parallel_loop3A_1544 : i32
      %parallel_loop3A_1546 = arith.constant 1 : i32
      %parallel_loop3A_1547 = arith.addi %parallel_loop3A_1545, %parallel_loop3A_1546 : i32
      %parallel_loop3A_1548 = arith.constant 16 : i32
      %parallel_loop3A_1549 = arith.muli %parallel_loop3A_1547, %parallel_loop3A_1548 : i32
      %parallel_loop3A_1550 = arith.index_cast %parallel_loop3A_1549 : i32 to index
      %parallel_loop3A_1551 = tpu.vector_load %arg13[%parallel_loop3A_1550] {strides = array<i32>} : memref<1024xf32, #tpu.memory_space<vmem>>, vector<16xf32>,
      tpu.vector_store %arg13[%parallel_loop3A_1550], %broadcast_in_dim3A_6 {strides = array<i32>} : memref<1024xf32, #tpu.memory_space<vmem>>, vector<16xf32>,
      %parallel_loop3A_1552 = arith.constant 8 : i32
      %parallel_loop3A_1553 = arith.muli %parallel_loop3A_1535, %parallel_loop3A_1552 : i32
      %parallel_loop3A_1554 = arith.constant 2 : i32
      %parallel_loop3A_1555 = arith.addi %parallel_loop3A_1553, %parallel_loop3A_1554 : i32
      %parallel_loop3A_1556 = arith.constant 16 : i32
      %parallel_loop3A_1557 = arith.muli %parallel_loop3A_1555, %parallel_loop3A_1556 : i32
      %parallel_loop3A_1558 = arith.index_cast %parallel_loop3A_1557 : i32 to index
      %parallel_loop3A_1559 = tpu.vector_load %arg13[%parallel_loop3A_1558] {strides = array<i32>} : memref<1024xf32, #tpu.memory_space<vmem>>, vector<16xf32>,
      tpu.vector_store %arg13[%parallel_loop3A_1558], %broadcast_in_dim3A_6 {strides = array<i32>} : memref<1024xf32, #tpu.memory_space<vmem>>, vector<16xf32>,
      %parallel_loop3A_1560 = arith.constant 8 : i32
      %parallel_loop3A_1561 = arith.muli %parallel_loop3A_1535, %parallel_loop3A_1560 : i32
      %parallel_loop3A_1562 = arith.constant 3 : i32
      %parallel_loop3A_1563 = arith.addi %parallel_loop3A_1561, %parallel_loop3A_1562 : i32
      %parallel_loop3A_1564 = arith.constant 16 : i32
      %parallel_loop3A_1565 = arith.muli %parallel_loop3A_1563, %parallel_loop3A_1564 : i32
      %parallel_loop3A_1566 = arith.index_cast %parallel_loop3A_1565 : i32 to index
      %parallel_loop3A_1567 = tpu.vector_load %arg13[%parallel_loop3A_1566] {strides = array<i32>} : memref<1024xf32, #tpu.memory_space<vmem>>, vector<16xf32>,
      tpu.vector_store %arg13[%parallel_loop3A_1566], %broadcast_in_dim3A_6 {strides = array<i32>} : memref<1024xf32, #tpu.memory_space<vmem>>, vector<16xf32>,
      %parallel_loop3A_1568 = arith.constant 8 : i32
      %parallel_loop3A_1569 = arith.muli %parallel_loop3A_1535, %parallel_loop3A_1568 : i32
      %parallel_loop3A_1570 = arith.constant 4 : i32
      %parallel_loop3A_1571 = arith.addi %parallel_loop3A_1569, %parallel_loop3A_1570 : i32
      %parallel_loop3A_1572 = arith.constant 16 : i32
      %parallel_loop3A_1573 = arith.muli %parallel_loop3A_1571, %parallel_loop3A_1572 : i32
      %parallel_loop3A_1574 = arith.index_cast %parallel_loop3A_1573 : i32 to index
      %parallel_loop3A_1575 = tpu.vector_load %arg13[%parallel_loop3A_1574] {strides = array<i32>} : memref<1024xf32, #tpu.memory_space<vmem>>, vector<16xf32>,
      tpu.vector_store %arg13[%parallel_loop3A_1574], %broadcast_in_dim3A_6 {strides = array<i32>} : memref<1024xf32, #tpu.memory_space<vmem>>, vector<16xf32>,
      %parallel_loop3A_1576 = arith.constant 8 : i32
      %parallel_loop3A_1577 = arith.muli %parallel_loop3A_1535, %parallel_loop3A_1576 : i32
      %parallel_loop3A_1578 = arith.constant 5 : i32
      %parallel_loop3A_1579 = arith.addi %parallel_loop3A_1577, %parallel_loop3A_1578 : i32
      %parallel_loop3A_1580 = arith.constant 16 : i32
      %parallel_loop3A_1581 = arith.muli %parallel_loop3A_1579, %parallel_loop3A_1580 : i32
      %parallel_loop3A_1582 = arith.index_cast %parallel_loop3A_1581 : i32 to index
      %parallel_loop3A_1583 = tpu.vector_load %arg13[%parallel_loop3A_1582] {strides = array<i32>} : memref<1024xf32, #tpu.memory_space<vmem>>, vector<16xf32>,
      tpu.vector_store %arg13[%parallel_loop3A_1582], %broadcast_in_dim3A_6 {strides = array<i32>} : memref<1024xf32, #tpu.memory_space<vmem>>, vector<16xf32>,
      %parallel_loop3A_1584 = arith.constant 8 : i32
      %parallel_loop3A_1585 = arith.muli %parallel_loop3A_1535, %parallel_loop3A_1584 : i32
      %parallel_loop3A_1586 = arith.constant 6 : i32
      %parallel_loop3A_1587 = arith.addi %parallel_loop3A_1585, %parallel_loop3A_1586 : i32
      %parallel_loop3A_1588 = arith.constant 16 : i32
      %parallel_loop3A_1589 = arith.muli %parallel_loop3A_1587, %parallel_loop3A_1588 : i32
      %parallel_loop3A_1590 = arith.index_cast %parallel_loop3A_1589 : i32 to index
      %parallel_loop3A_1591 = tpu.vector_load %arg13[%parallel_loop3A_1590] {strides = array<i32>} : memref<1024xf32, #tpu.memory_space<vmem>>, vector<16xf32>,
      tpu.vector_store %arg13[%parallel_loop3A_1590], %broadcast_in_dim3A_6 {strides = array<i32>} : memref<1024xf32, #tpu.memory_space<vmem>>, vector<16xf32>,
      %parallel_loop3A_1592 = arith.constant 8 : i32
      %parallel_loop3A_1593 = arith.muli %parallel_loop3A_1535, %parallel_loop3A_1592 : i32
      %parallel_loop3A_1594 = arith.constant 7 : i32
      %parallel_loop3A_1595 = arith.addi %parallel_loop3A_1593, %parallel_loop3A_1594 : i32
      %parallel_loop3A_1596 = arith.constant 16 : i32
      %parallel_loop3A_1597 = arith.muli %parallel_loop3A_1595, %parallel_loop3A_1596 : i32
      %parallel_loop3A_1598 = arith.index_cast %parallel_loop3A_1597 : i32 to index
      %parallel_loop3A_1599 = tpu.vector_load %arg13[%parallel_loop3A_1598] {strides = array<i32>} : memref<1024xf32, #tpu.memory_space<vmem>>, vector<16xf32>,
      tpu.vector_store %arg13[%parallel_loop3A_1598], %broadcast_in_dim3A_6 {strides = array<i32>} : memref<1024xf32, #tpu.memory_space<vmem>>, vector<16xf32>,
    } {sc.loop_unroll_factor = 1 : i64, sc.parallel_access}
    %dma_wait3A = tpu.memref_slice %arg2[%mul3A_0] : memref<65536xf32, #tpu.memory_space<hbm>> -> memref<4096xf32, #tpu.memory_space<hbm>>
    %dma_wait3A_14 = tpu.memref_slice %arg2[%mul3A_0] : memref<65536xf32, #tpu.memory_space<hbm>> -> memref<4096xf32, #tpu.memory_space<hbm>>
    tpu.wait_dma2 semaphore(%arg25 : memref<!tpu.dma_semaphore, #tpu.memory_space<semaphore_mem>>) src(%dma_wait3A_14 : memref<4096xf32, #tpu.memory_space<hbm>>) dst(%arg6 : memref<4096xf32, #tpu.memory_space<vmem>>)
    %parallel_loop3A_15 = arith.constant 0 : i32
    %parallel_loop3A_16 = arith.constant 16 : i32
    %parallel_loop3A_17 = arith.constant 1 : i32
    scf.for %parallel_loop3A_1535 = %parallel_loop3A_15 to %parallel_loop3A_16 step %parallel_loop3A_17  : i32 {
      %parallel_loop3A_1536 = arith.constant 16 : i32
      %parallel_loop3A_1537 = arith.muli %parallel_loop3A_1535, %parallel_loop3A_1536 : i32
      %parallel_loop3A_1538 = arith.constant 0 : i32
      %parallel_loop3A_1539 = arith.addi %parallel_loop3A_1537, %parallel_loop3A_1538 : i32
      %parallel_loop3A_1540 = arith.constant 16 : i32
      %parallel_loop3A_1541 = arith.muli %parallel_loop3A_1539, %parallel_loop3A_1540 : i32
      %parallel_loop3A_1542 = arith.index_cast %parallel_loop3A_1541 : i32 to index
      %parallel_loop3A_1543 = tpu.vector_load %arg6[%parallel_loop3A_1542] {strides = array<i32>} : memref<4096xf32, #tpu.memory_space<vmem>>, vector<16xf32>,
      %parallel_loop3A_1544 = math.exp %parallel_loop3A_1543 : vector<16xf32>
      %parallel_loop3A_1545 = arith.constant true
      %parallel_loop3A_1546 = vector.broadcast %parallel_loop3A_1545 : i1 to vector<16xi1>
      %parallel_loop3A_1547 = tpu.scan <sum>, %parallel_loop3A_1544 masked %parallel_loop3A_1546 : vector<16xf32>, vector<16xi1> -> vector<16xf32>
      %parallel_loop3A_1548 = arith.constant 16 : i32
      %parallel_loop3A_1549 = arith.muli %parallel_loop3A_1539, %parallel_loop3A_1548 : i32
      %parallel_loop3A_1550 = arith.index_cast %parallel_loop3A_1549 : i32 to index
      %parallel_loop3A_1551 = tpu.vector_load %arg9[%parallel_loop3A_1550] {strides = array<i32>} : memref<4096xf32, #tpu.memory_space<vmem>>, vector<16xf32>,
      tpu.vector_store %arg9[%parallel_loop3A_1550], %parallel_loop3A_1547 {strides = array<i32>} : memref<4096xf32, #tpu.memory_space<vmem>>, vector<16xf32>,
      %parallel_loop3A_1552 = arith.constant 0 : i32
      %parallel_loop3A_1553 = vector.broadcast %parallel_loop3A_1552 : i32 to vector<16xi32>
      %parallel_loop3A_1554 = arith.cmpi eq, %iota3A, %parallel_loop3A_1553 : vector<16xi32>
      %parallel_loop3A_1555 = vector.extract_strided_slice %parallel_loop3A_1547 {offsets = [15], sizes = [1], strides = [1]} : vector<16xf32> to vector<1xf32>
      %parallel_loop3A_1556 = vector.extract %parallel_loop3A_1555[0] : f32 from vector<1xf32>
      %parallel_loop3A_1557 = vector.broadcast %parallel_loop3A_1556 : f32 to vector<16xf32>
      %parallel_loop3A_1558 = arith.select %parallel_loop3A_1554, %parallel_loop3A_1557, %broadcast_in_dim3A_6 : vector<16xi1>, vector<16xf32>
      %parallel_loop3A_1559 = arith.constant 16 : i32
      %parallel_loop3A_1560 = arith.muli %parallel_loop3A_1535, %parallel_loop3A_1559 : i32
      %parallel_loop3A_1561 = arith.constant 1 : i32
      %parallel_loop3A_1562 = arith.addi %parallel_loop3A_1560, %parallel_loop3A_1561 : i32
      %parallel_loop3A_1563 = arith.constant 16 : i32
      %parallel_loop3A_1564 = arith.muli %parallel_loop3A_1562, %parallel_loop3A_1563 : i32
      %parallel_loop3A_1565 = arith.index_cast %parallel_loop3A_1564 : i32 to index
      %parallel_loop3A_1566 = tpu.vector_load %arg6[%parallel_loop3A_1565] {strides = array<i32>} : memref<4096xf32, #tpu.memory_space<vmem>>, vector<16xf32>,
      %parallel_loop3A_1567 = math.exp %parallel_loop3A_1566 : vector<16xf32>
      %parallel_loop3A_1568 = arith.constant true
      %parallel_loop3A_1569 = vector.broadcast %parallel_loop3A_1568 : i1 to vector<16xi1>
      %parallel_loop3A_1570 = tpu.scan <sum>, %parallel_loop3A_1567 masked %parallel_loop3A_1569 : vector<16xf32>, vector<16xi1> -> vector<16xf32>
      %parallel_loop3A_1571 = arith.constant 16 : i32
      %parallel_loop3A_1572 = arith.muli %parallel_loop3A_1562, %parallel_loop3A_1571 : i32
      %parallel_loop3A_1573 = arith.index_cast %parallel_loop3A_1572 : i32 to index
      %parallel_loop3A_1574 = tpu.vector_load %arg9[%parallel_loop3A_1573] {strides = array<i32>} : memref<4096xf32, #tpu.memory_space<vmem>>, vector<16xf32>,
      tpu.vector_store %arg9[%parallel_loop3A_1573], %parallel_loop3A_1570 {strides = array<i32>} : memref<4096xf32, #tpu.memory_space<vmem>>, vector<16xf32>,
      %parallel_loop3A_1575 = arith.constant 1 : i32
      %parallel_loop3A_1576 = vector.broadcast %parallel_loop3A_1575 : i32 to vector<16xi32>
      %parallel_loop3A_1577 = arith.cmpi eq, %iota3A, %parallel_loop3A_1576 : vector<16xi32>
      %parallel_loop3A_1578 = vector.extract_strided_slice %parallel_loop3A_1570 {offsets = [15], sizes = [1], strides = [1]} : vector<16xf32> to vector<1xf32>
      %parallel_loop3A_1579 = vector.extract %parallel_loop3A_1578[0] : f32 from vector<1xf32>
      %parallel_loop3A_1580 = vector.broadcast %parallel_loop3A_1579 : f32 to vector<16xf32>
      %parallel_loop3A_1581 = arith.select %parallel_loop3A_1577, %parallel_loop3A_1580, %parallel_loop3A_1558 : vector<16xi1>, vector<16xf32>
      %parallel_loop3A_1582 = arith.constant 16 : i32
      %parallel_loop3A_1583 = arith.muli %parallel_loop3A_1535, %parallel_loop3A_1582 : i32
      %parallel_loop3A_1584 = arith.constant 2 : i32
      %parallel_loop3A_1585 = arith.addi %parallel_loop3A_1583, %parallel_loop3A_1584 : i32
      %parallel_loop3A_1586 = arith.constant 16 : i32
      %parallel_loop3A_1587 = arith.muli %parallel_loop3A_1585, %parallel_loop3A_1586 : i32
      %parallel_loop3A_1588 = arith.index_cast %parallel_loop3A_1587 : i32 to index
      %parallel_loop3A_1589 = tpu.vector_load %arg6[%parallel_loop3A_1588] {strides = array<i32>} : memref<4096xf32, #tpu.memory_space<vmem>>, vector<16xf32>,
      %parallel_loop3A_1590 = math.exp %parallel_loop3A_1589 : vector<16xf32>
      %parallel_loop3A_1591 = arith.constant true
      %parallel_loop3A_1592 = vector.broadcast %parallel_loop3A_1591 : i1 to vector<16xi1>
      %parallel_loop3A_1593 = tpu.scan <sum>, %parallel_loop3A_1590 masked %parallel_loop3A_1592 : vector<16xf32>, vector<16xi1> -> vector<16xf32>
      %parallel_loop3A_1594 = arith.constant 16 : i32
      %parallel_loop3A_1595 = arith.muli %parallel_loop3A_1585, %parallel_loop3A_1594 : i32
      %parallel_loop3A_1596 = arith.index_cast %parallel_loop3A_1595 : i32 to index
      %parallel_loop3A_1597 = tpu.vector_load %arg9[%parallel_loop3A_1596] {strides = array<i32>} : memref<4096xf32, #tpu.memory_space<vmem>>, vector<16xf32>,
      tpu.vector_store %arg9[%parallel_loop3A_1596], %parallel_loop3A_1593 {strides = array<i32>} : memref<4096xf32, #tpu.memory_space<vmem>>, vector<16xf32>,
      %parallel_loop3A_1598 = arith.constant 2 : i32
      %parallel_loop3A_1599 = vector.broadcast %parallel_loop3A_1598 : i32 to vector<16xi32>
      %parallel_loop3A_1600 = arith.cmpi eq, %iota3A, %parallel_loop3A_1599 : vector<16xi32>
      %parallel_loop3A_1601 = vector.extract_strided_slice %parallel_loop3A_1593 {offsets = [15], sizes = [1], strides = [1]} : vector<16xf32> to vector<1xf32>
      %parallel_loop3A_1602 = vector.extract %parallel_loop3A_1601[0] : f32 from vector<1xf32>
      %parallel_loop3A_1603 = vector.broadcast %parallel_loop3A_1602 : f32 to vector<16xf32>
      %parallel_loop3A_1604 = arith.select %parallel_loop3A_1600, %parallel_loop3A_1603, %parallel_loop3A_1581 : vector<16xi1>, vector<16xf32>
      %parallel_loop3A_1605 = arith.constant 16 : i32
      %parallel_loop3A_1606 = arith.muli %parallel_loop3A_1535, %parallel_loop3A_1605 : i32
      %parallel_loop3A_1607 = arith.constant 3 : i32
      %parallel_loop3A_1608 = arith.addi %parallel_loop3A_1606, %parallel_loop3A_1607 : i32
      %parallel_loop3A_1609 = arith.constant 16 : i32
      %parallel_loop3A_1610 = arith.muli %parallel_loop3A_1608, %parallel_loop3A_1609 : i32
      %parallel_loop3A_1611 = arith.index_cast %parallel_loop3A_1610 : i32 to index
      %parallel_loop3A_1612 = tpu.vector_load %arg6[%parallel_loop3A_1611] {strides = array<i32>} : memref<4096xf32, #tpu.memory_space<vmem>>, vector<16xf32>,
      %parallel_loop3A_1613 = math.exp %parallel_loop3A_1612 : vector<16xf32>
      %parallel_loop3A_1614 = arith.constant true
      %parallel_loop3A_1615 = vector.broadcast %parallel_loop3A_1614 : i1 to vector<16xi1>
      %parallel_loop3A_1616 = tpu.scan <sum>, %parallel_loop3A_1613 masked %parallel_loop3A_1615 : vector<16xf32>, vector<16xi1> -> vector<16xf32>
      %parallel_loop3A_1617 = arith.constant 16 : i32
      %parallel_loop3A_1618 = arith.muli %parallel_loop3A_1608, %parallel_loop3A_1617 : i32
      %parallel_loop3A_1619 = arith.index_cast %parallel_loop3A_1618 : i32 to index
      %parallel_loop3A_1620 = tpu.vector_load %arg9[%parallel_loop3A_1619] {strides = array<i32>} : memref<4096xf32, #tpu.memory_space<vmem>>, vector<16xf32>,
      tpu.vector_store %arg9[%parallel_loop3A_1619], %parallel_loop3A_1616 {strides = array<i32>} : memref<4096xf32, #tpu.memory_space<vmem>>, vector<16xf32>,
      %parallel_loop3A_1621 = arith.constant 3 : i32
      %parallel_loop3A_1622 = vector.broadcast %parallel_loop3A_1621 : i32 to vector<16xi32>
      %parallel_loop3A_1623 = arith.cmpi eq, %iota3A, %parallel_loop3A_1622 : vector<16xi32>
      %parallel_loop3A_1624 = vector.extract_strided_slice %parallel_loop3A_1616 {offsets = [15], sizes = [1], strides = [1]} : vector<16xf32> to vector<1xf32>
      %parallel_loop3A_1625 = vector.extract %parallel_loop3A_1624[0] : f32 from vector<1xf32>
      %parallel_loop3A_1626 = vector.broadcast %parallel_loop3A_1625 : f32 to vector<16xf32>
      %parallel_loop3A_1627 = arith.select %parallel_loop3A_1623, %parallel_loop3A_1626, %parallel_loop3A_1604 : vector<16xi1>, vector<16xf32>
      %parallel_loop3A_1628 = arith.constant 16 : i32
      %parallel_loop3A_1629 = arith.muli %parallel_loop3A_1535, %parallel_loop3A_1628 : i32
      %parallel_loop3A_1630 = arith.constant 4 : i32
      %parallel_loop3A_1631 = arith.addi %parallel_loop3A_1629, %parallel_loop3A_1630 : i32
      %parallel_loop3A_1632 = arith.constant 16 : i32
      %parallel_loop3A_1633 = arith.muli %parallel_loop3A_1631, %parallel_loop3A_1632 : i32
      %parallel_loop3A_1634 = arith.index_cast %parallel_loop3A_1633 : i32 to index
      %parallel_loop3A_1635 = tpu.vector_load %arg6[%parallel_loop3A_1634] {strides = array<i32>} : memref<4096xf32, #tpu.memory_space<vmem>>, vector<16xf32>,
      %parallel_loop3A_1636 = math.exp %parallel_loop3A_1635 : vector<16xf32>
      %parallel_loop3A_1637 = arith.constant true
      %parallel_loop3A_1638 = vector.broadcast %parallel_loop3A_1637 : i1 to vector<16xi1>
      %parallel_loop3A_1639 = tpu.scan <sum>, %parallel_loop3A_1636 masked %parallel_loop3A_1638 : vector<16xf32>, vector<16xi1> -> vector<16xf32>
      %parallel_loop3A_1640 = arith.constant 16 : i32
      %parallel_loop3A_1641 = arith.muli %parallel_loop3A_1631, %parallel_loop3A_1640 : i32
      %parallel_loop3A_1642 = arith.index_cast %parallel_loop3A_1641 : i32 to index
      %parallel_loop3A_1643 = tpu.vector_load %arg9[%parallel_loop3A_1642] {strides = array<i32>} : memref<4096xf32, #tpu.memory_space<vmem>>, vector<16xf32>,
      tpu.vector_store %arg9[%parallel_loop3A_1642], %parallel_loop3A_1639 {strides = array<i32>} : memref<4096xf32, #tpu.memory_space<vmem>>, vector<16xf32>,
      %parallel_loop3A_1644 = arith.constant 4 : i32
      %parallel_loop3A_1645 = vector.broadcast %parallel_loop3A_1644 : i32 to vector<16xi32>
      %parallel_loop3A_1646 = arith.cmpi eq, %iota3A, %parallel_loop3A_1645 : vector<16xi32>
      %parallel_loop3A_1647 = vector.extract_strided_slice %parallel_loop3A_1639 {offsets = [15], sizes = [1], strides = [1]} : vector<16xf32> to vector<1xf32>
      %parallel_loop3A_1648 = vector.extract %parallel_loop3A_1647[0] : f32 from vector<1xf32>
      %parallel_loop3A_1649 = vector.broadcast %parallel_loop3A_1648 : f32 to vector<16xf32>
      %parallel_loop3A_1650 = arith.select %parallel_loop3A_1646, %parallel_loop3A_1649, %parallel_loop3A_1627 : vector<16xi1>, vector<16xf32>
      %parallel_loop3A_1651 = arith.constant 16 : i32
      %parallel_loop3A_1652 = arith.muli %parallel_loop3A_1535, %parallel_loop3A_1651 : i32
      %parallel_loop3A_1653 = arith.constant 5 : i32
      %parallel_loop3A_1654 = arith.addi %parallel_loop3A_1652, %parallel_loop3A_1653 : i32
      %parallel_loop3A_1655 = arith.constant 16 : i32
      %parallel_loop3A_1656 = arith.muli %parallel_loop3A_1654, %parallel_loop3A_1655 : i32
      %parallel_loop3A_1657 = arith.index_cast %parallel_loop3A_1656 : i32 to index
      %parallel_loop3A_1658 = tpu.vector_load %arg6[%parallel_loop3A_1657] {strides = array<i32>} : memref<4096xf32, #tpu.memory_space<vmem>>, vector<16xf32>,
      %parallel_loop3A_1659 = math.exp %parallel_loop3A_1658 : vector<16xf32>
      %parallel_loop3A_1660 = arith.constant true
      %parallel_loop3A_1661 = vector.broadcast %parallel_loop3A_1660 : i1 to vector<16xi1>
      %parallel_loop3A_1662 = tpu.scan <sum>, %parallel_loop3A_1659 masked %parallel_loop3A_1661 : vector<16xf32>, vector<16xi1> -> vector<16xf32>
      %parallel_loop3A_1663 = arith.constant 16 : i32
      %parallel_loop3A_1664 = arith.muli %parallel_loop3A_1654, %parallel_loop3A_1663 : i32
      %parallel_loop3A_1665 = arith.index_cast %parallel_loop3A_1664 : i32 to index
      %parallel_loop3A_1666 = tpu.vector_load %arg9[%parallel_loop3A_1665] {strides = array<i32>} : memref<4096xf32, #tpu.memory_space<vmem>>, vector<16xf32>,
      tpu.vector_store %arg9[%parallel_loop3A_1665], %parallel_loop3A_1662 {strides = array<i32>} : memref<4096xf32, #tpu.memory_space<vmem>>, vector<16xf32>,
      %parallel_loop3A_1667 = arith.constant 5 : i32
      %parallel_loop3A_1668 = vector.broadcast %parallel_loop3A_1667 : i32 to vector<16xi32>
      %parallel_loop3A_1669 = arith.cmpi eq, %iota3A, %parallel_loop3A_1668 : vector<16xi32>
      %parallel_loop3A_1670 = vector.extract_strided_slice %parallel_loop3A_1662 {offsets = [15], sizes = [1], strides = [1]} : vector<16xf32> to vector<1xf32>
      %parallel_loop3A_1671 = vector.extract %parallel_loop3A_1670[0] : f32 from vector<1xf32>
      %parallel_loop3A_1672 = vector.broadcast %parallel_loop3A_1671 : f32 to vector<16xf32>
      %parallel_loop3A_1673 = arith.select %parallel_loop3A_1669, %parallel_loop3A_1672, %parallel_loop3A_1650 : vector<16xi1>, vector<16xf32>
      %parallel_loop3A_1674 = arith.constant 16 : i32
      %parallel_loop3A_1675 = arith.muli %parallel_loop3A_1535, %parallel_loop3A_1674 : i32
      %parallel_loop3A_1676 = arith.constant 6 : i32
      %parallel_loop3A_1677 = arith.addi %parallel_loop3A_1675, %parallel_loop3A_1676 : i32
      %parallel_loop3A_1678 = arith.constant 16 : i32
      %parallel_loop3A_1679 = arith.muli %parallel_loop3A_1677, %parallel_loop3A_1678 : i32
      %parallel_loop3A_1680 = arith.index_cast %parallel_loop3A_1679 : i32 to index
      %parallel_loop3A_1681 = tpu.vector_load %arg6[%parallel_loop3A_1680] {strides = array<i32>} : memref<4096xf32, #tpu.memory_space<vmem>>, vector<16xf32>,
      %parallel_loop3A_1682 = math.exp %parallel_loop3A_1681 : vector<16xf32>
      %parallel_loop3A_1683 = arith.constant true
      %parallel_loop3A_1684 = vector.broadcast %parallel_loop3A_1683 : i1 to vector<16xi1>
      %parallel_loop3A_1685 = tpu.scan <sum>, %parallel_loop3A_1682 masked %parallel_loop3A_1684 : vector<16xf32>, vector<16xi1> -> vector<16xf32>
      %parallel_loop3A_1686 = arith.constant 16 : i32
      %parallel_loop3A_1687 = arith.muli %parallel_loop3A_1677, %parallel_loop3A_1686 : i32
      %parallel_loop3A_1688 = arith.index_cast %parallel_loop3A_1687 : i32 to index
      %parallel_loop3A_1689 = tpu.vector_load %arg9[%parallel_loop3A_1688] {strides = array<i32>} : memref<4096xf32, #tpu.memory_space<vmem>>, vector<16xf32>,
      tpu.vector_store %arg9[%parallel_loop3A_1688], %parallel_loop3A_1685 {strides = array<i32>} : memref<4096xf32, #tpu.memory_space<vmem>>, vector<16xf32>,
      %parallel_loop3A_1690 = arith.constant 6 : i32
      %parallel_loop3A_1691 = vector.broadcast %parallel_loop3A_1690 : i32 to vector<16xi32>
      %parallel_loop3A_1692 = arith.cmpi eq, %iota3A, %parallel_loop3A_1691 : vector<16xi32>
      %parallel_loop3A_1693 = vector.extract_strided_slice %parallel_loop3A_1685 {offsets = [15], sizes = [1], strides = [1]} : vector<16xf32> to vector<1xf32>
      %parallel_loop3A_1694 = vector.extract %parallel_loop3A_1693[0] : f32 from vector<1xf32>
      %parallel_loop3A_1695 = vector.broadcast %parallel_loop3A_1694 : f32 to vector<16xf32>
      %parallel_loop3A_1696 = arith.select %parallel_loop3A_1692, %parallel_loop3A_1695, %parallel_loop3A_1673 : vector<16xi1>, vector<16xf32>
      %parallel_loop3A_1697 = arith.constant 16 : i32
      %parallel_loop3A_1698 = arith.muli %parallel_loop3A_1535, %parallel_loop3A_1697 : i32
      %parallel_loop3A_1699 = arith.constant 7 : i32
      %parallel_loop3A_1700 = arith.addi %parallel_loop3A_1698, %parallel_loop3A_1699 : i32
      %parallel_loop3A_1701 = arith.constant 16 : i32
      %parallel_loop3A_1702 = arith.muli %parallel_loop3A_1700, %parallel_loop3A_1701 : i32
      %parallel_loop3A_1703 = arith.index_cast %parallel_loop3A_1702 : i32 to index
      %parallel_loop3A_1704 = tpu.vector_load %arg6[%parallel_loop3A_1703] {strides = array<i32>} : memref<4096xf32, #tpu.memory_space<vmem>>, vector<16xf32>,
      %parallel_loop3A_1705 = math.exp %parallel_loop3A_1704 : vector<16xf32>
      %parallel_loop3A_1706 = arith.constant true
      %parallel_loop3A_1707 = vector.broadcast %parallel_loop3A_1706 : i1 to vector<16xi1>
      %parallel_loop3A_1708 = tpu.scan <sum>, %parallel_loop3A_1705 masked %parallel_loop3A_1707 : vector<16xf32>, vector<16xi1> -> vector<16xf32>
      %parallel_loop3A_1709 = arith.constant 16 : i32
      %parallel_loop3A_1710 = arith.muli %parallel_loop3A_1700, %parallel_loop3A_1709 : i32
      %parallel_loop3A_1711 = arith.index_cast %parallel_loop3A_1710 : i32 to index
      %parallel_loop3A_1712 = tpu.vector_load %arg9[%parallel_loop3A_1711] {strides = array<i32>} : memref<4096xf32, #tpu.memory_space<vmem>>, vector<16xf32>,
      tpu.vector_store %arg9[%parallel_loop3A_1711], %parallel_loop3A_1708 {strides = array<i32>} : memref<4096xf32, #tpu.memory_space<vmem>>, vector<16xf32>,
      %parallel_loop3A_1713 = arith.constant 7 : i32
      %parallel_loop3A_1714 = vector.broadcast %parallel_loop3A_1713 : i32 to vector<16xi32>
      %parallel_loop3A_1715 = arith.cmpi eq, %iota3A, %parallel_loop3A_1714 : vector<16xi32>
      %parallel_loop3A_1716 = vector.extract_strided_slice %parallel_loop3A_1708 {offsets = [15], sizes = [1], strides = [1]} : vector<16xf32> to vector<1xf32>
      %parallel_loop3A_1717 = vector.extract %parallel_loop3A_1716[0] : f32 from vector<1xf32>
      %parallel_loop3A_1718 = vector.broadcast %parallel_loop3A_1717 : f32 to vector<16xf32>
      %parallel_loop3A_1719 = arith.select %parallel_loop3A_1715, %parallel_loop3A_1718, %parallel_loop3A_1696 : vector<16xi1>, vector<16xf32>
      %parallel_loop3A_1720 = arith.constant 16 : i32
      %parallel_loop3A_1721 = arith.muli %parallel_loop3A_1535, %parallel_loop3A_1720 : i32
      %parallel_loop3A_1722 = arith.constant 8 : i32
      %parallel_loop3A_1723 = arith.addi %parallel_loop3A_1721, %parallel_loop3A_1722 : i32
      %parallel_loop3A_1724 = arith.constant 16 : i32
      %parallel_loop3A_1725 = arith.muli %parallel_loop3A_1723, %parallel_loop3A_1724 : i32
      %parallel_loop3A_1726 = arith.index_cast %parallel_loop3A_1725 : i32 to index
      %parallel_loop3A_1727 = tpu.vector_load %arg6[%parallel_loop3A_1726] {strides = array<i32>} : memref<4096xf32, #tpu.memory_space<vmem>>, vector<16xf32>,
      %parallel_loop3A_1728 = math.exp %parallel_loop3A_1727 : vector<16xf32>
      %parallel_loop3A_1729 = arith.constant true
      %parallel_loop3A_1730 = vector.broadcast %parallel_loop3A_1729 : i1 to vector<16xi1>
      %parallel_loop3A_1731 = tpu.scan <sum>, %parallel_loop3A_1728 masked %parallel_loop3A_1730 : vector<16xf32>, vector<16xi1> -> vector<16xf32>
      %parallel_loop3A_1732 = arith.constant 16 : i32
      %parallel_loop3A_1733 = arith.muli %parallel_loop3A_1723, %parallel_loop3A_1732 : i32
      %parallel_loop3A_1734 = arith.index_cast %parallel_loop3A_1733 : i32 to index
      %parallel_loop3A_1735 = tpu.vector_load %arg9[%parallel_loop3A_1734] {strides = array<i32>} : memref<4096xf32, #tpu.memory_space<vmem>>, vector<16xf32>,
      tpu.vector_store %arg9[%parallel_loop3A_1734], %parallel_loop3A_1731 {strides = array<i32>} : memref<4096xf32, #tpu.memory_space<vmem>>, vector<16xf32>,
      %parallel_loop3A_1736 = arith.constant 8 : i32
      %parallel_loop3A_1737 = vector.broadcast %parallel_loop3A_1736 : i32 to vector<16xi32>
      %parallel_loop3A_1738 = arith.cmpi eq, %iota3A, %parallel_loop3A_1737 : vector<16xi32>
      %parallel_loop3A_1739 = vector.extract_strided_slice %parallel_loop3A_1731 {offsets = [15], sizes = [1], strides = [1]} : vector<16xf32> to vector<1xf32>
      %parallel_loop3A_1740 = vector.extract %parallel_loop3A_1739[0] : f32 from vector<1xf32>
      %parallel_loop3A_1741 = vector.broadcast %parallel_loop3A_1740 : f32 to vector<16xf32>
      %parallel_loop3A_1742 = arith.select %parallel_loop3A_1738, %parallel_loop3A_1741, %parallel_loop3A_1719 : vector<16xi1>, vector<16xf32>
      %parallel_loop3A_1743 = arith.constant 16 : i32
      %parallel_loop3A_1744 = arith.muli %parallel_loop3A_1535, %parallel_loop3A_1743 : i32
      %parallel_loop3A_1745 = arith.constant 9 : i32
      %parallel_loop3A_1746 = arith.addi %parallel_loop3A_1744, %parallel_loop3A_1745 : i32
      %parallel_loop3A_1747 = arith.constant 16 : i32
      %parallel_loop3A_1748 = arith.muli %parallel_loop3A_1746, %parallel_loop3A_1747 : i32
      %parallel_loop3A_1749 = arith.index_cast %parallel_loop3A_1748 : i32 to index
      %parallel_loop3A_1750 = tpu.vector_load %arg6[%parallel_loop3A_1749] {strides = array<i32>} : memref<4096xf32, #tpu.memory_space<vmem>>, vector<16xf32>,
      %parallel_loop3A_1751 = math.exp %parallel_loop3A_1750 : vector<16xf32>
      %parallel_loop3A_1752 = arith.constant true
      %parallel_loop3A_1753 = vector.broadcast %parallel_loop3A_1752 : i1 to vector<16xi1>
      %parallel_loop3A_1754 = tpu.scan <sum>, %parallel_loop3A_1751 masked %parallel_loop3A_1753 : vector<16xf32>, vector<16xi1> -> vector<16xf32>
      %parallel_loop3A_1755 = arith.constant 16 : i32
      %parallel_loop3A_1756 = arith.muli %parallel_loop3A_1746, %parallel_loop3A_1755 : i32
      %parallel_loop3A_1757 = arith.index_cast %parallel_loop3A_1756 : i32 to index
      %parallel_loop3A_1758 = tpu.vector_load %arg9[%parallel_loop3A_1757] {strides = array<i32>} : memref<4096xf32, #tpu.memory_space<vmem>>, vector<16xf32>,
      tpu.vector_store %arg9[%parallel_loop3A_1757], %parallel_loop3A_1754 {strides = array<i32>} : memref<4096xf32, #tpu.memory_space<vmem>>, vector<16xf32>,
      %parallel_loop3A_1759 = arith.constant 9 : i32
      %parallel_loop3A_1760 = vector.broadcast %parallel_loop3A_1759 : i32 to vector<16xi32>
      %parallel_loop3A_1761 = arith.cmpi eq, %iota3A, %parallel_loop3A_1760 : vector<16xi32>
      %parallel_loop3A_1762 = vector.extract_strided_slice %parallel_loop3A_1754 {offsets = [15], sizes = [1], strides = [1]} : vector<16xf32> to vector<1xf32>
      %parallel_loop3A_1763 = vector.extract %parallel_loop3A_1762[0] : f32 from vector<1xf32>
      %parallel_loop3A_1764 = vector.broadcast %parallel_loop3A_1763 : f32 to vector<16xf32>
      %parallel_loop3A_1765 = arith.select %parallel_loop3A_1761, %parallel_loop3A_1764, %parallel_loop3A_1742 : vector<16xi1>, vector<16xf32>
      %parallel_loop3A_1766 = arith.constant 16 : i32
      %parallel_loop3A_1767 = arith.muli %parallel_loop3A_1535, %parallel_loop3A_1766 : i32
      %parallel_loop3A_1768 = arith.constant 10 : i32
      %parallel_loop3A_1769 = arith.addi %parallel_loop3A_1767, %parallel_loop3A_1768 : i32
      %parallel_loop3A_1770 = arith.constant 16 : i32
      %parallel_loop3A_1771 = arith.muli %parallel_loop3A_1769, %parallel_loop3A_1770 : i32
      %parallel_loop3A_1772 = arith.index_cast %parallel_loop3A_1771 : i32 to index
      %parallel_loop3A_1773 = tpu.vector_load %arg6[%parallel_loop3A_1772] {strides = array<i32>} : memref<4096xf32, #tpu.memory_space<vmem>>, vector<16xf32>,
      %parallel_loop3A_1774 = math.exp %parallel_loop3A_1773 : vector<16xf32>
      %parallel_loop3A_1775 = arith.constant true
      %parallel_loop3A_1776 = vector.broadcast %parallel_loop3A_1775 : i1 to vector<16xi1>
      %parallel_loop3A_1777 = tpu.scan <sum>, %parallel_loop3A_1774 masked %parallel_loop3A_1776 : vector<16xf32>, vector<16xi1> -> vector<16xf32>
      %parallel_loop3A_1778 = arith.constant 16 : i32
      %parallel_loop3A_1779 = arith.muli %parallel_loop3A_1769, %parallel_loop3A_1778 : i32
      %parallel_loop3A_1780 = arith.index_cast %parallel_loop3A_1779 : i32 to index
      %parallel_loop3A_1781 = tpu.vector_load %arg9[%parallel_loop3A_1780] {strides = array<i32>} : memref<4096xf32, #tpu.memory_space<vmem>>, vector<16xf32>,
      tpu.vector_store %arg9[%parallel_loop3A_1780], %parallel_loop3A_1777 {strides = array<i32>} : memref<4096xf32, #tpu.memory_space<vmem>>, vector<16xf32>,
      %parallel_loop3A_1782 = arith.constant 10 : i32
      %parallel_loop3A_1783 = vector.broadcast %parallel_loop3A_1782 : i32 to vector<16xi32>
      %parallel_loop3A_1784 = arith.cmpi eq, %iota3A, %parallel_loop3A_1783 : vector<16xi32>
      %parallel_loop3A_1785 = vector.extract_strided_slice %parallel_loop3A_1777 {offsets = [15], sizes = [1], strides = [1]} : vector<16xf32> to vector<1xf32>
      %parallel_loop3A_1786 = vector.extract %parallel_loop3A_1785[0] : f32 from vector<1xf32>
      %parallel_loop3A_1787 = vector.broadcast %parallel_loop3A_1786 : f32 to vector<16xf32>
      %parallel_loop3A_1788 = arith.select %parallel_loop3A_1784, %parallel_loop3A_1787, %parallel_loop3A_1765 : vector<16xi1>, vector<16xf32>
      %parallel_loop3A_1789 = arith.constant 16 : i32
      %parallel_loop3A_1790 = arith.muli %parallel_loop3A_1535, %parallel_loop3A_1789 : i32
      %parallel_loop3A_1791 = arith.constant 11 : i32
      %parallel_loop3A_1792 = arith.addi %parallel_loop3A_1790, %parallel_loop3A_1791 : i32
      %parallel_loop3A_1793 = arith.constant 16 : i32
      %parallel_loop3A_1794 = arith.muli %parallel_loop3A_1792, %parallel_loop3A_1793 : i32
      %parallel_loop3A_1795 = arith.index_cast %parallel_loop3A_1794 : i32 to index
      %parallel_loop3A_1796 = tpu.vector_load %arg6[%parallel_loop3A_1795] {strides = array<i32>} : memref<4096xf32, #tpu.memory_space<vmem>>, vector<16xf32>,
      %parallel_loop3A_1797 = math.exp %parallel_loop3A_1796 : vector<16xf32>
      %parallel_loop3A_1798 = arith.constant true
      %parallel_loop3A_1799 = vector.broadcast %parallel_loop3A_1798 : i1 to vector<16xi1>
      %parallel_loop3A_1800 = tpu.scan <sum>, %parallel_loop3A_1797 masked %parallel_loop3A_1799 : vector<16xf32>, vector<16xi1> -> vector<16xf32>
      %parallel_loop3A_1801 = arith.constant 16 : i32
      %parallel_loop3A_1802 = arith.muli %parallel_loop3A_1792, %parallel_loop3A_1801 : i32
      %parallel_loop3A_1803 = arith.index_cast %parallel_loop3A_1802 : i32 to index
      %parallel_loop3A_1804 = tpu.vector_load %arg9[%parallel_loop3A_1803] {strides = array<i32>} : memref<4096xf32, #tpu.memory_space<vmem>>, vector<16xf32>,
      tpu.vector_store %arg9[%parallel_loop3A_1803], %parallel_loop3A_1800 {strides = array<i32>} : memref<4096xf32, #tpu.memory_space<vmem>>, vector<16xf32>,
      %parallel_loop3A_1805 = arith.constant 11 : i32
      %parallel_loop3A_1806 = vector.broadcast %parallel_loop3A_1805 : i32 to vector<16xi32>
      %parallel_loop3A_1807 = arith.cmpi eq, %iota3A, %parallel_loop3A_1806 : vector<16xi32>
      %parallel_loop3A_1808 = vector.extract_strided_slice %parallel_loop3A_1800 {offsets = [15], sizes = [1], strides = [1]} : vector<16xf32> to vector<1xf32>
      %parallel_loop3A_1809 = vector.extract %parallel_loop3A_1808[0] : f32 from vector<1xf32>
      %parallel_loop3A_1810 = vector.broadcast %parallel_loop3A_1809 : f32 to vector<16xf32>
      %parallel_loop3A_1811 = arith.select %parallel_loop3A_1807, %parallel_loop3A_1810, %parallel_loop3A_1788 : vector<16xi1>, vector<16xf32>
      %parallel_loop3A_1812 = arith.constant 16 : i32
      %parallel_loop3A_1813 = arith.muli %parallel_loop3A_1535, %parallel_loop3A_1812 : i32
      %parallel_loop3A_1814 = arith.constant 12 : i32
      %parallel_loop3A_1815 = arith.addi %parallel_loop3A_1813, %parallel_loop3A_1814 : i32
      %parallel_loop3A_1816 = arith.constant 16 : i32
      %parallel_loop3A_1817 = arith.muli %parallel_loop3A_1815, %parallel_loop3A_1816 : i32
      %parallel_loop3A_1818 = arith.index_cast %parallel_loop3A_1817 : i32 to index
      %parallel_loop3A_1819 = tpu.vector_load %arg6[%parallel_loop3A_1818] {strides = array<i32>} : memref<4096xf32, #tpu.memory_space<vmem>>, vector<16xf32>,
      %parallel_loop3A_1820 = math.exp %parallel_loop3A_1819 : vector<16xf32>
      %parallel_loop3A_1821 = arith.constant true
      %parallel_loop3A_1822 = vector.broadcast %parallel_loop3A_1821 : i1 to vector<16xi1>
      %parallel_loop3A_1823 = tpu.scan <sum>, %parallel_loop3A_1820 masked %parallel_loop3A_1822 : vector<16xf32>, vector<16xi1> -> vector<16xf32>
      %parallel_loop3A_1824 = arith.constant 16 : i32
      %parallel_loop3A_1825 = arith.muli %parallel_loop3A_1815, %parallel_loop3A_1824 : i32
      %parallel_loop3A_1826 = arith.index_cast %parallel_loop3A_1825 : i32 to index
      %parallel_loop3A_1827 = tpu.vector_load %arg9[%parallel_loop3A_1826] {strides = array<i32>} : memref<4096xf32, #tpu.memory_space<vmem>>, vector<16xf32>,
      tpu.vector_store %arg9[%parallel_loop3A_1826], %parallel_loop3A_1823 {strides = array<i32>} : memref<4096xf32, #tpu.memory_space<vmem>>, vector<16xf32>,
      %parallel_loop3A_1828 = arith.constant 12 : i32
      %parallel_loop3A_1829 = vector.broadcast %parallel_loop3A_1828 : i32 to vector<16xi32>
      %parallel_loop3A_1830 = arith.cmpi eq, %iota3A, %parallel_loop3A_1829 : vector<16xi32>
      %parallel_loop3A_1831 = vector.extract_strided_slice %parallel_loop3A_1823 {offsets = [15], sizes = [1], strides = [1]} : vector<16xf32> to vector<1xf32>
      %parallel_loop3A_1832 = vector.extract %parallel_loop3A_1831[0] : f32 from vector<1xf32>
      %parallel_loop3A_1833 = vector.broadcast %parallel_loop3A_1832 : f32 to vector<16xf32>
      %parallel_loop3A_1834 = arith.select %parallel_loop3A_1830, %parallel_loop3A_1833, %parallel_loop3A_1811 : vector<16xi1>, vector<16xf32>
      %parallel_loop3A_1835 = arith.constant 16 : i32
      %parallel_loop3A_1836 = arith.muli %parallel_loop3A_1535, %parallel_loop3A_1835 : i32
      %parallel_loop3A_1837 = arith.constant 13 : i32
      %parallel_loop3A_1838 = arith.addi %parallel_loop3A_1836, %parallel_loop3A_1837 : i32
      %parallel_loop3A_1839 = arith.constant 16 : i32
      %parallel_loop3A_1840 = arith.muli %parallel_loop3A_1838, %parallel_loop3A_1839 : i32
      %parallel_loop3A_1841 = arith.index_cast %parallel_loop3A_1840 : i32 to index
      %parallel_loop3A_1842 = tpu.vector_load %arg6[%parallel_loop3A_1841] {strides = array<i32>} : memref<4096xf32, #tpu.memory_space<vmem>>, vector<16xf32>,
      %parallel_loop3A_1843 = math.exp %parallel_loop3A_1842 : vector<16xf32>
      %parallel_loop3A_1844 = arith.constant true
      %parallel_loop3A_1845 = vector.broadcast %parallel_loop3A_1844 : i1 to vector<16xi1>
      %parallel_loop3A_1846 = tpu.scan <sum>, %parallel_loop3A_1843 masked %parallel_loop3A_1845 : vector<16xf32>, vector<16xi1> -> vector<16xf32>
      %parallel_loop3A_1847 = arith.constant 16 : i32
      %parallel_loop3A_1848 = arith.muli %parallel_loop3A_1838, %parallel_loop3A_1847 : i32
      %parallel_loop3A_1849 = arith.index_cast %parallel_loop3A_1848 : i32 to index
      %parallel_loop3A_1850 = tpu.vector_load %arg9[%parallel_loop3A_1849] {strides = array<i32>} : memref<4096xf32, #tpu.memory_space<vmem>>, vector<16xf32>,
      tpu.vector_store %arg9[%parallel_loop3A_1849], %parallel_loop3A_1846 {strides = array<i32>} : memref<4096xf32, #tpu.memory_space<vmem>>, vector<16xf32>,
      %parallel_loop3A_1851 = arith.constant 13 : i32
      %parallel_loop3A_1852 = vector.broadcast %parallel_loop3A_1851 : i32 to vector<16xi32>
      %parallel_loop3A_1853 = arith.cmpi eq, %iota3A, %parallel_loop3A_1852 : vector<16xi32>
      %parallel_loop3A_1854 = vector.extract_strided_slice %parallel_loop3A_1846 {offsets = [15], sizes = [1], strides = [1]} : vector<16xf32> to vector<1xf32>
      %parallel_loop3A_1855 = vector.extract %parallel_loop3A_1854[0] : f32 from vector<1xf32>
      %parallel_loop3A_1856 = vector.broadcast %parallel_loop3A_1855 : f32 to vector<16xf32>
      %parallel_loop3A_1857 = arith.select %parallel_loop3A_1853, %parallel_loop3A_1856, %parallel_loop3A_1834 : vector<16xi1>, vector<16xf32>
      %parallel_loop3A_1858 = arith.constant 16 : i32
      %parallel_loop3A_1859 = arith.muli %parallel_loop3A_1535, %parallel_loop3A_1858 : i32
      %parallel_loop3A_1860 = arith.constant 14 : i32
      %parallel_loop3A_1861 = arith.addi %parallel_loop3A_1859, %parallel_loop3A_1860 : i32
      %parallel_loop3A_1862 = arith.constant 16 : i32
      %parallel_loop3A_1863 = arith.muli %parallel_loop3A_1861, %parallel_loop3A_1862 : i32
      %parallel_loop3A_1864 = arith.index_cast %parallel_loop3A_1863 : i32 to index
      %parallel_loop3A_1865 = tpu.vector_load %arg6[%parallel_loop3A_1864] {strides = array<i32>} : memref<4096xf32, #tpu.memory_space<vmem>>, vector<16xf32>,
      %parallel_loop3A_1866 = math.exp %parallel_loop3A_1865 : vector<16xf32>
      %parallel_loop3A_1867 = arith.constant true
      %parallel_loop3A_1868 = vector.broadcast %parallel_loop3A_1867 : i1 to vector<16xi1>
      %parallel_loop3A_1869 = tpu.scan <sum>, %parallel_loop3A_1866 masked %parallel_loop3A_1868 : vector<16xf32>, vector<16xi1> -> vector<16xf32>
      %parallel_loop3A_1870 = arith.constant 16 : i32
      %parallel_loop3A_1871 = arith.muli %parallel_loop3A_1861, %parallel_loop3A_1870 : i32
      %parallel_loop3A_1872 = arith.index_cast %parallel_loop3A_1871 : i32 to index
      %parallel_loop3A_1873 = tpu.vector_load %arg9[%parallel_loop3A_1872] {strides = array<i32>} : memref<4096xf32, #tpu.memory_space<vmem>>, vector<16xf32>,
      tpu.vector_store %arg9[%parallel_loop3A_1872], %parallel_loop3A_1869 {strides = array<i32>} : memref<4096xf32, #tpu.memory_space<vmem>>, vector<16xf32>,
      %parallel_loop3A_1874 = arith.constant 14 : i32
      %parallel_loop3A_1875 = vector.broadcast %parallel_loop3A_1874 : i32 to vector<16xi32>
      %parallel_loop3A_1876 = arith.cmpi eq, %iota3A, %parallel_loop3A_1875 : vector<16xi32>
      %parallel_loop3A_1877 = vector.extract_strided_slice %parallel_loop3A_1869 {offsets = [15], sizes = [1], strides = [1]} : vector<16xf32> to vector<1xf32>
      %parallel_loop3A_1878 = vector.extract %parallel_loop3A_1877[0] : f32 from vector<1xf32>
      %parallel_loop3A_1879 = vector.broadcast %parallel_loop3A_1878 : f32 to vector<16xf32>
      %parallel_loop3A_1880 = arith.select %parallel_loop3A_1876, %parallel_loop3A_1879, %parallel_loop3A_1857 : vector<16xi1>, vector<16xf32>
      %parallel_loop3A_1881 = arith.constant 16 : i32
      %parallel_loop3A_1882 = arith.muli %parallel_loop3A_1535, %parallel_loop3A_1881 : i32
      %parallel_loop3A_1883 = arith.constant 15 : i32
      %parallel_loop3A_1884 = arith.addi %parallel_loop3A_1882, %parallel_loop3A_1883 : i32
      %parallel_loop3A_1885 = arith.constant 16 : i32
      %parallel_loop3A_1886 = arith.muli %parallel_loop3A_1884, %parallel_loop3A_1885 : i32
      %parallel_loop3A_1887 = arith.index_cast %parallel_loop3A_1886 : i32 to index
      %parallel_loop3A_1888 = tpu.vector_load %arg6[%parallel_loop3A_1887] {strides = array<i32>} : memref<4096xf32, #tpu.memory_space<vmem>>, vector<16xf32>,
      %parallel_loop3A_1889 = math.exp %parallel_loop3A_1888 : vector<16xf32>
      %parallel_loop3A_1890 = arith.constant true
      %parallel_loop3A_1891 = vector.broadcast %parallel_loop3A_1890 : i1 to vector<16xi1>
      %parallel_loop3A_1892 = tpu.scan <sum>, %parallel_loop3A_1889 masked %parallel_loop3A_1891 : vector<16xf32>, vector<16xi1> -> vector<16xf32>
      %parallel_loop3A_1893 = arith.constant 16 : i32
      %parallel_loop3A_1894 = arith.muli %parallel_loop3A_1884, %parallel_loop3A_1893 : i32
      %parallel_loop3A_1895 = arith.index_cast %parallel_loop3A_1894 : i32 to index
      %parallel_loop3A_1896 = tpu.vector_load %arg9[%parallel_loop3A_1895] {strides = array<i32>} : memref<4096xf32, #tpu.memory_space<vmem>>, vector<16xf32>,
      tpu.vector_store %arg9[%parallel_loop3A_1895], %parallel_loop3A_1892 {strides = array<i32>} : memref<4096xf32, #tpu.memory_space<vmem>>, vector<16xf32>,
      %parallel_loop3A_1897 = arith.constant 15 : i32
      %parallel_loop3A_1898 = vector.broadcast %parallel_loop3A_1897 : i32 to vector<16xi32>
      %parallel_loop3A_1899 = arith.cmpi eq, %iota3A, %parallel_loop3A_1898 : vector<16xi32>
      %parallel_loop3A_1900 = vector.extract_strided_slice %parallel_loop3A_1892 {offsets = [15], sizes = [1], strides = [1]} : vector<16xf32> to vector<1xf32>
      %parallel_loop3A_1901 = vector.extract %parallel_loop3A_1900[0] : f32 from vector<1xf32>
      %parallel_loop3A_1902 = vector.broadcast %parallel_loop3A_1901 : f32 to vector<16xf32>
      %parallel_loop3A_1903 = arith.select %parallel_loop3A_1899, %parallel_loop3A_1902, %parallel_loop3A_1880 : vector<16xi1>, vector<16xf32>
      %parallel_loop3A_1904 = arith.constant 16 : i32
      %parallel_loop3A_1905 = arith.muli %parallel_loop3A_1535, %parallel_loop3A_1904 : i32
      %parallel_loop3A_1906 = arith.index_cast %parallel_loop3A_1905 : i32 to index
      %parallel_loop3A_1907 = tpu.vector_load %arg11[%parallel_loop3A_1906] {strides = array<i32>} : memref<256xf32, #tpu.memory_space<vmem>>, vector<16xf32>,
      tpu.vector_store %arg11[%parallel_loop3A_1906], %parallel_loop3A_1903 {strides = array<i32>} : memref<256xf32, #tpu.memory_space<vmem>>, vector<16xf32>,
    } {sc.loop_unroll_factor = 1 : i64, sc.parallel_access}
    %scan3A = arith.constant 0.000000e+00 : f32
    %scan3A_18 = arith.constant 0 : i32
    %scan3A_19 = arith.constant 16 : i32
    %scan3A_20 = arith.addi %scan3A_18, %scan3A_19 : i32
    %scan3A_21 = arith.constant 1 : i32
    %scan3A_22 = scf.for %scan3A_1535 = %scan3A_18 to %scan3A_20 step %scan3A_21 iter_args(%scan3A_1536 = %scan3A) -> (f32)  : i32 {
      %mul3A_1537 = arith.constant 16 : i32
      %mul3A_1538 = arith.muli %scan3A_1535, %mul3A_1537 : i32
      %get3A_1539 = arith.index_cast %mul3A_1538 : i32 to index
      %get3A_1540 = tpu.vector_load %arg11[%get3A_1539] {strides = array<i32>} : memref<256xf32, #tpu.memory_space<vmem>>, vector<16xf32>,
      %broadcast_in_dim3A_1541 = arith.constant true
      %broadcast_in_dim3A_1542 = vector.broadcast %broadcast_in_dim3A_1541 : i1 to vector<16xi1>
      %masked_cumsum3A = tpu.scan <sum>, %get3A_1540 masked %broadcast_in_dim3A_1542 : vector<16xf32>, vector<16xi1> -> vector<16xf32>
      %sub3A_1543 = arith.subf %masked_cumsum3A, %get3A_1540 : vector<16xf32>
      %add3A_1544 = vector.broadcast %scan3A_1536 : f32 to vector<16xf32>
      %add3A_1545 = arith.addf %sub3A_1543, %add3A_1544 : vector<16xf32>
      %mul3A_1546 = arith.constant 16 : i32
      %mul3A_1547 = arith.muli %scan3A_1535, %mul3A_1546 : i32
      %swap3A_1548 = arith.index_cast %mul3A_1547 : i32 to index
      %swap3A_1549 = tpu.vector_load %arg11[%swap3A_1548] {strides = array<i32>} : memref<256xf32, #tpu.memory_space<vmem>>, vector<16xf32>,
      tpu.vector_store %arg11[%swap3A_1548], %add3A_1545 {strides = array<i32>} : memref<256xf32, #tpu.memory_space<vmem>>, vector<16xf32>,
      %slice3A_1550 = vector.extract_strided_slice %masked_cumsum3A {offsets = [15], sizes = [1], strides = [1]} : vector<16xf32> to vector<1xf32>
      %squeeze3A_1551 = vector.extract %slice3A_1550[0] : f32 from vector<1xf32>
      %add3A_1552 = arith.addf %scan3A_1536, %squeeze3A_1551 : f32
      scf.yield %add3A_1552 : f32
    }
    %scan3A_23 = arith.constant 16 : i32
    %dma_wait3A_24 = tpu.memref_slice %arg3[%mul3A_0] : memref<65536xi32, #tpu.memory_space<hbm>> -> memref<4096xi32, #tpu.memory_space<hbm>>
    %dma_wait3A_25 = tpu.memref_slice %arg3[%mul3A_0] : memref<65536xi32, #tpu.memory_space<hbm>> -> memref<4096xi32, #tpu.memory_space<hbm>>
    tpu.wait_dma2 semaphore(%arg24 : memref<!tpu.dma_semaphore, #tpu.memory_space<semaphore_mem>>) src(%dma_wait3A_25 : memref<4096xi32, #tpu.memory_space<hbm>>) dst(%arg7 : memref<4096xi32, #tpu.memory_space<vmem>>)
    %dma_wait3A_26 = tpu.memref_slice %arg4[%mul3A_0] : memref<65536xi32, #tpu.memory_space<hbm>> -> memref<4096xi32, #tpu.memory_space<hbm>>
    %dma_wait3A_27 = tpu.memref_slice %arg4[%mul3A_0] : memref<65536xi32, #tpu.memory_space<hbm>> -> memref<4096xi32, #tpu.memory_space<hbm>>
    tpu.wait_dma2 semaphore(%arg24 : memref<!tpu.dma_semaphore, #tpu.memory_space<semaphore_mem>>) src(%dma_wait3A_27 : memref<4096xi32, #tpu.memory_space<hbm>>) dst(%arg8 : memref<4096xi32, #tpu.memory_space<vmem>>)
    %scan3A_28 = arith.constant 0 : i32
    %scan3A_29 = arith.constant 16 : i32
    %scan3A_30 = arith.addi %scan3A_28, %scan3A_29 : i32
    %scan3A_31 = arith.constant 1 : i32
    %scan3A_32:2 = scf.for %scan3A_1535 = %scan3A_28 to %scan3A_30 step %scan3A_31 iter_args(%scan3A_1536 = %broadcast_in_dim3A_6, %scan3A_1537 = %broadcast_in_dim3A_6) -> (vector<16xf32>, vector<16xf32>)  : i32 {
      %mul3A_1538 = arith.constant 16 : i32
      %mul3A_1539 = arith.muli %scan3A_1535, %mul3A_1538 : i32
      %get3A_1540 = arith.index_cast %mul3A_1539 : i32 to index
      %get3A_1541 = tpu.vector_load %arg11[%get3A_1540] {strides = array<i32>} : memref<256xf32, #tpu.memory_space<vmem>>, vector<16xf32>,
      %mul3A_1542 = arith.constant 16 : i32
      %mul3A_1543 = arith.muli %scan3A_1535, %mul3A_1542 : i32
      %add3A_1544 = arith.constant 0 : i32
      %add3A_1545 = arith.addi %mul3A_1543, %add3A_1544 : i32
      %add3A_1546 = arith.constant 0 : i32
      %add3A_1547 = arith.addi %add3A_1545, %add3A_1546 : i32
      %mul3A_1548 = arith.constant 16 : i32
      %mul3A_1549 = arith.muli %add3A_1547, %mul3A_1548 : i32
      %get3A_1550 = arith.index_cast %mul3A_1549 : i32 to index
      %get3A_1551 = tpu.vector_load %arg9[%get3A_1550] {strides = array<i32>} : memref<4096xf32, #tpu.memory_space<vmem>>, vector<16xf32>,
      %mul3A_1552 = arith.constant 16 : i32
      %mul3A_1553 = arith.muli %add3A_1547, %mul3A_1552 : i32
      %get3A_1554 = arith.index_cast %mul3A_1553 : i32 to index
      %get3A_1555 = tpu.vector_load %arg8[%get3A_1554] {strides = array<i32>} : memref<4096xi32, #tpu.memory_space<vmem>>, vector<16xi32>,
      %mul3A_1556 = arith.constant 16 : i32
      %mul3A_1557 = arith.muli %add3A_1547, %mul3A_1556 : i32
      %get3A_1558 = arith.index_cast %mul3A_1557 : i32 to index
      %get3A_1559 = tpu.vector_load %arg7[%get3A_1558] {strides = array<i32>} : memref<4096xi32, #tpu.memory_space<vmem>>, vector<16xi32>,
      %mul3A_1560 = arith.constant 16 : i32
      %mul3A_1561 = arith.muli %add3A_1547, %mul3A_1560 : i32
      %get3A_1562 = arith.index_cast %mul3A_1561 : i32 to index
      %get3A_1563 = tpu.vector_load %arg6[%get3A_1562] {strides = array<i32>} : memref<4096xf32, #tpu.memory_space<vmem>>, vector<16xf32>,
      %mul3A_1564 = arith.constant 16 : i32
      %mul3A_1565 = arith.muli %scan3A_1535, %mul3A_1564 : i32
      %add3A_1566 = arith.constant 0 : i32
      %add3A_1567 = arith.addi %mul3A_1565, %add3A_1566 : i32
      %add3A_1568 = arith.constant 1 : i32
      %add3A_1569 = arith.addi %add3A_1567, %add3A_1568 : i32
      %mul3A_1570 = arith.constant 16 : i32
      %mul3A_1571 = arith.muli %add3A_1569, %mul3A_1570 : i32
      %get3A_1572 = arith.index_cast %mul3A_1571 : i32 to index
      %get3A_1573 = tpu.vector_load %arg9[%get3A_1572] {strides = array<i32>} : memref<4096xf32, #tpu.memory_space<vmem>>, vector<16xf32>,
      %mul3A_1574 = arith.constant 16 : i32
      %mul3A_1575 = arith.muli %add3A_1569, %mul3A_1574 : i32
      %get3A_1576 = arith.index_cast %mul3A_1575 : i32 to index
      %get3A_1577 = tpu.vector_load %arg8[%get3A_1576] {strides = array<i32>} : memref<4096xi32, #tpu.memory_space<vmem>>, vector<16xi32>,
      %mul3A_1578 = arith.constant 16 : i32
      %mul3A_1579 = arith.muli %add3A_1569, %mul3A_1578 : i32
      %get3A_1580 = arith.index_cast %mul3A_1579 : i32 to index
      %get3A_1581 = tpu.vector_load %arg7[%get3A_1580] {strides = array<i32>} : memref<4096xi32, #tpu.memory_space<vmem>>, vector<16xi32>,
      %mul3A_1582 = arith.constant 16 : i32
      %mul3A_1583 = arith.muli %add3A_1569, %mul3A_1582 : i32
      %get3A_1584 = arith.index_cast %mul3A_1583 : i32 to index
      %get3A_1585 = tpu.vector_load %arg6[%get3A_1584] {strides = array<i32>} : memref<4096xf32, #tpu.memory_space<vmem>>, vector<16xf32>,
      %mul3A_1586 = arith.constant 16 : i32
      %mul3A_1587 = arith.muli %scan3A_1535, %mul3A_1586 : i32
      %add3A_1588 = arith.constant 0 : i32
      %add3A_1589 = arith.addi %mul3A_1587, %add3A_1588 : i32
      %add3A_1590 = arith.constant 2 : i32
      %add3A_1591 = arith.addi %add3A_1589, %add3A_1590 : i32
      %mul3A_1592 = arith.constant 16 : i32
      %mul3A_1593 = arith.muli %add3A_1591, %mul3A_1592 : i32
      %get3A_1594 = arith.index_cast %mul3A_1593 : i32 to index
      %get3A_1595 = tpu.vector_load %arg9[%get3A_1594] {strides = array<i32>} : memref<4096xf32, #tpu.memory_space<vmem>>, vector<16xf32>,
      %mul3A_1596 = arith.constant 16 : i32
      %mul3A_1597 = arith.muli %add3A_1591, %mul3A_1596 : i32
      %get3A_1598 = arith.index_cast %mul3A_1597 : i32 to index
      %get3A_1599 = tpu.vector_load %arg8[%get3A_1598] {strides = array<i32>} : memref<4096xi32, #tpu.memory_space<vmem>>, vector<16xi32>,
      %mul3A_1600 = arith.constant 16 : i32
      %mul3A_1601 = arith.muli %add3A_1591, %mul3A_1600 : i32
      %get3A_1602 = arith.index_cast %mul3A_1601 : i32 to index
      %get3A_1603 = tpu.vector_load %arg7[%get3A_1602] {strides = array<i32>} : memref<4096xi32, #tpu.memory_space<vmem>>, vector<16xi32>,
      %mul3A_1604 = arith.constant 16 : i32
      %mul3A_1605 = arith.muli %add3A_1591, %mul3A_1604 : i32
      %get3A_1606 = arith.index_cast %mul3A_1605 : i32 to index
      %get3A_1607 = tpu.vector_load %arg6[%get3A_1606] {strides = array<i32>} : memref<4096xf32, #tpu.memory_space<vmem>>, vector<16xf32>,
      %mul3A_1608 = arith.constant 16 : i32
      %mul3A_1609 = arith.muli %scan3A_1535, %mul3A_1608 : i32
      %add3A_1610 = arith.constant 0 : i32
      %add3A_1611 = arith.addi %mul3A_1609, %add3A_1610 : i32
      %add3A_1612 = arith.constant 3 : i32
      %add3A_1613 = arith.addi %add3A_1611, %add3A_1612 : i32
      %mul3A_1614 = arith.constant 16 : i32
      %mul3A_1615 = arith.muli %add3A_1613, %mul3A_1614 : i32
      %get3A_1616 = arith.index_cast %mul3A_1615 : i32 to index
      %get3A_1617 = tpu.vector_load %arg9[%get3A_1616] {strides = array<i32>} : memref<4096xf32, #tpu.memory_space<vmem>>, vector<16xf32>,
      %mul3A_1618 = arith.constant 16 : i32
      %mul3A_1619 = arith.muli %add3A_1613, %mul3A_1618 : i32
      %get3A_1620 = arith.index_cast %mul3A_1619 : i32 to index
      %get3A_1621 = tpu.vector_load %arg8[%get3A_1620] {strides = array<i32>} : memref<4096xi32, #tpu.memory_space<vmem>>, vector<16xi32>,
      %mul3A_1622 = arith.constant 16 : i32
      %mul3A_1623 = arith.muli %add3A_1613, %mul3A_1622 : i32
      %get3A_1624 = arith.index_cast %mul3A_1623 : i32 to index
      %get3A_1625 = tpu.vector_load %arg7[%get3A_1624] {strides = array<i32>} : memref<4096xi32, #tpu.memory_space<vmem>>, vector<16xi32>,
      %mul3A_1626 = arith.constant 16 : i32
      %mul3A_1627 = arith.muli %add3A_1613, %mul3A_1626 : i32
      %get3A_1628 = arith.index_cast %mul3A_1627 : i32 to index
      %get3A_1629 = tpu.vector_load %arg6[%get3A_1628] {strides = array<i32>} : memref<4096xf32, #tpu.memory_space<vmem>>, vector<16xf32>,
      %mul3A_1630 = arith.constant 16 : i32
      %mul3A_1631 = arith.muli %scan3A_1535, %mul3A_1630 : i32
      %add3A_1632 = arith.constant 0 : i32
      %add3A_1633 = arith.addi %mul3A_1631, %add3A_1632 : i32
      %add3A_1634 = arith.constant 4 : i32
      %add3A_1635 = arith.addi %add3A_1633, %add3A_1634 : i32
      %mul3A_1636 = arith.constant 16 : i32
      %mul3A_1637 = arith.muli %add3A_1635, %mul3A_1636 : i32
      %get3A_1638 = arith.index_cast %mul3A_1637 : i32 to index
      %get3A_1639 = tpu.vector_load %arg9[%get3A_1638] {strides = array<i32>} : memref<4096xf32, #tpu.memory_space<vmem>>, vector<16xf32>,
      %mul3A_1640 = arith.constant 16 : i32
      %mul3A_1641 = arith.muli %add3A_1635, %mul3A_1640 : i32
      %get3A_1642 = arith.index_cast %mul3A_1641 : i32 to index
      %get3A_1643 = tpu.vector_load %arg8[%get3A_1642] {strides = array<i32>} : memref<4096xi32, #tpu.memory_space<vmem>>, vector<16xi32>,
      %mul3A_1644 = arith.constant 16 : i32
      %mul3A_1645 = arith.muli %add3A_1635, %mul3A_1644 : i32
      %get3A_1646 = arith.index_cast %mul3A_1645 : i32 to index
      %get3A_1647 = tpu.vector_load %arg7[%get3A_1646] {strides = array<i32>} : memref<4096xi32, #tpu.memory_space<vmem>>, vector<16xi32>,
      %mul3A_1648 = arith.constant 16 : i32
      %mul3A_1649 = arith.muli %add3A_1635, %mul3A_1648 : i32
      %get3A_1650 = arith.index_cast %mul3A_1649 : i32 to index
      %get3A_1651 = tpu.vector_load %arg6[%get3A_1650] {strides = array<i32>} : memref<4096xf32, #tpu.memory_space<vmem>>, vector<16xf32>,
      %mul3A_1652 = arith.constant 16 : i32
      %mul3A_1653 = arith.muli %scan3A_1535, %mul3A_1652 : i32
      %add3A_1654 = arith.constant 0 : i32
      %add3A_1655 = arith.addi %mul3A_1653, %add3A_1654 : i32
      %add3A_1656 = arith.constant 5 : i32
      %add3A_1657 = arith.addi %add3A_1655, %add3A_1656 : i32
      %mul3A_1658 = arith.constant 16 : i32
      %mul3A_1659 = arith.muli %add3A_1657, %mul3A_1658 : i32
      %get3A_1660 = arith.index_cast %mul3A_1659 : i32 to index
      %get3A_1661 = tpu.vector_load %arg9[%get3A_1660] {strides = array<i32>} : memref<4096xf32, #tpu.memory_space<vmem>>, vector<16xf32>,
      %mul3A_1662 = arith.constant 16 : i32
      %mul3A_1663 = arith.muli %add3A_1657, %mul3A_1662 : i32
      %get3A_1664 = arith.index_cast %mul3A_1663 : i32 to index
      %get3A_1665 = tpu.vector_load %arg8[%get3A_1664] {strides = array<i32>} : memref<4096xi32, #tpu.memory_space<vmem>>, vector<16xi32>,
      %mul3A_1666 = arith.constant 16 : i32
      %mul3A_1667 = arith.muli %add3A_1657, %mul3A_1666 : i32
      %get3A_1668 = arith.index_cast %mul3A_1667 : i32 to index
      %get3A_1669 = tpu.vector_load %arg7[%get3A_1668] {strides = array<i32>} : memref<4096xi32, #tpu.memory_space<vmem>>, vector<16xi32>,
      %mul3A_1670 = arith.constant 16 : i32
      %mul3A_1671 = arith.muli %add3A_1657, %mul3A_1670 : i32
      %get3A_1672 = arith.index_cast %mul3A_1671 : i32 to index
      %get3A_1673 = tpu.vector_load %arg6[%get3A_1672] {strides = array<i32>} : memref<4096xf32, #tpu.memory_space<vmem>>, vector<16xf32>,
      %mul3A_1674 = arith.constant 16 : i32
      %mul3A_1675 = arith.muli %scan3A_1535, %mul3A_1674 : i32
      %add3A_1676 = arith.constant 0 : i32
      %add3A_1677 = arith.addi %mul3A_1675, %add3A_1676 : i32
      %add3A_1678 = arith.constant 6 : i32
      %add3A_1679 = arith.addi %add3A_1677, %add3A_1678 : i32
      %mul3A_1680 = arith.constant 16 : i32
      %mul3A_1681 = arith.muli %add3A_1679, %mul3A_1680 : i32
      %get3A_1682 = arith.index_cast %mul3A_1681 : i32 to index
      %get3A_1683 = tpu.vector_load %arg9[%get3A_1682] {strides = array<i32>} : memref<4096xf32, #tpu.memory_space<vmem>>, vector<16xf32>,
      %mul3A_1684 = arith.constant 16 : i32
      %mul3A_1685 = arith.muli %add3A_1679, %mul3A_1684 : i32
      %get3A_1686 = arith.index_cast %mul3A_1685 : i32 to index
      %get3A_1687 = tpu.vector_load %arg8[%get3A_1686] {strides = array<i32>} : memref<4096xi32, #tpu.memory_space<vmem>>, vector<16xi32>,
      %mul3A_1688 = arith.constant 16 : i32
      %mul3A_1689 = arith.muli %add3A_1679, %mul3A_1688 : i32
      %get3A_1690 = arith.index_cast %mul3A_1689 : i32 to index
      %get3A_1691 = tpu.vector_load %arg7[%get3A_1690] {strides = array<i32>} : memref<4096xi32, #tpu.memory_space<vmem>>, vector<16xi32>,
      %mul3A_1692 = arith.constant 16 : i32
      %mul3A_1693 = arith.muli %add3A_1679, %mul3A_1692 : i32
      %get3A_1694 = arith.index_cast %mul3A_1693 : i32 to index
      %get3A_1695 = tpu.vector_load %arg6[%get3A_1694] {strides = array<i32>} : memref<4096xf32, #tpu.memory_space<vmem>>, vector<16xf32>,
      %mul3A_1696 = arith.constant 16 : i32
      %mul3A_1697 = arith.muli %scan3A_1535, %mul3A_1696 : i32
      %add3A_1698 = arith.constant 0 : i32
      %add3A_1699 = arith.addi %mul3A_1697, %add3A_1698 : i32
      %add3A_1700 = arith.constant 7 : i32
      %add3A_1701 = arith.addi %add3A_1699, %add3A_1700 : i32
      %mul3A_1702 = arith.constant 16 : i32
      %mul3A_1703 = arith.muli %add3A_1701, %mul3A_1702 : i32
      %get3A_1704 = arith.index_cast %mul3A_1703 : i32 to index
      %get3A_1705 = tpu.vector_load %arg9[%get3A_1704] {strides = array<i32>} : memref<4096xf32, #tpu.memory_space<vmem>>, vector<16xf32>,
      %mul3A_1706 = arith.constant 16 : i32
      %mul3A_1707 = arith.muli %add3A_1701, %mul3A_1706 : i32
      %get3A_1708 = arith.index_cast %mul3A_1707 : i32 to index
      %get3A_1709 = tpu.vector_load %arg8[%get3A_1708] {strides = array<i32>} : memref<4096xi32, #tpu.memory_space<vmem>>, vector<16xi32>,
      %mul3A_1710 = arith.constant 16 : i32
      %mul3A_1711 = arith.muli %add3A_1701, %mul3A_1710 : i32
      %get3A_1712 = arith.index_cast %mul3A_1711 : i32 to index
      %get3A_1713 = tpu.vector_load %arg7[%get3A_1712] {strides = array<i32>} : memref<4096xi32, #tpu.memory_space<vmem>>, vector<16xi32>,
      %mul3A_1714 = arith.constant 16 : i32
      %mul3A_1715 = arith.muli %add3A_1701, %mul3A_1714 : i32
      %get3A_1716 = arith.index_cast %mul3A_1715 : i32 to index
      %get3A_1717 = tpu.vector_load %arg6[%get3A_1716] {strides = array<i32>} : memref<4096xf32, #tpu.memory_space<vmem>>, vector<16xf32>,
      %slice3A_1718 = vector.extract_strided_slice %get3A_1541 {offsets = [0], sizes = [1], strides = [1]} : vector<16xf32> to vector<1xf32>
      %squeeze3A_1719 = vector.extract %slice3A_1718[0] : f32 from vector<1xf32>
      %add3A_1720 = vector.broadcast %squeeze3A_1719 : f32 to vector<16xf32>
      %add3A_1721 = arith.addf %get3A_1551, %add3A_1720 : vector<16xf32>
      %abs3A = math.absi %get3A_1555 : vector<16xi32>
      %convert_element_type3A_1722 = arith.sitofp %get3A_1559 : vector<16xi32> to vector<16xf32>
      %mul3A_1723 = arith.constant 1024 : i32
      %mul3A_1724 = vector.broadcast %mul3A_1723 : i32 to vector<16xi32>
      %mul3A_1725 = arith.muli %iota3A, %mul3A_1724 : vector<16xi32>
      %add3A_1726 = arith.addi %mul3A_1725, %abs3A : vector<16xi32>
      tpu.vector_store_idx %arg12[%add3A_1726], %add3A_1721 : memref<16384xf32, #tpu.memory_space<vmem>>[vector<16xi32>], vector<16xf32>,
      tpu.vector_store_idx %arg13[%abs3A], %convert_element_type3A_1722 {add = true} : memref<1024xf32, #tpu.memory_space<vmem>>[vector<16xi32>], vector<16xf32>,
      %mul3A_1727 = arith.mulf %get3A_1563, %convert_element_type3A_1722 : vector<16xf32>
      %add3A_1728 = arith.addf %scan3A_1536, %mul3A_1727 : vector<16xf32>
      %add3A_1729 = arith.addf %scan3A_1537, %convert_element_type3A_1722 : vector<16xf32>
      %slice3A_1730 = vector.extract_strided_slice %get3A_1541 {offsets = [1], sizes = [1], strides = [1]} : vector<16xf32> to vector<1xf32>
      %squeeze3A_1731 = vector.extract %slice3A_1730[0] : f32 from vector<1xf32>
      %add3A_1732 = vector.broadcast %squeeze3A_1731 : f32 to vector<16xf32>
      %add3A_1733 = arith.addf %get3A_1573, %add3A_1732 : vector<16xf32>
      %abs3A_1734 = math.absi %get3A_1577 : vector<16xi32>
      %convert_element_type3A_1735 = arith.sitofp %get3A_1581 : vector<16xi32> to vector<16xf32>
      %mul3A_1736 = arith.constant 1024 : i32
      %mul3A_1737 = vector.broadcast %mul3A_1736 : i32 to vector<16xi32>
      %mul3A_1738 = arith.muli %iota3A, %mul3A_1737 : vector<16xi32>
      %add3A_1739 = arith.addi %mul3A_1738, %abs3A_1734 : vector<16xi32>
      tpu.vector_store_idx %arg12[%add3A_1739], %add3A_1733 : memref<16384xf32, #tpu.memory_space<vmem>>[vector<16xi32>], vector<16xf32>,
      tpu.vector_store_idx %arg13[%abs3A_1734], %convert_element_type3A_1735 {add = true} : memref<1024xf32, #tpu.memory_space<vmem>>[vector<16xi32>], vector<16xf32>,
      %mul3A_1740 = arith.mulf %get3A_1585, %convert_element_type3A_1735 : vector<16xf32>
      %add3A_1741 = arith.addf %add3A_1728, %mul3A_1740 : vector<16xf32>
      %add3A_1742 = arith.addf %add3A_1729, %convert_element_type3A_1735 : vector<16xf32>
      %slice3A_1743 = vector.extract_strided_slice %get3A_1541 {offsets = [2], sizes = [1], strides = [1]} : vector<16xf32> to vector<1xf32>
      %squeeze3A_1744 = vector.extract %slice3A_1743[0] : f32 from vector<1xf32>
      %add3A_1745 = vector.broadcast %squeeze3A_1744 : f32 to vector<16xf32>
      %add3A_1746 = arith.addf %get3A_1595, %add3A_1745 : vector<16xf32>
      %abs3A_1747 = math.absi %get3A_1599 : vector<16xi32>
      %convert_element_type3A_1748 = arith.sitofp %get3A_1603 : vector<16xi32> to vector<16xf32>
      %mul3A_1749 = arith.constant 1024 : i32
      %mul3A_1750 = vector.broadcast %mul3A_1749 : i32 to vector<16xi32>
      %mul3A_1751 = arith.muli %iota3A, %mul3A_1750 : vector<16xi32>
      %add3A_1752 = arith.addi %mul3A_1751, %abs3A_1747 : vector<16xi32>
      tpu.vector_store_idx %arg12[%add3A_1752], %add3A_1746 : memref<16384xf32, #tpu.memory_space<vmem>>[vector<16xi32>], vector<16xf32>,
      tpu.vector_store_idx %arg13[%abs3A_1747], %convert_element_type3A_1748 {add = true} : memref<1024xf32, #tpu.memory_space<vmem>>[vector<16xi32>], vector<16xf32>,
      %mul3A_1753 = arith.mulf %get3A_1607, %convert_element_type3A_1748 : vector<16xf32>
      %add3A_1754 = arith.addf %add3A_1741, %mul3A_1753 : vector<16xf32>
      %add3A_1755 = arith.addf %add3A_1742, %convert_element_type3A_1748 : vector<16xf32>
      %slice3A_1756 = vector.extract_strided_slice %get3A_1541 {offsets = [3], sizes = [1], strides = [1]} : vector<16xf32> to vector<1xf32>
      %squeeze3A_1757 = vector.extract %slice3A_1756[0] : f32 from vector<1xf32>
      %add3A_1758 = vector.broadcast %squeeze3A_1757 : f32 to vector<16xf32>
      %add3A_1759 = arith.addf %get3A_1617, %add3A_1758 : vector<16xf32>
      %abs3A_1760 = math.absi %get3A_1621 : vector<16xi32>
      %convert_element_type3A_1761 = arith.sitofp %get3A_1625 : vector<16xi32> to vector<16xf32>
      %mul3A_1762 = arith.constant 1024 : i32
      %mul3A_1763 = vector.broadcast %mul3A_1762 : i32 to vector<16xi32>
      %mul3A_1764 = arith.muli %iota3A, %mul3A_1763 : vector<16xi32>
      %add3A_1765 = arith.addi %mul3A_1764, %abs3A_1760 : vector<16xi32>
      tpu.vector_store_idx %arg12[%add3A_1765], %add3A_1759 : memref<16384xf32, #tpu.memory_space<vmem>>[vector<16xi32>], vector<16xf32>,
      tpu.vector_store_idx %arg13[%abs3A_1760], %convert_element_type3A_1761 {add = true} : memref<1024xf32, #tpu.memory_space<vmem>>[vector<16xi32>], vector<16xf32>,
      %mul3A_1766 = arith.mulf %get3A_1629, %convert_element_type3A_1761 : vector<16xf32>
      %add3A_1767 = arith.addf %add3A_1754, %mul3A_1766 : vector<16xf32>
      %add3A_1768 = arith.addf %add3A_1755, %convert_element_type3A_1761 : vector<16xf32>
      %slice3A_1769 = vector.extract_strided_slice %get3A_1541 {offsets = [4], sizes = [1], strides = [1]} : vector<16xf32> to vector<1xf32>
      %squeeze3A_1770 = vector.extract %slice3A_1769[0] : f32 from vector<1xf32>
      %add3A_1771 = vector.broadcast %squeeze3A_1770 : f32 to vector<16xf32>
      %add3A_1772 = arith.addf %get3A_1639, %add3A_1771 : vector<16xf32>
      %abs3A_1773 = math.absi %get3A_1643 : vector<16xi32>
      %convert_element_type3A_1774 = arith.sitofp %get3A_1647 : vector<16xi32> to vector<16xf32>
      %mul3A_1775 = arith.constant 1024 : i32
      %mul3A_1776 = vector.broadcast %mul3A_1775 : i32 to vector<16xi32>
      %mul3A_1777 = arith.muli %iota3A, %mul3A_1776 : vector<16xi32>
      %add3A_1778 = arith.addi %mul3A_1777, %abs3A_1773 : vector<16xi32>
      tpu.vector_store_idx %arg12[%add3A_1778], %add3A_1772 : memref<16384xf32, #tpu.memory_space<vmem>>[vector<16xi32>], vector<16xf32>,
      tpu.vector_store_idx %arg13[%abs3A_1773], %convert_element_type3A_1774 {add = true} : memref<1024xf32, #tpu.memory_space<vmem>>[vector<16xi32>], vector<16xf32>,
      %mul3A_1779 = arith.mulf %get3A_1651, %convert_element_type3A_1774 : vector<16xf32>
      %add3A_1780 = arith.addf %add3A_1767, %mul3A_1779 : vector<16xf32>
      %add3A_1781 = arith.addf %add3A_1768, %convert_element_type3A_1774 : vector<16xf32>
      %slice3A_1782 = vector.extract_strided_slice %get3A_1541 {offsets = [5], sizes = [1], strides = [1]} : vector<16xf32> to vector<1xf32>
      %squeeze3A_1783 = vector.extract %slice3A_1782[0] : f32 from vector<1xf32>
      %add3A_1784 = vector.broadcast %squeeze3A_1783 : f32 to vector<16xf32>
      %add3A_1785 = arith.addf %get3A_1661, %add3A_1784 : vector<16xf32>
      %abs3A_1786 = math.absi %get3A_1665 : vector<16xi32>
      %convert_element_type3A_1787 = arith.sitofp %get3A_1669 : vector<16xi32> to vector<16xf32>
      %mul3A_1788 = arith.constant 1024 : i32
      %mul3A_1789 = vector.broadcast %mul3A_1788 : i32 to vector<16xi32>
      %mul3A_1790 = arith.muli %iota3A, %mul3A_1789 : vector<16xi32>
      %add3A_1791 = arith.addi %mul3A_1790, %abs3A_1786 : vector<16xi32>
      tpu.vector_store_idx %arg12[%add3A_1791], %add3A_1785 : memref<16384xf32, #tpu.memory_space<vmem>>[vector<16xi32>], vector<16xf32>,
      tpu.vector_store_idx %arg13[%abs3A_1786], %convert_element_type3A_1787 {add = true} : memref<1024xf32, #tpu.memory_space<vmem>>[vector<16xi32>], vector<16xf32>,
      %mul3A_1792 = arith.mulf %get3A_1673, %convert_element_type3A_1787 : vector<16xf32>
      %add3A_1793 = arith.addf %add3A_1780, %mul3A_1792 : vector<16xf32>
      %add3A_1794 = arith.addf %add3A_1781, %convert_element_type3A_1787 : vector<16xf32>
      %slice3A_1795 = vector.extract_strided_slice %get3A_1541 {offsets = [6], sizes = [1], strides = [1]} : vector<16xf32> to vector<1xf32>
      %squeeze3A_1796 = vector.extract %slice3A_1795[0] : f32 from vector<1xf32>
      %add3A_1797 = vector.broadcast %squeeze3A_1796 : f32 to vector<16xf32>
      %add3A_1798 = arith.addf %get3A_1683, %add3A_1797 : vector<16xf32>
      %abs3A_1799 = math.absi %get3A_1687 : vector<16xi32>
      %convert_element_type3A_1800 = arith.sitofp %get3A_1691 : vector<16xi32> to vector<16xf32>
      %mul3A_1801 = arith.constant 1024 : i32
      %mul3A_1802 = vector.broadcast %mul3A_1801 : i32 to vector<16xi32>
      %mul3A_1803 = arith.muli %iota3A, %mul3A_1802 : vector<16xi32>
      %add3A_1804 = arith.addi %mul3A_1803, %abs3A_1799 : vector<16xi32>
      tpu.vector_store_idx %arg12[%add3A_1804], %add3A_1798 : memref<16384xf32, #tpu.memory_space<vmem>>[vector<16xi32>], vector<16xf32>,
      tpu.vector_store_idx %arg13[%abs3A_1799], %convert_element_type3A_1800 {add = true} : memref<1024xf32, #tpu.memory_space<vmem>>[vector<16xi32>], vector<16xf32>,
      %mul3A_1805 = arith.mulf %get3A_1695, %convert_element_type3A_1800 : vector<16xf32>
      %add3A_1806 = arith.addf %add3A_1793, %mul3A_1805 : vector<16xf32>
      %add3A_1807 = arith.addf %add3A_1794, %convert_element_type3A_1800 : vector<16xf32>
      %slice3A_1808 = vector.extract_strided_slice %get3A_1541 {offsets = [7], sizes = [1], strides = [1]} : vector<16xf32> to vector<1xf32>
      %squeeze3A_1809 = vector.extract %slice3A_1808[0] : f32 from vector<1xf32>
      %add3A_1810 = vector.broadcast %squeeze3A_1809 : f32 to vector<16xf32>
      %add3A_1811 = arith.addf %get3A_1705, %add3A_1810 : vector<16xf32>
      %abs3A_1812 = math.absi %get3A_1709 : vector<16xi32>
      %convert_element_type3A_1813 = arith.sitofp %get3A_1713 : vector<16xi32> to vector<16xf32>
      %mul3A_1814 = arith.constant 1024 : i32
      %mul3A_1815 = vector.broadcast %mul3A_1814 : i32 to vector<16xi32>
      %mul3A_1816 = arith.muli %iota3A, %mul3A_1815 : vector<16xi32>
      %add3A_1817 = arith.addi %mul3A_1816, %abs3A_1812 : vector<16xi32>
      tpu.vector_store_idx %arg12[%add3A_1817], %add3A_1811 : memref<16384xf32, #tpu.memory_space<vmem>>[vector<16xi32>], vector<16xf32>,
      tpu.vector_store_idx %arg13[%abs3A_1812], %convert_element_type3A_1813 {add = true} : memref<1024xf32, #tpu.memory_space<vmem>>[vector<16xi32>], vector<16xf32>,
      %mul3A_1818 = arith.mulf %get3A_1717, %convert_element_type3A_1813 : vector<16xf32>
      %add3A_1819 = arith.addf %add3A_1806, %mul3A_1818 : vector<16xf32>
      %add3A_1820 = arith.addf %add3A_1807, %convert_element_type3A_1813 : vector<16xf32>
      %mul3A_1821 = arith.constant 16 : i32
      %mul3A_1822 = arith.muli %scan3A_1535, %mul3A_1821 : i32
      %add3A_1823 = arith.constant 8 : i32
      %add3A_1824 = arith.addi %mul3A_1822, %add3A_1823 : i32
      %add3A_1825 = arith.constant 0 : i32
      %add3A_1826 = arith.addi %add3A_1824, %add3A_1825 : i32
      %mul3A_1827 = arith.constant 16 : i32
      %mul3A_1828 = arith.muli %add3A_1826, %mul3A_1827 : i32
      %get3A_1829 = arith.index_cast %mul3A_1828 : i32 to index
      %get3A_1830 = tpu.vector_load %arg9[%get3A_1829] {strides = array<i32>} : memref<4096xf32, #tpu.memory_space<vmem>>, vector<16xf32>,
      %mul3A_1831 = arith.constant 16 : i32
      %mul3A_1832 = arith.muli %add3A_1826, %mul3A_1831 : i32
      %get3A_1833 = arith.index_cast %mul3A_1832 : i32 to index
      %get3A_1834 = tpu.vector_load %arg8[%get3A_1833] {strides = array<i32>} : memref<4096xi32, #tpu.memory_space<vmem>>, vector<16xi32>,
      %mul3A_1835 = arith.constant 16 : i32
      %mul3A_1836 = arith.muli %add3A_1826, %mul3A_1835 : i32
      %get3A_1837 = arith.index_cast %mul3A_1836 : i32 to index
      %get3A_1838 = tpu.vector_load %arg7[%get3A_1837] {strides = array<i32>} : memref<4096xi32, #tpu.memory_space<vmem>>, vector<16xi32>,
      %mul3A_1839 = arith.constant 16 : i32
      %mul3A_1840 = arith.muli %add3A_1826, %mul3A_1839 : i32
      %get3A_1841 = arith.index_cast %mul3A_1840 : i32 to index
      %get3A_1842 = tpu.vector_load %arg6[%get3A_1841] {strides = array<i32>} : memref<4096xf32, #tpu.memory_space<vmem>>, vector<16xf32>,
      %mul3A_1843 = arith.constant 16 : i32
      %mul3A_1844 = arith.muli %scan3A_1535, %mul3A_1843 : i32
      %add3A_1845 = arith.constant 8 : i32
      %add3A_1846 = arith.addi %mul3A_1844, %add3A_1845 : i32
      %add3A_1847 = arith.constant 1 : i32
      %add3A_1848 = arith.addi %add3A_1846, %add3A_1847 : i32
      %mul3A_1849 = arith.constant 16 : i32
      %mul3A_1850 = arith.muli %add3A_1848, %mul3A_1849 : i32
      %get3A_1851 = arith.index_cast %mul3A_1850 : i32 to index
      %get3A_1852 = tpu.vector_load %arg9[%get3A_1851] {strides = array<i32>} : memref<4096xf32, #tpu.memory_space<vmem>>, vector<16xf32>,
      %mul3A_1853 = arith.constant 16 : i32
      %mul3A_1854 = arith.muli %add3A_1848, %mul3A_1853 : i32
      %get3A_1855 = arith.index_cast %mul3A_1854 : i32 to index
      %get3A_1856 = tpu.vector_load %arg8[%get3A_1855] {strides = array<i32>} : memref<4096xi32, #tpu.memory_space<vmem>>, vector<16xi32>,
      %mul3A_1857 = arith.constant 16 : i32
      %mul3A_1858 = arith.muli %add3A_1848, %mul3A_1857 : i32
      %get3A_1859 = arith.index_cast %mul3A_1858 : i32 to index
      %get3A_1860 = tpu.vector_load %arg7[%get3A_1859] {strides = array<i32>} : memref<4096xi32, #tpu.memory_space<vmem>>, vector<16xi32>,
      %mul3A_1861 = arith.constant 16 : i32
      %mul3A_1862 = arith.muli %add3A_1848, %mul3A_1861 : i32
      %get3A_1863 = arith.index_cast %mul3A_1862 : i32 to index
      %get3A_1864 = tpu.vector_load %arg6[%get3A_1863] {strides = array<i32>} : memref<4096xf32, #tpu.memory_space<vmem>>, vector<16xf32>,
      %mul3A_1865 = arith.constant 16 : i32
      %mul3A_1866 = arith.muli %scan3A_1535, %mul3A_1865 : i32
      %add3A_1867 = arith.constant 8 : i32
      %add3A_1868 = arith.addi %mul3A_1866, %add3A_1867 : i32
      %add3A_1869 = arith.constant 2 : i32
      %add3A_1870 = arith.addi %add3A_1868, %add3A_1869 : i32
      %mul3A_1871 = arith.constant 16 : i32
      %mul3A_1872 = arith.muli %add3A_1870, %mul3A_1871 : i32
      %get3A_1873 = arith.index_cast %mul3A_1872 : i32 to index
      %get3A_1874 = tpu.vector_load %arg9[%get3A_1873] {strides = array<i32>} : memref<4096xf32, #tpu.memory_space<vmem>>, vector<16xf32>,
      %mul3A_1875 = arith.constant 16 : i32
      %mul3A_1876 = arith.muli %add3A_1870, %mul3A_1875 : i32
      %get3A_1877 = arith.index_cast %mul3A_1876 : i32 to index
      %get3A_1878 = tpu.vector_load %arg8[%get3A_1877] {strides = array<i32>} : memref<4096xi32, #tpu.memory_space<vmem>>, vector<16xi32>,
      %mul3A_1879 = arith.constant 16 : i32
      %mul3A_1880 = arith.muli %add3A_1870, %mul3A_1879 : i32
      %get3A_1881 = arith.index_cast %mul3A_1880 : i32 to index
      %get3A_1882 = tpu.vector_load %arg7[%get3A_1881] {strides = array<i32>} : memref<4096xi32, #tpu.memory_space<vmem>>, vector<16xi32>,
      %mul3A_1883 = arith.constant 16 : i32
      %mul3A_1884 = arith.muli %add3A_1870, %mul3A_1883 : i32
      %get3A_1885 = arith.index_cast %mul3A_1884 : i32 to index
      %get3A_1886 = tpu.vector_load %arg6[%get3A_1885] {strides = array<i32>} : memref<4096xf32, #tpu.memory_space<vmem>>, vector<16xf32>,
      %mul3A_1887 = arith.constant 16 : i32
      %mul3A_1888 = arith.muli %scan3A_1535, %mul3A_1887 : i32
      %add3A_1889 = arith.constant 8 : i32
      %add3A_1890 = arith.addi %mul3A_1888, %add3A_1889 : i32
      %add3A_1891 = arith.constant 3 : i32
      %add3A_1892 = arith.addi %add3A_1890, %add3A_1891 : i32
      %mul3A_1893 = arith.constant 16 : i32
      %mul3A_1894 = arith.muli %add3A_1892, %mul3A_1893 : i32
      %get3A_1895 = arith.index_cast %mul3A_1894 : i32 to index
      %get3A_1896 = tpu.vector_load %arg9[%get3A_1895] {strides = array<i32>} : memref<4096xf32, #tpu.memory_space<vmem>>, vector<16xf32>,
      %mul3A_1897 = arith.constant 16 : i32
      %mul3A_1898 = arith.muli %add3A_1892, %mul3A_1897 : i32
      %get3A_1899 = arith.index_cast %mul3A_1898 : i32 to index
      %get3A_1900 = tpu.vector_load %arg8[%get3A_1899] {strides = array<i32>} : memref<4096xi32, #tpu.memory_space<vmem>>, vector<16xi32>,
      %mul3A_1901 = arith.constant 16 : i32
      %mul3A_1902 = arith.muli %add3A_1892, %mul3A_1901 : i32
      %get3A_1903 = arith.index_cast %mul3A_1902 : i32 to index
      %get3A_1904 = tpu.vector_load %arg7[%get3A_1903] {strides = array<i32>} : memref<4096xi32, #tpu.memory_space<vmem>>, vector<16xi32>,
      %mul3A_1905 = arith.constant 16 : i32
      %mul3A_1906 = arith.muli %add3A_1892, %mul3A_1905 : i32
      %get3A_1907 = arith.index_cast %mul3A_1906 : i32 to index
      %get3A_1908 = tpu.vector_load %arg6[%get3A_1907] {strides = array<i32>} : memref<4096xf32, #tpu.memory_space<vmem>>, vector<16xf32>,
      %mul3A_1909 = arith.constant 16 : i32
      %mul3A_1910 = arith.muli %scan3A_1535, %mul3A_1909 : i32
      %add3A_1911 = arith.constant 8 : i32
      %add3A_1912 = arith.addi %mul3A_1910, %add3A_1911 : i32
      %add3A_1913 = arith.constant 4 : i32
      %add3A_1914 = arith.addi %add3A_1912, %add3A_1913 : i32
      %mul3A_1915 = arith.constant 16 : i32
      %mul3A_1916 = arith.muli %add3A_1914, %mul3A_1915 : i32
      %get3A_1917 = arith.index_cast %mul3A_1916 : i32 to index
      %get3A_1918 = tpu.vector_load %arg9[%get3A_1917] {strides = array<i32>} : memref<4096xf32, #tpu.memory_space<vmem>>, vector<16xf32>,
      %mul3A_1919 = arith.constant 16 : i32
      %mul3A_1920 = arith.muli %add3A_1914, %mul3A_1919 : i32
      %get3A_1921 = arith.index_cast %mul3A_1920 : i32 to index
      %get3A_1922 = tpu.vector_load %arg8[%get3A_1921] {strides = array<i32>} : memref<4096xi32, #tpu.memory_space<vmem>>, vector<16xi32>,
      %mul3A_1923 = arith.constant 16 : i32
      %mul3A_1924 = arith.muli %add3A_1914, %mul3A_1923 : i32
      %get3A_1925 = arith.index_cast %mul3A_1924 : i32 to index
      %get3A_1926 = tpu.vector_load %arg7[%get3A_1925] {strides = array<i32>} : memref<4096xi32, #tpu.memory_space<vmem>>, vector<16xi32>,
      %mul3A_1927 = arith.constant 16 : i32
      %mul3A_1928 = arith.muli %add3A_1914, %mul3A_1927 : i32
      %get3A_1929 = arith.index_cast %mul3A_1928 : i32 to index
      %get3A_1930 = tpu.vector_load %arg6[%get3A_1929] {strides = array<i32>} : memref<4096xf32, #tpu.memory_space<vmem>>, vector<16xf32>,
      %mul3A_1931 = arith.constant 16 : i32
      %mul3A_1932 = arith.muli %scan3A_1535, %mul3A_1931 : i32
      %add3A_1933 = arith.constant 8 : i32
      %add3A_1934 = arith.addi %mul3A_1932, %add3A_1933 : i32
      %add3A_1935 = arith.constant 5 : i32
      %add3A_1936 = arith.addi %add3A_1934, %add3A_1935 : i32
      %mul3A_1937 = arith.constant 16 : i32
      %mul3A_1938 = arith.muli %add3A_1936, %mul3A_1937 : i32
      %get3A_1939 = arith.index_cast %mul3A_1938 : i32 to index
      %get3A_1940 = tpu.vector_load %arg9[%get3A_1939] {strides = array<i32>} : memref<4096xf32, #tpu.memory_space<vmem>>, vector<16xf32>,
      %mul3A_1941 = arith.constant 16 : i32
      %mul3A_1942 = arith.muli %add3A_1936, %mul3A_1941 : i32
      %get3A_1943 = arith.index_cast %mul3A_1942 : i32 to index
      %get3A_1944 = tpu.vector_load %arg8[%get3A_1943] {strides = array<i32>} : memref<4096xi32, #tpu.memory_space<vmem>>, vector<16xi32>,
      %mul3A_1945 = arith.constant 16 : i32
      %mul3A_1946 = arith.muli %add3A_1936, %mul3A_1945 : i32
      %get3A_1947 = arith.index_cast %mul3A_1946 : i32 to index
      %get3A_1948 = tpu.vector_load %arg7[%get3A_1947] {strides = array<i32>} : memref<4096xi32, #tpu.memory_space<vmem>>, vector<16xi32>,
      %mul3A_1949 = arith.constant 16 : i32
      %mul3A_1950 = arith.muli %add3A_1936, %mul3A_1949 : i32
      %get3A_1951 = arith.index_cast %mul3A_1950 : i32 to index
      %get3A_1952 = tpu.vector_load %arg6[%get3A_1951] {strides = array<i32>} : memref<4096xf32, #tpu.memory_space<vmem>>, vector<16xf32>,
      %mul3A_1953 = arith.constant 16 : i32
      %mul3A_1954 = arith.muli %scan3A_1535, %mul3A_1953 : i32
      %add3A_1955 = arith.constant 8 : i32
      %add3A_1956 = arith.addi %mul3A_1954, %add3A_1955 : i32
      %add3A_1957 = arith.constant 6 : i32
      %add3A_1958 = arith.addi %add3A_1956, %add3A_1957 : i32
      %mul3A_1959 = arith.constant 16 : i32
      %mul3A_1960 = arith.muli %add3A_1958, %mul3A_1959 : i32
      %get3A_1961 = arith.index_cast %mul3A_1960 : i32 to index
      %get3A_1962 = tpu.vector_load %arg9[%get3A_1961] {strides = array<i32>} : memref<4096xf32, #tpu.memory_space<vmem>>, vector<16xf32>,
      %mul3A_1963 = arith.constant 16 : i32
      %mul3A_1964 = arith.muli %add3A_1958, %mul3A_1963 : i32
      %get3A_1965 = arith.index_cast %mul3A_1964 : i32 to index
      %get3A_1966 = tpu.vector_load %arg8[%get3A_1965] {strides = array<i32>} : memref<4096xi32, #tpu.memory_space<vmem>>, vector<16xi32>,
      %mul3A_1967 = arith.constant 16 : i32
      %mul3A_1968 = arith.muli %add3A_1958, %mul3A_1967 : i32
      %get3A_1969 = arith.index_cast %mul3A_1968 : i32 to index
      %get3A_1970 = tpu.vector_load %arg7[%get3A_1969] {strides = array<i32>} : memref<4096xi32, #tpu.memory_space<vmem>>, vector<16xi32>,
      %mul3A_1971 = arith.constant 16 : i32
      %mul3A_1972 = arith.muli %add3A_1958, %mul3A_1971 : i32
      %get3A_1973 = arith.index_cast %mul3A_1972 : i32 to index
      %get3A_1974 = tpu.vector_load %arg6[%get3A_1973] {strides = array<i32>} : memref<4096xf32, #tpu.memory_space<vmem>>, vector<16xf32>,
      %mul3A_1975 = arith.constant 16 : i32
      %mul3A_1976 = arith.muli %scan3A_1535, %mul3A_1975 : i32
      %add3A_1977 = arith.constant 8 : i32
      %add3A_1978 = arith.addi %mul3A_1976, %add3A_1977 : i32
      %add3A_1979 = arith.constant 7 : i32
      %add3A_1980 = arith.addi %add3A_1978, %add3A_1979 : i32
      %mul3A_1981 = arith.constant 16 : i32
      %mul3A_1982 = arith.muli %add3A_1980, %mul3A_1981 : i32
      %get3A_1983 = arith.index_cast %mul3A_1982 : i32 to index
      %get3A_1984 = tpu.vector_load %arg9[%get3A_1983] {strides = array<i32>} : memref<4096xf32, #tpu.memory_space<vmem>>, vector<16xf32>,
      %mul3A_1985 = arith.constant 16 : i32
      %mul3A_1986 = arith.muli %add3A_1980, %mul3A_1985 : i32
      %get3A_1987 = arith.index_cast %mul3A_1986 : i32 to index
      %get3A_1988 = tpu.vector_load %arg8[%get3A_1987] {strides = array<i32>} : memref<4096xi32, #tpu.memory_space<vmem>>, vector<16xi32>,
      %mul3A_1989 = arith.constant 16 : i32
      %mul3A_1990 = arith.muli %add3A_1980, %mul3A_1989 : i32
      %get3A_1991 = arith.index_cast %mul3A_1990 : i32 to index
      %get3A_1992 = tpu.vector_load %arg7[%get3A_1991] {strides = array<i32>} : memref<4096xi32, #tpu.memory_space<vmem>>, vector<16xi32>,
      %mul3A_1993 = arith.constant 16 : i32
      %mul3A_1994 = arith.muli %add3A_1980, %mul3A_1993 : i32
      %get3A_1995 = arith.index_cast %mul3A_1994 : i32 to index
      %get3A_1996 = tpu.vector_load %arg6[%get3A_1995] {strides = array<i32>} : memref<4096xf32, #tpu.memory_space<vmem>>, vector<16xf32>,
      %slice3A_1997 = vector.extract_strided_slice %get3A_1541 {offsets = [8], sizes = [1], strides = [1]} : vector<16xf32> to vector<1xf32>
      %squeeze3A_1998 = vector.extract %slice3A_1997[0] : f32 from vector<1xf32>
      %add3A_1999 = vector.broadcast %squeeze3A_1998 : f32 to vector<16xf32>
      %add3A_2000 = arith.addf %get3A_1830, %add3A_1999 : vector<16xf32>
      %abs3A_2001 = math.absi %get3A_1834 : vector<16xi32>
      %convert_element_type3A_2002 = arith.sitofp %get3A_1838 : vector<16xi32> to vector<16xf32>
      %mul3A_2003 = arith.constant 1024 : i32
      %mul3A_2004 = vector.broadcast %mul3A_2003 : i32 to vector<16xi32>
      %mul3A_2005 = arith.muli %iota3A, %mul3A_2004 : vector<16xi32>
      %add3A_2006 = arith.addi %mul3A_2005, %abs3A_2001 : vector<16xi32>
      tpu.vector_store_idx %arg12[%add3A_2006], %add3A_2000 : memref<16384xf32, #tpu.memory_space<vmem>>[vector<16xi32>], vector<16xf32>,
      tpu.vector_store_idx %arg13[%abs3A_2001], %convert_element_type3A_2002 {add = true} : memref<1024xf32, #tpu.memory_space<vmem>>[vector<16xi32>], vector<16xf32>,
      %mul3A_2007 = arith.mulf %get3A_1842, %convert_element_type3A_2002 : vector<16xf32>
      %add3A_2008 = arith.addf %add3A_1819, %mul3A_2007 : vector<16xf32>
      %add3A_2009 = arith.addf %add3A_1820, %convert_element_type3A_2002 : vector<16xf32>
      %slice3A_2010 = vector.extract_strided_slice %get3A_1541 {offsets = [9], sizes = [1], strides = [1]} : vector<16xf32> to vector<1xf32>
      %squeeze3A_2011 = vector.extract %slice3A_2010[0] : f32 from vector<1xf32>
      %add3A_2012 = vector.broadcast %squeeze3A_2011 : f32 to vector<16xf32>
      %add3A_2013 = arith.addf %get3A_1852, %add3A_2012 : vector<16xf32>
      %abs3A_2014 = math.absi %get3A_1856 : vector<16xi32>
      %convert_element_type3A_2015 = arith.sitofp %get3A_1860 : vector<16xi32> to vector<16xf32>
      %mul3A_2016 = arith.constant 1024 : i32
      %mul3A_2017 = vector.broadcast %mul3A_2016 : i32 to vector<16xi32>
      %mul3A_2018 = arith.muli %iota3A, %mul3A_2017 : vector<16xi32>
      %add3A_2019 = arith.addi %mul3A_2018, %abs3A_2014 : vector<16xi32>
      tpu.vector_store_idx %arg12[%add3A_2019], %add3A_2013 : memref<16384xf32, #tpu.memory_space<vmem>>[vector<16xi32>], vector<16xf32>,
      tpu.vector_store_idx %arg13[%abs3A_2014], %convert_element_type3A_2015 {add = true} : memref<1024xf32, #tpu.memory_space<vmem>>[vector<16xi32>], vector<16xf32>,
      %mul3A_2020 = arith.mulf %get3A_1864, %convert_element_type3A_2015 : vector<16xf32>
      %add3A_2021 = arith.addf %add3A_2008, %mul3A_2020 : vector<16xf32>
      %add3A_2022 = arith.addf %add3A_2009, %convert_element_type3A_2015 : vector<16xf32>
      %slice3A_2023 = vector.extract_strided_slice %get3A_1541 {offsets = [10], sizes = [1], strides = [1]} : vector<16xf32> to vector<1xf32>
      %squeeze3A_2024 = vector.extract %slice3A_2023[0] : f32 from vector<1xf32>
      %add3A_2025 = vector.broadcast %squeeze3A_2024 : f32 to vector<16xf32>
      %add3A_2026 = arith.addf %get3A_1874, %add3A_2025 : vector<16xf32>
      %abs3A_2027 = math.absi %get3A_1878 : vector<16xi32>
      %convert_element_type3A_2028 = arith.sitofp %get3A_1882 : vector<16xi32> to vector<16xf32>
      %mul3A_2029 = arith.constant 1024 : i32
      %mul3A_2030 = vector.broadcast %mul3A_2029 : i32 to vector<16xi32>
      %mul3A_2031 = arith.muli %iota3A, %mul3A_2030 : vector<16xi32>
      %add3A_2032 = arith.addi %mul3A_2031, %abs3A_2027 : vector<16xi32>
      tpu.vector_store_idx %arg12[%add3A_2032], %add3A_2026 : memref<16384xf32, #tpu.memory_space<vmem>>[vector<16xi32>], vector<16xf32>,
      tpu.vector_store_idx %arg13[%abs3A_2027], %convert_element_type3A_2028 {add = true} : memref<1024xf32, #tpu.memory_space<vmem>>[vector<16xi32>], vector<16xf32>,
      %mul3A_2033 = arith.mulf %get3A_1886, %convert_element_type3A_2028 : vector<16xf32>
      %add3A_2034 = arith.addf %add3A_2021, %mul3A_2033 : vector<16xf32>
      %add3A_2035 = arith.addf %add3A_2022, %convert_element_type3A_2028 : vector<16xf32>
      %slice3A_2036 = vector.extract_strided_slice %get3A_1541 {offsets = [11], sizes = [1], strides = [1]} : vector<16xf32> to vector<1xf32>
      %squeeze3A_2037 = vector.extract %slice3A_2036[0] : f32 from vector<1xf32>
      %add3A_2038 = vector.broadcast %squeeze3A_2037 : f32 to vector<16xf32>
      %add3A_2039 = arith.addf %get3A_1896, %add3A_2038 : vector<16xf32>
      %abs3A_2040 = math.absi %get3A_1900 : vector<16xi32>
      %convert_element_type3A_2041 = arith.sitofp %get3A_1904 : vector<16xi32> to vector<16xf32>
      %mul3A_2042 = arith.constant 1024 : i32
      %mul3A_2043 = vector.broadcast %mul3A_2042 : i32 to vector<16xi32>
      %mul3A_2044 = arith.muli %iota3A, %mul3A_2043 : vector<16xi32>
      %add3A_2045 = arith.addi %mul3A_2044, %abs3A_2040 : vector<16xi32>
      tpu.vector_store_idx %arg12[%add3A_2045], %add3A_2039 : memref<16384xf32, #tpu.memory_space<vmem>>[vector<16xi32>], vector<16xf32>,
      tpu.vector_store_idx %arg13[%abs3A_2040], %convert_element_type3A_2041 {add = true} : memref<1024xf32, #tpu.memory_space<vmem>>[vector<16xi32>], vector<16xf32>,
      %mul3A_2046 = arith.mulf %get3A_1908, %convert_element_type3A_2041 : vector<16xf32>
      %add3A_2047 = arith.addf %add3A_2034, %mul3A_2046 : vector<16xf32>
      %add3A_2048 = arith.addf %add3A_2035, %convert_element_type3A_2041 : vector<16xf32>
      %slice3A_2049 = vector.extract_strided_slice %get3A_1541 {offsets = [12], sizes = [1], strides = [1]} : vector<16xf32> to vector<1xf32>
      %squeeze3A_2050 = vector.extract %slice3A_2049[0] : f32 from vector<1xf32>
      %add3A_2051 = vector.broadcast %squeeze3A_2050 : f32 to vector<16xf32>
      %add3A_2052 = arith.addf %get3A_1918, %add3A_2051 : vector<16xf32>
      %abs3A_2053 = math.absi %get3A_1922 : vector<16xi32>
      %convert_element_type3A_2054 = arith.sitofp %get3A_1926 : vector<16xi32> to vector<16xf32>
      %mul3A_2055 = arith.constant 1024 : i32
      %mul3A_2056 = vector.broadcast %mul3A_2055 : i32 to vector<16xi32>
      %mul3A_2057 = arith.muli %iota3A, %mul3A_2056 : vector<16xi32>
      %add3A_2058 = arith.addi %mul3A_2057, %abs3A_2053 : vector<16xi32>
      tpu.vector_store_idx %arg12[%add3A_2058], %add3A_2052 : memref<16384xf32, #tpu.memory_space<vmem>>[vector<16xi32>], vector<16xf32>,
      tpu.vector_store_idx %arg13[%abs3A_2053], %convert_element_type3A_2054 {add = true} : memref<1024xf32, #tpu.memory_space<vmem>>[vector<16xi32>], vector<16xf32>,
      %mul3A_2059 = arith.mulf %get3A_1930, %convert_element_type3A_2054 : vector<16xf32>
      %add3A_2060 = arith.addf %add3A_2047, %mul3A_2059 : vector<16xf32>
      %add3A_2061 = arith.addf %add3A_2048, %convert_element_type3A_2054 : vector<16xf32>
      %slice3A_2062 = vector.extract_strided_slice %get3A_1541 {offsets = [13], sizes = [1], strides = [1]} : vector<16xf32> to vector<1xf32>
      %squeeze3A_2063 = vector.extract %slice3A_2062[0] : f32 from vector<1xf32>
      %add3A_2064 = vector.broadcast %squeeze3A_2063 : f32 to vector<16xf32>
      %add3A_2065 = arith.addf %get3A_1940, %add3A_2064 : vector<16xf32>
      %abs3A_2066 = math.absi %get3A_1944 : vector<16xi32>
      %convert_element_type3A_2067 = arith.sitofp %get3A_1948 : vector<16xi32> to vector<16xf32>
      %mul3A_2068 = arith.constant 1024 : i32
      %mul3A_2069 = vector.broadcast %mul3A_2068 : i32 to vector<16xi32>
      %mul3A_2070 = arith.muli %iota3A, %mul3A_2069 : vector<16xi32>
      %add3A_2071 = arith.addi %mul3A_2070, %abs3A_2066 : vector<16xi32>
      tpu.vector_store_idx %arg12[%add3A_2071], %add3A_2065 : memref<16384xf32, #tpu.memory_space<vmem>>[vector<16xi32>], vector<16xf32>,
      tpu.vector_store_idx %arg13[%abs3A_2066], %convert_element_type3A_2067 {add = true} : memref<1024xf32, #tpu.memory_space<vmem>>[vector<16xi32>], vector<16xf32>,
      %mul3A_2072 = arith.mulf %get3A_1952, %convert_element_type3A_2067 : vector<16xf32>
      %add3A_2073 = arith.addf %add3A_2060, %mul3A_2072 : vector<16xf32>
      %add3A_2074 = arith.addf %add3A_2061, %convert_element_type3A_2067 : vector<16xf32>
      %slice3A_2075 = vector.extract_strided_slice %get3A_1541 {offsets = [14], sizes = [1], strides = [1]} : vector<16xf32> to vector<1xf32>
      %squeeze3A_2076 = vector.extract %slice3A_2075[0] : f32 from vector<1xf32>
      %add3A_2077 = vector.broadcast %squeeze3A_2076 : f32 to vector<16xf32>
      %add3A_2078 = arith.addf %get3A_1962, %add3A_2077 : vector<16xf32>
      %abs3A_2079 = math.absi %get3A_1966 : vector<16xi32>
      %convert_element_type3A_2080 = arith.sitofp %get3A_1970 : vector<16xi32> to vector<16xf32>
      %mul3A_2081 = arith.constant 1024 : i32
      %mul3A_2082 = vector.broadcast %mul3A_2081 : i32 to vector<16xi32>
      %mul3A_2083 = arith.muli %iota3A, %mul3A_2082 : vector<16xi32>
      %add3A_2084 = arith.addi %mul3A_2083, %abs3A_2079 : vector<16xi32>
      tpu.vector_store_idx %arg12[%add3A_2084], %add3A_2078 : memref<16384xf32, #tpu.memory_space<vmem>>[vector<16xi32>], vector<16xf32>,
      tpu.vector_store_idx %arg13[%abs3A_2079], %convert_element_type3A_2080 {add = true} : memref<1024xf32, #tpu.memory_space<vmem>>[vector<16xi32>], vector<16xf32>,
      %mul3A_2085 = arith.mulf %get3A_1974, %convert_element_type3A_2080 : vector<16xf32>
      %add3A_2086 = arith.addf %add3A_2073, %mul3A_2085 : vector<16xf32>
      %add3A_2087 = arith.addf %add3A_2074, %convert_element_type3A_2080 : vector<16xf32>
      %slice3A_2088 = vector.extract_strided_slice %get3A_1541 {offsets = [15], sizes = [1], strides = [1]} : vector<16xf32> to vector<1xf32>
      %squeeze3A_2089 = vector.extract %slice3A_2088[0] : f32 from vector<1xf32>
      %add3A_2090 = vector.broadcast %squeeze3A_2089 : f32 to vector<16xf32>
      %add3A_2091 = arith.addf %get3A_1984, %add3A_2090 : vector<16xf32>
      %abs3A_2092 = math.absi %get3A_1988 : vector<16xi32>
      %convert_element_type3A_2093 = arith.sitofp %get3A_1992 : vector<16xi32> to vector<16xf32>
      %mul3A_2094 = arith.constant 1024 : i32
      %mul3A_2095 = vector.broadcast %mul3A_2094 : i32 to vector<16xi32>
      %mul3A_2096 = arith.muli %iota3A, %mul3A_2095 : vector<16xi32>
      %add3A_2097 = arith.addi %mul3A_2096, %abs3A_2092 : vector<16xi32>
      tpu.vector_store_idx %arg12[%add3A_2097], %add3A_2091 : memref<16384xf32, #tpu.memory_space<vmem>>[vector<16xi32>], vector<16xf32>,
      tpu.vector_store_idx %arg13[%abs3A_2092], %convert_element_type3A_2093 {add = true} : memref<1024xf32, #tpu.memory_space<vmem>>[vector<16xi32>], vector<16xf32>,
      %mul3A_2098 = arith.mulf %get3A_1996, %convert_element_type3A_2093 : vector<16xf32>
      %add3A_2099 = arith.addf %add3A_2086, %mul3A_2098 : vector<16xf32>
      %add3A_2100 = arith.addf %add3A_2087, %convert_element_type3A_2093 : vector<16xf32>
      scf.yield %add3A_2099, %add3A_2100 : vector<16xf32>, vector<16xf32>
    }
    %scan3A_33 = arith.constant 16 : i32
    %parallel_loop3A_34 = arith.constant 0 : i32
    %parallel_loop3A_35 = arith.constant 64 : i32
    %parallel_loop3A_36 = arith.constant 1 : i32
    scf.for %parallel_loop3A_1535 = %parallel_loop3A_34 to %parallel_loop3A_35 step %parallel_loop3A_36  : i32 {
      %parallel_loop3A_1536 = arith.constant 16 : i32
      %parallel_loop3A_1537 = arith.muli %parallel_loop3A_1535, %parallel_loop3A_1536 : i32
      %parallel_loop3A_1538 = arith.index_cast %parallel_loop3A_1537 : i32 to index
      %parallel_loop3A_1539 = tpu.vector_load %arg12[%parallel_loop3A_1538] {strides = array<i32>} : memref<16384xf32, #tpu.memory_space<vmem>>, vector<16xf32>,
      %parallel_loop3A_1540 = arith.constant 16 : i32
      %parallel_loop3A_1541 = arith.muli %parallel_loop3A_1535, %parallel_loop3A_1540 : i32
      %parallel_loop3A_1542 = arith.constant 1024 : i32
      %parallel_loop3A_1543 = arith.addi %parallel_loop3A_1542, %parallel_loop3A_1541 : i32
      %parallel_loop3A_1544 = arith.index_cast %parallel_loop3A_1543 : i32 to index
      %parallel_loop3A_1545 = tpu.vector_load %arg12[%parallel_loop3A_1544] {strides = array<i32>} : memref<16384xf32, #tpu.memory_space<vmem>>, vector<16xf32>,
      %parallel_loop3A_1546 = arith.maximumf %parallel_loop3A_1539, %parallel_loop3A_1545 : vector<16xf32>
      %parallel_loop3A_1547 = arith.constant 16 : i32
      %parallel_loop3A_1548 = arith.muli %parallel_loop3A_1535, %parallel_loop3A_1547 : i32
      %parallel_loop3A_1549 = arith.constant 2048 : i32
      %parallel_loop3A_1550 = arith.addi %parallel_loop3A_1549, %parallel_loop3A_1548 : i32
      %parallel_loop3A_1551 = arith.index_cast %parallel_loop3A_1550 : i32 to index
      %parallel_loop3A_1552 = tpu.vector_load %arg12[%parallel_loop3A_1551] {strides = array<i32>} : memref<16384xf32, #tpu.memory_space<vmem>>, vector<16xf32>,
      %parallel_loop3A_1553 = arith.maximumf %parallel_loop3A_1546, %parallel_loop3A_1552 : vector<16xf32>
      %parallel_loop3A_1554 = arith.constant 16 : i32
      %parallel_loop3A_1555 = arith.muli %parallel_loop3A_1535, %parallel_loop3A_1554 : i32
      %parallel_loop3A_1556 = arith.constant 3072 : i32
      %parallel_loop3A_1557 = arith.addi %parallel_loop3A_1556, %parallel_loop3A_1555 : i32
      %parallel_loop3A_1558 = arith.index_cast %parallel_loop3A_1557 : i32 to index
      %parallel_loop3A_1559 = tpu.vector_load %arg12[%parallel_loop3A_1558] {strides = array<i32>} : memref<16384xf32, #tpu.memory_space<vmem>>, vector<16xf32>,
      %parallel_loop3A_1560 = arith.maximumf %parallel_loop3A_1553, %parallel_loop3A_1559 : vector<16xf32>
      %parallel_loop3A_1561 = arith.constant 16 : i32
      %parallel_loop3A_1562 = arith.muli %parallel_loop3A_1535, %parallel_loop3A_1561 : i32
      %parallel_loop3A_1563 = arith.constant 4096 : i32
      %parallel_loop3A_1564 = arith.addi %parallel_loop3A_1563, %parallel_loop3A_1562 : i32
      %parallel_loop3A_1565 = arith.index_cast %parallel_loop3A_1564 : i32 to index
      %parallel_loop3A_1566 = tpu.vector_load %arg12[%parallel_loop3A_1565] {strides = array<i32>} : memref<16384xf32, #tpu.memory_space<vmem>>, vector<16xf32>,
      %parallel_loop3A_1567 = arith.maximumf %parallel_loop3A_1560, %parallel_loop3A_1566 : vector<16xf32>
      %parallel_loop3A_1568 = arith.constant 16 : i32
      %parallel_loop3A_1569 = arith.muli %parallel_loop3A_1535, %parallel_loop3A_1568 : i32
      %parallel_loop3A_1570 = arith.constant 5120 : i32
      %parallel_loop3A_1571 = arith.addi %parallel_loop3A_1570, %parallel_loop3A_1569 : i32
      %parallel_loop3A_1572 = arith.index_cast %parallel_loop3A_1571 : i32 to index
      %parallel_loop3A_1573 = tpu.vector_load %arg12[%parallel_loop3A_1572] {strides = array<i32>} : memref<16384xf32, #tpu.memory_space<vmem>>, vector<16xf32>,
      %parallel_loop3A_1574 = arith.maximumf %parallel_loop3A_1567, %parallel_loop3A_1573 : vector<16xf32>
      %parallel_loop3A_1575 = arith.constant 16 : i32
      %parallel_loop3A_1576 = arith.muli %parallel_loop3A_1535, %parallel_loop3A_1575 : i32
      %parallel_loop3A_1577 = arith.constant 6144 : i32
      %parallel_loop3A_1578 = arith.addi %parallel_loop3A_1577, %parallel_loop3A_1576 : i32
      %parallel_loop3A_1579 = arith.index_cast %parallel_loop3A_1578 : i32 to index
      %parallel_loop3A_1580 = tpu.vector_load %arg12[%parallel_loop3A_1579] {strides = array<i32>} : memref<16384xf32, #tpu.memory_space<vmem>>, vector<16xf32>,
      %parallel_loop3A_1581 = arith.maximumf %parallel_loop3A_1574, %parallel_loop3A_1580 : vector<16xf32>
      %parallel_loop3A_1582 = arith.constant 16 : i32
      %parallel_loop3A_1583 = arith.muli %parallel_loop3A_1535, %parallel_loop3A_1582 : i32
      %parallel_loop3A_1584 = arith.constant 7168 : i32
      %parallel_loop3A_1585 = arith.addi %parallel_loop3A_1584, %parallel_loop3A_1583 : i32
      %parallel_loop3A_1586 = arith.index_cast %parallel_loop3A_1585 : i32 to index
      %parallel_loop3A_1587 = tpu.vector_load %arg12[%parallel_loop3A_1586] {strides = array<i32>} : memref<16384xf32, #tpu.memory_space<vmem>>, vector<16xf32>,
      %parallel_loop3A_1588 = arith.maximumf %parallel_loop3A_1581, %parallel_loop3A_1587 : vector<16xf32>
      %parallel_loop3A_1589 = arith.constant 16 : i32
      %parallel_loop3A_1590 = arith.muli %parallel_loop3A_1535, %parallel_loop3A_1589 : i32
      %parallel_loop3A_1591 = arith.constant 8192 : i32
      %parallel_loop3A_1592 = arith.addi %parallel_loop3A_1591, %parallel_loop3A_1590 : i32
      %parallel_loop3A_1593 = arith.index_cast %parallel_loop3A_1592 : i32 to index
      %parallel_loop3A_1594 = tpu.vector_load %arg12[%parallel_loop3A_1593] {strides = array<i32>} : memref<16384xf32, #tpu.memory_space<vmem>>, vector<16xf32>,
      %parallel_loop3A_1595 = arith.maximumf %parallel_loop3A_1588, %parallel_loop3A_1594 : vector<16xf32>
      %parallel_loop3A_1596 = arith.constant 16 : i32
      %parallel_loop3A_1597 = arith.muli %parallel_loop3A_1535, %parallel_loop3A_1596 : i32
      %parallel_loop3A_1598 = arith.constant 9216 : i32
      %parallel_loop3A_1599 = arith.addi %parallel_loop3A_1598, %parallel_loop3A_1597 : i32
      %parallel_loop3A_1600 = arith.index_cast %parallel_loop3A_1599 : i32 to index
      %parallel_loop3A_1601 = tpu.vector_load %arg12[%parallel_loop3A_1600] {strides = array<i32>} : memref<16384xf32, #tpu.memory_space<vmem>>, vector<16xf32>,
      %parallel_loop3A_1602 = arith.maximumf %parallel_loop3A_1595, %parallel_loop3A_1601 : vector<16xf32>
      %parallel_loop3A_1603 = arith.constant 16 : i32
      %parallel_loop3A_1604 = arith.muli %parallel_loop3A_1535, %parallel_loop3A_1603 : i32
      %parallel_loop3A_1605 = arith.constant 10240 : i32
      %parallel_loop3A_1606 = arith.addi %parallel_loop3A_1605, %parallel_loop3A_1604 : i32
      %parallel_loop3A_1607 = arith.index_cast %parallel_loop3A_1606 : i32 to index
      %parallel_loop3A_1608 = tpu.vector_load %arg12[%parallel_loop3A_1607] {strides = array<i32>} : memref<16384xf32, #tpu.memory_space<vmem>>, vector<16xf32>,
      %parallel_loop3A_1609 = arith.maximumf %parallel_loop3A_1602, %parallel_loop3A_1608 : vector<16xf32>
      %parallel_loop3A_1610 = arith.constant 16 : i32
      %parallel_loop3A_1611 = arith.muli %parallel_loop3A_1535, %parallel_loop3A_1610 : i32
      %parallel_loop3A_1612 = arith.constant 11264 : i32
      %parallel_loop3A_1613 = arith.addi %parallel_loop3A_1612, %parallel_loop3A_1611 : i32
      %parallel_loop3A_1614 = arith.index_cast %parallel_loop3A_1613 : i32 to index
      %parallel_loop3A_1615 = tpu.vector_load %arg12[%parallel_loop3A_1614] {strides = array<i32>} : memref<16384xf32, #tpu.memory_space<vmem>>, vector<16xf32>,
      %parallel_loop3A_1616 = arith.maximumf %parallel_loop3A_1609, %parallel_loop3A_1615 : vector<16xf32>
      %parallel_loop3A_1617 = arith.constant 16 : i32
      %parallel_loop3A_1618 = arith.muli %parallel_loop3A_1535, %parallel_loop3A_1617 : i32
      %parallel_loop3A_1619 = arith.constant 12288 : i32
      %parallel_loop3A_1620 = arith.addi %parallel_loop3A_1619, %parallel_loop3A_1618 : i32
      %parallel_loop3A_1621 = arith.index_cast %parallel_loop3A_1620 : i32 to index
      %parallel_loop3A_1622 = tpu.vector_load %arg12[%parallel_loop3A_1621] {strides = array<i32>} : memref<16384xf32, #tpu.memory_space<vmem>>, vector<16xf32>,
      %parallel_loop3A_1623 = arith.maximumf %parallel_loop3A_1616, %parallel_loop3A_1622 : vector<16xf32>
      %parallel_loop3A_1624 = arith.constant 16 : i32
      %parallel_loop3A_1625 = arith.muli %parallel_loop3A_1535, %parallel_loop3A_1624 : i32
      %parallel_loop3A_1626 = arith.constant 13312 : i32
      %parallel_loop3A_1627 = arith.addi %parallel_loop3A_1626, %parallel_loop3A_1625 : i32
      %parallel_loop3A_1628 = arith.index_cast %parallel_loop3A_1627 : i32 to index
      %parallel_loop3A_1629 = tpu.vector_load %arg12[%parallel_loop3A_1628] {strides = array<i32>} : memref<16384xf32, #tpu.memory_space<vmem>>, vector<16xf32>,
      %parallel_loop3A_1630 = arith.maximumf %parallel_loop3A_1623, %parallel_loop3A_1629 : vector<16xf32>
      %parallel_loop3A_1631 = arith.constant 16 : i32
      %parallel_loop3A_1632 = arith.muli %parallel_loop3A_1535, %parallel_loop3A_1631 : i32
      %parallel_loop3A_1633 = arith.constant 14336 : i32
      %parallel_loop3A_1634 = arith.addi %parallel_loop3A_1633, %parallel_loop3A_1632 : i32
      %parallel_loop3A_1635 = arith.index_cast %parallel_loop3A_1634 : i32 to index
      %parallel_loop3A_1636 = tpu.vector_load %arg12[%parallel_loop3A_1635] {strides = array<i32>} : memref<16384xf32, #tpu.memory_space<vmem>>, vector<16xf32>,
      %parallel_loop3A_1637 = arith.maximumf %parallel_loop3A_1630, %parallel_loop3A_1636 : vector<16xf32>
      %parallel_loop3A_1638 = arith.constant 16 : i32
      %parallel_loop3A_1639 = arith.muli %parallel_loop3A_1535, %parallel_loop3A_1638 : i32
      %parallel_loop3A_1640 = arith.constant 15360 : i32
      %parallel_loop3A_1641 = arith.addi %parallel_loop3A_1640, %parallel_loop3A_1639 : i32
      %parallel_loop3A_1642 = arith.index_cast %parallel_loop3A_1641 : i32 to index
      %parallel_loop3A_1643 = tpu.vector_load %arg12[%parallel_loop3A_1642] {strides = array<i32>} : memref<16384xf32, #tpu.memory_space<vmem>>, vector<16xf32>,
      %parallel_loop3A_1644 = arith.maximumf %parallel_loop3A_1637, %parallel_loop3A_1643 : vector<16xf32>
      %parallel_loop3A_1645 = arith.constant 16 : i32
      %parallel_loop3A_1646 = arith.muli %parallel_loop3A_1535, %parallel_loop3A_1645 : i32
      %parallel_loop3A_1647 = arith.index_cast %parallel_loop3A_1646 : i32 to index
      %parallel_loop3A_1648 = tpu.vector_load %arg14[%parallel_loop3A_1647] {strides = array<i32>} : memref<1024xf32, #tpu.memory_space<vmem>>, vector<16xf32>,
      tpu.vector_store %arg14[%parallel_loop3A_1647], %parallel_loop3A_1644 {strides = array<i32>} : memref<1024xf32, #tpu.memory_space<vmem>>, vector<16xf32>,
    } {sc.loop_unroll_factor = 1 : i64, sc.parallel_access}
    %reduce_sum3A = arith.constant true
    %reduce_sum3A_37 = vector.broadcast %reduce_sum3A : i1 to vector<16xi1>
    %reduce_sum3A_38 = tpu.scan <sum>, %scan3A_32#0 masked %reduce_sum3A_37 : vector<16xf32>, vector<16xi1> -> vector<16xf32>
    %reduce_sum3A_39 = vector.extract %reduce_sum3A_38[15] : f32 from vector<16xf32>
    %reduce_sum3A_40 = arith.constant true
    %reduce_sum3A_41 = vector.broadcast %reduce_sum3A_40 : i1 to vector<16xi1>
    %reduce_sum3A_42 = tpu.scan <sum>, %scan3A_32#1 masked %reduce_sum3A_41 : vector<16xf32>, vector<16xi1> -> vector<16xf32>
    %reduce_sum3A_43 = vector.extract %reduce_sum3A_42[15] : f32 from vector<16xf32>
    %eq3A = arith.constant 0 : i32
    %eq3A_44 = vector.broadcast %eq3A : i32 to vector<16xi32>
    %eq3A_45 = arith.cmpi eq, %iota3A, %eq3A_44 : vector<16xi32>
    %eq3A_46 = arith.constant 1 : i32
    %eq3A_47 = vector.broadcast %eq3A_46 : i32 to vector<16xi32>
    %eq3A_48 = arith.cmpi eq, %iota3A, %eq3A_47 : vector<16xi32>
    %eq3A_49 = arith.constant 2 : i32
    %eq3A_50 = vector.broadcast %eq3A_49 : i32 to vector<16xi32>
    %eq3A_51 = arith.cmpi eq, %iota3A, %eq3A_50 : vector<16xi32>
    %jit3A = arith.constant 0.000000e+00 : f32
    %broadcast_in_dim3A_52 = vector.broadcast %reduce_sum3A_43 : f32 to vector<16xf32>
    %broadcast_in_dim3A_53 = vector.broadcast %jit3A : f32 to vector<16xf32>
    %select_n3A = arith.select %eq3A_51, %broadcast_in_dim3A_52, %broadcast_in_dim3A_53 : vector<16xi1>, vector<16xf32>
    %broadcast_in_dim3A_54 = vector.broadcast %reduce_sum3A_39 : f32 to vector<16xf32>
    %select_n3A_55 = arith.select %eq3A_48, %broadcast_in_dim3A_54, %select_n3A : vector<16xi1>, vector<16xf32>
    %broadcast_in_dim3A_56 = vector.broadcast %scan3A_22 : f32 to vector<16xf32>
    %select_n3A_57 = arith.select %eq3A_45, %broadcast_in_dim3A_56, %select_n3A_55 : vector<16xi1>, vector<16xf32>
    %swap3A = arith.constant 0 : index
    %swap3A_58 = tpu.vector_load %arg15[%swap3A] {strides = array<i32>} : memref<16xf32, #tpu.memory_space<vmem>>, vector<16xf32>,
    tpu.vector_store %arg15[%swap3A], %select_n3A_57 {strides = array<i32>} : memref<16xf32, #tpu.memory_space<vmem>>, vector<16xf32>,
    %mul3A_59 = arith.constant 16 : i32
    %mul3A_60 = arith.muli %arg1, %mul3A_59 : i32
    "tpu.region"() ({
      %run_scoped3A = tpu.sem_alloc : memref<!tpu.dma_semaphore, #tpu.memory_space<semaphore_mem>>
      %dma_start3A_1535 = tpu.memref_slice %arg22[%mul3A_60] : memref<256xf32, #tpu.memory_space<vmem_shared>> -> memref<16xf32, #tpu.memory_space<vmem_shared>>
      %dma_start3A_1536 = tpu.memref_slice %arg22[%mul3A_60] : memref<256xf32, #tpu.memory_space<vmem_shared>> -> memref<16xf32, #tpu.memory_space<vmem_shared>>
      tpu.enqueue_dma source(%arg15 : memref<16xf32, #tpu.memory_space<vmem>>) target(%dma_start3A_1536 : memref<16xf32, #tpu.memory_space<vmem_shared>>) target_semaphore(%run_scoped3A : memref<!tpu.dma_semaphore, #tpu.memory_space<semaphore_mem>>)
      %dma_wait3A_1537 = tpu.memref_slice %arg22[%mul3A_60] : memref<256xf32, #tpu.memory_space<vmem_shared>> -> memref<16xf32, #tpu.memory_space<vmem_shared>>
      %dma_wait3A_1538 = tpu.memref_slice %arg22[%mul3A_60] : memref<256xf32, #tpu.memory_space<vmem_shared>> -> memref<16xf32, #tpu.memory_space<vmem_shared>>
      tpu.wait_dma2 semaphore(%run_scoped3A : memref<!tpu.dma_semaphore, #tpu.memory_space<semaphore_mem>>) src(%arg15 : memref<16xf32, #tpu.memory_space<vmem>>) dst(%dma_wait3A_1538 : memref<16xf32, #tpu.memory_space<vmem_shared>>)
      tpu.yield
    }) : () -> ()
    %mul3A_61 = arith.constant 64 : i32
    %mul3A_62 = arith.muli %arg1, %mul3A_61 : i32
    %add3A = arith.constant 0 : i32
    %add3A_63 = arith.addi %add3A, %mul3A_62 : i32
    %dma_start3A_64 = arith.constant 0 : i32
    %dma_start3A_65 = tpu.memref_slice %arg14[%dma_start3A_64] : memref<1024xf32, #tpu.memory_space<vmem>> -> memref<64xf32, #tpu.memory_space<vmem>>
    %dma_start3A_66 = tpu.memref_slice %arg20[%add3A_63] : memref<16384xf32, #tpu.memory_space<vmem_shared>> -> memref<64xf32, #tpu.memory_space<vmem_shared>>
    %dma_start3A_67 = tpu.memref_slice %arg20[%add3A_63] : memref<16384xf32, #tpu.memory_space<vmem_shared>> -> memref<64xf32, #tpu.memory_space<vmem_shared>>
    %dma_start3A_68 = arith.constant 0 : i32
    %dma_start3A_69 = tpu.memref_slice %arg14[%dma_start3A_68] : memref<1024xf32, #tpu.memory_space<vmem>> -> memref<64xf32, #tpu.memory_space<vmem>>
    tpu.enqueue_dma source(%dma_start3A_69 : memref<64xf32, #tpu.memory_space<vmem>>) target(%dma_start3A_67 : memref<64xf32, #tpu.memory_space<vmem_shared>>) target_semaphore(%arg24 : memref<!tpu.dma_semaphore, #tpu.memory_space<semaphore_mem>>)
    %mul3A_70 = arith.constant 64 : i32
    %mul3A_71 = arith.muli %arg1, %mul3A_70 : i32
    %add3A_72 = arith.constant 0 : i32
    %add3A_73 = arith.addi %add3A_72, %mul3A_71 : i32
    %dma_start3A_74 = arith.constant 0 : i32
    %dma_start3A_75 = tpu.memref_slice %arg13[%dma_start3A_74] : memref<1024xf32, #tpu.memory_space<vmem>> -> memref<64xf32, #tpu.memory_space<vmem>>
    %dma_start3A_76 = tpu.memref_slice %arg21[%add3A_73] : memref<16384xf32, #tpu.memory_space<vmem_shared>> -> memref<64xf32, #tpu.memory_space<vmem_shared>>
    %dma_start3A_77 = tpu.memref_slice %arg21[%add3A_73] : memref<16384xf32, #tpu.memory_space<vmem_shared>> -> memref<64xf32, #tpu.memory_space<vmem_shared>>
    %dma_start3A_78 = arith.constant 0 : i32
    %dma_start3A_79 = tpu.memref_slice %arg13[%dma_start3A_78] : memref<1024xf32, #tpu.memory_space<vmem>> -> memref<64xf32, #tpu.memory_space<vmem>>
    tpu.enqueue_dma source(%dma_start3A_79 : memref<64xf32, #tpu.memory_space<vmem>>) target(%dma_start3A_77 : memref<64xf32, #tpu.memory_space<vmem_shared>>) target_semaphore(%arg24 : memref<!tpu.dma_semaphore, #tpu.memory_space<semaphore_mem>>)
    %mul3A_80 = arith.constant 64 : i32
    %mul3A_81 = arith.muli %arg1, %mul3A_80 : i32
    %add3A_82 = arith.constant 1024 : i32
    %add3A_83 = arith.addi %add3A_82, %mul3A_81 : i32
    %dma_start3A_84 = arith.constant 64 : i32
    %dma_start3A_85 = tpu.memref_slice %arg14[%dma_start3A_84] : memref<1024xf32, #tpu.memory_space<vmem>> -> memref<64xf32, #tpu.memory_space<vmem>>
    %dma_start3A_86 = tpu.memref_slice %arg20[%add3A_83] : memref<16384xf32, #tpu.memory_space<vmem_shared>> -> memref<64xf32, #tpu.memory_space<vmem_shared>>
    %dma_start3A_87 = tpu.memref_slice %arg20[%add3A_83] : memref<16384xf32, #tpu.memory_space<vmem_shared>> -> memref<64xf32, #tpu.memory_space<vmem_shared>>
    %dma_start3A_88 = arith.constant 64 : i32
    %dma_start3A_89 = tpu.memref_slice %arg14[%dma_start3A_88] : memref<1024xf32, #tpu.memory_space<vmem>> -> memref<64xf32, #tpu.memory_space<vmem>>
    tpu.enqueue_dma source(%dma_start3A_89 : memref<64xf32, #tpu.memory_space<vmem>>) target(%dma_start3A_87 : memref<64xf32, #tpu.memory_space<vmem_shared>>) target_semaphore(%arg24 : memref<!tpu.dma_semaphore, #tpu.memory_space<semaphore_mem>>)
    %mul3A_90 = arith.constant 64 : i32
    %mul3A_91 = arith.muli %arg1, %mul3A_90 : i32
    %add3A_92 = arith.constant 1024 : i32
    %add3A_93 = arith.addi %add3A_92, %mul3A_91 : i32
    %dma_start3A_94 = arith.constant 64 : i32
    %dma_start3A_95 = tpu.memref_slice %arg13[%dma_start3A_94] : memref<1024xf32, #tpu.memory_space<vmem>> -> memref<64xf32, #tpu.memory_space<vmem>>
    %dma_start3A_96 = tpu.memref_slice %arg21[%add3A_93] : memref<16384xf32, #tpu.memory_space<vmem_shared>> -> memref<64xf32, #tpu.memory_space<vmem_shared>>
    %dma_start3A_97 = tpu.memref_slice %arg21[%add3A_93] : memref<16384xf32, #tpu.memory_space<vmem_shared>> -> memref<64xf32, #tpu.memory_space<vmem_shared>>
    %dma_start3A_98 = arith.constant 64 : i32
    %dma_start3A_99 = tpu.memref_slice %arg13[%dma_start3A_98] : memref<1024xf32, #tpu.memory_space<vmem>> -> memref<64xf32, #tpu.memory_space<vmem>>
    tpu.enqueue_dma source(%dma_start3A_99 : memref<64xf32, #tpu.memory_space<vmem>>) target(%dma_start3A_97 : memref<64xf32, #tpu.memory_space<vmem_shared>>) target_semaphore(%arg24 : memref<!tpu.dma_semaphore, #tpu.memory_space<semaphore_mem>>)
    %mul3A_100 = arith.constant 64 : i32
    %mul3A_101 = arith.muli %arg1, %mul3A_100 : i32
    %add3A_102 = arith.constant 2048 : i32
    %add3A_103 = arith.addi %add3A_102, %mul3A_101 : i32
    %dma_start3A_104 = arith.constant 128 : i32
    %dma_start3A_105 = tpu.memref_slice %arg14[%dma_start3A_104] : memref<1024xf32, #tpu.memory_space<vmem>> -> memref<64xf32, #tpu.memory_space<vmem>>
    %dma_start3A_106 = tpu.memref_slice %arg20[%add3A_103] : memref<16384xf32, #tpu.memory_space<vmem_shared>> -> memref<64xf32, #tpu.memory_space<vmem_shared>>
    %dma_start3A_107 = tpu.memref_slice %arg20[%add3A_103] : memref<16384xf32, #tpu.memory_space<vmem_shared>> -> memref<64xf32, #tpu.memory_space<vmem_shared>>
    %dma_start3A_108 = arith.constant 128 : i32
    %dma_start3A_109 = tpu.memref_slice %arg14[%dma_start3A_108] : memref<1024xf32, #tpu.memory_space<vmem>> -> memref<64xf32, #tpu.memory_space<vmem>>
    tpu.enqueue_dma source(%dma_start3A_109 : memref<64xf32, #tpu.memory_space<vmem>>) target(%dma_start3A_107 : memref<64xf32, #tpu.memory_space<vmem_shared>>) target_semaphore(%arg24 : memref<!tpu.dma_semaphore, #tpu.memory_space<semaphore_mem>>)
    %mul3A_110 = arith.constant 64 : i32
    %mul3A_111 = arith.muli %arg1, %mul3A_110 : i32
    %add3A_112 = arith.constant 2048 : i32
    %add3A_113 = arith.addi %add3A_112, %mul3A_111 : i32
    %dma_start3A_114 = arith.constant 128 : i32
    %dma_start3A_115 = tpu.memref_slice %arg13[%dma_start3A_114] : memref<1024xf32, #tpu.memory_space<vmem>> -> memref<64xf32, #tpu.memory_space<vmem>>
    %dma_start3A_116 = tpu.memref_slice %arg21[%add3A_113] : memref<16384xf32, #tpu.memory_space<vmem_shared>> -> memref<64xf32, #tpu.memory_space<vmem_shared>>
    %dma_start3A_117 = tpu.memref_slice %arg21[%add3A_113] : memref<16384xf32, #tpu.memory_space<vmem_shared>> -> memref<64xf32, #tpu.memory_space<vmem_shared>>
    %dma_start3A_118 = arith.constant 128 : i32
    %dma_start3A_119 = tpu.memref_slice %arg13[%dma_start3A_118] : memref<1024xf32, #tpu.memory_space<vmem>> -> memref<64xf32, #tpu.memory_space<vmem>>
    tpu.enqueue_dma source(%dma_start3A_119 : memref<64xf32, #tpu.memory_space<vmem>>) target(%dma_start3A_117 : memref<64xf32, #tpu.memory_space<vmem_shared>>) target_semaphore(%arg24 : memref<!tpu.dma_semaphore, #tpu.memory_space<semaphore_mem>>)
    %mul3A_120 = arith.constant 64 : i32
    %mul3A_121 = arith.muli %arg1, %mul3A_120 : i32
    %add3A_122 = arith.constant 3072 : i32
    %add3A_123 = arith.addi %add3A_122, %mul3A_121 : i32
    %dma_start3A_124 = arith.constant 192 : i32
    %dma_start3A_125 = tpu.memref_slice %arg14[%dma_start3A_124] : memref<1024xf32, #tpu.memory_space<vmem>> -> memref<64xf32, #tpu.memory_space<vmem>>
    %dma_start3A_126 = tpu.memref_slice %arg20[%add3A_123] : memref<16384xf32, #tpu.memory_space<vmem_shared>> -> memref<64xf32, #tpu.memory_space<vmem_shared>>
    %dma_start3A_127 = tpu.memref_slice %arg20[%add3A_123] : memref<16384xf32, #tpu.memory_space<vmem_shared>> -> memref<64xf32, #tpu.memory_space<vmem_shared>>
    %dma_start3A_128 = arith.constant 192 : i32
    %dma_start3A_129 = tpu.memref_slice %arg14[%dma_start3A_128] : memref<1024xf32, #tpu.memory_space<vmem>> -> memref<64xf32, #tpu.memory_space<vmem>>
    tpu.enqueue_dma source(%dma_start3A_129 : memref<64xf32, #tpu.memory_space<vmem>>) target(%dma_start3A_127 : memref<64xf32, #tpu.memory_space<vmem_shared>>) target_semaphore(%arg24 : memref<!tpu.dma_semaphore, #tpu.memory_space<semaphore_mem>>)
    %mul3A_130 = arith.constant 64 : i32
    %mul3A_131 = arith.muli %arg1, %mul3A_130 : i32
    %add3A_132 = arith.constant 3072 : i32
    %add3A_133 = arith.addi %add3A_132, %mul3A_131 : i32
    %dma_start3A_134 = arith.constant 192 : i32
    %dma_start3A_135 = tpu.memref_slice %arg13[%dma_start3A_134] : memref<1024xf32, #tpu.memory_space<vmem>> -> memref<64xf32, #tpu.memory_space<vmem>>
    %dma_start3A_136 = tpu.memref_slice %arg21[%add3A_133] : memref<16384xf32, #tpu.memory_space<vmem_shared>> -> memref<64xf32, #tpu.memory_space<vmem_shared>>
    %dma_start3A_137 = tpu.memref_slice %arg21[%add3A_133] : memref<16384xf32, #tpu.memory_space<vmem_shared>> -> memref<64xf32, #tpu.memory_space<vmem_shared>>
    %dma_start3A_138 = arith.constant 192 : i32
    %dma_start3A_139 = tpu.memref_slice %arg13[%dma_start3A_138] : memref<1024xf32, #tpu.memory_space<vmem>> -> memref<64xf32, #tpu.memory_space<vmem>>
    tpu.enqueue_dma source(%dma_start3A_139 : memref<64xf32, #tpu.memory_space<vmem>>) target(%dma_start3A_137 : memref<64xf32, #tpu.memory_space<vmem_shared>>) target_semaphore(%arg24 : memref<!tpu.dma_semaphore, #tpu.memory_space<semaphore_mem>>)
    %mul3A_140 = arith.constant 64 : i32
    %mul3A_141 = arith.muli %arg1, %mul3A_140 : i32
    %add3A_142 = arith.constant 4096 : i32
    %add3A_143 = arith.addi %add3A_142, %mul3A_141 : i32
    %dma_start3A_144 = arith.constant 256 : i32
    %dma_start3A_145 = tpu.memref_slice %arg14[%dma_start3A_144] : memref<1024xf32, #tpu.memory_space<vmem>> -> memref<64xf32, #tpu.memory_space<vmem>>
    %dma_start3A_146 = tpu.memref_slice %arg20[%add3A_143] : memref<16384xf32, #tpu.memory_space<vmem_shared>> -> memref<64xf32, #tpu.memory_space<vmem_shared>>
    %dma_start3A_147 = tpu.memref_slice %arg20[%add3A_143] : memref<16384xf32, #tpu.memory_space<vmem_shared>> -> memref<64xf32, #tpu.memory_space<vmem_shared>>
    %dma_start3A_148 = arith.constant 256 : i32
    %dma_start3A_149 = tpu.memref_slice %arg14[%dma_start3A_148] : memref<1024xf32, #tpu.memory_space<vmem>> -> memref<64xf32, #tpu.memory_space<vmem>>
    tpu.enqueue_dma source(%dma_start3A_149 : memref<64xf32, #tpu.memory_space<vmem>>) target(%dma_start3A_147 : memref<64xf32, #tpu.memory_space<vmem_shared>>) target_semaphore(%arg24 : memref<!tpu.dma_semaphore, #tpu.memory_space<semaphore_mem>>)
    %mul3A_150 = arith.constant 64 : i32
    %mul3A_151 = arith.muli %arg1, %mul3A_150 : i32
    %add3A_152 = arith.constant 4096 : i32
    %add3A_153 = arith.addi %add3A_152, %mul3A_151 : i32
    %dma_start3A_154 = arith.constant 256 : i32
    %dma_start3A_155 = tpu.memref_slice %arg13[%dma_start3A_154] : memref<1024xf32, #tpu.memory_space<vmem>> -> memref<64xf32, #tpu.memory_space<vmem>>
    %dma_start3A_156 = tpu.memref_slice %arg21[%add3A_153] : memref<16384xf32, #tpu.memory_space<vmem_shared>> -> memref<64xf32, #tpu.memory_space<vmem_shared>>
    %dma_start3A_157 = tpu.memref_slice %arg21[%add3A_153] : memref<16384xf32, #tpu.memory_space<vmem_shared>> -> memref<64xf32, #tpu.memory_space<vmem_shared>>
    %dma_start3A_158 = arith.constant 256 : i32
    %dma_start3A_159 = tpu.memref_slice %arg13[%dma_start3A_158] : memref<1024xf32, #tpu.memory_space<vmem>> -> memref<64xf32, #tpu.memory_space<vmem>>
    tpu.enqueue_dma source(%dma_start3A_159 : memref<64xf32, #tpu.memory_space<vmem>>) target(%dma_start3A_157 : memref<64xf32, #tpu.memory_space<vmem_shared>>) target_semaphore(%arg24 : memref<!tpu.dma_semaphore, #tpu.memory_space<semaphore_mem>>)
    %mul3A_160 = arith.constant 64 : i32
    %mul3A_161 = arith.muli %arg1, %mul3A_160 : i32
    %add3A_162 = arith.constant 5120 : i32
    %add3A_163 = arith.addi %add3A_162, %mul3A_161 : i32
    %dma_start3A_164 = arith.constant 320 : i32
    %dma_start3A_165 = tpu.memref_slice %arg14[%dma_start3A_164] : memref<1024xf32, #tpu.memory_space<vmem>> -> memref<64xf32, #tpu.memory_space<vmem>>
    %dma_start3A_166 = tpu.memref_slice %arg20[%add3A_163] : memref<16384xf32, #tpu.memory_space<vmem_shared>> -> memref<64xf32, #tpu.memory_space<vmem_shared>>
    %dma_start3A_167 = tpu.memref_slice %arg20[%add3A_163] : memref<16384xf32, #tpu.memory_space<vmem_shared>> -> memref<64xf32, #tpu.memory_space<vmem_shared>>
    %dma_start3A_168 = arith.constant 320 : i32
    %dma_start3A_169 = tpu.memref_slice %arg14[%dma_start3A_168] : memref<1024xf32, #tpu.memory_space<vmem>> -> memref<64xf32, #tpu.memory_space<vmem>>
    tpu.enqueue_dma source(%dma_start3A_169 : memref<64xf32, #tpu.memory_space<vmem>>) target(%dma_start3A_167 : memref<64xf32, #tpu.memory_space<vmem_shared>>) target_semaphore(%arg24 : memref<!tpu.dma_semaphore, #tpu.memory_space<semaphore_mem>>)
    %mul3A_170 = arith.constant 64 : i32
    %mul3A_171 = arith.muli %arg1, %mul3A_170 : i32
    %add3A_172 = arith.constant 5120 : i32
    %add3A_173 = arith.addi %add3A_172, %mul3A_171 : i32
    %dma_start3A_174 = arith.constant 320 : i32
    %dma_start3A_175 = tpu.memref_slice %arg13[%dma_start3A_174] : memref<1024xf32, #tpu.memory_space<vmem>> -> memref<64xf32, #tpu.memory_space<vmem>>
    %dma_start3A_176 = tpu.memref_slice %arg21[%add3A_173] : memref<16384xf32, #tpu.memory_space<vmem_shared>> -> memref<64xf32, #tpu.memory_space<vmem_shared>>
    %dma_start3A_177 = tpu.memref_slice %arg21[%add3A_173] : memref<16384xf32, #tpu.memory_space<vmem_shared>> -> memref<64xf32, #tpu.memory_space<vmem_shared>>
    %dma_start3A_178 = arith.constant 320 : i32
    %dma_start3A_179 = tpu.memref_slice %arg13[%dma_start3A_178] : memref<1024xf32, #tpu.memory_space<vmem>> -> memref<64xf32, #tpu.memory_space<vmem>>
    tpu.enqueue_dma source(%dma_start3A_179 : memref<64xf32, #tpu.memory_space<vmem>>) target(%dma_start3A_177 : memref<64xf32, #tpu.memory_space<vmem_shared>>) target_semaphore(%arg24 : memref<!tpu.dma_semaphore, #tpu.memory_space<semaphore_mem>>)
    %mul3A_180 = arith.constant 64 : i32
    %mul3A_181 = arith.muli %arg1, %mul3A_180 : i32
    %add3A_182 = arith.constant 6144 : i32
    %add3A_183 = arith.addi %add3A_182, %mul3A_181 : i32
    %dma_start3A_184 = arith.constant 384 : i32
    %dma_start3A_185 = tpu.memref_slice %arg14[%dma_start3A_184] : memref<1024xf32, #tpu.memory_space<vmem>> -> memref<64xf32, #tpu.memory_space<vmem>>
    %dma_start3A_186 = tpu.memref_slice %arg20[%add3A_183] : memref<16384xf32, #tpu.memory_space<vmem_shared>> -> memref<64xf32, #tpu.memory_space<vmem_shared>>
    %dma_start3A_187 = tpu.memref_slice %arg20[%add3A_183] : memref<16384xf32, #tpu.memory_space<vmem_shared>> -> memref<64xf32, #tpu.memory_space<vmem_shared>>
    %dma_start3A_188 = arith.constant 384 : i32
    %dma_start3A_189 = tpu.memref_slice %arg14[%dma_start3A_188] : memref<1024xf32, #tpu.memory_space<vmem>> -> memref<64xf32, #tpu.memory_space<vmem>>
    tpu.enqueue_dma source(%dma_start3A_189 : memref<64xf32, #tpu.memory_space<vmem>>) target(%dma_start3A_187 : memref<64xf32, #tpu.memory_space<vmem_shared>>) target_semaphore(%arg24 : memref<!tpu.dma_semaphore, #tpu.memory_space<semaphore_mem>>)
    %mul3A_190 = arith.constant 64 : i32
    %mul3A_191 = arith.muli %arg1, %mul3A_190 : i32
    %add3A_192 = arith.constant 6144 : i32
    %add3A_193 = arith.addi %add3A_192, %mul3A_191 : i32
    %dma_start3A_194 = arith.constant 384 : i32
    %dma_start3A_195 = tpu.memref_slice %arg13[%dma_start3A_194] : memref<1024xf32, #tpu.memory_space<vmem>> -> memref<64xf32, #tpu.memory_space<vmem>>
    %dma_start3A_196 = tpu.memref_slice %arg21[%add3A_193] : memref<16384xf32, #tpu.memory_space<vmem_shared>> -> memref<64xf32, #tpu.memory_space<vmem_shared>>
    %dma_start3A_197 = tpu.memref_slice %arg21[%add3A_193] : memref<16384xf32, #tpu.memory_space<vmem_shared>> -> memref<64xf32, #tpu.memory_space<vmem_shared>>
    %dma_start3A_198 = arith.constant 384 : i32
    %dma_start3A_199 = tpu.memref_slice %arg13[%dma_start3A_198] : memref<1024xf32, #tpu.memory_space<vmem>> -> memref<64xf32, #tpu.memory_space<vmem>>
    tpu.enqueue_dma source(%dma_start3A_199 : memref<64xf32, #tpu.memory_space<vmem>>) target(%dma_start3A_197 : memref<64xf32, #tpu.memory_space<vmem_shared>>) target_semaphore(%arg24 : memref<!tpu.dma_semaphore, #tpu.memory_space<semaphore_mem>>)
    %mul3A_200 = arith.constant 64 : i32
    %mul3A_201 = arith.muli %arg1, %mul3A_200 : i32
    %add3A_202 = arith.constant 7168 : i32
    %add3A_203 = arith.addi %add3A_202, %mul3A_201 : i32
    %dma_start3A_204 = arith.constant 448 : i32
    %dma_start3A_205 = tpu.memref_slice %arg14[%dma_start3A_204] : memref<1024xf32, #tpu.memory_space<vmem>> -> memref<64xf32, #tpu.memory_space<vmem>>
    %dma_start3A_206 = tpu.memref_slice %arg20[%add3A_203] : memref<16384xf32, #tpu.memory_space<vmem_shared>> -> memref<64xf32, #tpu.memory_space<vmem_shared>>
    %dma_start3A_207 = tpu.memref_slice %arg20[%add3A_203] : memref<16384xf32, #tpu.memory_space<vmem_shared>> -> memref<64xf32, #tpu.memory_space<vmem_shared>>
    %dma_start3A_208 = arith.constant 448 : i32
    %dma_start3A_209 = tpu.memref_slice %arg14[%dma_start3A_208] : memref<1024xf32, #tpu.memory_space<vmem>> -> memref<64xf32, #tpu.memory_space<vmem>>
    tpu.enqueue_dma source(%dma_start3A_209 : memref<64xf32, #tpu.memory_space<vmem>>) target(%dma_start3A_207 : memref<64xf32, #tpu.memory_space<vmem_shared>>) target_semaphore(%arg24 : memref<!tpu.dma_semaphore, #tpu.memory_space<semaphore_mem>>)
    %mul3A_210 = arith.constant 64 : i32
    %mul3A_211 = arith.muli %arg1, %mul3A_210 : i32
    %add3A_212 = arith.constant 7168 : i32
    %add3A_213 = arith.addi %add3A_212, %mul3A_211 : i32
    %dma_start3A_214 = arith.constant 448 : i32
    %dma_start3A_215 = tpu.memref_slice %arg13[%dma_start3A_214] : memref<1024xf32, #tpu.memory_space<vmem>> -> memref<64xf32, #tpu.memory_space<vmem>>
    %dma_start3A_216 = tpu.memref_slice %arg21[%add3A_213] : memref<16384xf32, #tpu.memory_space<vmem_shared>> -> memref<64xf32, #tpu.memory_space<vmem_shared>>
    %dma_start3A_217 = tpu.memref_slice %arg21[%add3A_213] : memref<16384xf32, #tpu.memory_space<vmem_shared>> -> memref<64xf32, #tpu.memory_space<vmem_shared>>
    %dma_start3A_218 = arith.constant 448 : i32
    %dma_start3A_219 = tpu.memref_slice %arg13[%dma_start3A_218] : memref<1024xf32, #tpu.memory_space<vmem>> -> memref<64xf32, #tpu.memory_space<vmem>>
    tpu.enqueue_dma source(%dma_start3A_219 : memref<64xf32, #tpu.memory_space<vmem>>) target(%dma_start3A_217 : memref<64xf32, #tpu.memory_space<vmem_shared>>) target_semaphore(%arg24 : memref<!tpu.dma_semaphore, #tpu.memory_space<semaphore_mem>>)
    %mul3A_220 = arith.constant 64 : i32
    %mul3A_221 = arith.muli %arg1, %mul3A_220 : i32
    %add3A_222 = arith.constant 8192 : i32
    %add3A_223 = arith.addi %add3A_222, %mul3A_221 : i32
    %dma_start3A_224 = arith.constant 512 : i32
    %dma_start3A_225 = tpu.memref_slice %arg14[%dma_start3A_224] : memref<1024xf32, #tpu.memory_space<vmem>> -> memref<64xf32, #tpu.memory_space<vmem>>
    %dma_start3A_226 = tpu.memref_slice %arg20[%add3A_223] : memref<16384xf32, #tpu.memory_space<vmem_shared>> -> memref<64xf32, #tpu.memory_space<vmem_shared>>
    %dma_start3A_227 = tpu.memref_slice %arg20[%add3A_223] : memref<16384xf32, #tpu.memory_space<vmem_shared>> -> memref<64xf32, #tpu.memory_space<vmem_shared>>
    %dma_start3A_228 = arith.constant 512 : i32
    %dma_start3A_229 = tpu.memref_slice %arg14[%dma_start3A_228] : memref<1024xf32, #tpu.memory_space<vmem>> -> memref<64xf32, #tpu.memory_space<vmem>>
    tpu.enqueue_dma source(%dma_start3A_229 : memref<64xf32, #tpu.memory_space<vmem>>) target(%dma_start3A_227 : memref<64xf32, #tpu.memory_space<vmem_shared>>) target_semaphore(%arg24 : memref<!tpu.dma_semaphore, #tpu.memory_space<semaphore_mem>>)
    %mul3A_230 = arith.constant 64 : i32
    %mul3A_231 = arith.muli %arg1, %mul3A_230 : i32
    %add3A_232 = arith.constant 8192 : i32
    %add3A_233 = arith.addi %add3A_232, %mul3A_231 : i32
    %dma_start3A_234 = arith.constant 512 : i32
    %dma_start3A_235 = tpu.memref_slice %arg13[%dma_start3A_234] : memref<1024xf32, #tpu.memory_space<vmem>> -> memref<64xf32, #tpu.memory_space<vmem>>
    %dma_start3A_236 = tpu.memref_slice %arg21[%add3A_233] : memref<16384xf32, #tpu.memory_space<vmem_shared>> -> memref<64xf32, #tpu.memory_space<vmem_shared>>
    %dma_start3A_237 = tpu.memref_slice %arg21[%add3A_233] : memref<16384xf32, #tpu.memory_space<vmem_shared>> -> memref<64xf32, #tpu.memory_space<vmem_shared>>
    %dma_start3A_238 = arith.constant 512 : i32
    %dma_start3A_239 = tpu.memref_slice %arg13[%dma_start3A_238] : memref<1024xf32, #tpu.memory_space<vmem>> -> memref<64xf32, #tpu.memory_space<vmem>>
    tpu.enqueue_dma source(%dma_start3A_239 : memref<64xf32, #tpu.memory_space<vmem>>) target(%dma_start3A_237 : memref<64xf32, #tpu.memory_space<vmem_shared>>) target_semaphore(%arg24 : memref<!tpu.dma_semaphore, #tpu.memory_space<semaphore_mem>>)
    %mul3A_240 = arith.constant 64 : i32
    %mul3A_241 = arith.muli %arg1, %mul3A_240 : i32
    %add3A_242 = arith.constant 9216 : i32
    %add3A_243 = arith.addi %add3A_242, %mul3A_241 : i32
    %dma_start3A_244 = arith.constant 576 : i32
    %dma_start3A_245 = tpu.memref_slice %arg14[%dma_start3A_244] : memref<1024xf32, #tpu.memory_space<vmem>> -> memref<64xf32, #tpu.memory_space<vmem>>
    %dma_start3A_246 = tpu.memref_slice %arg20[%add3A_243] : memref<16384xf32, #tpu.memory_space<vmem_shared>> -> memref<64xf32, #tpu.memory_space<vmem_shared>>
    %dma_start3A_247 = tpu.memref_slice %arg20[%add3A_243] : memref<16384xf32, #tpu.memory_space<vmem_shared>> -> memref<64xf32, #tpu.memory_space<vmem_shared>>
    %dma_start3A_248 = arith.constant 576 : i32
    %dma_start3A_249 = tpu.memref_slice %arg14[%dma_start3A_248] : memref<1024xf32, #tpu.memory_space<vmem>> -> memref<64xf32, #tpu.memory_space<vmem>>
    tpu.enqueue_dma source(%dma_start3A_249 : memref<64xf32, #tpu.memory_space<vmem>>) target(%dma_start3A_247 : memref<64xf32, #tpu.memory_space<vmem_shared>>) target_semaphore(%arg24 : memref<!tpu.dma_semaphore, #tpu.memory_space<semaphore_mem>>)
    %mul3A_250 = arith.constant 64 : i32
    %mul3A_251 = arith.muli %arg1, %mul3A_250 : i32
    %add3A_252 = arith.constant 9216 : i32
    %add3A_253 = arith.addi %add3A_252, %mul3A_251 : i32
    %dma_start3A_254 = arith.constant 576 : i32
    %dma_start3A_255 = tpu.memref_slice %arg13[%dma_start3A_254] : memref<1024xf32, #tpu.memory_space<vmem>> -> memref<64xf32, #tpu.memory_space<vmem>>
    %dma_start3A_256 = tpu.memref_slice %arg21[%add3A_253] : memref<16384xf32, #tpu.memory_space<vmem_shared>> -> memref<64xf32, #tpu.memory_space<vmem_shared>>
    %dma_start3A_257 = tpu.memref_slice %arg21[%add3A_253] : memref<16384xf32, #tpu.memory_space<vmem_shared>> -> memref<64xf32, #tpu.memory_space<vmem_shared>>
    %dma_start3A_258 = arith.constant 576 : i32
    %dma_start3A_259 = tpu.memref_slice %arg13[%dma_start3A_258] : memref<1024xf32, #tpu.memory_space<vmem>> -> memref<64xf32, #tpu.memory_space<vmem>>
    tpu.enqueue_dma source(%dma_start3A_259 : memref<64xf32, #tpu.memory_space<vmem>>) target(%dma_start3A_257 : memref<64xf32, #tpu.memory_space<vmem_shared>>) target_semaphore(%arg24 : memref<!tpu.dma_semaphore, #tpu.memory_space<semaphore_mem>>)
    %mul3A_260 = arith.constant 64 : i32
    %mul3A_261 = arith.muli %arg1, %mul3A_260 : i32
    %add3A_262 = arith.constant 10240 : i32
    %add3A_263 = arith.addi %add3A_262, %mul3A_261 : i32
    %dma_start3A_264 = arith.constant 640 : i32
    %dma_start3A_265 = tpu.memref_slice %arg14[%dma_start3A_264] : memref<1024xf32, #tpu.memory_space<vmem>> -> memref<64xf32, #tpu.memory_space<vmem>>
    %dma_start3A_266 = tpu.memref_slice %arg20[%add3A_263] : memref<16384xf32, #tpu.memory_space<vmem_shared>> -> memref<64xf32, #tpu.memory_space<vmem_shared>>
    %dma_start3A_267 = tpu.memref_slice %arg20[%add3A_263] : memref<16384xf32, #tpu.memory_space<vmem_shared>> -> memref<64xf32, #tpu.memory_space<vmem_shared>>
    %dma_start3A_268 = arith.constant 640 : i32
    %dma_start3A_269 = tpu.memref_slice %arg14[%dma_start3A_268] : memref<1024xf32, #tpu.memory_space<vmem>> -> memref<64xf32, #tpu.memory_space<vmem>>
    tpu.enqueue_dma source(%dma_start3A_269 : memref<64xf32, #tpu.memory_space<vmem>>) target(%dma_start3A_267 : memref<64xf32, #tpu.memory_space<vmem_shared>>) target_semaphore(%arg24 : memref<!tpu.dma_semaphore, #tpu.memory_space<semaphore_mem>>)
    %mul3A_270 = arith.constant 64 : i32
    %mul3A_271 = arith.muli %arg1, %mul3A_270 : i32
    %add3A_272 = arith.constant 10240 : i32
    %add3A_273 = arith.addi %add3A_272, %mul3A_271 : i32
    %dma_start3A_274 = arith.constant 640 : i32
    %dma_start3A_275 = tpu.memref_slice %arg13[%dma_start3A_274] : memref<1024xf32, #tpu.memory_space<vmem>> -> memref<64xf32, #tpu.memory_space<vmem>>
    %dma_start3A_276 = tpu.memref_slice %arg21[%add3A_273] : memref<16384xf32, #tpu.memory_space<vmem_shared>> -> memref<64xf32, #tpu.memory_space<vmem_shared>>
    %dma_start3A_277 = tpu.memref_slice %arg21[%add3A_273] : memref<16384xf32, #tpu.memory_space<vmem_shared>> -> memref<64xf32, #tpu.memory_space<vmem_shared>>
    %dma_start3A_278 = arith.constant 640 : i32
    %dma_start3A_279 = tpu.memref_slice %arg13[%dma_start3A_278] : memref<1024xf32, #tpu.memory_space<vmem>> -> memref<64xf32, #tpu.memory_space<vmem>>
    tpu.enqueue_dma source(%dma_start3A_279 : memref<64xf32, #tpu.memory_space<vmem>>) target(%dma_start3A_277 : memref<64xf32, #tpu.memory_space<vmem_shared>>) target_semaphore(%arg24 : memref<!tpu.dma_semaphore, #tpu.memory_space<semaphore_mem>>)
    %mul3A_280 = arith.constant 64 : i32
    %mul3A_281 = arith.muli %arg1, %mul3A_280 : i32
    %add3A_282 = arith.constant 11264 : i32
    %add3A_283 = arith.addi %add3A_282, %mul3A_281 : i32
    %dma_start3A_284 = arith.constant 704 : i32
    %dma_start3A_285 = tpu.memref_slice %arg14[%dma_start3A_284] : memref<1024xf32, #tpu.memory_space<vmem>> -> memref<64xf32, #tpu.memory_space<vmem>>
    %dma_start3A_286 = tpu.memref_slice %arg20[%add3A_283] : memref<16384xf32, #tpu.memory_space<vmem_shared>> -> memref<64xf32, #tpu.memory_space<vmem_shared>>
    %dma_start3A_287 = tpu.memref_slice %arg20[%add3A_283] : memref<16384xf32, #tpu.memory_space<vmem_shared>> -> memref<64xf32, #tpu.memory_space<vmem_shared>>
    %dma_start3A_288 = arith.constant 704 : i32
    %dma_start3A_289 = tpu.memref_slice %arg14[%dma_start3A_288] : memref<1024xf32, #tpu.memory_space<vmem>> -> memref<64xf32, #tpu.memory_space<vmem>>
    tpu.enqueue_dma source(%dma_start3A_289 : memref<64xf32, #tpu.memory_space<vmem>>) target(%dma_start3A_287 : memref<64xf32, #tpu.memory_space<vmem_shared>>) target_semaphore(%arg24 : memref<!tpu.dma_semaphore, #tpu.memory_space<semaphore_mem>>)
    %mul3A_290 = arith.constant 64 : i32
    %mul3A_291 = arith.muli %arg1, %mul3A_290 : i32
    %add3A_292 = arith.constant 11264 : i32
    %add3A_293 = arith.addi %add3A_292, %mul3A_291 : i32
    %dma_start3A_294 = arith.constant 704 : i32
    %dma_start3A_295 = tpu.memref_slice %arg13[%dma_start3A_294] : memref<1024xf32, #tpu.memory_space<vmem>> -> memref<64xf32, #tpu.memory_space<vmem>>
    %dma_start3A_296 = tpu.memref_slice %arg21[%add3A_293] : memref<16384xf32, #tpu.memory_space<vmem_shared>> -> memref<64xf32, #tpu.memory_space<vmem_shared>>
    %dma_start3A_297 = tpu.memref_slice %arg21[%add3A_293] : memref<16384xf32, #tpu.memory_space<vmem_shared>> -> memref<64xf32, #tpu.memory_space<vmem_shared>>
    %dma_start3A_298 = arith.constant 704 : i32
    %dma_start3A_299 = tpu.memref_slice %arg13[%dma_start3A_298] : memref<1024xf32, #tpu.memory_space<vmem>> -> memref<64xf32, #tpu.memory_space<vmem>>
    tpu.enqueue_dma source(%dma_start3A_299 : memref<64xf32, #tpu.memory_space<vmem>>) target(%dma_start3A_297 : memref<64xf32, #tpu.memory_space<vmem_shared>>) target_semaphore(%arg24 : memref<!tpu.dma_semaphore, #tpu.memory_space<semaphore_mem>>)
    %mul3A_300 = arith.constant 64 : i32
    %mul3A_301 = arith.muli %arg1, %mul3A_300 : i32
    %add3A_302 = arith.constant 12288 : i32
    %add3A_303 = arith.addi %add3A_302, %mul3A_301 : i32
    %dma_start3A_304 = arith.constant 768 : i32
    %dma_start3A_305 = tpu.memref_slice %arg14[%dma_start3A_304] : memref<1024xf32, #tpu.memory_space<vmem>> -> memref<64xf32, #tpu.memory_space<vmem>>
    %dma_start3A_306 = tpu.memref_slice %arg20[%add3A_303] : memref<16384xf32, #tpu.memory_space<vmem_shared>> -> memref<64xf32, #tpu.memory_space<vmem_shared>>
    %dma_start3A_307 = tpu.memref_slice %arg20[%add3A_303] : memref<16384xf32, #tpu.memory_space<vmem_shared>> -> memref<64xf32, #tpu.memory_space<vmem_shared>>
    %dma_start3A_308 = arith.constant 768 : i32
    %dma_start3A_309 = tpu.memref_slice %arg14[%dma_start3A_308] : memref<1024xf32, #tpu.memory_space<vmem>> -> memref<64xf32, #tpu.memory_space<vmem>>
    tpu.enqueue_dma source(%dma_start3A_309 : memref<64xf32, #tpu.memory_space<vmem>>) target(%dma_start3A_307 : memref<64xf32, #tpu.memory_space<vmem_shared>>) target_semaphore(%arg24 : memref<!tpu.dma_semaphore, #tpu.memory_space<semaphore_mem>>)
    %mul3A_310 = arith.constant 64 : i32
    %mul3A_311 = arith.muli %arg1, %mul3A_310 : i32
    %add3A_312 = arith.constant 12288 : i32
    %add3A_313 = arith.addi %add3A_312, %mul3A_311 : i32
    %dma_start3A_314 = arith.constant 768 : i32
    %dma_start3A_315 = tpu.memref_slice %arg13[%dma_start3A_314] : memref<1024xf32, #tpu.memory_space<vmem>> -> memref<64xf32, #tpu.memory_space<vmem>>
    %dma_start3A_316 = tpu.memref_slice %arg21[%add3A_313] : memref<16384xf32, #tpu.memory_space<vmem_shared>> -> memref<64xf32, #tpu.memory_space<vmem_shared>>
    %dma_start3A_317 = tpu.memref_slice %arg21[%add3A_313] : memref<16384xf32, #tpu.memory_space<vmem_shared>> -> memref<64xf32, #tpu.memory_space<vmem_shared>>
    %dma_start3A_318 = arith.constant 768 : i32
    %dma_start3A_319 = tpu.memref_slice %arg13[%dma_start3A_318] : memref<1024xf32, #tpu.memory_space<vmem>> -> memref<64xf32, #tpu.memory_space<vmem>>
    tpu.enqueue_dma source(%dma_start3A_319 : memref<64xf32, #tpu.memory_space<vmem>>) target(%dma_start3A_317 : memref<64xf32, #tpu.memory_space<vmem_shared>>) target_semaphore(%arg24 : memref<!tpu.dma_semaphore, #tpu.memory_space<semaphore_mem>>)
    %mul3A_320 = arith.constant 64 : i32
    %mul3A_321 = arith.muli %arg1, %mul3A_320 : i32
    %add3A_322 = arith.constant 13312 : i32
    %add3A_323 = arith.addi %add3A_322, %mul3A_321 : i32
    %dma_start3A_324 = arith.constant 832 : i32
    %dma_start3A_325 = tpu.memref_slice %arg14[%dma_start3A_324] : memref<1024xf32, #tpu.memory_space<vmem>> -> memref<64xf32, #tpu.memory_space<vmem>>
    %dma_start3A_326 = tpu.memref_slice %arg20[%add3A_323] : memref<16384xf32, #tpu.memory_space<vmem_shared>> -> memref<64xf32, #tpu.memory_space<vmem_shared>>
    %dma_start3A_327 = tpu.memref_slice %arg20[%add3A_323] : memref<16384xf32, #tpu.memory_space<vmem_shared>> -> memref<64xf32, #tpu.memory_space<vmem_shared>>
    %dma_start3A_328 = arith.constant 832 : i32
    %dma_start3A_329 = tpu.memref_slice %arg14[%dma_start3A_328] : memref<1024xf32, #tpu.memory_space<vmem>> -> memref<64xf32, #tpu.memory_space<vmem>>
    tpu.enqueue_dma source(%dma_start3A_329 : memref<64xf32, #tpu.memory_space<vmem>>) target(%dma_start3A_327 : memref<64xf32, #tpu.memory_space<vmem_shared>>) target_semaphore(%arg24 : memref<!tpu.dma_semaphore, #tpu.memory_space<semaphore_mem>>)
    %mul3A_330 = arith.constant 64 : i32
    %mul3A_331 = arith.muli %arg1, %mul3A_330 : i32
    %add3A_332 = arith.constant 13312 : i32
    %add3A_333 = arith.addi %add3A_332, %mul3A_331 : i32
    %dma_start3A_334 = arith.constant 832 : i32
    %dma_start3A_335 = tpu.memref_slice %arg13[%dma_start3A_334] : memref<1024xf32, #tpu.memory_space<vmem>> -> memref<64xf32, #tpu.memory_space<vmem>>
    %dma_start3A_336 = tpu.memref_slice %arg21[%add3A_333] : memref<16384xf32, #tpu.memory_space<vmem_shared>> -> memref<64xf32, #tpu.memory_space<vmem_shared>>
    %dma_start3A_337 = tpu.memref_slice %arg21[%add3A_333] : memref<16384xf32, #tpu.memory_space<vmem_shared>> -> memref<64xf32, #tpu.memory_space<vmem_shared>>
    %dma_start3A_338 = arith.constant 832 : i32
    %dma_start3A_339 = tpu.memref_slice %arg13[%dma_start3A_338] : memref<1024xf32, #tpu.memory_space<vmem>> -> memref<64xf32, #tpu.memory_space<vmem>>
    tpu.enqueue_dma source(%dma_start3A_339 : memref<64xf32, #tpu.memory_space<vmem>>) target(%dma_start3A_337 : memref<64xf32, #tpu.memory_space<vmem_shared>>) target_semaphore(%arg24 : memref<!tpu.dma_semaphore, #tpu.memory_space<semaphore_mem>>)
    %mul3A_340 = arith.constant 64 : i32
    %mul3A_341 = arith.muli %arg1, %mul3A_340 : i32
    %add3A_342 = arith.constant 14336 : i32
    %add3A_343 = arith.addi %add3A_342, %mul3A_341 : i32
    %dma_start3A_344 = arith.constant 896 : i32
    %dma_start3A_345 = tpu.memref_slice %arg14[%dma_start3A_344] : memref<1024xf32, #tpu.memory_space<vmem>> -> memref<64xf32, #tpu.memory_space<vmem>>
    %dma_start3A_346 = tpu.memref_slice %arg20[%add3A_343] : memref<16384xf32, #tpu.memory_space<vmem_shared>> -> memref<64xf32, #tpu.memory_space<vmem_shared>>
    %dma_start3A_347 = tpu.memref_slice %arg20[%add3A_343] : memref<16384xf32, #tpu.memory_space<vmem_shared>> -> memref<64xf32, #tpu.memory_space<vmem_shared>>
    %dma_start3A_348 = arith.constant 896 : i32
    %dma_start3A_349 = tpu.memref_slice %arg14[%dma_start3A_348] : memref<1024xf32, #tpu.memory_space<vmem>> -> memref<64xf32, #tpu.memory_space<vmem>>
    tpu.enqueue_dma source(%dma_start3A_349 : memref<64xf32, #tpu.memory_space<vmem>>) target(%dma_start3A_347 : memref<64xf32, #tpu.memory_space<vmem_shared>>) target_semaphore(%arg24 : memref<!tpu.dma_semaphore, #tpu.memory_space<semaphore_mem>>)
    %mul3A_350 = arith.constant 64 : i32
    %mul3A_351 = arith.muli %arg1, %mul3A_350 : i32
    %add3A_352 = arith.constant 14336 : i32
    %add3A_353 = arith.addi %add3A_352, %mul3A_351 : i32
    %dma_start3A_354 = arith.constant 896 : i32
    %dma_start3A_355 = tpu.memref_slice %arg13[%dma_start3A_354] : memref<1024xf32, #tpu.memory_space<vmem>> -> memref<64xf32, #tpu.memory_space<vmem>>
    %dma_start3A_356 = tpu.memref_slice %arg21[%add3A_353] : memref<16384xf32, #tpu.memory_space<vmem_shared>> -> memref<64xf32, #tpu.memory_space<vmem_shared>>
    %dma_start3A_357 = tpu.memref_slice %arg21[%add3A_353] : memref<16384xf32, #tpu.memory_space<vmem_shared>> -> memref<64xf32, #tpu.memory_space<vmem_shared>>
    %dma_start3A_358 = arith.constant 896 : i32
    %dma_start3A_359 = tpu.memref_slice %arg13[%dma_start3A_358] : memref<1024xf32, #tpu.memory_space<vmem>> -> memref<64xf32, #tpu.memory_space<vmem>>
    tpu.enqueue_dma source(%dma_start3A_359 : memref<64xf32, #tpu.memory_space<vmem>>) target(%dma_start3A_357 : memref<64xf32, #tpu.memory_space<vmem_shared>>) target_semaphore(%arg24 : memref<!tpu.dma_semaphore, #tpu.memory_space<semaphore_mem>>)
    %mul3A_360 = arith.constant 64 : i32
    %mul3A_361 = arith.muli %arg1, %mul3A_360 : i32
    %add3A_362 = arith.constant 15360 : i32
    %add3A_363 = arith.addi %add3A_362, %mul3A_361 : i32
    %dma_start3A_364 = arith.constant 960 : i32
    %dma_start3A_365 = tpu.memref_slice %arg14[%dma_start3A_364] : memref<1024xf32, #tpu.memory_space<vmem>> -> memref<64xf32, #tpu.memory_space<vmem>>
    %dma_start3A_366 = tpu.memref_slice %arg20[%add3A_363] : memref<16384xf32, #tpu.memory_space<vmem_shared>> -> memref<64xf32, #tpu.memory_space<vmem_shared>>
    %dma_start3A_367 = tpu.memref_slice %arg20[%add3A_363] : memref<16384xf32, #tpu.memory_space<vmem_shared>> -> memref<64xf32, #tpu.memory_space<vmem_shared>>
    %dma_start3A_368 = arith.constant 960 : i32
    %dma_start3A_369 = tpu.memref_slice %arg14[%dma_start3A_368] : memref<1024xf32, #tpu.memory_space<vmem>> -> memref<64xf32, #tpu.memory_space<vmem>>
    tpu.enqueue_dma source(%dma_start3A_369 : memref<64xf32, #tpu.memory_space<vmem>>) target(%dma_start3A_367 : memref<64xf32, #tpu.memory_space<vmem_shared>>) target_semaphore(%arg24 : memref<!tpu.dma_semaphore, #tpu.memory_space<semaphore_mem>>)
    %mul3A_370 = arith.constant 64 : i32
    %mul3A_371 = arith.muli %arg1, %mul3A_370 : i32
    %add3A_372 = arith.constant 15360 : i32
    %add3A_373 = arith.addi %add3A_372, %mul3A_371 : i32
    %dma_start3A_374 = arith.constant 960 : i32
    %dma_start3A_375 = tpu.memref_slice %arg13[%dma_start3A_374] : memref<1024xf32, #tpu.memory_space<vmem>> -> memref<64xf32, #tpu.memory_space<vmem>>
    %dma_start3A_376 = tpu.memref_slice %arg21[%add3A_373] : memref<16384xf32, #tpu.memory_space<vmem_shared>> -> memref<64xf32, #tpu.memory_space<vmem_shared>>
    %dma_start3A_377 = tpu.memref_slice %arg21[%add3A_373] : memref<16384xf32, #tpu.memory_space<vmem_shared>> -> memref<64xf32, #tpu.memory_space<vmem_shared>>
    %dma_start3A_378 = arith.constant 960 : i32
    %dma_start3A_379 = tpu.memref_slice %arg13[%dma_start3A_378] : memref<1024xf32, #tpu.memory_space<vmem>> -> memref<64xf32, #tpu.memory_space<vmem>>
    tpu.enqueue_dma source(%dma_start3A_379 : memref<64xf32, #tpu.memory_space<vmem>>) target(%dma_start3A_377 : memref<64xf32, #tpu.memory_space<vmem_shared>>) target_semaphore(%arg24 : memref<!tpu.dma_semaphore, #tpu.memory_space<semaphore_mem>>)
    %dma_wait3A_380 = arith.constant 0 : i32
    %dma_wait3A_381 = tpu.memref_slice %arg14[%dma_wait3A_380] : memref<1024xf32, #tpu.memory_space<vmem>> -> memref<64xf32, #tpu.memory_space<vmem>>
    %dma_wait3A_382 = tpu.memref_slice %arg20[%add3A_63] : memref<16384xf32, #tpu.memory_space<vmem_shared>> -> memref<64xf32, #tpu.memory_space<vmem_shared>>
    %dma_wait3A_383 = tpu.memref_slice %arg20[%add3A_63] : memref<16384xf32, #tpu.memory_space<vmem_shared>> -> memref<64xf32, #tpu.memory_space<vmem_shared>>
    %dma_wait3A_384 = arith.constant 0 : i32
    %dma_wait3A_385 = tpu.memref_slice %arg14[%dma_wait3A_384] : memref<1024xf32, #tpu.memory_space<vmem>> -> memref<64xf32, #tpu.memory_space<vmem>>
    tpu.wait_dma2 semaphore(%arg24 : memref<!tpu.dma_semaphore, #tpu.memory_space<semaphore_mem>>) src(%dma_wait3A_385 : memref<64xf32, #tpu.memory_space<vmem>>) dst(%dma_wait3A_383 : memref<64xf32, #tpu.memory_space<vmem_shared>>)
    %dma_wait3A_386 = arith.constant 0 : i32
    %dma_wait3A_387 = tpu.memref_slice %arg13[%dma_wait3A_386] : memref<1024xf32, #tpu.memory_space<vmem>> -> memref<64xf32, #tpu.memory_space<vmem>>
    %dma_wait3A_388 = tpu.memref_slice %arg21[%add3A_73] : memref<16384xf32, #tpu.memory_space<vmem_shared>> -> memref<64xf32, #tpu.memory_space<vmem_shared>>
    %dma_wait3A_389 = tpu.memref_slice %arg21[%add3A_73] : memref<16384xf32, #tpu.memory_space<vmem_shared>> -> memref<64xf32, #tpu.memory_space<vmem_shared>>
    %dma_wait3A_390 = arith.constant 0 : i32
    %dma_wait3A_391 = tpu.memref_slice %arg13[%dma_wait3A_390] : memref<1024xf32, #tpu.memory_space<vmem>> -> memref<64xf32, #tpu.memory_space<vmem>>
    tpu.wait_dma2 semaphore(%arg24 : memref<!tpu.dma_semaphore, #tpu.memory_space<semaphore_mem>>) src(%dma_wait3A_391 : memref<64xf32, #tpu.memory_space<vmem>>) dst(%dma_wait3A_389 : memref<64xf32, #tpu.memory_space<vmem_shared>>)
    %dma_wait3A_392 = arith.constant 64 : i32
    %dma_wait3A_393 = tpu.memref_slice %arg14[%dma_wait3A_392] : memref<1024xf32, #tpu.memory_space<vmem>> -> memref<64xf32, #tpu.memory_space<vmem>>
    %dma_wait3A_394 = tpu.memref_slice %arg20[%add3A_83] : memref<16384xf32, #tpu.memory_space<vmem_shared>> -> memref<64xf32, #tpu.memory_space<vmem_shared>>
    %dma_wait3A_395 = tpu.memref_slice %arg20[%add3A_83] : memref<16384xf32, #tpu.memory_space<vmem_shared>> -> memref<64xf32, #tpu.memory_space<vmem_shared>>
    %dma_wait3A_396 = arith.constant 64 : i32
    %dma_wait3A_397 = tpu.memref_slice %arg14[%dma_wait3A_396] : memref<1024xf32, #tpu.memory_space<vmem>> -> memref<64xf32, #tpu.memory_space<vmem>>
    tpu.wait_dma2 semaphore(%arg24 : memref<!tpu.dma_semaphore, #tpu.memory_space<semaphore_mem>>) src(%dma_wait3A_397 : memref<64xf32, #tpu.memory_space<vmem>>) dst(%dma_wait3A_395 : memref<64xf32, #tpu.memory_space<vmem_shared>>)
    %dma_wait3A_398 = arith.constant 64 : i32
    %dma_wait3A_399 = tpu.memref_slice %arg13[%dma_wait3A_398] : memref<1024xf32, #tpu.memory_space<vmem>> -> memref<64xf32, #tpu.memory_space<vmem>>
    %dma_wait3A_400 = tpu.memref_slice %arg21[%add3A_93] : memref<16384xf32, #tpu.memory_space<vmem_shared>> -> memref<64xf32, #tpu.memory_space<vmem_shared>>
    %dma_wait3A_401 = tpu.memref_slice %arg21[%add3A_93] : memref<16384xf32, #tpu.memory_space<vmem_shared>> -> memref<64xf32, #tpu.memory_space<vmem_shared>>
    %dma_wait3A_402 = arith.constant 64 : i32
    %dma_wait3A_403 = tpu.memref_slice %arg13[%dma_wait3A_402] : memref<1024xf32, #tpu.memory_space<vmem>> -> memref<64xf32, #tpu.memory_space<vmem>>
    tpu.wait_dma2 semaphore(%arg24 : memref<!tpu.dma_semaphore, #tpu.memory_space<semaphore_mem>>) src(%dma_wait3A_403 : memref<64xf32, #tpu.memory_space<vmem>>) dst(%dma_wait3A_401 : memref<64xf32, #tpu.memory_space<vmem_shared>>)
    %dma_wait3A_404 = arith.constant 128 : i32
    %dma_wait3A_405 = tpu.memref_slice %arg14[%dma_wait3A_404] : memref<1024xf32, #tpu.memory_space<vmem>> -> memref<64xf32, #tpu.memory_space<vmem>>
    %dma_wait3A_406 = tpu.memref_slice %arg20[%add3A_103] : memref<16384xf32, #tpu.memory_space<vmem_shared>> -> memref<64xf32, #tpu.memory_space<vmem_shared>>
    %dma_wait3A_407 = tpu.memref_slice %arg20[%add3A_103] : memref<16384xf32, #tpu.memory_space<vmem_shared>> -> memref<64xf32, #tpu.memory_space<vmem_shared>>
    %dma_wait3A_408 = arith.constant 128 : i32
    %dma_wait3A_409 = tpu.memref_slice %arg14[%dma_wait3A_408] : memref<1024xf32, #tpu.memory_space<vmem>> -> memref<64xf32, #tpu.memory_space<vmem>>
    tpu.wait_dma2 semaphore(%arg24 : memref<!tpu.dma_semaphore, #tpu.memory_space<semaphore_mem>>) src(%dma_wait3A_409 : memref<64xf32, #tpu.memory_space<vmem>>) dst(%dma_wait3A_407 : memref<64xf32, #tpu.memory_space<vmem_shared>>)
    %dma_wait3A_410 = arith.constant 128 : i32
    %dma_wait3A_411 = tpu.memref_slice %arg13[%dma_wait3A_410] : memref<1024xf32, #tpu.memory_space<vmem>> -> memref<64xf32, #tpu.memory_space<vmem>>
    %dma_wait3A_412 = tpu.memref_slice %arg21[%add3A_113] : memref<16384xf32, #tpu.memory_space<vmem_shared>> -> memref<64xf32, #tpu.memory_space<vmem_shared>>
    %dma_wait3A_413 = tpu.memref_slice %arg21[%add3A_113] : memref<16384xf32, #tpu.memory_space<vmem_shared>> -> memref<64xf32, #tpu.memory_space<vmem_shared>>
    %dma_wait3A_414 = arith.constant 128 : i32
    %dma_wait3A_415 = tpu.memref_slice %arg13[%dma_wait3A_414] : memref<1024xf32, #tpu.memory_space<vmem>> -> memref<64xf32, #tpu.memory_space<vmem>>
    tpu.wait_dma2 semaphore(%arg24 : memref<!tpu.dma_semaphore, #tpu.memory_space<semaphore_mem>>) src(%dma_wait3A_415 : memref<64xf32, #tpu.memory_space<vmem>>) dst(%dma_wait3A_413 : memref<64xf32, #tpu.memory_space<vmem_shared>>)
    %dma_wait3A_416 = arith.constant 192 : i32
    %dma_wait3A_417 = tpu.memref_slice %arg14[%dma_wait3A_416] : memref<1024xf32, #tpu.memory_space<vmem>> -> memref<64xf32, #tpu.memory_space<vmem>>
    %dma_wait3A_418 = tpu.memref_slice %arg20[%add3A_123] : memref<16384xf32, #tpu.memory_space<vmem_shared>> -> memref<64xf32, #tpu.memory_space<vmem_shared>>
    %dma_wait3A_419 = tpu.memref_slice %arg20[%add3A_123] : memref<16384xf32, #tpu.memory_space<vmem_shared>> -> memref<64xf32, #tpu.memory_space<vmem_shared>>
    %dma_wait3A_420 = arith.constant 192 : i32
    %dma_wait3A_421 = tpu.memref_slice %arg14[%dma_wait3A_420] : memref<1024xf32, #tpu.memory_space<vmem>> -> memref<64xf32, #tpu.memory_space<vmem>>
    tpu.wait_dma2 semaphore(%arg24 : memref<!tpu.dma_semaphore, #tpu.memory_space<semaphore_mem>>) src(%dma_wait3A_421 : memref<64xf32, #tpu.memory_space<vmem>>) dst(%dma_wait3A_419 : memref<64xf32, #tpu.memory_space<vmem_shared>>)
    %dma_wait3A_422 = arith.constant 192 : i32
    %dma_wait3A_423 = tpu.memref_slice %arg13[%dma_wait3A_422] : memref<1024xf32, #tpu.memory_space<vmem>> -> memref<64xf32, #tpu.memory_space<vmem>>
    %dma_wait3A_424 = tpu.memref_slice %arg21[%add3A_133] : memref<16384xf32, #tpu.memory_space<vmem_shared>> -> memref<64xf32, #tpu.memory_space<vmem_shared>>
    %dma_wait3A_425 = tpu.memref_slice %arg21[%add3A_133] : memref<16384xf32, #tpu.memory_space<vmem_shared>> -> memref<64xf32, #tpu.memory_space<vmem_shared>>
    %dma_wait3A_426 = arith.constant 192 : i32
    %dma_wait3A_427 = tpu.memref_slice %arg13[%dma_wait3A_426] : memref<1024xf32, #tpu.memory_space<vmem>> -> memref<64xf32, #tpu.memory_space<vmem>>
    tpu.wait_dma2 semaphore(%arg24 : memref<!tpu.dma_semaphore, #tpu.memory_space<semaphore_mem>>) src(%dma_wait3A_427 : memref<64xf32, #tpu.memory_space<vmem>>) dst(%dma_wait3A_425 : memref<64xf32, #tpu.memory_space<vmem_shared>>)
    %dma_wait3A_428 = arith.constant 256 : i32
    %dma_wait3A_429 = tpu.memref_slice %arg14[%dma_wait3A_428] : memref<1024xf32, #tpu.memory_space<vmem>> -> memref<64xf32, #tpu.memory_space<vmem>>
    %dma_wait3A_430 = tpu.memref_slice %arg20[%add3A_143] : memref<16384xf32, #tpu.memory_space<vmem_shared>> -> memref<64xf32, #tpu.memory_space<vmem_shared>>
    %dma_wait3A_431 = tpu.memref_slice %arg20[%add3A_143] : memref<16384xf32, #tpu.memory_space<vmem_shared>> -> memref<64xf32, #tpu.memory_space<vmem_shared>>
    %dma_wait3A_432 = arith.constant 256 : i32
    %dma_wait3A_433 = tpu.memref_slice %arg14[%dma_wait3A_432] : memref<1024xf32, #tpu.memory_space<vmem>> -> memref<64xf32, #tpu.memory_space<vmem>>
    tpu.wait_dma2 semaphore(%arg24 : memref<!tpu.dma_semaphore, #tpu.memory_space<semaphore_mem>>) src(%dma_wait3A_433 : memref<64xf32, #tpu.memory_space<vmem>>) dst(%dma_wait3A_431 : memref<64xf32, #tpu.memory_space<vmem_shared>>)
    %dma_wait3A_434 = arith.constant 256 : i32
    %dma_wait3A_435 = tpu.memref_slice %arg13[%dma_wait3A_434] : memref<1024xf32, #tpu.memory_space<vmem>> -> memref<64xf32, #tpu.memory_space<vmem>>
    %dma_wait3A_436 = tpu.memref_slice %arg21[%add3A_153] : memref<16384xf32, #tpu.memory_space<vmem_shared>> -> memref<64xf32, #tpu.memory_space<vmem_shared>>
    %dma_wait3A_437 = tpu.memref_slice %arg21[%add3A_153] : memref<16384xf32, #tpu.memory_space<vmem_shared>> -> memref<64xf32, #tpu.memory_space<vmem_shared>>
    %dma_wait3A_438 = arith.constant 256 : i32
    %dma_wait3A_439 = tpu.memref_slice %arg13[%dma_wait3A_438] : memref<1024xf32, #tpu.memory_space<vmem>> -> memref<64xf32, #tpu.memory_space<vmem>>
    tpu.wait_dma2 semaphore(%arg24 : memref<!tpu.dma_semaphore, #tpu.memory_space<semaphore_mem>>) src(%dma_wait3A_439 : memref<64xf32, #tpu.memory_space<vmem>>) dst(%dma_wait3A_437 : memref<64xf32, #tpu.memory_space<vmem_shared>>)
    %dma_wait3A_440 = arith.constant 320 : i32
    %dma_wait3A_441 = tpu.memref_slice %arg14[%dma_wait3A_440] : memref<1024xf32, #tpu.memory_space<vmem>> -> memref<64xf32, #tpu.memory_space<vmem>>
    %dma_wait3A_442 = tpu.memref_slice %arg20[%add3A_163] : memref<16384xf32, #tpu.memory_space<vmem_shared>> -> memref<64xf32, #tpu.memory_space<vmem_shared>>
    %dma_wait3A_443 = tpu.memref_slice %arg20[%add3A_163] : memref<16384xf32, #tpu.memory_space<vmem_shared>> -> memref<64xf32, #tpu.memory_space<vmem_shared>>
    %dma_wait3A_444 = arith.constant 320 : i32
    %dma_wait3A_445 = tpu.memref_slice %arg14[%dma_wait3A_444] : memref<1024xf32, #tpu.memory_space<vmem>> -> memref<64xf32, #tpu.memory_space<vmem>>
    tpu.wait_dma2 semaphore(%arg24 : memref<!tpu.dma_semaphore, #tpu.memory_space<semaphore_mem>>) src(%dma_wait3A_445 : memref<64xf32, #tpu.memory_space<vmem>>) dst(%dma_wait3A_443 : memref<64xf32, #tpu.memory_space<vmem_shared>>)
    %dma_wait3A_446 = arith.constant 320 : i32
    %dma_wait3A_447 = tpu.memref_slice %arg13[%dma_wait3A_446] : memref<1024xf32, #tpu.memory_space<vmem>> -> memref<64xf32, #tpu.memory_space<vmem>>
    %dma_wait3A_448 = tpu.memref_slice %arg21[%add3A_173] : memref<16384xf32, #tpu.memory_space<vmem_shared>> -> memref<64xf32, #tpu.memory_space<vmem_shared>>
    %dma_wait3A_449 = tpu.memref_slice %arg21[%add3A_173] : memref<16384xf32, #tpu.memory_space<vmem_shared>> -> memref<64xf32, #tpu.memory_space<vmem_shared>>
    %dma_wait3A_450 = arith.constant 320 : i32
    %dma_wait3A_451 = tpu.memref_slice %arg13[%dma_wait3A_450] : memref<1024xf32, #tpu.memory_space<vmem>> -> memref<64xf32, #tpu.memory_space<vmem>>
    tpu.wait_dma2 semaphore(%arg24 : memref<!tpu.dma_semaphore, #tpu.memory_space<semaphore_mem>>) src(%dma_wait3A_451 : memref<64xf32, #tpu.memory_space<vmem>>) dst(%dma_wait3A_449 : memref<64xf32, #tpu.memory_space<vmem_shared>>)
    %dma_wait3A_452 = arith.constant 384 : i32
    %dma_wait3A_453 = tpu.memref_slice %arg14[%dma_wait3A_452] : memref<1024xf32, #tpu.memory_space<vmem>> -> memref<64xf32, #tpu.memory_space<vmem>>
    %dma_wait3A_454 = tpu.memref_slice %arg20[%add3A_183] : memref<16384xf32, #tpu.memory_space<vmem_shared>> -> memref<64xf32, #tpu.memory_space<vmem_shared>>
    %dma_wait3A_455 = tpu.memref_slice %arg20[%add3A_183] : memref<16384xf32, #tpu.memory_space<vmem_shared>> -> memref<64xf32, #tpu.memory_space<vmem_shared>>
    %dma_wait3A_456 = arith.constant 384 : i32
    %dma_wait3A_457 = tpu.memref_slice %arg14[%dma_wait3A_456] : memref<1024xf32, #tpu.memory_space<vmem>> -> memref<64xf32, #tpu.memory_space<vmem>>
    tpu.wait_dma2 semaphore(%arg24 : memref<!tpu.dma_semaphore, #tpu.memory_space<semaphore_mem>>) src(%dma_wait3A_457 : memref<64xf32, #tpu.memory_space<vmem>>) dst(%dma_wait3A_455 : memref<64xf32, #tpu.memory_space<vmem_shared>>)
    %dma_wait3A_458 = arith.constant 384 : i32
    %dma_wait3A_459 = tpu.memref_slice %arg13[%dma_wait3A_458] : memref<1024xf32, #tpu.memory_space<vmem>> -> memref<64xf32, #tpu.memory_space<vmem>>
    %dma_wait3A_460 = tpu.memref_slice %arg21[%add3A_193] : memref<16384xf32, #tpu.memory_space<vmem_shared>> -> memref<64xf32, #tpu.memory_space<vmem_shared>>
    %dma_wait3A_461 = tpu.memref_slice %arg21[%add3A_193] : memref<16384xf32, #tpu.memory_space<vmem_shared>> -> memref<64xf32, #tpu.memory_space<vmem_shared>>
    %dma_wait3A_462 = arith.constant 384 : i32
    %dma_wait3A_463 = tpu.memref_slice %arg13[%dma_wait3A_462] : memref<1024xf32, #tpu.memory_space<vmem>> -> memref<64xf32, #tpu.memory_space<vmem>>
    tpu.wait_dma2 semaphore(%arg24 : memref<!tpu.dma_semaphore, #tpu.memory_space<semaphore_mem>>) src(%dma_wait3A_463 : memref<64xf32, #tpu.memory_space<vmem>>) dst(%dma_wait3A_461 : memref<64xf32, #tpu.memory_space<vmem_shared>>)
    %dma_wait3A_464 = arith.constant 448 : i32
    %dma_wait3A_465 = tpu.memref_slice %arg14[%dma_wait3A_464] : memref<1024xf32, #tpu.memory_space<vmem>> -> memref<64xf32, #tpu.memory_space<vmem>>
    %dma_wait3A_466 = tpu.memref_slice %arg20[%add3A_203] : memref<16384xf32, #tpu.memory_space<vmem_shared>> -> memref<64xf32, #tpu.memory_space<vmem_shared>>
    %dma_wait3A_467 = tpu.memref_slice %arg20[%add3A_203] : memref<16384xf32, #tpu.memory_space<vmem_shared>> -> memref<64xf32, #tpu.memory_space<vmem_shared>>
    %dma_wait3A_468 = arith.constant 448 : i32
    %dma_wait3A_469 = tpu.memref_slice %arg14[%dma_wait3A_468] : memref<1024xf32, #tpu.memory_space<vmem>> -> memref<64xf32, #tpu.memory_space<vmem>>
    tpu.wait_dma2 semaphore(%arg24 : memref<!tpu.dma_semaphore, #tpu.memory_space<semaphore_mem>>) src(%dma_wait3A_469 : memref<64xf32, #tpu.memory_space<vmem>>) dst(%dma_wait3A_467 : memref<64xf32, #tpu.memory_space<vmem_shared>>)
    %dma_wait3A_470 = arith.constant 448 : i32
    %dma_wait3A_471 = tpu.memref_slice %arg13[%dma_wait3A_470] : memref<1024xf32, #tpu.memory_space<vmem>> -> memref<64xf32, #tpu.memory_space<vmem>>
    %dma_wait3A_472 = tpu.memref_slice %arg21[%add3A_213] : memref<16384xf32, #tpu.memory_space<vmem_shared>> -> memref<64xf32, #tpu.memory_space<vmem_shared>>
    %dma_wait3A_473 = tpu.memref_slice %arg21[%add3A_213] : memref<16384xf32, #tpu.memory_space<vmem_shared>> -> memref<64xf32, #tpu.memory_space<vmem_shared>>
    %dma_wait3A_474 = arith.constant 448 : i32
    %dma_wait3A_475 = tpu.memref_slice %arg13[%dma_wait3A_474] : memref<1024xf32, #tpu.memory_space<vmem>> -> memref<64xf32, #tpu.memory_space<vmem>>
    tpu.wait_dma2 semaphore(%arg24 : memref<!tpu.dma_semaphore, #tpu.memory_space<semaphore_mem>>) src(%dma_wait3A_475 : memref<64xf32, #tpu.memory_space<vmem>>) dst(%dma_wait3A_473 : memref<64xf32, #tpu.memory_space<vmem_shared>>)
    %dma_wait3A_476 = arith.constant 512 : i32
    %dma_wait3A_477 = tpu.memref_slice %arg14[%dma_wait3A_476] : memref<1024xf32, #tpu.memory_space<vmem>> -> memref<64xf32, #tpu.memory_space<vmem>>
    %dma_wait3A_478 = tpu.memref_slice %arg20[%add3A_223] : memref<16384xf32, #tpu.memory_space<vmem_shared>> -> memref<64xf32, #tpu.memory_space<vmem_shared>>
    %dma_wait3A_479 = tpu.memref_slice %arg20[%add3A_223] : memref<16384xf32, #tpu.memory_space<vmem_shared>> -> memref<64xf32, #tpu.memory_space<vmem_shared>>
    %dma_wait3A_480 = arith.constant 512 : i32
    %dma_wait3A_481 = tpu.memref_slice %arg14[%dma_wait3A_480] : memref<1024xf32, #tpu.memory_space<vmem>> -> memref<64xf32, #tpu.memory_space<vmem>>
    tpu.wait_dma2 semaphore(%arg24 : memref<!tpu.dma_semaphore, #tpu.memory_space<semaphore_mem>>) src(%dma_wait3A_481 : memref<64xf32, #tpu.memory_space<vmem>>) dst(%dma_wait3A_479 : memref<64xf32, #tpu.memory_space<vmem_shared>>)
    %dma_wait3A_482 = arith.constant 512 : i32
    %dma_wait3A_483 = tpu.memref_slice %arg13[%dma_wait3A_482] : memref<1024xf32, #tpu.memory_space<vmem>> -> memref<64xf32, #tpu.memory_space<vmem>>
    %dma_wait3A_484 = tpu.memref_slice %arg21[%add3A_233] : memref<16384xf32, #tpu.memory_space<vmem_shared>> -> memref<64xf32, #tpu.memory_space<vmem_shared>>
    %dma_wait3A_485 = tpu.memref_slice %arg21[%add3A_233] : memref<16384xf32, #tpu.memory_space<vmem_shared>> -> memref<64xf32, #tpu.memory_space<vmem_shared>>
    %dma_wait3A_486 = arith.constant 512 : i32
    %dma_wait3A_487 = tpu.memref_slice %arg13[%dma_wait3A_486] : memref<1024xf32, #tpu.memory_space<vmem>> -> memref<64xf32, #tpu.memory_space<vmem>>
    tpu.wait_dma2 semaphore(%arg24 : memref<!tpu.dma_semaphore, #tpu.memory_space<semaphore_mem>>) src(%dma_wait3A_487 : memref<64xf32, #tpu.memory_space<vmem>>) dst(%dma_wait3A_485 : memref<64xf32, #tpu.memory_space<vmem_shared>>)
    %dma_wait3A_488 = arith.constant 576 : i32
    %dma_wait3A_489 = tpu.memref_slice %arg14[%dma_wait3A_488] : memref<1024xf32, #tpu.memory_space<vmem>> -> memref<64xf32, #tpu.memory_space<vmem>>
    %dma_wait3A_490 = tpu.memref_slice %arg20[%add3A_243] : memref<16384xf32, #tpu.memory_space<vmem_shared>> -> memref<64xf32, #tpu.memory_space<vmem_shared>>
    %dma_wait3A_491 = tpu.memref_slice %arg20[%add3A_243] : memref<16384xf32, #tpu.memory_space<vmem_shared>> -> memref<64xf32, #tpu.memory_space<vmem_shared>>
    %dma_wait3A_492 = arith.constant 576 : i32
    %dma_wait3A_493 = tpu.memref_slice %arg14[%dma_wait3A_492] : memref<1024xf32, #tpu.memory_space<vmem>> -> memref<64xf32, #tpu.memory_space<vmem>>
    tpu.wait_dma2 semaphore(%arg24 : memref<!tpu.dma_semaphore, #tpu.memory_space<semaphore_mem>>) src(%dma_wait3A_493 : memref<64xf32, #tpu.memory_space<vmem>>) dst(%dma_wait3A_491 : memref<64xf32, #tpu.memory_space<vmem_shared>>)
    %dma_wait3A_494 = arith.constant 576 : i32
    %dma_wait3A_495 = tpu.memref_slice %arg13[%dma_wait3A_494] : memref<1024xf32, #tpu.memory_space<vmem>> -> memref<64xf32, #tpu.memory_space<vmem>>
    %dma_wait3A_496 = tpu.memref_slice %arg21[%add3A_253] : memref<16384xf32, #tpu.memory_space<vmem_shared>> -> memref<64xf32, #tpu.memory_space<vmem_shared>>
    %dma_wait3A_497 = tpu.memref_slice %arg21[%add3A_253] : memref<16384xf32, #tpu.memory_space<vmem_shared>> -> memref<64xf32, #tpu.memory_space<vmem_shared>>
    %dma_wait3A_498 = arith.constant 576 : i32
    %dma_wait3A_499 = tpu.memref_slice %arg13[%dma_wait3A_498] : memref<1024xf32, #tpu.memory_space<vmem>> -> memref<64xf32, #tpu.memory_space<vmem>>
    tpu.wait_dma2 semaphore(%arg24 : memref<!tpu.dma_semaphore, #tpu.memory_space<semaphore_mem>>) src(%dma_wait3A_499 : memref<64xf32, #tpu.memory_space<vmem>>) dst(%dma_wait3A_497 : memref<64xf32, #tpu.memory_space<vmem_shared>>)
    %dma_wait3A_500 = arith.constant 640 : i32
    %dma_wait3A_501 = tpu.memref_slice %arg14[%dma_wait3A_500] : memref<1024xf32, #tpu.memory_space<vmem>> -> memref<64xf32, #tpu.memory_space<vmem>>
    %dma_wait3A_502 = tpu.memref_slice %arg20[%add3A_263] : memref<16384xf32, #tpu.memory_space<vmem_shared>> -> memref<64xf32, #tpu.memory_space<vmem_shared>>
    %dma_wait3A_503 = tpu.memref_slice %arg20[%add3A_263] : memref<16384xf32, #tpu.memory_space<vmem_shared>> -> memref<64xf32, #tpu.memory_space<vmem_shared>>
    %dma_wait3A_504 = arith.constant 640 : i32
    %dma_wait3A_505 = tpu.memref_slice %arg14[%dma_wait3A_504] : memref<1024xf32, #tpu.memory_space<vmem>> -> memref<64xf32, #tpu.memory_space<vmem>>
    tpu.wait_dma2 semaphore(%arg24 : memref<!tpu.dma_semaphore, #tpu.memory_space<semaphore_mem>>) src(%dma_wait3A_505 : memref<64xf32, #tpu.memory_space<vmem>>) dst(%dma_wait3A_503 : memref<64xf32, #tpu.memory_space<vmem_shared>>)
    %dma_wait3A_506 = arith.constant 640 : i32
    %dma_wait3A_507 = tpu.memref_slice %arg13[%dma_wait3A_506] : memref<1024xf32, #tpu.memory_space<vmem>> -> memref<64xf32, #tpu.memory_space<vmem>>
    %dma_wait3A_508 = tpu.memref_slice %arg21[%add3A_273] : memref<16384xf32, #tpu.memory_space<vmem_shared>> -> memref<64xf32, #tpu.memory_space<vmem_shared>>
    %dma_wait3A_509 = tpu.memref_slice %arg21[%add3A_273] : memref<16384xf32, #tpu.memory_space<vmem_shared>> -> memref<64xf32, #tpu.memory_space<vmem_shared>>
    %dma_wait3A_510 = arith.constant 640 : i32
    %dma_wait3A_511 = tpu.memref_slice %arg13[%dma_wait3A_510] : memref<1024xf32, #tpu.memory_space<vmem>> -> memref<64xf32, #tpu.memory_space<vmem>>
    tpu.wait_dma2 semaphore(%arg24 : memref<!tpu.dma_semaphore, #tpu.memory_space<semaphore_mem>>) src(%dma_wait3A_511 : memref<64xf32, #tpu.memory_space<vmem>>) dst(%dma_wait3A_509 : memref<64xf32, #tpu.memory_space<vmem_shared>>)
    %dma_wait3A_512 = arith.constant 704 : i32
    %dma_wait3A_513 = tpu.memref_slice %arg14[%dma_wait3A_512] : memref<1024xf32, #tpu.memory_space<vmem>> -> memref<64xf32, #tpu.memory_space<vmem>>
    %dma_wait3A_514 = tpu.memref_slice %arg20[%add3A_283] : memref<16384xf32, #tpu.memory_space<vmem_shared>> -> memref<64xf32, #tpu.memory_space<vmem_shared>>
    %dma_wait3A_515 = tpu.memref_slice %arg20[%add3A_283] : memref<16384xf32, #tpu.memory_space<vmem_shared>> -> memref<64xf32, #tpu.memory_space<vmem_shared>>
    %dma_wait3A_516 = arith.constant 704 : i32
    %dma_wait3A_517 = tpu.memref_slice %arg14[%dma_wait3A_516] : memref<1024xf32, #tpu.memory_space<vmem>> -> memref<64xf32, #tpu.memory_space<vmem>>
    tpu.wait_dma2 semaphore(%arg24 : memref<!tpu.dma_semaphore, #tpu.memory_space<semaphore_mem>>) src(%dma_wait3A_517 : memref<64xf32, #tpu.memory_space<vmem>>) dst(%dma_wait3A_515 : memref<64xf32, #tpu.memory_space<vmem_shared>>)
    %dma_wait3A_518 = arith.constant 704 : i32
    %dma_wait3A_519 = tpu.memref_slice %arg13[%dma_wait3A_518] : memref<1024xf32, #tpu.memory_space<vmem>> -> memref<64xf32, #tpu.memory_space<vmem>>
    %dma_wait3A_520 = tpu.memref_slice %arg21[%add3A_293] : memref<16384xf32, #tpu.memory_space<vmem_shared>> -> memref<64xf32, #tpu.memory_space<vmem_shared>>
    %dma_wait3A_521 = tpu.memref_slice %arg21[%add3A_293] : memref<16384xf32, #tpu.memory_space<vmem_shared>> -> memref<64xf32, #tpu.memory_space<vmem_shared>>
    %dma_wait3A_522 = arith.constant 704 : i32
    %dma_wait3A_523 = tpu.memref_slice %arg13[%dma_wait3A_522] : memref<1024xf32, #tpu.memory_space<vmem>> -> memref<64xf32, #tpu.memory_space<vmem>>
    tpu.wait_dma2 semaphore(%arg24 : memref<!tpu.dma_semaphore, #tpu.memory_space<semaphore_mem>>) src(%dma_wait3A_523 : memref<64xf32, #tpu.memory_space<vmem>>) dst(%dma_wait3A_521 : memref<64xf32, #tpu.memory_space<vmem_shared>>)
    %dma_wait3A_524 = arith.constant 768 : i32
    %dma_wait3A_525 = tpu.memref_slice %arg14[%dma_wait3A_524] : memref<1024xf32, #tpu.memory_space<vmem>> -> memref<64xf32, #tpu.memory_space<vmem>>
    %dma_wait3A_526 = tpu.memref_slice %arg20[%add3A_303] : memref<16384xf32, #tpu.memory_space<vmem_shared>> -> memref<64xf32, #tpu.memory_space<vmem_shared>>
    %dma_wait3A_527 = tpu.memref_slice %arg20[%add3A_303] : memref<16384xf32, #tpu.memory_space<vmem_shared>> -> memref<64xf32, #tpu.memory_space<vmem_shared>>
    %dma_wait3A_528 = arith.constant 768 : i32
    %dma_wait3A_529 = tpu.memref_slice %arg14[%dma_wait3A_528] : memref<1024xf32, #tpu.memory_space<vmem>> -> memref<64xf32, #tpu.memory_space<vmem>>
    tpu.wait_dma2 semaphore(%arg24 : memref<!tpu.dma_semaphore, #tpu.memory_space<semaphore_mem>>) src(%dma_wait3A_529 : memref<64xf32, #tpu.memory_space<vmem>>) dst(%dma_wait3A_527 : memref<64xf32, #tpu.memory_space<vmem_shared>>)
    %dma_wait3A_530 = arith.constant 768 : i32
    %dma_wait3A_531 = tpu.memref_slice %arg13[%dma_wait3A_530] : memref<1024xf32, #tpu.memory_space<vmem>> -> memref<64xf32, #tpu.memory_space<vmem>>
    %dma_wait3A_532 = tpu.memref_slice %arg21[%add3A_313] : memref<16384xf32, #tpu.memory_space<vmem_shared>> -> memref<64xf32, #tpu.memory_space<vmem_shared>>
    %dma_wait3A_533 = tpu.memref_slice %arg21[%add3A_313] : memref<16384xf32, #tpu.memory_space<vmem_shared>> -> memref<64xf32, #tpu.memory_space<vmem_shared>>
    %dma_wait3A_534 = arith.constant 768 : i32
    %dma_wait3A_535 = tpu.memref_slice %arg13[%dma_wait3A_534] : memref<1024xf32, #tpu.memory_space<vmem>> -> memref<64xf32, #tpu.memory_space<vmem>>
    tpu.wait_dma2 semaphore(%arg24 : memref<!tpu.dma_semaphore, #tpu.memory_space<semaphore_mem>>) src(%dma_wait3A_535 : memref<64xf32, #tpu.memory_space<vmem>>) dst(%dma_wait3A_533 : memref<64xf32, #tpu.memory_space<vmem_shared>>)
    %dma_wait3A_536 = arith.constant 832 : i32
    %dma_wait3A_537 = tpu.memref_slice %arg14[%dma_wait3A_536] : memref<1024xf32, #tpu.memory_space<vmem>> -> memref<64xf32, #tpu.memory_space<vmem>>
    %dma_wait3A_538 = tpu.memref_slice %arg20[%add3A_323] : memref<16384xf32, #tpu.memory_space<vmem_shared>> -> memref<64xf32, #tpu.memory_space<vmem_shared>>
    %dma_wait3A_539 = tpu.memref_slice %arg20[%add3A_323] : memref<16384xf32, #tpu.memory_space<vmem_shared>> -> memref<64xf32, #tpu.memory_space<vmem_shared>>
    %dma_wait3A_540 = arith.constant 832 : i32
    %dma_wait3A_541 = tpu.memref_slice %arg14[%dma_wait3A_540] : memref<1024xf32, #tpu.memory_space<vmem>> -> memref<64xf32, #tpu.memory_space<vmem>>
    tpu.wait_dma2 semaphore(%arg24 : memref<!tpu.dma_semaphore, #tpu.memory_space<semaphore_mem>>) src(%dma_wait3A_541 : memref<64xf32, #tpu.memory_space<vmem>>) dst(%dma_wait3A_539 : memref<64xf32, #tpu.memory_space<vmem_shared>>)
    %dma_wait3A_542 = arith.constant 832 : i32
    %dma_wait3A_543 = tpu.memref_slice %arg13[%dma_wait3A_542] : memref<1024xf32, #tpu.memory_space<vmem>> -> memref<64xf32, #tpu.memory_space<vmem>>
    %dma_wait3A_544 = tpu.memref_slice %arg21[%add3A_333] : memref<16384xf32, #tpu.memory_space<vmem_shared>> -> memref<64xf32, #tpu.memory_space<vmem_shared>>
    %dma_wait3A_545 = tpu.memref_slice %arg21[%add3A_333] : memref<16384xf32, #tpu.memory_space<vmem_shared>> -> memref<64xf32, #tpu.memory_space<vmem_shared>>
    %dma_wait3A_546 = arith.constant 832 : i32
    %dma_wait3A_547 = tpu.memref_slice %arg13[%dma_wait3A_546] : memref<1024xf32, #tpu.memory_space<vmem>> -> memref<64xf32, #tpu.memory_space<vmem>>
    tpu.wait_dma2 semaphore(%arg24 : memref<!tpu.dma_semaphore, #tpu.memory_space<semaphore_mem>>) src(%dma_wait3A_547 : memref<64xf32, #tpu.memory_space<vmem>>) dst(%dma_wait3A_545 : memref<64xf32, #tpu.memory_space<vmem_shared>>)
    %dma_wait3A_548 = arith.constant 896 : i32
    %dma_wait3A_549 = tpu.memref_slice %arg14[%dma_wait3A_548] : memref<1024xf32, #tpu.memory_space<vmem>> -> memref<64xf32, #tpu.memory_space<vmem>>
    %dma_wait3A_550 = tpu.memref_slice %arg20[%add3A_343] : memref<16384xf32, #tpu.memory_space<vmem_shared>> -> memref<64xf32, #tpu.memory_space<vmem_shared>>
    %dma_wait3A_551 = tpu.memref_slice %arg20[%add3A_343] : memref<16384xf32, #tpu.memory_space<vmem_shared>> -> memref<64xf32, #tpu.memory_space<vmem_shared>>
    %dma_wait3A_552 = arith.constant 896 : i32
    %dma_wait3A_553 = tpu.memref_slice %arg14[%dma_wait3A_552] : memref<1024xf32, #tpu.memory_space<vmem>> -> memref<64xf32, #tpu.memory_space<vmem>>
    tpu.wait_dma2 semaphore(%arg24 : memref<!tpu.dma_semaphore, #tpu.memory_space<semaphore_mem>>) src(%dma_wait3A_553 : memref<64xf32, #tpu.memory_space<vmem>>) dst(%dma_wait3A_551 : memref<64xf32, #tpu.memory_space<vmem_shared>>)
    %dma_wait3A_554 = arith.constant 896 : i32
    %dma_wait3A_555 = tpu.memref_slice %arg13[%dma_wait3A_554] : memref<1024xf32, #tpu.memory_space<vmem>> -> memref<64xf32, #tpu.memory_space<vmem>>
    %dma_wait3A_556 = tpu.memref_slice %arg21[%add3A_353] : memref<16384xf32, #tpu.memory_space<vmem_shared>> -> memref<64xf32, #tpu.memory_space<vmem_shared>>
    %dma_wait3A_557 = tpu.memref_slice %arg21[%add3A_353] : memref<16384xf32, #tpu.memory_space<vmem_shared>> -> memref<64xf32, #tpu.memory_space<vmem_shared>>
    %dma_wait3A_558 = arith.constant 896 : i32
    %dma_wait3A_559 = tpu.memref_slice %arg13[%dma_wait3A_558] : memref<1024xf32, #tpu.memory_space<vmem>> -> memref<64xf32, #tpu.memory_space<vmem>>
    tpu.wait_dma2 semaphore(%arg24 : memref<!tpu.dma_semaphore, #tpu.memory_space<semaphore_mem>>) src(%dma_wait3A_559 : memref<64xf32, #tpu.memory_space<vmem>>) dst(%dma_wait3A_557 : memref<64xf32, #tpu.memory_space<vmem_shared>>)
    %dma_wait3A_560 = arith.constant 960 : i32
    %dma_wait3A_561 = tpu.memref_slice %arg14[%dma_wait3A_560] : memref<1024xf32, #tpu.memory_space<vmem>> -> memref<64xf32, #tpu.memory_space<vmem>>
    %dma_wait3A_562 = tpu.memref_slice %arg20[%add3A_363] : memref<16384xf32, #tpu.memory_space<vmem_shared>> -> memref<64xf32, #tpu.memory_space<vmem_shared>>
    %dma_wait3A_563 = tpu.memref_slice %arg20[%add3A_363] : memref<16384xf32, #tpu.memory_space<vmem_shared>> -> memref<64xf32, #tpu.memory_space<vmem_shared>>
    %dma_wait3A_564 = arith.constant 960 : i32
    %dma_wait3A_565 = tpu.memref_slice %arg14[%dma_wait3A_564] : memref<1024xf32, #tpu.memory_space<vmem>> -> memref<64xf32, #tpu.memory_space<vmem>>
    tpu.wait_dma2 semaphore(%arg24 : memref<!tpu.dma_semaphore, #tpu.memory_space<semaphore_mem>>) src(%dma_wait3A_565 : memref<64xf32, #tpu.memory_space<vmem>>) dst(%dma_wait3A_563 : memref<64xf32, #tpu.memory_space<vmem_shared>>)
    %dma_wait3A_566 = arith.constant 960 : i32
    %dma_wait3A_567 = tpu.memref_slice %arg13[%dma_wait3A_566] : memref<1024xf32, #tpu.memory_space<vmem>> -> memref<64xf32, #tpu.memory_space<vmem>>
    %dma_wait3A_568 = tpu.memref_slice %arg21[%add3A_373] : memref<16384xf32, #tpu.memory_space<vmem_shared>> -> memref<64xf32, #tpu.memory_space<vmem_shared>>
    %dma_wait3A_569 = tpu.memref_slice %arg21[%add3A_373] : memref<16384xf32, #tpu.memory_space<vmem_shared>> -> memref<64xf32, #tpu.memory_space<vmem_shared>>
    %dma_wait3A_570 = arith.constant 960 : i32
    %dma_wait3A_571 = tpu.memref_slice %arg13[%dma_wait3A_570] : memref<1024xf32, #tpu.memory_space<vmem>> -> memref<64xf32, #tpu.memory_space<vmem>>
    tpu.wait_dma2 semaphore(%arg24 : memref<!tpu.dma_semaphore, #tpu.memory_space<semaphore_mem>>) src(%dma_wait3A_571 : memref<64xf32, #tpu.memory_space<vmem>>) dst(%dma_wait3A_569 : memref<64xf32, #tpu.memory_space<vmem_shared>>)
    %barrier3A = arith.constant 0 : index
    tpu.barrier barrier_id(%barrier3A)
    "tpu.region"() ({
      %run_scoped3A = tpu.sem_alloc : memref<!tpu.dma_semaphore, #tpu.memory_space<semaphore_mem>>
      tpu.enqueue_dma source(%arg22 : memref<256xf32, #tpu.memory_space<vmem_shared>>) target(%arg16 : memref<256xf32, #tpu.memory_space<vmem>>) target_semaphore(%run_scoped3A : memref<!tpu.dma_semaphore, #tpu.memory_space<semaphore_mem>>)
      tpu.wait_dma2 semaphore(%run_scoped3A : memref<!tpu.dma_semaphore, #tpu.memory_space<semaphore_mem>>) src(%arg22 : memref<256xf32, #tpu.memory_space<vmem_shared>>) dst(%arg16 : memref<256xf32, #tpu.memory_space<vmem>>)
      tpu.yield
    }) : () -> ()
    %get3A = arith.constant 0 : index
    %get3A_572 = tpu.vector_load %arg16[%get3A] {strides = array<i32>} : memref<256xf32, #tpu.memory_space<vmem>>, vector<16xf32>,
    %slice3A = vector.extract_strided_slice %get3A_572 {offsets = [0], sizes = [1], strides = [1]} : vector<16xf32> to vector<1xf32>
    %squeeze3A = vector.extract %slice3A[0] : f32 from vector<1xf32>
    %add3A_573 = arith.constant 0.000000e+00 : f32
    %add3A_574 = arith.addf %add3A_573, %squeeze3A : f32
    %slice3A_575 = vector.extract_strided_slice %get3A_572 {offsets = [1], sizes = [1], strides = [1]} : vector<16xf32> to vector<1xf32>
    %squeeze3A_576 = vector.extract %slice3A_575[0] : f32 from vector<1xf32>
    %add3A_577 = arith.constant 0.000000e+00 : f32
    %add3A_578 = arith.addf %add3A_577, %squeeze3A_576 : f32
    %slice3A_579 = vector.extract_strided_slice %get3A_572 {offsets = [2], sizes = [1], strides = [1]} : vector<16xf32> to vector<1xf32>
    %squeeze3A_580 = vector.extract %slice3A_579[0] : f32 from vector<1xf32>
    %add3A_581 = arith.constant 0.000000e+00 : f32
    %add3A_582 = arith.addf %add3A_581, %squeeze3A_580 : f32
    %get3A_583 = arith.constant 16 : index
    %get3A_584 = tpu.vector_load %arg16[%get3A_583] {strides = array<i32>} : memref<256xf32, #tpu.memory_space<vmem>>, vector<16xf32>,
    %slice3A_585 = vector.extract_strided_slice %get3A_584 {offsets = [0], sizes = [1], strides = [1]} : vector<16xf32> to vector<1xf32>
    %squeeze3A_586 = vector.extract %slice3A_585[0] : f32 from vector<1xf32>
    %add3A_587 = arith.addf %add3A_574, %squeeze3A_586 : f32
    %slice3A_588 = vector.extract_strided_slice %get3A_584 {offsets = [1], sizes = [1], strides = [1]} : vector<16xf32> to vector<1xf32>
    %squeeze3A_589 = vector.extract %slice3A_588[0] : f32 from vector<1xf32>
    %add3A_590 = arith.addf %add3A_578, %squeeze3A_589 : f32
    %slice3A_591 = vector.extract_strided_slice %get3A_584 {offsets = [2], sizes = [1], strides = [1]} : vector<16xf32> to vector<1xf32>
    %squeeze3A_592 = vector.extract %slice3A_591[0] : f32 from vector<1xf32>
    %add3A_593 = arith.addf %add3A_582, %squeeze3A_592 : f32
    %get3A_594 = arith.constant 32 : index
    %get3A_595 = tpu.vector_load %arg16[%get3A_594] {strides = array<i32>} : memref<256xf32, #tpu.memory_space<vmem>>, vector<16xf32>,
    %slice3A_596 = vector.extract_strided_slice %get3A_595 {offsets = [0], sizes = [1], strides = [1]} : vector<16xf32> to vector<1xf32>
    %squeeze3A_597 = vector.extract %slice3A_596[0] : f32 from vector<1xf32>
    %add3A_598 = arith.addf %add3A_587, %squeeze3A_597 : f32
    %slice3A_599 = vector.extract_strided_slice %get3A_595 {offsets = [1], sizes = [1], strides = [1]} : vector<16xf32> to vector<1xf32>
    %squeeze3A_600 = vector.extract %slice3A_599[0] : f32 from vector<1xf32>
    %add3A_601 = arith.addf %add3A_590, %squeeze3A_600 : f32
    %slice3A_602 = vector.extract_strided_slice %get3A_595 {offsets = [2], sizes = [1], strides = [1]} : vector<16xf32> to vector<1xf32>
    %squeeze3A_603 = vector.extract %slice3A_602[0] : f32 from vector<1xf32>
    %add3A_604 = arith.addf %add3A_593, %squeeze3A_603 : f32
    %get3A_605 = arith.constant 48 : index
    %get3A_606 = tpu.vector_load %arg16[%get3A_605] {strides = array<i32>} : memref<256xf32, #tpu.memory_space<vmem>>, vector<16xf32>,
    %slice3A_607 = vector.extract_strided_slice %get3A_606 {offsets = [0], sizes = [1], strides = [1]} : vector<16xf32> to vector<1xf32>
    %squeeze3A_608 = vector.extract %slice3A_607[0] : f32 from vector<1xf32>
    %add3A_609 = arith.addf %add3A_598, %squeeze3A_608 : f32
    %slice3A_610 = vector.extract_strided_slice %get3A_606 {offsets = [1], sizes = [1], strides = [1]} : vector<16xf32> to vector<1xf32>
    %squeeze3A_611 = vector.extract %slice3A_610[0] : f32 from vector<1xf32>
    %add3A_612 = arith.addf %add3A_601, %squeeze3A_611 : f32
    %slice3A_613 = vector.extract_strided_slice %get3A_606 {offsets = [2], sizes = [1], strides = [1]} : vector<16xf32> to vector<1xf32>
    %squeeze3A_614 = vector.extract %slice3A_613[0] : f32 from vector<1xf32>
    %add3A_615 = arith.addf %add3A_604, %squeeze3A_614 : f32
    %get3A_616 = arith.constant 64 : index
    %get3A_617 = tpu.vector_load %arg16[%get3A_616] {strides = array<i32>} : memref<256xf32, #tpu.memory_space<vmem>>, vector<16xf32>,
    %slice3A_618 = vector.extract_strided_slice %get3A_617 {offsets = [0], sizes = [1], strides = [1]} : vector<16xf32> to vector<1xf32>
    %squeeze3A_619 = vector.extract %slice3A_618[0] : f32 from vector<1xf32>
    %add3A_620 = arith.addf %add3A_609, %squeeze3A_619 : f32
    %slice3A_621 = vector.extract_strided_slice %get3A_617 {offsets = [1], sizes = [1], strides = [1]} : vector<16xf32> to vector<1xf32>
    %squeeze3A_622 = vector.extract %slice3A_621[0] : f32 from vector<1xf32>
    %add3A_623 = arith.addf %add3A_612, %squeeze3A_622 : f32
    %slice3A_624 = vector.extract_strided_slice %get3A_617 {offsets = [2], sizes = [1], strides = [1]} : vector<16xf32> to vector<1xf32>
    %squeeze3A_625 = vector.extract %slice3A_624[0] : f32 from vector<1xf32>
    %add3A_626 = arith.addf %add3A_615, %squeeze3A_625 : f32
    %get3A_627 = arith.constant 80 : index
    %get3A_628 = tpu.vector_load %arg16[%get3A_627] {strides = array<i32>} : memref<256xf32, #tpu.memory_space<vmem>>, vector<16xf32>,
    %slice3A_629 = vector.extract_strided_slice %get3A_628 {offsets = [0], sizes = [1], strides = [1]} : vector<16xf32> to vector<1xf32>
    %squeeze3A_630 = vector.extract %slice3A_629[0] : f32 from vector<1xf32>
    %add3A_631 = arith.addf %add3A_620, %squeeze3A_630 : f32
    %slice3A_632 = vector.extract_strided_slice %get3A_628 {offsets = [1], sizes = [1], strides = [1]} : vector<16xf32> to vector<1xf32>
    %squeeze3A_633 = vector.extract %slice3A_632[0] : f32 from vector<1xf32>
    %add3A_634 = arith.addf %add3A_623, %squeeze3A_633 : f32
    %slice3A_635 = vector.extract_strided_slice %get3A_628 {offsets = [2], sizes = [1], strides = [1]} : vector<16xf32> to vector<1xf32>
    %squeeze3A_636 = vector.extract %slice3A_635[0] : f32 from vector<1xf32>
    %add3A_637 = arith.addf %add3A_626, %squeeze3A_636 : f32
    %get3A_638 = arith.constant 96 : index
    %get3A_639 = tpu.vector_load %arg16[%get3A_638] {strides = array<i32>} : memref<256xf32, #tpu.memory_space<vmem>>, vector<16xf32>,
    %slice3A_640 = vector.extract_strided_slice %get3A_639 {offsets = [0], sizes = [1], strides = [1]} : vector<16xf32> to vector<1xf32>
    %squeeze3A_641 = vector.extract %slice3A_640[0] : f32 from vector<1xf32>
    %add3A_642 = arith.addf %add3A_631, %squeeze3A_641 : f32
    %slice3A_643 = vector.extract_strided_slice %get3A_639 {offsets = [1], sizes = [1], strides = [1]} : vector<16xf32> to vector<1xf32>
    %squeeze3A_644 = vector.extract %slice3A_643[0] : f32 from vector<1xf32>
    %add3A_645 = arith.addf %add3A_634, %squeeze3A_644 : f32
    %slice3A_646 = vector.extract_strided_slice %get3A_639 {offsets = [2], sizes = [1], strides = [1]} : vector<16xf32> to vector<1xf32>
    %squeeze3A_647 = vector.extract %slice3A_646[0] : f32 from vector<1xf32>
    %add3A_648 = arith.addf %add3A_637, %squeeze3A_647 : f32
    %get3A_649 = arith.constant 112 : index
    %get3A_650 = tpu.vector_load %arg16[%get3A_649] {strides = array<i32>} : memref<256xf32, #tpu.memory_space<vmem>>, vector<16xf32>,
    %slice3A_651 = vector.extract_strided_slice %get3A_650 {offsets = [0], sizes = [1], strides = [1]} : vector<16xf32> to vector<1xf32>
    %squeeze3A_652 = vector.extract %slice3A_651[0] : f32 from vector<1xf32>
    %add3A_653 = arith.addf %add3A_642, %squeeze3A_652 : f32
    %slice3A_654 = vector.extract_strided_slice %get3A_650 {offsets = [1], sizes = [1], strides = [1]} : vector<16xf32> to vector<1xf32>
    %squeeze3A_655 = vector.extract %slice3A_654[0] : f32 from vector<1xf32>
    %add3A_656 = arith.addf %add3A_645, %squeeze3A_655 : f32
    %slice3A_657 = vector.extract_strided_slice %get3A_650 {offsets = [2], sizes = [1], strides = [1]} : vector<16xf32> to vector<1xf32>
    %squeeze3A_658 = vector.extract %slice3A_657[0] : f32 from vector<1xf32>
    %add3A_659 = arith.addf %add3A_648, %squeeze3A_658 : f32
    %get3A_660 = arith.constant 128 : index
    %get3A_661 = tpu.vector_load %arg16[%get3A_660] {strides = array<i32>} : memref<256xf32, #tpu.memory_space<vmem>>, vector<16xf32>,
    %slice3A_662 = vector.extract_strided_slice %get3A_661 {offsets = [0], sizes = [1], strides = [1]} : vector<16xf32> to vector<1xf32>
    %squeeze3A_663 = vector.extract %slice3A_662[0] : f32 from vector<1xf32>
    %add3A_664 = arith.addf %add3A_653, %squeeze3A_663 : f32
    %slice3A_665 = vector.extract_strided_slice %get3A_661 {offsets = [1], sizes = [1], strides = [1]} : vector<16xf32> to vector<1xf32>
    %squeeze3A_666 = vector.extract %slice3A_665[0] : f32 from vector<1xf32>
    %add3A_667 = arith.addf %add3A_656, %squeeze3A_666 : f32
    %slice3A_668 = vector.extract_strided_slice %get3A_661 {offsets = [2], sizes = [1], strides = [1]} : vector<16xf32> to vector<1xf32>
    %squeeze3A_669 = vector.extract %slice3A_668[0] : f32 from vector<1xf32>
    %add3A_670 = arith.addf %add3A_659, %squeeze3A_669 : f32
    %get3A_671 = arith.constant 144 : index
    %get3A_672 = tpu.vector_load %arg16[%get3A_671] {strides = array<i32>} : memref<256xf32, #tpu.memory_space<vmem>>, vector<16xf32>,
    %slice3A_673 = vector.extract_strided_slice %get3A_672 {offsets = [0], sizes = [1], strides = [1]} : vector<16xf32> to vector<1xf32>
    %squeeze3A_674 = vector.extract %slice3A_673[0] : f32 from vector<1xf32>
    %add3A_675 = arith.addf %add3A_664, %squeeze3A_674 : f32
    %slice3A_676 = vector.extract_strided_slice %get3A_672 {offsets = [1], sizes = [1], strides = [1]} : vector<16xf32> to vector<1xf32>
    %squeeze3A_677 = vector.extract %slice3A_676[0] : f32 from vector<1xf32>
    %add3A_678 = arith.addf %add3A_667, %squeeze3A_677 : f32
    %slice3A_679 = vector.extract_strided_slice %get3A_672 {offsets = [2], sizes = [1], strides = [1]} : vector<16xf32> to vector<1xf32>
    %squeeze3A_680 = vector.extract %slice3A_679[0] : f32 from vector<1xf32>
    %add3A_681 = arith.addf %add3A_670, %squeeze3A_680 : f32
    %get3A_682 = arith.constant 160 : index
    %get3A_683 = tpu.vector_load %arg16[%get3A_682] {strides = array<i32>} : memref<256xf32, #tpu.memory_space<vmem>>, vector<16xf32>,
    %slice3A_684 = vector.extract_strided_slice %get3A_683 {offsets = [0], sizes = [1], strides = [1]} : vector<16xf32> to vector<1xf32>
    %squeeze3A_685 = vector.extract %slice3A_684[0] : f32 from vector<1xf32>
    %add3A_686 = arith.addf %add3A_675, %squeeze3A_685 : f32
    %slice3A_687 = vector.extract_strided_slice %get3A_683 {offsets = [1], sizes = [1], strides = [1]} : vector<16xf32> to vector<1xf32>
    %squeeze3A_688 = vector.extract %slice3A_687[0] : f32 from vector<1xf32>
    %add3A_689 = arith.addf %add3A_678, %squeeze3A_688 : f32
    %slice3A_690 = vector.extract_strided_slice %get3A_683 {offsets = [2], sizes = [1], strides = [1]} : vector<16xf32> to vector<1xf32>
    %squeeze3A_691 = vector.extract %slice3A_690[0] : f32 from vector<1xf32>
    %add3A_692 = arith.addf %add3A_681, %squeeze3A_691 : f32
    %get3A_693 = arith.constant 176 : index
    %get3A_694 = tpu.vector_load %arg16[%get3A_693] {strides = array<i32>} : memref<256xf32, #tpu.memory_space<vmem>>, vector<16xf32>,
    %slice3A_695 = vector.extract_strided_slice %get3A_694 {offsets = [0], sizes = [1], strides = [1]} : vector<16xf32> to vector<1xf32>
    %squeeze3A_696 = vector.extract %slice3A_695[0] : f32 from vector<1xf32>
    %add3A_697 = arith.addf %add3A_686, %squeeze3A_696 : f32
    %slice3A_698 = vector.extract_strided_slice %get3A_694 {offsets = [1], sizes = [1], strides = [1]} : vector<16xf32> to vector<1xf32>
    %squeeze3A_699 = vector.extract %slice3A_698[0] : f32 from vector<1xf32>
    %add3A_700 = arith.addf %add3A_689, %squeeze3A_699 : f32
    %slice3A_701 = vector.extract_strided_slice %get3A_694 {offsets = [2], sizes = [1], strides = [1]} : vector<16xf32> to vector<1xf32>
    %squeeze3A_702 = vector.extract %slice3A_701[0] : f32 from vector<1xf32>
    %add3A_703 = arith.addf %add3A_692, %squeeze3A_702 : f32
    %get3A_704 = arith.constant 192 : index
    %get3A_705 = tpu.vector_load %arg16[%get3A_704] {strides = array<i32>} : memref<256xf32, #tpu.memory_space<vmem>>, vector<16xf32>,
    %slice3A_706 = vector.extract_strided_slice %get3A_705 {offsets = [0], sizes = [1], strides = [1]} : vector<16xf32> to vector<1xf32>
    %squeeze3A_707 = vector.extract %slice3A_706[0] : f32 from vector<1xf32>
    %add3A_708 = arith.addf %add3A_697, %squeeze3A_707 : f32
    %slice3A_709 = vector.extract_strided_slice %get3A_705 {offsets = [1], sizes = [1], strides = [1]} : vector<16xf32> to vector<1xf32>
    %squeeze3A_710 = vector.extract %slice3A_709[0] : f32 from vector<1xf32>
    %add3A_711 = arith.addf %add3A_700, %squeeze3A_710 : f32
    %slice3A_712 = vector.extract_strided_slice %get3A_705 {offsets = [2], sizes = [1], strides = [1]} : vector<16xf32> to vector<1xf32>
    %squeeze3A_713 = vector.extract %slice3A_712[0] : f32 from vector<1xf32>
    %add3A_714 = arith.addf %add3A_703, %squeeze3A_713 : f32
    %get3A_715 = arith.constant 208 : index
    %get3A_716 = tpu.vector_load %arg16[%get3A_715] {strides = array<i32>} : memref<256xf32, #tpu.memory_space<vmem>>, vector<16xf32>,
    %slice3A_717 = vector.extract_strided_slice %get3A_716 {offsets = [0], sizes = [1], strides = [1]} : vector<16xf32> to vector<1xf32>
    %squeeze3A_718 = vector.extract %slice3A_717[0] : f32 from vector<1xf32>
    %add3A_719 = arith.addf %add3A_708, %squeeze3A_718 : f32
    %slice3A_720 = vector.extract_strided_slice %get3A_716 {offsets = [1], sizes = [1], strides = [1]} : vector<16xf32> to vector<1xf32>
    %squeeze3A_721 = vector.extract %slice3A_720[0] : f32 from vector<1xf32>
    %add3A_722 = arith.addf %add3A_711, %squeeze3A_721 : f32
    %slice3A_723 = vector.extract_strided_slice %get3A_716 {offsets = [2], sizes = [1], strides = [1]} : vector<16xf32> to vector<1xf32>
    %squeeze3A_724 = vector.extract %slice3A_723[0] : f32 from vector<1xf32>
    %add3A_725 = arith.addf %add3A_714, %squeeze3A_724 : f32
    %get3A_726 = arith.constant 224 : index
    %get3A_727 = tpu.vector_load %arg16[%get3A_726] {strides = array<i32>} : memref<256xf32, #tpu.memory_space<vmem>>, vector<16xf32>,
    %slice3A_728 = vector.extract_strided_slice %get3A_727 {offsets = [0], sizes = [1], strides = [1]} : vector<16xf32> to vector<1xf32>
    %squeeze3A_729 = vector.extract %slice3A_728[0] : f32 from vector<1xf32>
    %add3A_730 = arith.addf %add3A_719, %squeeze3A_729 : f32
    %slice3A_731 = vector.extract_strided_slice %get3A_727 {offsets = [1], sizes = [1], strides = [1]} : vector<16xf32> to vector<1xf32>
    %squeeze3A_732 = vector.extract %slice3A_731[0] : f32 from vector<1xf32>
    %add3A_733 = arith.addf %add3A_722, %squeeze3A_732 : f32
    %slice3A_734 = vector.extract_strided_slice %get3A_727 {offsets = [2], sizes = [1], strides = [1]} : vector<16xf32> to vector<1xf32>
    %squeeze3A_735 = vector.extract %slice3A_734[0] : f32 from vector<1xf32>
    %add3A_736 = arith.addf %add3A_725, %squeeze3A_735 : f32
    %get3A_737 = arith.constant 240 : index
    %get3A_738 = tpu.vector_load %arg16[%get3A_737] {strides = array<i32>} : memref<256xf32, #tpu.memory_space<vmem>>, vector<16xf32>,
    %slice3A_739 = vector.extract_strided_slice %get3A_738 {offsets = [0], sizes = [1], strides = [1]} : vector<16xf32> to vector<1xf32>
    %squeeze3A_740 = vector.extract %slice3A_739[0] : f32 from vector<1xf32>
    %add3A_741 = arith.addf %add3A_730, %squeeze3A_740 : f32
    %slice3A_742 = vector.extract_strided_slice %get3A_738 {offsets = [1], sizes = [1], strides = [1]} : vector<16xf32> to vector<1xf32>
    %squeeze3A_743 = vector.extract %slice3A_742[0] : f32 from vector<1xf32>
    %add3A_744 = arith.addf %add3A_733, %squeeze3A_743 : f32
    %slice3A_745 = vector.extract_strided_slice %get3A_738 {offsets = [2], sizes = [1], strides = [1]} : vector<16xf32> to vector<1xf32>
    %squeeze3A_746 = vector.extract %slice3A_745[0] : f32 from vector<1xf32>
    %add3A_747 = arith.addf %add3A_736, %squeeze3A_746 : f32
    %mul3A_748 = arith.constant 1024 : i32
    %mul3A_749 = arith.muli %arg1, %mul3A_748 : i32
    "tpu.region"() ({
      %run_scoped3A = tpu.sem_alloc : memref<!tpu.dma_semaphore, #tpu.memory_space<semaphore_mem>>
      %dma_start3A_1535 = tpu.memref_slice %arg20[%mul3A_749] : memref<16384xf32, #tpu.memory_space<vmem_shared>> -> memref<1024xf32, #tpu.memory_space<vmem_shared>>
      %dma_start3A_1536 = tpu.memref_slice %arg20[%mul3A_749] : memref<16384xf32, #tpu.memory_space<vmem_shared>> -> memref<1024xf32, #tpu.memory_space<vmem_shared>>
      tpu.enqueue_dma source(%dma_start3A_1536 : memref<1024xf32, #tpu.memory_space<vmem_shared>>) target(%arg17 : memref<1024xf32, #tpu.memory_space<vmem>>) target_semaphore(%run_scoped3A : memref<!tpu.dma_semaphore, #tpu.memory_space<semaphore_mem>>)
      %dma_wait3A_1537 = tpu.memref_slice %arg20[%mul3A_749] : memref<16384xf32, #tpu.memory_space<vmem_shared>> -> memref<1024xf32, #tpu.memory_space<vmem_shared>>
      %dma_wait3A_1538 = tpu.memref_slice %arg20[%mul3A_749] : memref<16384xf32, #tpu.memory_space<vmem_shared>> -> memref<1024xf32, #tpu.memory_space<vmem_shared>>
      tpu.wait_dma2 semaphore(%run_scoped3A : memref<!tpu.dma_semaphore, #tpu.memory_space<semaphore_mem>>) src(%dma_wait3A_1538 : memref<1024xf32, #tpu.memory_space<vmem_shared>>) dst(%arg17 : memref<1024xf32, #tpu.memory_space<vmem>>)
      tpu.yield
    }) : () -> ()
    %mul3A_750 = arith.constant 1024 : i32
    %mul3A_751 = arith.muli %arg1, %mul3A_750 : i32
    "tpu.region"() ({
      %run_scoped3A = tpu.sem_alloc : memref<!tpu.dma_semaphore, #tpu.memory_space<semaphore_mem>>
      %dma_start3A_1535 = tpu.memref_slice %arg21[%mul3A_751] : memref<16384xf32, #tpu.memory_space<vmem_shared>> -> memref<1024xf32, #tpu.memory_space<vmem_shared>>
      %dma_start3A_1536 = tpu.memref_slice %arg21[%mul3A_751] : memref<16384xf32, #tpu.memory_space<vmem_shared>> -> memref<1024xf32, #tpu.memory_space<vmem_shared>>
      tpu.enqueue_dma source(%dma_start3A_1536 : memref<1024xf32, #tpu.memory_space<vmem_shared>>) target(%arg18 : memref<1024xf32, #tpu.memory_space<vmem>>) target_semaphore(%run_scoped3A : memref<!tpu.dma_semaphore, #tpu.memory_space<semaphore_mem>>)
      %dma_wait3A_1537 = tpu.memref_slice %arg21[%mul3A_751] : memref<16384xf32, #tpu.memory_space<vmem_shared>> -> memref<1024xf32, #tpu.memory_space<vmem_shared>>
      %dma_wait3A_1538 = tpu.memref_slice %arg21[%mul3A_751] : memref<16384xf32, #tpu.memory_space<vmem_shared>> -> memref<1024xf32, #tpu.memory_space<vmem_shared>>
      tpu.wait_dma2 semaphore(%run_scoped3A : memref<!tpu.dma_semaphore, #tpu.memory_space<semaphore_mem>>) src(%dma_wait3A_1538 : memref<1024xf32, #tpu.memory_space<vmem_shared>>) dst(%arg18 : memref<1024xf32, #tpu.memory_space<vmem>>)
      tpu.yield
    }) : () -> ()
    %get3A_752 = arith.constant 0 : index
    %get3A_753 = tpu.vector_load %arg17[%get3A_752] {strides = array<i32>} : memref<1024xf32, #tpu.memory_space<vmem>>, vector<16xf32>,
    %add3A_754 = arith.constant 0.000000e+00 : f32
    %add3A_755 = vector.broadcast %add3A_754 : f32 to vector<16xf32>
    %add3A_756 = arith.addf %get3A_753, %add3A_755 : vector<16xf32>
    %get3A_757 = arith.constant 0 : index
    %get3A_758 = tpu.vector_load %arg18[%get3A_757] {strides = array<i32>} : memref<1024xf32, #tpu.memory_space<vmem>>, vector<16xf32>,
    %get3A_759 = arith.constant 64 : index
    %get3A_760 = tpu.vector_load %arg17[%get3A_759] {strides = array<i32>} : memref<1024xf32, #tpu.memory_space<vmem>>, vector<16xf32>,
    %add3A_761 = vector.broadcast %add3A_574 : f32 to vector<16xf32>
    %add3A_762 = arith.addf %get3A_760, %add3A_761 : vector<16xf32>
    %max3A = arith.maximumf %add3A_756, %add3A_762 : vector<16xf32>
    %get3A_763 = arith.constant 64 : index
    %get3A_764 = tpu.vector_load %arg18[%get3A_763] {strides = array<i32>} : memref<1024xf32, #tpu.memory_space<vmem>>, vector<16xf32>,
    %add3A_765 = arith.addf %get3A_758, %get3A_764 : vector<16xf32>
    %get3A_766 = arith.constant 128 : index
    %get3A_767 = tpu.vector_load %arg17[%get3A_766] {strides = array<i32>} : memref<1024xf32, #tpu.memory_space<vmem>>, vector<16xf32>,
    %add3A_768 = vector.broadcast %add3A_587 : f32 to vector<16xf32>
    %add3A_769 = arith.addf %get3A_767, %add3A_768 : vector<16xf32>
    %max3A_770 = arith.maximumf %max3A, %add3A_769 : vector<16xf32>
    %get3A_771 = arith.constant 128 : index
    %get3A_772 = tpu.vector_load %arg18[%get3A_771] {strides = array<i32>} : memref<1024xf32, #tpu.memory_space<vmem>>, vector<16xf32>,
    %add3A_773 = arith.addf %add3A_765, %get3A_772 : vector<16xf32>
    %get3A_774 = arith.constant 192 : index
    %get3A_775 = tpu.vector_load %arg17[%get3A_774] {strides = array<i32>} : memref<1024xf32, #tpu.memory_space<vmem>>, vector<16xf32>,
    %add3A_776 = vector.broadcast %add3A_598 : f32 to vector<16xf32>
    %add3A_777 = arith.addf %get3A_775, %add3A_776 : vector<16xf32>
    %max3A_778 = arith.maximumf %max3A_770, %add3A_777 : vector<16xf32>
    %get3A_779 = arith.constant 192 : index
    %get3A_780 = tpu.vector_load %arg18[%get3A_779] {strides = array<i32>} : memref<1024xf32, #tpu.memory_space<vmem>>, vector<16xf32>,
    %add3A_781 = arith.addf %add3A_773, %get3A_780 : vector<16xf32>
    %get3A_782 = arith.constant 256 : index
    %get3A_783 = tpu.vector_load %arg17[%get3A_782] {strides = array<i32>} : memref<1024xf32, #tpu.memory_space<vmem>>, vector<16xf32>,
    %add3A_784 = vector.broadcast %add3A_609 : f32 to vector<16xf32>
    %add3A_785 = arith.addf %get3A_783, %add3A_784 : vector<16xf32>
    %max3A_786 = arith.maximumf %max3A_778, %add3A_785 : vector<16xf32>
    %get3A_787 = arith.constant 256 : index
    %get3A_788 = tpu.vector_load %arg18[%get3A_787] {strides = array<i32>} : memref<1024xf32, #tpu.memory_space<vmem>>, vector<16xf32>,
    %add3A_789 = arith.addf %add3A_781, %get3A_788 : vector<16xf32>
    %get3A_790 = arith.constant 320 : index
    %get3A_791 = tpu.vector_load %arg17[%get3A_790] {strides = array<i32>} : memref<1024xf32, #tpu.memory_space<vmem>>, vector<16xf32>,
    %add3A_792 = vector.broadcast %add3A_620 : f32 to vector<16xf32>
    %add3A_793 = arith.addf %get3A_791, %add3A_792 : vector<16xf32>
    %max3A_794 = arith.maximumf %max3A_786, %add3A_793 : vector<16xf32>
    %get3A_795 = arith.constant 320 : index
    %get3A_796 = tpu.vector_load %arg18[%get3A_795] {strides = array<i32>} : memref<1024xf32, #tpu.memory_space<vmem>>, vector<16xf32>,
    %add3A_797 = arith.addf %add3A_789, %get3A_796 : vector<16xf32>
    %get3A_798 = arith.constant 384 : index
    %get3A_799 = tpu.vector_load %arg17[%get3A_798] {strides = array<i32>} : memref<1024xf32, #tpu.memory_space<vmem>>, vector<16xf32>,
    %add3A_800 = vector.broadcast %add3A_631 : f32 to vector<16xf32>
    %add3A_801 = arith.addf %get3A_799, %add3A_800 : vector<16xf32>
    %max3A_802 = arith.maximumf %max3A_794, %add3A_801 : vector<16xf32>
    %get3A_803 = arith.constant 384 : index
    %get3A_804 = tpu.vector_load %arg18[%get3A_803] {strides = array<i32>} : memref<1024xf32, #tpu.memory_space<vmem>>, vector<16xf32>,
    %add3A_805 = arith.addf %add3A_797, %get3A_804 : vector<16xf32>
    %get3A_806 = arith.constant 448 : index
    %get3A_807 = tpu.vector_load %arg17[%get3A_806] {strides = array<i32>} : memref<1024xf32, #tpu.memory_space<vmem>>, vector<16xf32>,
    %add3A_808 = vector.broadcast %add3A_642 : f32 to vector<16xf32>
    %add3A_809 = arith.addf %get3A_807, %add3A_808 : vector<16xf32>
    %max3A_810 = arith.maximumf %max3A_802, %add3A_809 : vector<16xf32>
    %get3A_811 = arith.constant 448 : index
    %get3A_812 = tpu.vector_load %arg18[%get3A_811] {strides = array<i32>} : memref<1024xf32, #tpu.memory_space<vmem>>, vector<16xf32>,
    %add3A_813 = arith.addf %add3A_805, %get3A_812 : vector<16xf32>
    %get3A_814 = arith.constant 512 : index
    %get3A_815 = tpu.vector_load %arg17[%get3A_814] {strides = array<i32>} : memref<1024xf32, #tpu.memory_space<vmem>>, vector<16xf32>,
    %add3A_816 = vector.broadcast %add3A_653 : f32 to vector<16xf32>
    %add3A_817 = arith.addf %get3A_815, %add3A_816 : vector<16xf32>
    %max3A_818 = arith.maximumf %max3A_810, %add3A_817 : vector<16xf32>
    %get3A_819 = arith.constant 512 : index
    %get3A_820 = tpu.vector_load %arg18[%get3A_819] {strides = array<i32>} : memref<1024xf32, #tpu.memory_space<vmem>>, vector<16xf32>,
    %add3A_821 = arith.addf %add3A_813, %get3A_820 : vector<16xf32>
    %get3A_822 = arith.constant 576 : index
    %get3A_823 = tpu.vector_load %arg17[%get3A_822] {strides = array<i32>} : memref<1024xf32, #tpu.memory_space<vmem>>, vector<16xf32>,
    %add3A_824 = vector.broadcast %add3A_664 : f32 to vector<16xf32>
    %add3A_825 = arith.addf %get3A_823, %add3A_824 : vector<16xf32>
    %max3A_826 = arith.maximumf %max3A_818, %add3A_825 : vector<16xf32>
    %get3A_827 = arith.constant 576 : index
    %get3A_828 = tpu.vector_load %arg18[%get3A_827] {strides = array<i32>} : memref<1024xf32, #tpu.memory_space<vmem>>, vector<16xf32>,
    %add3A_829 = arith.addf %add3A_821, %get3A_828 : vector<16xf32>
    %get3A_830 = arith.constant 640 : index
    %get3A_831 = tpu.vector_load %arg17[%get3A_830] {strides = array<i32>} : memref<1024xf32, #tpu.memory_space<vmem>>, vector<16xf32>,
    %add3A_832 = vector.broadcast %add3A_675 : f32 to vector<16xf32>
    %add3A_833 = arith.addf %get3A_831, %add3A_832 : vector<16xf32>
    %max3A_834 = arith.maximumf %max3A_826, %add3A_833 : vector<16xf32>
    %get3A_835 = arith.constant 640 : index
    %get3A_836 = tpu.vector_load %arg18[%get3A_835] {strides = array<i32>} : memref<1024xf32, #tpu.memory_space<vmem>>, vector<16xf32>,
    %add3A_837 = arith.addf %add3A_829, %get3A_836 : vector<16xf32>
    %get3A_838 = arith.constant 704 : index
    %get3A_839 = tpu.vector_load %arg17[%get3A_838] {strides = array<i32>} : memref<1024xf32, #tpu.memory_space<vmem>>, vector<16xf32>,
    %add3A_840 = vector.broadcast %add3A_686 : f32 to vector<16xf32>
    %add3A_841 = arith.addf %get3A_839, %add3A_840 : vector<16xf32>
    %max3A_842 = arith.maximumf %max3A_834, %add3A_841 : vector<16xf32>
    %get3A_843 = arith.constant 704 : index
    %get3A_844 = tpu.vector_load %arg18[%get3A_843] {strides = array<i32>} : memref<1024xf32, #tpu.memory_space<vmem>>, vector<16xf32>,
    %add3A_845 = arith.addf %add3A_837, %get3A_844 : vector<16xf32>
    %get3A_846 = arith.constant 768 : index
    %get3A_847 = tpu.vector_load %arg17[%get3A_846] {strides = array<i32>} : memref<1024xf32, #tpu.memory_space<vmem>>, vector<16xf32>,
    %add3A_848 = vector.broadcast %add3A_697 : f32 to vector<16xf32>
    %add3A_849 = arith.addf %get3A_847, %add3A_848 : vector<16xf32>
    %max3A_850 = arith.maximumf %max3A_842, %add3A_849 : vector<16xf32>
    %get3A_851 = arith.constant 768 : index
    %get3A_852 = tpu.vector_load %arg18[%get3A_851] {strides = array<i32>} : memref<1024xf32, #tpu.memory_space<vmem>>, vector<16xf32>,
    %add3A_853 = arith.addf %add3A_845, %get3A_852 : vector<16xf32>
    %get3A_854 = arith.constant 832 : index
    %get3A_855 = tpu.vector_load %arg17[%get3A_854] {strides = array<i32>} : memref<1024xf32, #tpu.memory_space<vmem>>, vector<16xf32>,
    %add3A_856 = vector.broadcast %add3A_708 : f32 to vector<16xf32>
    %add3A_857 = arith.addf %get3A_855, %add3A_856 : vector<16xf32>
    %max3A_858 = arith.maximumf %max3A_850, %add3A_857 : vector<16xf32>
    %get3A_859 = arith.constant 832 : index
    %get3A_860 = tpu.vector_load %arg18[%get3A_859] {strides = array<i32>} : memref<1024xf32, #tpu.memory_space<vmem>>, vector<16xf32>,
    %add3A_861 = arith.addf %add3A_853, %get3A_860 : vector<16xf32>
    %get3A_862 = arith.constant 896 : index
    %get3A_863 = tpu.vector_load %arg17[%get3A_862] {strides = array<i32>} : memref<1024xf32, #tpu.memory_space<vmem>>, vector<16xf32>,
    %add3A_864 = vector.broadcast %add3A_719 : f32 to vector<16xf32>
    %add3A_865 = arith.addf %get3A_863, %add3A_864 : vector<16xf32>
    %max3A_866 = arith.maximumf %max3A_858, %add3A_865 : vector<16xf32>
    %get3A_867 = arith.constant 896 : index
    %get3A_868 = tpu.vector_load %arg18[%get3A_867] {strides = array<i32>} : memref<1024xf32, #tpu.memory_space<vmem>>, vector<16xf32>,
    %add3A_869 = arith.addf %add3A_861, %get3A_868 : vector<16xf32>
    %get3A_870 = arith.constant 960 : index
    %get3A_871 = tpu.vector_load %arg17[%get3A_870] {strides = array<i32>} : memref<1024xf32, #tpu.memory_space<vmem>>, vector<16xf32>,
    %add3A_872 = vector.broadcast %add3A_730 : f32 to vector<16xf32>
    %add3A_873 = arith.addf %get3A_871, %add3A_872 : vector<16xf32>
    %max3A_874 = arith.maximumf %max3A_866, %add3A_873 : vector<16xf32>
    %get3A_875 = arith.constant 960 : index
    %get3A_876 = tpu.vector_load %arg18[%get3A_875] {strides = array<i32>} : memref<1024xf32, #tpu.memory_space<vmem>>, vector<16xf32>,
    %add3A_877 = arith.addf %add3A_869, %get3A_876 : vector<16xf32>
    %max3A_878 = arith.constant 1.000000e+00 : f32
    %max3A_879 = vector.broadcast %max3A_878 : f32 to vector<16xf32>
    %max3A_880 = arith.maximumf %max3A_874, %max3A_879 : vector<16xf32>
    %bitcast_convert_type3A = tpu.bitcast %max3A_880 : vector<16xf32> -> vector<16xi32>
    %shift_right_arithmetic3A = arith.constant 23 : i32
    %shift_right_arithmetic3A_881 = vector.broadcast %shift_right_arithmetic3A : i32 to vector<16xi32>
    %shift_right_arithmetic3A_882 = arith.shrsi %bitcast_convert_type3A, %shift_right_arithmetic3A_881 : vector<16xi32>
    %and3A = arith.constant 255 : i32
    %and3A_883 = vector.broadcast %and3A : i32 to vector<16xi32>
    %and3A_884 = arith.andi %shift_right_arithmetic3A_882, %and3A_883 : vector<16xi32>
    %sub3A = arith.constant 127 : i32
    %sub3A_885 = vector.broadcast %sub3A : i32 to vector<16xi32>
    %sub3A_886 = arith.subi %and3A_884, %sub3A_885 : vector<16xi32>
    %and3A_887 = arith.constant 8388607 : i32
    %and3A_888 = vector.broadcast %and3A_887 : i32 to vector<16xi32>
    %and3A_889 = arith.andi %bitcast_convert_type3A, %and3A_888 : vector<16xi32>
    %or3A = arith.constant 1065353216 : i32
    %or3A_890 = vector.broadcast %or3A : i32 to vector<16xi32>
    %or3A_891 = arith.ori %and3A_889, %or3A_890 : vector<16xi32>
    %bitcast_convert_type3A_892 = tpu.bitcast %or3A_891 : vector<16xi32> -> vector<16xf32>
    %gt3A = arith.constant 1.41421354 : f32
    %gt3A_893 = vector.broadcast %gt3A : f32 to vector<16xf32>
    %gt3A_894 = arith.cmpf ogt, %bitcast_convert_type3A_892, %gt3A_893 : vector<16xf32>
    %mul3A_895 = arith.constant 5.000000e-01 : f32
    %mul3A_896 = vector.broadcast %mul3A_895 : f32 to vector<16xf32>
    %mul3A_897 = arith.mulf %bitcast_convert_type3A_892, %mul3A_896 : vector<16xf32>
    %select_n3A_898 = arith.select %gt3A_894, %mul3A_897, %bitcast_convert_type3A_892 : vector<16xi1>, vector<16xf32>
    %convert_element_type3A = arith.sitofp %sub3A_886 : vector<16xi32> to vector<16xf32>
    %jit3A_899 = arith.constant 1.000000e+00 : f32
    %jit3A_900 = arith.constant 0.000000e+00 : f32
    %broadcast_in_dim3A_901 = vector.broadcast %jit3A_899 : f32 to vector<16xf32>
    %broadcast_in_dim3A_902 = vector.broadcast %jit3A_900 : f32 to vector<16xf32>
    %select_n3A_903 = arith.select %gt3A_894, %broadcast_in_dim3A_901, %broadcast_in_dim3A_902 : vector<16xi1>, vector<16xf32>
    %add3A_904 = arith.addf %convert_element_type3A, %select_n3A_903 : vector<16xf32>
    %sub3A_905 = arith.constant 1.000000e+00 : f32
    %sub3A_906 = vector.broadcast %sub3A_905 : f32 to vector<16xf32>
    %sub3A_907 = arith.subf %select_n3A_898, %sub3A_906 : vector<16xf32>
    %add3A_908 = arith.constant 1.000000e+00 : f32
    %add3A_909 = vector.broadcast %add3A_908 : f32 to vector<16xf32>
    %add3A_910 = arith.addf %select_n3A_898, %add3A_909 : vector<16xf32>
    %div3A = arith.divf %sub3A_907, %add3A_910 : vector<16xf32>
    %mul3A_911 = arith.mulf %div3A, %div3A : vector<16xf32>
    %mul3A_912 = arith.constant 2.000000e+00 : f32
    %mul3A_913 = vector.broadcast %mul3A_912 : f32 to vector<16xf32>
    %mul3A_914 = arith.mulf %mul3A_913, %div3A : vector<16xf32>
    %mul3A_915 = arith.constant 0.142857149 : f32
    %mul3A_916 = vector.broadcast %mul3A_915 : f32 to vector<16xf32>
    %mul3A_917 = arith.mulf %mul3A_911, %mul3A_916 : vector<16xf32>
    %add3A_918 = arith.constant 2.000000e-01 : f32
    %add3A_919 = vector.broadcast %add3A_918 : f32 to vector<16xf32>
    %add3A_920 = arith.addf %add3A_919, %mul3A_917 : vector<16xf32>
    %mul3A_921 = arith.mulf %mul3A_911, %add3A_920 : vector<16xf32>
    %add3A_922 = arith.constant 0.333333343 : f32
    %add3A_923 = vector.broadcast %add3A_922 : f32 to vector<16xf32>
    %add3A_924 = arith.addf %add3A_923, %mul3A_921 : vector<16xf32>
    %mul3A_925 = arith.mulf %mul3A_911, %add3A_924 : vector<16xf32>
    %add3A_926 = arith.constant 1.000000e+00 : f32
    %add3A_927 = vector.broadcast %add3A_926 : f32 to vector<16xf32>
    %add3A_928 = arith.addf %add3A_927, %mul3A_925 : vector<16xf32>
    %mul3A_929 = arith.mulf %mul3A_914, %add3A_928 : vector<16xf32>
    %mul3A_930 = arith.constant 0.693147182 : f32
    %mul3A_931 = vector.broadcast %mul3A_930 : f32 to vector<16xf32>
    %mul3A_932 = arith.mulf %add3A_904, %mul3A_931 : vector<16xf32>
    %add3A_933 = arith.addf %mul3A_932, %mul3A_929 : vector<16xf32>
    %mul3A_934 = arith.mulf %add3A_877, %add3A_933 : vector<16xf32>
    %add3A_935 = arith.addf %broadcast_in_dim3A_6, %mul3A_934 : vector<16xf32>
    %get3A_936 = arith.constant 16 : index
    %get3A_937 = tpu.vector_load %arg17[%get3A_936] {strides = array<i32>} : memref<1024xf32, #tpu.memory_space<vmem>>, vector<16xf32>,
    %add3A_938 = arith.constant 0.000000e+00 : f32
    %add3A_939 = vector.broadcast %add3A_938 : f32 to vector<16xf32>
    %add3A_940 = arith.addf %get3A_937, %add3A_939 : vector<16xf32>
    %get3A_941 = arith.constant 16 : index
    %get3A_942 = tpu.vector_load %arg18[%get3A_941] {strides = array<i32>} : memref<1024xf32, #tpu.memory_space<vmem>>, vector<16xf32>,
    %get3A_943 = arith.constant 80 : index
    %get3A_944 = tpu.vector_load %arg17[%get3A_943] {strides = array<i32>} : memref<1024xf32, #tpu.memory_space<vmem>>, vector<16xf32>,
    %add3A_945 = vector.broadcast %add3A_574 : f32 to vector<16xf32>
    %add3A_946 = arith.addf %get3A_944, %add3A_945 : vector<16xf32>
    %max3A_947 = arith.maximumf %add3A_940, %add3A_946 : vector<16xf32>
    %get3A_948 = arith.constant 80 : index
    %get3A_949 = tpu.vector_load %arg18[%get3A_948] {strides = array<i32>} : memref<1024xf32, #tpu.memory_space<vmem>>, vector<16xf32>,
    %add3A_950 = arith.addf %get3A_942, %get3A_949 : vector<16xf32>
    %get3A_951 = arith.constant 144 : index
    %get3A_952 = tpu.vector_load %arg17[%get3A_951] {strides = array<i32>} : memref<1024xf32, #tpu.memory_space<vmem>>, vector<16xf32>,
    %add3A_953 = vector.broadcast %add3A_587 : f32 to vector<16xf32>
    %add3A_954 = arith.addf %get3A_952, %add3A_953 : vector<16xf32>
    %max3A_955 = arith.maximumf %max3A_947, %add3A_954 : vector<16xf32>
    %get3A_956 = arith.constant 144 : index
    %get3A_957 = tpu.vector_load %arg18[%get3A_956] {strides = array<i32>} : memref<1024xf32, #tpu.memory_space<vmem>>, vector<16xf32>,
    %add3A_958 = arith.addf %add3A_950, %get3A_957 : vector<16xf32>
    %get3A_959 = arith.constant 208 : index
    %get3A_960 = tpu.vector_load %arg17[%get3A_959] {strides = array<i32>} : memref<1024xf32, #tpu.memory_space<vmem>>, vector<16xf32>,
    %add3A_961 = vector.broadcast %add3A_598 : f32 to vector<16xf32>
    %add3A_962 = arith.addf %get3A_960, %add3A_961 : vector<16xf32>
    %max3A_963 = arith.maximumf %max3A_955, %add3A_962 : vector<16xf32>
    %get3A_964 = arith.constant 208 : index
    %get3A_965 = tpu.vector_load %arg18[%get3A_964] {strides = array<i32>} : memref<1024xf32, #tpu.memory_space<vmem>>, vector<16xf32>,
    %add3A_966 = arith.addf %add3A_958, %get3A_965 : vector<16xf32>
    %get3A_967 = arith.constant 272 : index
    %get3A_968 = tpu.vector_load %arg17[%get3A_967] {strides = array<i32>} : memref<1024xf32, #tpu.memory_space<vmem>>, vector<16xf32>,
    %add3A_969 = vector.broadcast %add3A_609 : f32 to vector<16xf32>
    %add3A_970 = arith.addf %get3A_968, %add3A_969 : vector<16xf32>
    %max3A_971 = arith.maximumf %max3A_963, %add3A_970 : vector<16xf32>
    %get3A_972 = arith.constant 272 : index
    %get3A_973 = tpu.vector_load %arg18[%get3A_972] {strides = array<i32>} : memref<1024xf32, #tpu.memory_space<vmem>>, vector<16xf32>,
    %add3A_974 = arith.addf %add3A_966, %get3A_973 : vector<16xf32>
    %get3A_975 = arith.constant 336 : index
    %get3A_976 = tpu.vector_load %arg17[%get3A_975] {strides = array<i32>} : memref<1024xf32, #tpu.memory_space<vmem>>, vector<16xf32>,
    %add3A_977 = vector.broadcast %add3A_620 : f32 to vector<16xf32>
    %add3A_978 = arith.addf %get3A_976, %add3A_977 : vector<16xf32>
    %max3A_979 = arith.maximumf %max3A_971, %add3A_978 : vector<16xf32>
    %get3A_980 = arith.constant 336 : index
    %get3A_981 = tpu.vector_load %arg18[%get3A_980] {strides = array<i32>} : memref<1024xf32, #tpu.memory_space<vmem>>, vector<16xf32>,
    %add3A_982 = arith.addf %add3A_974, %get3A_981 : vector<16xf32>
    %get3A_983 = arith.constant 400 : index
    %get3A_984 = tpu.vector_load %arg17[%get3A_983] {strides = array<i32>} : memref<1024xf32, #tpu.memory_space<vmem>>, vector<16xf32>,
    %add3A_985 = vector.broadcast %add3A_631 : f32 to vector<16xf32>
    %add3A_986 = arith.addf %get3A_984, %add3A_985 : vector<16xf32>
    %max3A_987 = arith.maximumf %max3A_979, %add3A_986 : vector<16xf32>
    %get3A_988 = arith.constant 400 : index
    %get3A_989 = tpu.vector_load %arg18[%get3A_988] {strides = array<i32>} : memref<1024xf32, #tpu.memory_space<vmem>>, vector<16xf32>,
    %add3A_990 = arith.addf %add3A_982, %get3A_989 : vector<16xf32>
    %get3A_991 = arith.constant 464 : index
    %get3A_992 = tpu.vector_load %arg17[%get3A_991] {strides = array<i32>} : memref<1024xf32, #tpu.memory_space<vmem>>, vector<16xf32>,
    %add3A_993 = vector.broadcast %add3A_642 : f32 to vector<16xf32>
    %add3A_994 = arith.addf %get3A_992, %add3A_993 : vector<16xf32>
    %max3A_995 = arith.maximumf %max3A_987, %add3A_994 : vector<16xf32>
    %get3A_996 = arith.constant 464 : index
    %get3A_997 = tpu.vector_load %arg18[%get3A_996] {strides = array<i32>} : memref<1024xf32, #tpu.memory_space<vmem>>, vector<16xf32>,
    %add3A_998 = arith.addf %add3A_990, %get3A_997 : vector<16xf32>
    %get3A_999 = arith.constant 528 : index
    %get3A_1000 = tpu.vector_load %arg17[%get3A_999] {strides = array<i32>} : memref<1024xf32, #tpu.memory_space<vmem>>, vector<16xf32>,
    %add3A_1001 = vector.broadcast %add3A_653 : f32 to vector<16xf32>
    %add3A_1002 = arith.addf %get3A_1000, %add3A_1001 : vector<16xf32>
    %max3A_1003 = arith.maximumf %max3A_995, %add3A_1002 : vector<16xf32>
    %get3A_1004 = arith.constant 528 : index
    %get3A_1005 = tpu.vector_load %arg18[%get3A_1004] {strides = array<i32>} : memref<1024xf32, #tpu.memory_space<vmem>>, vector<16xf32>,
    %add3A_1006 = arith.addf %add3A_998, %get3A_1005 : vector<16xf32>
    %get3A_1007 = arith.constant 592 : index
    %get3A_1008 = tpu.vector_load %arg17[%get3A_1007] {strides = array<i32>} : memref<1024xf32, #tpu.memory_space<vmem>>, vector<16xf32>,
    %add3A_1009 = vector.broadcast %add3A_664 : f32 to vector<16xf32>
    %add3A_1010 = arith.addf %get3A_1008, %add3A_1009 : vector<16xf32>
    %max3A_1011 = arith.maximumf %max3A_1003, %add3A_1010 : vector<16xf32>
    %get3A_1012 = arith.constant 592 : index
    %get3A_1013 = tpu.vector_load %arg18[%get3A_1012] {strides = array<i32>} : memref<1024xf32, #tpu.memory_space<vmem>>, vector<16xf32>,
    %add3A_1014 = arith.addf %add3A_1006, %get3A_1013 : vector<16xf32>
    %get3A_1015 = arith.constant 656 : index
    %get3A_1016 = tpu.vector_load %arg17[%get3A_1015] {strides = array<i32>} : memref<1024xf32, #tpu.memory_space<vmem>>, vector<16xf32>,
    %add3A_1017 = vector.broadcast %add3A_675 : f32 to vector<16xf32>
    %add3A_1018 = arith.addf %get3A_1016, %add3A_1017 : vector<16xf32>
    %max3A_1019 = arith.maximumf %max3A_1011, %add3A_1018 : vector<16xf32>
    %get3A_1020 = arith.constant 656 : index
    %get3A_1021 = tpu.vector_load %arg18[%get3A_1020] {strides = array<i32>} : memref<1024xf32, #tpu.memory_space<vmem>>, vector<16xf32>,
    %add3A_1022 = arith.addf %add3A_1014, %get3A_1021 : vector<16xf32>
    %get3A_1023 = arith.constant 720 : index
    %get3A_1024 = tpu.vector_load %arg17[%get3A_1023] {strides = array<i32>} : memref<1024xf32, #tpu.memory_space<vmem>>, vector<16xf32>,
    %add3A_1025 = vector.broadcast %add3A_686 : f32 to vector<16xf32>
    %add3A_1026 = arith.addf %get3A_1024, %add3A_1025 : vector<16xf32>
    %max3A_1027 = arith.maximumf %max3A_1019, %add3A_1026 : vector<16xf32>
    %get3A_1028 = arith.constant 720 : index
    %get3A_1029 = tpu.vector_load %arg18[%get3A_1028] {strides = array<i32>} : memref<1024xf32, #tpu.memory_space<vmem>>, vector<16xf32>,
    %add3A_1030 = arith.addf %add3A_1022, %get3A_1029 : vector<16xf32>
    %get3A_1031 = arith.constant 784 : index
    %get3A_1032 = tpu.vector_load %arg17[%get3A_1031] {strides = array<i32>} : memref<1024xf32, #tpu.memory_space<vmem>>, vector<16xf32>,
    %add3A_1033 = vector.broadcast %add3A_697 : f32 to vector<16xf32>
    %add3A_1034 = arith.addf %get3A_1032, %add3A_1033 : vector<16xf32>
    %max3A_1035 = arith.maximumf %max3A_1027, %add3A_1034 : vector<16xf32>
    %get3A_1036 = arith.constant 784 : index
    %get3A_1037 = tpu.vector_load %arg18[%get3A_1036] {strides = array<i32>} : memref<1024xf32, #tpu.memory_space<vmem>>, vector<16xf32>,
    %add3A_1038 = arith.addf %add3A_1030, %get3A_1037 : vector<16xf32>
    %get3A_1039 = arith.constant 848 : index
    %get3A_1040 = tpu.vector_load %arg17[%get3A_1039] {strides = array<i32>} : memref<1024xf32, #tpu.memory_space<vmem>>, vector<16xf32>,
    %add3A_1041 = vector.broadcast %add3A_708 : f32 to vector<16xf32>
    %add3A_1042 = arith.addf %get3A_1040, %add3A_1041 : vector<16xf32>
    %max3A_1043 = arith.maximumf %max3A_1035, %add3A_1042 : vector<16xf32>
    %get3A_1044 = arith.constant 848 : index
    %get3A_1045 = tpu.vector_load %arg18[%get3A_1044] {strides = array<i32>} : memref<1024xf32, #tpu.memory_space<vmem>>, vector<16xf32>,
    %add3A_1046 = arith.addf %add3A_1038, %get3A_1045 : vector<16xf32>
    %get3A_1047 = arith.constant 912 : index
    %get3A_1048 = tpu.vector_load %arg17[%get3A_1047] {strides = array<i32>} : memref<1024xf32, #tpu.memory_space<vmem>>, vector<16xf32>,
    %add3A_1049 = vector.broadcast %add3A_719 : f32 to vector<16xf32>
    %add3A_1050 = arith.addf %get3A_1048, %add3A_1049 : vector<16xf32>
    %max3A_1051 = arith.maximumf %max3A_1043, %add3A_1050 : vector<16xf32>
    %get3A_1052 = arith.constant 912 : index
    %get3A_1053 = tpu.vector_load %arg18[%get3A_1052] {strides = array<i32>} : memref<1024xf32, #tpu.memory_space<vmem>>, vector<16xf32>,
    %add3A_1054 = arith.addf %add3A_1046, %get3A_1053 : vector<16xf32>
    %get3A_1055 = arith.constant 976 : index
    %get3A_1056 = tpu.vector_load %arg17[%get3A_1055] {strides = array<i32>} : memref<1024xf32, #tpu.memory_space<vmem>>, vector<16xf32>,
    %add3A_1057 = vector.broadcast %add3A_730 : f32 to vector<16xf32>
    %add3A_1058 = arith.addf %get3A_1056, %add3A_1057 : vector<16xf32>
    %max3A_1059 = arith.maximumf %max3A_1051, %add3A_1058 : vector<16xf32>
    %get3A_1060 = arith.constant 976 : index
    %get3A_1061 = tpu.vector_load %arg18[%get3A_1060] {strides = array<i32>} : memref<1024xf32, #tpu.memory_space<vmem>>, vector<16xf32>,
    %add3A_1062 = arith.addf %add3A_1054, %get3A_1061 : vector<16xf32>
    %max3A_1063 = arith.constant 1.000000e+00 : f32
    %max3A_1064 = vector.broadcast %max3A_1063 : f32 to vector<16xf32>
    %max3A_1065 = arith.maximumf %max3A_1059, %max3A_1064 : vector<16xf32>
    %bitcast_convert_type3A_1066 = tpu.bitcast %max3A_1065 : vector<16xf32> -> vector<16xi32>
    %shift_right_arithmetic3A_1067 = arith.constant 23 : i32
    %shift_right_arithmetic3A_1068 = vector.broadcast %shift_right_arithmetic3A_1067 : i32 to vector<16xi32>
    %shift_right_arithmetic3A_1069 = arith.shrsi %bitcast_convert_type3A_1066, %shift_right_arithmetic3A_1068 : vector<16xi32>
    %and3A_1070 = arith.constant 255 : i32
    %and3A_1071 = vector.broadcast %and3A_1070 : i32 to vector<16xi32>
    %and3A_1072 = arith.andi %shift_right_arithmetic3A_1069, %and3A_1071 : vector<16xi32>
    %sub3A_1073 = arith.constant 127 : i32
    %sub3A_1074 = vector.broadcast %sub3A_1073 : i32 to vector<16xi32>
    %sub3A_1075 = arith.subi %and3A_1072, %sub3A_1074 : vector<16xi32>
    %and3A_1076 = arith.constant 8388607 : i32
    %and3A_1077 = vector.broadcast %and3A_1076 : i32 to vector<16xi32>
    %and3A_1078 = arith.andi %bitcast_convert_type3A_1066, %and3A_1077 : vector<16xi32>
    %or3A_1079 = arith.constant 1065353216 : i32
    %or3A_1080 = vector.broadcast %or3A_1079 : i32 to vector<16xi32>
    %or3A_1081 = arith.ori %and3A_1078, %or3A_1080 : vector<16xi32>
    %bitcast_convert_type3A_1082 = tpu.bitcast %or3A_1081 : vector<16xi32> -> vector<16xf32>
    %gt3A_1083 = arith.constant 1.41421354 : f32
    %gt3A_1084 = vector.broadcast %gt3A_1083 : f32 to vector<16xf32>
    %gt3A_1085 = arith.cmpf ogt, %bitcast_convert_type3A_1082, %gt3A_1084 : vector<16xf32>
    %mul3A_1086 = arith.constant 5.000000e-01 : f32
    %mul3A_1087 = vector.broadcast %mul3A_1086 : f32 to vector<16xf32>
    %mul3A_1088 = arith.mulf %bitcast_convert_type3A_1082, %mul3A_1087 : vector<16xf32>
    %select_n3A_1089 = arith.select %gt3A_1085, %mul3A_1088, %bitcast_convert_type3A_1082 : vector<16xi1>, vector<16xf32>
    %convert_element_type3A_1090 = arith.sitofp %sub3A_1075 : vector<16xi32> to vector<16xf32>
    %jit3A_1091 = arith.constant 1.000000e+00 : f32
    %jit3A_1092 = arith.constant 0.000000e+00 : f32
    %broadcast_in_dim3A_1093 = vector.broadcast %jit3A_1091 : f32 to vector<16xf32>
    %broadcast_in_dim3A_1094 = vector.broadcast %jit3A_1092 : f32 to vector<16xf32>
    %select_n3A_1095 = arith.select %gt3A_1085, %broadcast_in_dim3A_1093, %broadcast_in_dim3A_1094 : vector<16xi1>, vector<16xf32>
    %add3A_1096 = arith.addf %convert_element_type3A_1090, %select_n3A_1095 : vector<16xf32>
    %sub3A_1097 = arith.constant 1.000000e+00 : f32
    %sub3A_1098 = vector.broadcast %sub3A_1097 : f32 to vector<16xf32>
    %sub3A_1099 = arith.subf %select_n3A_1089, %sub3A_1098 : vector<16xf32>
    %add3A_1100 = arith.constant 1.000000e+00 : f32
    %add3A_1101 = vector.broadcast %add3A_1100 : f32 to vector<16xf32>
    %add3A_1102 = arith.addf %select_n3A_1089, %add3A_1101 : vector<16xf32>
    %div3A_1103 = arith.divf %sub3A_1099, %add3A_1102 : vector<16xf32>
    %mul3A_1104 = arith.mulf %div3A_1103, %div3A_1103 : vector<16xf32>
    %mul3A_1105 = arith.constant 2.000000e+00 : f32
    %mul3A_1106 = vector.broadcast %mul3A_1105 : f32 to vector<16xf32>
    %mul3A_1107 = arith.mulf %mul3A_1106, %div3A_1103 : vector<16xf32>
    %mul3A_1108 = arith.constant 0.142857149 : f32
    %mul3A_1109 = vector.broadcast %mul3A_1108 : f32 to vector<16xf32>
    %mul3A_1110 = arith.mulf %mul3A_1104, %mul3A_1109 : vector<16xf32>
    %add3A_1111 = arith.constant 2.000000e-01 : f32
    %add3A_1112 = vector.broadcast %add3A_1111 : f32 to vector<16xf32>
    %add3A_1113 = arith.addf %add3A_1112, %mul3A_1110 : vector<16xf32>
    %mul3A_1114 = arith.mulf %mul3A_1104, %add3A_1113 : vector<16xf32>
    %add3A_1115 = arith.constant 0.333333343 : f32
    %add3A_1116 = vector.broadcast %add3A_1115 : f32 to vector<16xf32>
    %add3A_1117 = arith.addf %add3A_1116, %mul3A_1114 : vector<16xf32>
    %mul3A_1118 = arith.mulf %mul3A_1104, %add3A_1117 : vector<16xf32>
    %add3A_1119 = arith.constant 1.000000e+00 : f32
    %add3A_1120 = vector.broadcast %add3A_1119 : f32 to vector<16xf32>
    %add3A_1121 = arith.addf %add3A_1120, %mul3A_1118 : vector<16xf32>
    %mul3A_1122 = arith.mulf %mul3A_1107, %add3A_1121 : vector<16xf32>
    %mul3A_1123 = arith.constant 0.693147182 : f32
    %mul3A_1124 = vector.broadcast %mul3A_1123 : f32 to vector<16xf32>
    %mul3A_1125 = arith.mulf %add3A_1096, %mul3A_1124 : vector<16xf32>
    %add3A_1126 = arith.addf %mul3A_1125, %mul3A_1122 : vector<16xf32>
    %mul3A_1127 = arith.mulf %add3A_1062, %add3A_1126 : vector<16xf32>
    %add3A_1128 = arith.addf %add3A_935, %mul3A_1127 : vector<16xf32>
    %get3A_1129 = arith.constant 32 : index
    %get3A_1130 = tpu.vector_load %arg17[%get3A_1129] {strides = array<i32>} : memref<1024xf32, #tpu.memory_space<vmem>>, vector<16xf32>,
    %add3A_1131 = arith.constant 0.000000e+00 : f32
    %add3A_1132 = vector.broadcast %add3A_1131 : f32 to vector<16xf32>
    %add3A_1133 = arith.addf %get3A_1130, %add3A_1132 : vector<16xf32>
    %get3A_1134 = arith.constant 32 : index
    %get3A_1135 = tpu.vector_load %arg18[%get3A_1134] {strides = array<i32>} : memref<1024xf32, #tpu.memory_space<vmem>>, vector<16xf32>,
    %get3A_1136 = arith.constant 96 : index
    %get3A_1137 = tpu.vector_load %arg17[%get3A_1136] {strides = array<i32>} : memref<1024xf32, #tpu.memory_space<vmem>>, vector<16xf32>,
    %add3A_1138 = vector.broadcast %add3A_574 : f32 to vector<16xf32>
    %add3A_1139 = arith.addf %get3A_1137, %add3A_1138 : vector<16xf32>
    %max3A_1140 = arith.maximumf %add3A_1133, %add3A_1139 : vector<16xf32>
    %get3A_1141 = arith.constant 96 : index
    %get3A_1142 = tpu.vector_load %arg18[%get3A_1141] {strides = array<i32>} : memref<1024xf32, #tpu.memory_space<vmem>>, vector<16xf32>,
    %add3A_1143 = arith.addf %get3A_1135, %get3A_1142 : vector<16xf32>
    %get3A_1144 = arith.constant 160 : index
    %get3A_1145 = tpu.vector_load %arg17[%get3A_1144] {strides = array<i32>} : memref<1024xf32, #tpu.memory_space<vmem>>, vector<16xf32>,
    %add3A_1146 = vector.broadcast %add3A_587 : f32 to vector<16xf32>
    %add3A_1147 = arith.addf %get3A_1145, %add3A_1146 : vector<16xf32>
    %max3A_1148 = arith.maximumf %max3A_1140, %add3A_1147 : vector<16xf32>
    %get3A_1149 = arith.constant 160 : index
    %get3A_1150 = tpu.vector_load %arg18[%get3A_1149] {strides = array<i32>} : memref<1024xf32, #tpu.memory_space<vmem>>, vector<16xf32>,
    %add3A_1151 = arith.addf %add3A_1143, %get3A_1150 : vector<16xf32>
    %get3A_1152 = arith.constant 224 : index
    %get3A_1153 = tpu.vector_load %arg17[%get3A_1152] {strides = array<i32>} : memref<1024xf32, #tpu.memory_space<vmem>>, vector<16xf32>,
    %add3A_1154 = vector.broadcast %add3A_598 : f32 to vector<16xf32>
    %add3A_1155 = arith.addf %get3A_1153, %add3A_1154 : vector<16xf32>
    %max3A_1156 = arith.maximumf %max3A_1148, %add3A_1155 : vector<16xf32>
    %get3A_1157 = arith.constant 224 : index
    %get3A_1158 = tpu.vector_load %arg18[%get3A_1157] {strides = array<i32>} : memref<1024xf32, #tpu.memory_space<vmem>>, vector<16xf32>,
    %add3A_1159 = arith.addf %add3A_1151, %get3A_1158 : vector<16xf32>
    %get3A_1160 = arith.constant 288 : index
    %get3A_1161 = tpu.vector_load %arg17[%get3A_1160] {strides = array<i32>} : memref<1024xf32, #tpu.memory_space<vmem>>, vector<16xf32>,
    %add3A_1162 = vector.broadcast %add3A_609 : f32 to vector<16xf32>
    %add3A_1163 = arith.addf %get3A_1161, %add3A_1162 : vector<16xf32>
    %max3A_1164 = arith.maximumf %max3A_1156, %add3A_1163 : vector<16xf32>
    %get3A_1165 = arith.constant 288 : index
    %get3A_1166 = tpu.vector_load %arg18[%get3A_1165] {strides = array<i32>} : memref<1024xf32, #tpu.memory_space<vmem>>, vector<16xf32>,
    %add3A_1167 = arith.addf %add3A_1159, %get3A_1166 : vector<16xf32>
    %get3A_1168 = arith.constant 352 : index
    %get3A_1169 = tpu.vector_load %arg17[%get3A_1168] {strides = array<i32>} : memref<1024xf32, #tpu.memory_space<vmem>>, vector<16xf32>,
    %add3A_1170 = vector.broadcast %add3A_620 : f32 to vector<16xf32>
    %add3A_1171 = arith.addf %get3A_1169, %add3A_1170 : vector<16xf32>
    %max3A_1172 = arith.maximumf %max3A_1164, %add3A_1171 : vector<16xf32>
    %get3A_1173 = arith.constant 352 : index
    %get3A_1174 = tpu.vector_load %arg18[%get3A_1173] {strides = array<i32>} : memref<1024xf32, #tpu.memory_space<vmem>>, vector<16xf32>,
    %add3A_1175 = arith.addf %add3A_1167, %get3A_1174 : vector<16xf32>
    %get3A_1176 = arith.constant 416 : index
    %get3A_1177 = tpu.vector_load %arg17[%get3A_1176] {strides = array<i32>} : memref<1024xf32, #tpu.memory_space<vmem>>, vector<16xf32>,
    %add3A_1178 = vector.broadcast %add3A_631 : f32 to vector<16xf32>
    %add3A_1179 = arith.addf %get3A_1177, %add3A_1178 : vector<16xf32>
    %max3A_1180 = arith.maximumf %max3A_1172, %add3A_1179 : vector<16xf32>
    %get3A_1181 = arith.constant 416 : index
    %get3A_1182 = tpu.vector_load %arg18[%get3A_1181] {strides = array<i32>} : memref<1024xf32, #tpu.memory_space<vmem>>, vector<16xf32>,
    %add3A_1183 = arith.addf %add3A_1175, %get3A_1182 : vector<16xf32>
    %get3A_1184 = arith.constant 480 : index
    %get3A_1185 = tpu.vector_load %arg17[%get3A_1184] {strides = array<i32>} : memref<1024xf32, #tpu.memory_space<vmem>>, vector<16xf32>,
    %add3A_1186 = vector.broadcast %add3A_642 : f32 to vector<16xf32>
    %add3A_1187 = arith.addf %get3A_1185, %add3A_1186 : vector<16xf32>
    %max3A_1188 = arith.maximumf %max3A_1180, %add3A_1187 : vector<16xf32>
    %get3A_1189 = arith.constant 480 : index
    %get3A_1190 = tpu.vector_load %arg18[%get3A_1189] {strides = array<i32>} : memref<1024xf32, #tpu.memory_space<vmem>>, vector<16xf32>,
    %add3A_1191 = arith.addf %add3A_1183, %get3A_1190 : vector<16xf32>
    %get3A_1192 = arith.constant 544 : index
    %get3A_1193 = tpu.vector_load %arg17[%get3A_1192] {strides = array<i32>} : memref<1024xf32, #tpu.memory_space<vmem>>, vector<16xf32>,
    %add3A_1194 = vector.broadcast %add3A_653 : f32 to vector<16xf32>
    %add3A_1195 = arith.addf %get3A_1193, %add3A_1194 : vector<16xf32>
    %max3A_1196 = arith.maximumf %max3A_1188, %add3A_1195 : vector<16xf32>
    %get3A_1197 = arith.constant 544 : index
    %get3A_1198 = tpu.vector_load %arg18[%get3A_1197] {strides = array<i32>} : memref<1024xf32, #tpu.memory_space<vmem>>, vector<16xf32>,
    %add3A_1199 = arith.addf %add3A_1191, %get3A_1198 : vector<16xf32>
    %get3A_1200 = arith.constant 608 : index
    %get3A_1201 = tpu.vector_load %arg17[%get3A_1200] {strides = array<i32>} : memref<1024xf32, #tpu.memory_space<vmem>>, vector<16xf32>,
    %add3A_1202 = vector.broadcast %add3A_664 : f32 to vector<16xf32>
    %add3A_1203 = arith.addf %get3A_1201, %add3A_1202 : vector<16xf32>
    %max3A_1204 = arith.maximumf %max3A_1196, %add3A_1203 : vector<16xf32>
    %get3A_1205 = arith.constant 608 : index
    %get3A_1206 = tpu.vector_load %arg18[%get3A_1205] {strides = array<i32>} : memref<1024xf32, #tpu.memory_space<vmem>>, vector<16xf32>,
    %add3A_1207 = arith.addf %add3A_1199, %get3A_1206 : vector<16xf32>
    %get3A_1208 = arith.constant 672 : index
    %get3A_1209 = tpu.vector_load %arg17[%get3A_1208] {strides = array<i32>} : memref<1024xf32, #tpu.memory_space<vmem>>, vector<16xf32>,
    %add3A_1210 = vector.broadcast %add3A_675 : f32 to vector<16xf32>
    %add3A_1211 = arith.addf %get3A_1209, %add3A_1210 : vector<16xf32>
    %max3A_1212 = arith.maximumf %max3A_1204, %add3A_1211 : vector<16xf32>
    %get3A_1213 = arith.constant 672 : index
    %get3A_1214 = tpu.vector_load %arg18[%get3A_1213] {strides = array<i32>} : memref<1024xf32, #tpu.memory_space<vmem>>, vector<16xf32>,
    %add3A_1215 = arith.addf %add3A_1207, %get3A_1214 : vector<16xf32>
    %get3A_1216 = arith.constant 736 : index
    %get3A_1217 = tpu.vector_load %arg17[%get3A_1216] {strides = array<i32>} : memref<1024xf32, #tpu.memory_space<vmem>>, vector<16xf32>,
    %add3A_1218 = vector.broadcast %add3A_686 : f32 to vector<16xf32>
    %add3A_1219 = arith.addf %get3A_1217, %add3A_1218 : vector<16xf32>
    %max3A_1220 = arith.maximumf %max3A_1212, %add3A_1219 : vector<16xf32>
    %get3A_1221 = arith.constant 736 : index
    %get3A_1222 = tpu.vector_load %arg18[%get3A_1221] {strides = array<i32>} : memref<1024xf32, #tpu.memory_space<vmem>>, vector<16xf32>,
    %add3A_1223 = arith.addf %add3A_1215, %get3A_1222 : vector<16xf32>
    %get3A_1224 = arith.constant 800 : index
    %get3A_1225 = tpu.vector_load %arg17[%get3A_1224] {strides = array<i32>} : memref<1024xf32, #tpu.memory_space<vmem>>, vector<16xf32>,
    %add3A_1226 = vector.broadcast %add3A_697 : f32 to vector<16xf32>
    %add3A_1227 = arith.addf %get3A_1225, %add3A_1226 : vector<16xf32>
    %max3A_1228 = arith.maximumf %max3A_1220, %add3A_1227 : vector<16xf32>
    %get3A_1229 = arith.constant 800 : index
    %get3A_1230 = tpu.vector_load %arg18[%get3A_1229] {strides = array<i32>} : memref<1024xf32, #tpu.memory_space<vmem>>, vector<16xf32>,
    %add3A_1231 = arith.addf %add3A_1223, %get3A_1230 : vector<16xf32>
    %get3A_1232 = arith.constant 864 : index
    %get3A_1233 = tpu.vector_load %arg17[%get3A_1232] {strides = array<i32>} : memref<1024xf32, #tpu.memory_space<vmem>>, vector<16xf32>,
    %add3A_1234 = vector.broadcast %add3A_708 : f32 to vector<16xf32>
    %add3A_1235 = arith.addf %get3A_1233, %add3A_1234 : vector<16xf32>
    %max3A_1236 = arith.maximumf %max3A_1228, %add3A_1235 : vector<16xf32>
    %get3A_1237 = arith.constant 864 : index
    %get3A_1238 = tpu.vector_load %arg18[%get3A_1237] {strides = array<i32>} : memref<1024xf32, #tpu.memory_space<vmem>>, vector<16xf32>,
    %add3A_1239 = arith.addf %add3A_1231, %get3A_1238 : vector<16xf32>
    %get3A_1240 = arith.constant 928 : index
    %get3A_1241 = tpu.vector_load %arg17[%get3A_1240] {strides = array<i32>} : memref<1024xf32, #tpu.memory_space<vmem>>, vector<16xf32>,
    %add3A_1242 = vector.broadcast %add3A_719 : f32 to vector<16xf32>
    %add3A_1243 = arith.addf %get3A_1241, %add3A_1242 : vector<16xf32>
    %max3A_1244 = arith.maximumf %max3A_1236, %add3A_1243 : vector<16xf32>
    %get3A_1245 = arith.constant 928 : index
    %get3A_1246 = tpu.vector_load %arg18[%get3A_1245] {strides = array<i32>} : memref<1024xf32, #tpu.memory_space<vmem>>, vector<16xf32>,
    %add3A_1247 = arith.addf %add3A_1239, %get3A_1246 : vector<16xf32>
    %get3A_1248 = arith.constant 992 : index
    %get3A_1249 = tpu.vector_load %arg17[%get3A_1248] {strides = array<i32>} : memref<1024xf32, #tpu.memory_space<vmem>>, vector<16xf32>,
    %add3A_1250 = vector.broadcast %add3A_730 : f32 to vector<16xf32>
    %add3A_1251 = arith.addf %get3A_1249, %add3A_1250 : vector<16xf32>
    %max3A_1252 = arith.maximumf %max3A_1244, %add3A_1251 : vector<16xf32>
    %get3A_1253 = arith.constant 992 : index
    %get3A_1254 = tpu.vector_load %arg18[%get3A_1253] {strides = array<i32>} : memref<1024xf32, #tpu.memory_space<vmem>>, vector<16xf32>,
    %add3A_1255 = arith.addf %add3A_1247, %get3A_1254 : vector<16xf32>
    %max3A_1256 = arith.constant 1.000000e+00 : f32
    %max3A_1257 = vector.broadcast %max3A_1256 : f32 to vector<16xf32>
    %max3A_1258 = arith.maximumf %max3A_1252, %max3A_1257 : vector<16xf32>
    %bitcast_convert_type3A_1259 = tpu.bitcast %max3A_1258 : vector<16xf32> -> vector<16xi32>
    %shift_right_arithmetic3A_1260 = arith.constant 23 : i32
    %shift_right_arithmetic3A_1261 = vector.broadcast %shift_right_arithmetic3A_1260 : i32 to vector<16xi32>
    %shift_right_arithmetic3A_1262 = arith.shrsi %bitcast_convert_type3A_1259, %shift_right_arithmetic3A_1261 : vector<16xi32>
    %and3A_1263 = arith.constant 255 : i32
    %and3A_1264 = vector.broadcast %and3A_1263 : i32 to vector<16xi32>
    %and3A_1265 = arith.andi %shift_right_arithmetic3A_1262, %and3A_1264 : vector<16xi32>
    %sub3A_1266 = arith.constant 127 : i32
    %sub3A_1267 = vector.broadcast %sub3A_1266 : i32 to vector<16xi32>
    %sub3A_1268 = arith.subi %and3A_1265, %sub3A_1267 : vector<16xi32>
    %and3A_1269 = arith.constant 8388607 : i32
    %and3A_1270 = vector.broadcast %and3A_1269 : i32 to vector<16xi32>
    %and3A_1271 = arith.andi %bitcast_convert_type3A_1259, %and3A_1270 : vector<16xi32>
    %or3A_1272 = arith.constant 1065353216 : i32
    %or3A_1273 = vector.broadcast %or3A_1272 : i32 to vector<16xi32>
    %or3A_1274 = arith.ori %and3A_1271, %or3A_1273 : vector<16xi32>
    %bitcast_convert_type3A_1275 = tpu.bitcast %or3A_1274 : vector<16xi32> -> vector<16xf32>
    %gt3A_1276 = arith.constant 1.41421354 : f32
    %gt3A_1277 = vector.broadcast %gt3A_1276 : f32 to vector<16xf32>
    %gt3A_1278 = arith.cmpf ogt, %bitcast_convert_type3A_1275, %gt3A_1277 : vector<16xf32>
    %mul3A_1279 = arith.constant 5.000000e-01 : f32
    %mul3A_1280 = vector.broadcast %mul3A_1279 : f32 to vector<16xf32>
    %mul3A_1281 = arith.mulf %bitcast_convert_type3A_1275, %mul3A_1280 : vector<16xf32>
    %select_n3A_1282 = arith.select %gt3A_1278, %mul3A_1281, %bitcast_convert_type3A_1275 : vector<16xi1>, vector<16xf32>
    %convert_element_type3A_1283 = arith.sitofp %sub3A_1268 : vector<16xi32> to vector<16xf32>
    %jit3A_1284 = arith.constant 1.000000e+00 : f32
    %jit3A_1285 = arith.constant 0.000000e+00 : f32
    %broadcast_in_dim3A_1286 = vector.broadcast %jit3A_1284 : f32 to vector<16xf32>
    %broadcast_in_dim3A_1287 = vector.broadcast %jit3A_1285 : f32 to vector<16xf32>
    %select_n3A_1288 = arith.select %gt3A_1278, %broadcast_in_dim3A_1286, %broadcast_in_dim3A_1287 : vector<16xi1>, vector<16xf32>
    %add3A_1289 = arith.addf %convert_element_type3A_1283, %select_n3A_1288 : vector<16xf32>
    %sub3A_1290 = arith.constant 1.000000e+00 : f32
    %sub3A_1291 = vector.broadcast %sub3A_1290 : f32 to vector<16xf32>
    %sub3A_1292 = arith.subf %select_n3A_1282, %sub3A_1291 : vector<16xf32>
    %add3A_1293 = arith.constant 1.000000e+00 : f32
    %add3A_1294 = vector.broadcast %add3A_1293 : f32 to vector<16xf32>
    %add3A_1295 = arith.addf %select_n3A_1282, %add3A_1294 : vector<16xf32>
    %div3A_1296 = arith.divf %sub3A_1292, %add3A_1295 : vector<16xf32>
    %mul3A_1297 = arith.mulf %div3A_1296, %div3A_1296 : vector<16xf32>
    %mul3A_1298 = arith.constant 2.000000e+00 : f32
    %mul3A_1299 = vector.broadcast %mul3A_1298 : f32 to vector<16xf32>
    %mul3A_1300 = arith.mulf %mul3A_1299, %div3A_1296 : vector<16xf32>
    %mul3A_1301 = arith.constant 0.142857149 : f32
    %mul3A_1302 = vector.broadcast %mul3A_1301 : f32 to vector<16xf32>
    %mul3A_1303 = arith.mulf %mul3A_1297, %mul3A_1302 : vector<16xf32>
    %add3A_1304 = arith.constant 2.000000e-01 : f32
    %add3A_1305 = vector.broadcast %add3A_1304 : f32 to vector<16xf32>
    %add3A_1306 = arith.addf %add3A_1305, %mul3A_1303 : vector<16xf32>
    %mul3A_1307 = arith.mulf %mul3A_1297, %add3A_1306 : vector<16xf32>
    %add3A_1308 = arith.constant 0.333333343 : f32
    %add3A_1309 = vector.broadcast %add3A_1308 : f32 to vector<16xf32>
    %add3A_1310 = arith.addf %add3A_1309, %mul3A_1307 : vector<16xf32>
    %mul3A_1311 = arith.mulf %mul3A_1297, %add3A_1310 : vector<16xf32>
    %add3A_1312 = arith.constant 1.000000e+00 : f32
    %add3A_1313 = vector.broadcast %add3A_1312 : f32 to vector<16xf32>
    %add3A_1314 = arith.addf %add3A_1313, %mul3A_1311 : vector<16xf32>
    %mul3A_1315 = arith.mulf %mul3A_1300, %add3A_1314 : vector<16xf32>
    %mul3A_1316 = arith.constant 0.693147182 : f32
    %mul3A_1317 = vector.broadcast %mul3A_1316 : f32 to vector<16xf32>
    %mul3A_1318 = arith.mulf %add3A_1289, %mul3A_1317 : vector<16xf32>
    %add3A_1319 = arith.addf %mul3A_1318, %mul3A_1315 : vector<16xf32>
    %mul3A_1320 = arith.mulf %add3A_1255, %add3A_1319 : vector<16xf32>
    %add3A_1321 = arith.addf %add3A_1128, %mul3A_1320 : vector<16xf32>
    %get3A_1322 = arith.constant 48 : index
    %get3A_1323 = tpu.vector_load %arg17[%get3A_1322] {strides = array<i32>} : memref<1024xf32, #tpu.memory_space<vmem>>, vector<16xf32>,
    %add3A_1324 = arith.constant 0.000000e+00 : f32
    %add3A_1325 = vector.broadcast %add3A_1324 : f32 to vector<16xf32>
    %add3A_1326 = arith.addf %get3A_1323, %add3A_1325 : vector<16xf32>
    %get3A_1327 = arith.constant 48 : index
    %get3A_1328 = tpu.vector_load %arg18[%get3A_1327] {strides = array<i32>} : memref<1024xf32, #tpu.memory_space<vmem>>, vector<16xf32>,
    %get3A_1329 = arith.constant 112 : index
    %get3A_1330 = tpu.vector_load %arg17[%get3A_1329] {strides = array<i32>} : memref<1024xf32, #tpu.memory_space<vmem>>, vector<16xf32>,
    %add3A_1331 = vector.broadcast %add3A_574 : f32 to vector<16xf32>
    %add3A_1332 = arith.addf %get3A_1330, %add3A_1331 : vector<16xf32>
    %max3A_1333 = arith.maximumf %add3A_1326, %add3A_1332 : vector<16xf32>
    %get3A_1334 = arith.constant 112 : index
    %get3A_1335 = tpu.vector_load %arg18[%get3A_1334] {strides = array<i32>} : memref<1024xf32, #tpu.memory_space<vmem>>, vector<16xf32>,
    %add3A_1336 = arith.addf %get3A_1328, %get3A_1335 : vector<16xf32>
    %get3A_1337 = arith.constant 176 : index
    %get3A_1338 = tpu.vector_load %arg17[%get3A_1337] {strides = array<i32>} : memref<1024xf32, #tpu.memory_space<vmem>>, vector<16xf32>,
    %add3A_1339 = vector.broadcast %add3A_587 : f32 to vector<16xf32>
    %add3A_1340 = arith.addf %get3A_1338, %add3A_1339 : vector<16xf32>
    %max3A_1341 = arith.maximumf %max3A_1333, %add3A_1340 : vector<16xf32>
    %get3A_1342 = arith.constant 176 : index
    %get3A_1343 = tpu.vector_load %arg18[%get3A_1342] {strides = array<i32>} : memref<1024xf32, #tpu.memory_space<vmem>>, vector<16xf32>,
    %add3A_1344 = arith.addf %add3A_1336, %get3A_1343 : vector<16xf32>
    %get3A_1345 = arith.constant 240 : index
    %get3A_1346 = tpu.vector_load %arg17[%get3A_1345] {strides = array<i32>} : memref<1024xf32, #tpu.memory_space<vmem>>, vector<16xf32>,
    %add3A_1347 = vector.broadcast %add3A_598 : f32 to vector<16xf32>
    %add3A_1348 = arith.addf %get3A_1346, %add3A_1347 : vector<16xf32>
    %max3A_1349 = arith.maximumf %max3A_1341, %add3A_1348 : vector<16xf32>
    %get3A_1350 = arith.constant 240 : index
    %get3A_1351 = tpu.vector_load %arg18[%get3A_1350] {strides = array<i32>} : memref<1024xf32, #tpu.memory_space<vmem>>, vector<16xf32>,
    %add3A_1352 = arith.addf %add3A_1344, %get3A_1351 : vector<16xf32>
    %get3A_1353 = arith.constant 304 : index
    %get3A_1354 = tpu.vector_load %arg17[%get3A_1353] {strides = array<i32>} : memref<1024xf32, #tpu.memory_space<vmem>>, vector<16xf32>,
    %add3A_1355 = vector.broadcast %add3A_609 : f32 to vector<16xf32>
    %add3A_1356 = arith.addf %get3A_1354, %add3A_1355 : vector<16xf32>
    %max3A_1357 = arith.maximumf %max3A_1349, %add3A_1356 : vector<16xf32>
    %get3A_1358 = arith.constant 304 : index
    %get3A_1359 = tpu.vector_load %arg18[%get3A_1358] {strides = array<i32>} : memref<1024xf32, #tpu.memory_space<vmem>>, vector<16xf32>,
    %add3A_1360 = arith.addf %add3A_1352, %get3A_1359 : vector<16xf32>
    %get3A_1361 = arith.constant 368 : index
    %get3A_1362 = tpu.vector_load %arg17[%get3A_1361] {strides = array<i32>} : memref<1024xf32, #tpu.memory_space<vmem>>, vector<16xf32>,
    %add3A_1363 = vector.broadcast %add3A_620 : f32 to vector<16xf32>
    %add3A_1364 = arith.addf %get3A_1362, %add3A_1363 : vector<16xf32>
    %max3A_1365 = arith.maximumf %max3A_1357, %add3A_1364 : vector<16xf32>
    %get3A_1366 = arith.constant 368 : index
    %get3A_1367 = tpu.vector_load %arg18[%get3A_1366] {strides = array<i32>} : memref<1024xf32, #tpu.memory_space<vmem>>, vector<16xf32>,
    %add3A_1368 = arith.addf %add3A_1360, %get3A_1367 : vector<16xf32>
    %get3A_1369 = arith.constant 432 : index
    %get3A_1370 = tpu.vector_load %arg17[%get3A_1369] {strides = array<i32>} : memref<1024xf32, #tpu.memory_space<vmem>>, vector<16xf32>,
    %add3A_1371 = vector.broadcast %add3A_631 : f32 to vector<16xf32>
    %add3A_1372 = arith.addf %get3A_1370, %add3A_1371 : vector<16xf32>
    %max3A_1373 = arith.maximumf %max3A_1365, %add3A_1372 : vector<16xf32>
    %get3A_1374 = arith.constant 432 : index
    %get3A_1375 = tpu.vector_load %arg18[%get3A_1374] {strides = array<i32>} : memref<1024xf32, #tpu.memory_space<vmem>>, vector<16xf32>,
    %add3A_1376 = arith.addf %add3A_1368, %get3A_1375 : vector<16xf32>
    %get3A_1377 = arith.constant 496 : index
    %get3A_1378 = tpu.vector_load %arg17[%get3A_1377] {strides = array<i32>} : memref<1024xf32, #tpu.memory_space<vmem>>, vector<16xf32>,
    %add3A_1379 = vector.broadcast %add3A_642 : f32 to vector<16xf32>
    %add3A_1380 = arith.addf %get3A_1378, %add3A_1379 : vector<16xf32>
    %max3A_1381 = arith.maximumf %max3A_1373, %add3A_1380 : vector<16xf32>
    %get3A_1382 = arith.constant 496 : index
    %get3A_1383 = tpu.vector_load %arg18[%get3A_1382] {strides = array<i32>} : memref<1024xf32, #tpu.memory_space<vmem>>, vector<16xf32>,
    %add3A_1384 = arith.addf %add3A_1376, %get3A_1383 : vector<16xf32>
    %get3A_1385 = arith.constant 560 : index
    %get3A_1386 = tpu.vector_load %arg17[%get3A_1385] {strides = array<i32>} : memref<1024xf32, #tpu.memory_space<vmem>>, vector<16xf32>,
    %add3A_1387 = vector.broadcast %add3A_653 : f32 to vector<16xf32>
    %add3A_1388 = arith.addf %get3A_1386, %add3A_1387 : vector<16xf32>
    %max3A_1389 = arith.maximumf %max3A_1381, %add3A_1388 : vector<16xf32>
    %get3A_1390 = arith.constant 560 : index
    %get3A_1391 = tpu.vector_load %arg18[%get3A_1390] {strides = array<i32>} : memref<1024xf32, #tpu.memory_space<vmem>>, vector<16xf32>,
    %add3A_1392 = arith.addf %add3A_1384, %get3A_1391 : vector<16xf32>
    %get3A_1393 = arith.constant 624 : index
    %get3A_1394 = tpu.vector_load %arg17[%get3A_1393] {strides = array<i32>} : memref<1024xf32, #tpu.memory_space<vmem>>, vector<16xf32>,
    %add3A_1395 = vector.broadcast %add3A_664 : f32 to vector<16xf32>
    %add3A_1396 = arith.addf %get3A_1394, %add3A_1395 : vector<16xf32>
    %max3A_1397 = arith.maximumf %max3A_1389, %add3A_1396 : vector<16xf32>
    %get3A_1398 = arith.constant 624 : index
    %get3A_1399 = tpu.vector_load %arg18[%get3A_1398] {strides = array<i32>} : memref<1024xf32, #tpu.memory_space<vmem>>, vector<16xf32>,
    %add3A_1400 = arith.addf %add3A_1392, %get3A_1399 : vector<16xf32>
    %get3A_1401 = arith.constant 688 : index
    %get3A_1402 = tpu.vector_load %arg17[%get3A_1401] {strides = array<i32>} : memref<1024xf32, #tpu.memory_space<vmem>>, vector<16xf32>,
    %add3A_1403 = vector.broadcast %add3A_675 : f32 to vector<16xf32>
    %add3A_1404 = arith.addf %get3A_1402, %add3A_1403 : vector<16xf32>
    %max3A_1405 = arith.maximumf %max3A_1397, %add3A_1404 : vector<16xf32>
    %get3A_1406 = arith.constant 688 : index
    %get3A_1407 = tpu.vector_load %arg18[%get3A_1406] {strides = array<i32>} : memref<1024xf32, #tpu.memory_space<vmem>>, vector<16xf32>,
    %add3A_1408 = arith.addf %add3A_1400, %get3A_1407 : vector<16xf32>
    %get3A_1409 = arith.constant 752 : index
    %get3A_1410 = tpu.vector_load %arg17[%get3A_1409] {strides = array<i32>} : memref<1024xf32, #tpu.memory_space<vmem>>, vector<16xf32>,
    %add3A_1411 = vector.broadcast %add3A_686 : f32 to vector<16xf32>
    %add3A_1412 = arith.addf %get3A_1410, %add3A_1411 : vector<16xf32>
    %max3A_1413 = arith.maximumf %max3A_1405, %add3A_1412 : vector<16xf32>
    %get3A_1414 = arith.constant 752 : index
    %get3A_1415 = tpu.vector_load %arg18[%get3A_1414] {strides = array<i32>} : memref<1024xf32, #tpu.memory_space<vmem>>, vector<16xf32>,
    %add3A_1416 = arith.addf %add3A_1408, %get3A_1415 : vector<16xf32>
    %get3A_1417 = arith.constant 816 : index
    %get3A_1418 = tpu.vector_load %arg17[%get3A_1417] {strides = array<i32>} : memref<1024xf32, #tpu.memory_space<vmem>>, vector<16xf32>,
    %add3A_1419 = vector.broadcast %add3A_697 : f32 to vector<16xf32>
    %add3A_1420 = arith.addf %get3A_1418, %add3A_1419 : vector<16xf32>
    %max3A_1421 = arith.maximumf %max3A_1413, %add3A_1420 : vector<16xf32>
    %get3A_1422 = arith.constant 816 : index
    %get3A_1423 = tpu.vector_load %arg18[%get3A_1422] {strides = array<i32>} : memref<1024xf32, #tpu.memory_space<vmem>>, vector<16xf32>,
    %add3A_1424 = arith.addf %add3A_1416, %get3A_1423 : vector<16xf32>
    %get3A_1425 = arith.constant 880 : index
    %get3A_1426 = tpu.vector_load %arg17[%get3A_1425] {strides = array<i32>} : memref<1024xf32, #tpu.memory_space<vmem>>, vector<16xf32>,
    %add3A_1427 = vector.broadcast %add3A_708 : f32 to vector<16xf32>
    %add3A_1428 = arith.addf %get3A_1426, %add3A_1427 : vector<16xf32>
    %max3A_1429 = arith.maximumf %max3A_1421, %add3A_1428 : vector<16xf32>
    %get3A_1430 = arith.constant 880 : index
    %get3A_1431 = tpu.vector_load %arg18[%get3A_1430] {strides = array<i32>} : memref<1024xf32, #tpu.memory_space<vmem>>, vector<16xf32>,
    %add3A_1432 = arith.addf %add3A_1424, %get3A_1431 : vector<16xf32>
    %get3A_1433 = arith.constant 944 : index
    %get3A_1434 = tpu.vector_load %arg17[%get3A_1433] {strides = array<i32>} : memref<1024xf32, #tpu.memory_space<vmem>>, vector<16xf32>,
    %add3A_1435 = vector.broadcast %add3A_719 : f32 to vector<16xf32>
    %add3A_1436 = arith.addf %get3A_1434, %add3A_1435 : vector<16xf32>
    %max3A_1437 = arith.maximumf %max3A_1429, %add3A_1436 : vector<16xf32>
    %get3A_1438 = arith.constant 944 : index
    %get3A_1439 = tpu.vector_load %arg18[%get3A_1438] {strides = array<i32>} : memref<1024xf32, #tpu.memory_space<vmem>>, vector<16xf32>,
    %add3A_1440 = arith.addf %add3A_1432, %get3A_1439 : vector<16xf32>
    %get3A_1441 = arith.constant 1008 : index
    %get3A_1442 = tpu.vector_load %arg17[%get3A_1441] {strides = array<i32>} : memref<1024xf32, #tpu.memory_space<vmem>>, vector<16xf32>,
    %add3A_1443 = vector.broadcast %add3A_730 : f32 to vector<16xf32>
    %add3A_1444 = arith.addf %get3A_1442, %add3A_1443 : vector<16xf32>
    %max3A_1445 = arith.maximumf %max3A_1437, %add3A_1444 : vector<16xf32>
    %get3A_1446 = arith.constant 1008 : index
    %get3A_1447 = tpu.vector_load %arg18[%get3A_1446] {strides = array<i32>} : memref<1024xf32, #tpu.memory_space<vmem>>, vector<16xf32>,
    %add3A_1448 = arith.addf %add3A_1440, %get3A_1447 : vector<16xf32>
    %max3A_1449 = arith.constant 1.000000e+00 : f32
    %max3A_1450 = vector.broadcast %max3A_1449 : f32 to vector<16xf32>
    %max3A_1451 = arith.maximumf %max3A_1445, %max3A_1450 : vector<16xf32>
    %bitcast_convert_type3A_1452 = tpu.bitcast %max3A_1451 : vector<16xf32> -> vector<16xi32>
    %shift_right_arithmetic3A_1453 = arith.constant 23 : i32
    %shift_right_arithmetic3A_1454 = vector.broadcast %shift_right_arithmetic3A_1453 : i32 to vector<16xi32>
    %shift_right_arithmetic3A_1455 = arith.shrsi %bitcast_convert_type3A_1452, %shift_right_arithmetic3A_1454 : vector<16xi32>
    %and3A_1456 = arith.constant 255 : i32
    %and3A_1457 = vector.broadcast %and3A_1456 : i32 to vector<16xi32>
    %and3A_1458 = arith.andi %shift_right_arithmetic3A_1455, %and3A_1457 : vector<16xi32>
    %sub3A_1459 = arith.constant 127 : i32
    %sub3A_1460 = vector.broadcast %sub3A_1459 : i32 to vector<16xi32>
    %sub3A_1461 = arith.subi %and3A_1458, %sub3A_1460 : vector<16xi32>
    %and3A_1462 = arith.constant 8388607 : i32
    %and3A_1463 = vector.broadcast %and3A_1462 : i32 to vector<16xi32>
    %and3A_1464 = arith.andi %bitcast_convert_type3A_1452, %and3A_1463 : vector<16xi32>
    %or3A_1465 = arith.constant 1065353216 : i32
    %or3A_1466 = vector.broadcast %or3A_1465 : i32 to vector<16xi32>
    %or3A_1467 = arith.ori %and3A_1464, %or3A_1466 : vector<16xi32>
    %bitcast_convert_type3A_1468 = tpu.bitcast %or3A_1467 : vector<16xi32> -> vector<16xf32>
    %gt3A_1469 = arith.constant 1.41421354 : f32
    %gt3A_1470 = vector.broadcast %gt3A_1469 : f32 to vector<16xf32>
    %gt3A_1471 = arith.cmpf ogt, %bitcast_convert_type3A_1468, %gt3A_1470 : vector<16xf32>
    %mul3A_1472 = arith.constant 5.000000e-01 : f32
    %mul3A_1473 = vector.broadcast %mul3A_1472 : f32 to vector<16xf32>
    %mul3A_1474 = arith.mulf %bitcast_convert_type3A_1468, %mul3A_1473 : vector<16xf32>
    %select_n3A_1475 = arith.select %gt3A_1471, %mul3A_1474, %bitcast_convert_type3A_1468 : vector<16xi1>, vector<16xf32>
    %convert_element_type3A_1476 = arith.sitofp %sub3A_1461 : vector<16xi32> to vector<16xf32>
    %jit3A_1477 = arith.constant 1.000000e+00 : f32
    %jit3A_1478 = arith.constant 0.000000e+00 : f32
    %broadcast_in_dim3A_1479 = vector.broadcast %jit3A_1477 : f32 to vector<16xf32>
    %broadcast_in_dim3A_1480 = vector.broadcast %jit3A_1478 : f32 to vector<16xf32>
    %select_n3A_1481 = arith.select %gt3A_1471, %broadcast_in_dim3A_1479, %broadcast_in_dim3A_1480 : vector<16xi1>, vector<16xf32>
    %add3A_1482 = arith.addf %convert_element_type3A_1476, %select_n3A_1481 : vector<16xf32>
    %sub3A_1483 = arith.constant 1.000000e+00 : f32
    %sub3A_1484 = vector.broadcast %sub3A_1483 : f32 to vector<16xf32>
    %sub3A_1485 = arith.subf %select_n3A_1475, %sub3A_1484 : vector<16xf32>
    %add3A_1486 = arith.constant 1.000000e+00 : f32
    %add3A_1487 = vector.broadcast %add3A_1486 : f32 to vector<16xf32>
    %add3A_1488 = arith.addf %select_n3A_1475, %add3A_1487 : vector<16xf32>
    %div3A_1489 = arith.divf %sub3A_1485, %add3A_1488 : vector<16xf32>
    %mul3A_1490 = arith.mulf %div3A_1489, %div3A_1489 : vector<16xf32>
    %mul3A_1491 = arith.constant 2.000000e+00 : f32
    %mul3A_1492 = vector.broadcast %mul3A_1491 : f32 to vector<16xf32>
    %mul3A_1493 = arith.mulf %mul3A_1492, %div3A_1489 : vector<16xf32>
    %mul3A_1494 = arith.constant 0.142857149 : f32
    %mul3A_1495 = vector.broadcast %mul3A_1494 : f32 to vector<16xf32>
    %mul3A_1496 = arith.mulf %mul3A_1490, %mul3A_1495 : vector<16xf32>
    %add3A_1497 = arith.constant 2.000000e-01 : f32
    %add3A_1498 = vector.broadcast %add3A_1497 : f32 to vector<16xf32>
    %add3A_1499 = arith.addf %add3A_1498, %mul3A_1496 : vector<16xf32>
    %mul3A_1500 = arith.mulf %mul3A_1490, %add3A_1499 : vector<16xf32>
    %add3A_1501 = arith.constant 0.333333343 : f32
    %add3A_1502 = vector.broadcast %add3A_1501 : f32 to vector<16xf32>
    %add3A_1503 = arith.addf %add3A_1502, %mul3A_1500 : vector<16xf32>
    %mul3A_1504 = arith.mulf %mul3A_1490, %add3A_1503 : vector<16xf32>
    %add3A_1505 = arith.constant 1.000000e+00 : f32
    %add3A_1506 = vector.broadcast %add3A_1505 : f32 to vector<16xf32>
    %add3A_1507 = arith.addf %add3A_1506, %mul3A_1504 : vector<16xf32>
    %mul3A_1508 = arith.mulf %mul3A_1493, %add3A_1507 : vector<16xf32>
    %mul3A_1509 = arith.constant 0.693147182 : f32
    %mul3A_1510 = vector.broadcast %mul3A_1509 : f32 to vector<16xf32>
    %mul3A_1511 = arith.mulf %add3A_1482, %mul3A_1510 : vector<16xf32>
    %add3A_1512 = arith.addf %mul3A_1511, %mul3A_1508 : vector<16xf32>
    %mul3A_1513 = arith.mulf %add3A_1448, %add3A_1512 : vector<16xf32>
    %add3A_1514 = arith.addf %add3A_1321, %mul3A_1513 : vector<16xf32>
    %reduce_sum3A_1515 = arith.constant true
    %reduce_sum3A_1516 = vector.broadcast %reduce_sum3A_1515 : i1 to vector<16xi1>
    %reduce_sum3A_1517 = tpu.scan <sum>, %add3A_1514 masked %reduce_sum3A_1516 : vector<16xf32>, vector<16xi1> -> vector<16xf32>
    %reduce_sum3A_1518 = vector.extract %reduce_sum3A_1517[15] : f32 from vector<16xf32>
    %eq3A_1519 = arith.constant 0 : i32
    %eq3A_1520 = vector.broadcast %eq3A_1519 : i32 to vector<16xi32>
    %eq3A_1521 = arith.cmpi eq, %iota3A, %eq3A_1520 : vector<16xi32>
    %jit3A_1522 = arith.constant 0.000000e+00 : f32
    %broadcast_in_dim3A_1523 = vector.broadcast %reduce_sum3A_1518 : f32 to vector<16xf32>
    %broadcast_in_dim3A_1524 = vector.broadcast %jit3A_1522 : f32 to vector<16xf32>
    %select_n3A_1525 = arith.select %eq3A_1521, %broadcast_in_dim3A_1523, %broadcast_in_dim3A_1524 : vector<16xi1>, vector<16xf32>
    %swap3A_1526 = arith.constant 0 : index
    %swap3A_1527 = tpu.vector_load %arg15[%swap3A_1526] {strides = array<i32>} : memref<16xf32, #tpu.memory_space<vmem>>, vector<16xf32>,
    tpu.vector_store %arg15[%swap3A_1526], %select_n3A_1525 {strides = array<i32>} : memref<16xf32, #tpu.memory_space<vmem>>, vector<16xf32>,
    %mul3A_1528 = arith.constant 16 : i32
    %mul3A_1529 = arith.muli %arg1, %mul3A_1528 : i32
    "tpu.region"() ({
      %run_scoped3A = tpu.sem_alloc : memref<!tpu.dma_semaphore, #tpu.memory_space<semaphore_mem>>
      %dma_start3A_1535 = tpu.memref_slice %arg23[%mul3A_1529] : memref<256xf32, #tpu.memory_space<vmem_shared>> -> memref<16xf32, #tpu.memory_space<vmem_shared>>
      %dma_start3A_1536 = tpu.memref_slice %arg23[%mul3A_1529] : memref<256xf32, #tpu.memory_space<vmem_shared>> -> memref<16xf32, #tpu.memory_space<vmem_shared>>
      tpu.enqueue_dma source(%arg15 : memref<16xf32, #tpu.memory_space<vmem>>) target(%dma_start3A_1536 : memref<16xf32, #tpu.memory_space<vmem_shared>>) target_semaphore(%run_scoped3A : memref<!tpu.dma_semaphore, #tpu.memory_space<semaphore_mem>>)
      %dma_wait3A_1537 = tpu.memref_slice %arg23[%mul3A_1529] : memref<256xf32, #tpu.memory_space<vmem_shared>> -> memref<16xf32, #tpu.memory_space<vmem_shared>>
      %dma_wait3A_1538 = tpu.memref_slice %arg23[%mul3A_1529] : memref<256xf32, #tpu.memory_space<vmem_shared>> -> memref<16xf32, #tpu.memory_space<vmem_shared>>
      tpu.wait_dma2 semaphore(%run_scoped3A : memref<!tpu.dma_semaphore, #tpu.memory_space<semaphore_mem>>) src(%arg15 : memref<16xf32, #tpu.memory_space<vmem>>) dst(%dma_wait3A_1538 : memref<16xf32, #tpu.memory_space<vmem_shared>>)
      tpu.yield
    }) : () -> ()
    %barrier3A_1530 = arith.constant 0 : index
    tpu.barrier barrier_id(%barrier3A_1530)
    %eq3A_1531 = arith.constant 0 : i32
    %eq3A_1532 = arith.cmpi eq, %arg1, %eq3A_1531 : i32
    %convert_element_type3A_1533 = arith.extui %eq3A_1532 : i1 to i32
    %cond3A = arith.constant 0 : i32
    %cond3A_1534 = arith.cmpi ne, %convert_element_type3A_1533, %cond3A : i32
    scf.if %cond3A_1534 {
      "tpu.region"() ({
        %run_scoped3A = tpu.sem_alloc : memref<!tpu.dma_semaphore, #tpu.memory_space<semaphore_mem>>
        tpu.enqueue_dma source(%arg23 : memref<256xf32, #tpu.memory_space<vmem_shared>>) target(%arg19 : memref<256xf32, #tpu.memory_space<vmem>>) target_semaphore(%run_scoped3A : memref<!tpu.dma_semaphore, #tpu.memory_space<semaphore_mem>>)
        tpu.wait_dma2 semaphore(%run_scoped3A : memref<!tpu.dma_semaphore, #tpu.memory_space<semaphore_mem>>) src(%arg23 : memref<256xf32, #tpu.memory_space<vmem_shared>>) dst(%arg19 : memref<256xf32, #tpu.memory_space<vmem>>)
        tpu.yield
      }) : () -> ()
      %get3A_1535 = arith.constant 0 : index
      %get3A_1536 = tpu.vector_load %arg19[%get3A_1535] {strides = array<i32>} : memref<256xf32, #tpu.memory_space<vmem>>, vector<16xf32>,
      %slice3A_1537 = vector.extract_strided_slice %get3A_1536 {offsets = [0], sizes = [1], strides = [1]} : vector<16xf32> to vector<1xf32>
      %squeeze3A_1538 = vector.extract %slice3A_1537[0] : f32 from vector<1xf32>
      %add3A_1539 = arith.constant 0.000000e+00 : f32
      %add3A_1540 = arith.addf %add3A_1539, %squeeze3A_1538 : f32
      %get3A_1541 = arith.constant 16 : index
      %get3A_1542 = tpu.vector_load %arg19[%get3A_1541] {strides = array<i32>} : memref<256xf32, #tpu.memory_space<vmem>>, vector<16xf32>,
      %slice3A_1543 = vector.extract_strided_slice %get3A_1542 {offsets = [0], sizes = [1], strides = [1]} : vector<16xf32> to vector<1xf32>
      %squeeze3A_1544 = vector.extract %slice3A_1543[0] : f32 from vector<1xf32>
      %add3A_1545 = arith.addf %add3A_1540, %squeeze3A_1544 : f32
      %get3A_1546 = arith.constant 32 : index
      %get3A_1547 = tpu.vector_load %arg19[%get3A_1546] {strides = array<i32>} : memref<256xf32, #tpu.memory_space<vmem>>, vector<16xf32>,
      %slice3A_1548 = vector.extract_strided_slice %get3A_1547 {offsets = [0], sizes = [1], strides = [1]} : vector<16xf32> to vector<1xf32>
      %squeeze3A_1549 = vector.extract %slice3A_1548[0] : f32 from vector<1xf32>
      %add3A_1550 = arith.addf %add3A_1545, %squeeze3A_1549 : f32
      %get3A_1551 = arith.constant 48 : index
      %get3A_1552 = tpu.vector_load %arg19[%get3A_1551] {strides = array<i32>} : memref<256xf32, #tpu.memory_space<vmem>>, vector<16xf32>,
      %slice3A_1553 = vector.extract_strided_slice %get3A_1552 {offsets = [0], sizes = [1], strides = [1]} : vector<16xf32> to vector<1xf32>
      %squeeze3A_1554 = vector.extract %slice3A_1553[0] : f32 from vector<1xf32>
      %add3A_1555 = arith.addf %add3A_1550, %squeeze3A_1554 : f32
      %get3A_1556 = arith.constant 64 : index
      %get3A_1557 = tpu.vector_load %arg19[%get3A_1556] {strides = array<i32>} : memref<256xf32, #tpu.memory_space<vmem>>, vector<16xf32>,
      %slice3A_1558 = vector.extract_strided_slice %get3A_1557 {offsets = [0], sizes = [1], strides = [1]} : vector<16xf32> to vector<1xf32>
      %squeeze3A_1559 = vector.extract %slice3A_1558[0] : f32 from vector<1xf32>
      %add3A_1560 = arith.addf %add3A_1555, %squeeze3A_1559 : f32
      %get3A_1561 = arith.constant 80 : index
      %get3A_1562 = tpu.vector_load %arg19[%get3A_1561] {strides = array<i32>} : memref<256xf32, #tpu.memory_space<vmem>>, vector<16xf32>,
      %slice3A_1563 = vector.extract_strided_slice %get3A_1562 {offsets = [0], sizes = [1], strides = [1]} : vector<16xf32> to vector<1xf32>
      %squeeze3A_1564 = vector.extract %slice3A_1563[0] : f32 from vector<1xf32>
      %add3A_1565 = arith.addf %add3A_1560, %squeeze3A_1564 : f32
      %get3A_1566 = arith.constant 96 : index
      %get3A_1567 = tpu.vector_load %arg19[%get3A_1566] {strides = array<i32>} : memref<256xf32, #tpu.memory_space<vmem>>, vector<16xf32>,
      %slice3A_1568 = vector.extract_strided_slice %get3A_1567 {offsets = [0], sizes = [1], strides = [1]} : vector<16xf32> to vector<1xf32>
      %squeeze3A_1569 = vector.extract %slice3A_1568[0] : f32 from vector<1xf32>
      %add3A_1570 = arith.addf %add3A_1565, %squeeze3A_1569 : f32
      %get3A_1571 = arith.constant 112 : index
      %get3A_1572 = tpu.vector_load %arg19[%get3A_1571] {strides = array<i32>} : memref<256xf32, #tpu.memory_space<vmem>>, vector<16xf32>,
      %slice3A_1573 = vector.extract_strided_slice %get3A_1572 {offsets = [0], sizes = [1], strides = [1]} : vector<16xf32> to vector<1xf32>
      %squeeze3A_1574 = vector.extract %slice3A_1573[0] : f32 from vector<1xf32>
      %add3A_1575 = arith.addf %add3A_1570, %squeeze3A_1574 : f32
      %get3A_1576 = arith.constant 128 : index
      %get3A_1577 = tpu.vector_load %arg19[%get3A_1576] {strides = array<i32>} : memref<256xf32, #tpu.memory_space<vmem>>, vector<16xf32>,
      %slice3A_1578 = vector.extract_strided_slice %get3A_1577 {offsets = [0], sizes = [1], strides = [1]} : vector<16xf32> to vector<1xf32>
      %squeeze3A_1579 = vector.extract %slice3A_1578[0] : f32 from vector<1xf32>
      %add3A_1580 = arith.addf %add3A_1575, %squeeze3A_1579 : f32
      %get3A_1581 = arith.constant 144 : index
      %get3A_1582 = tpu.vector_load %arg19[%get3A_1581] {strides = array<i32>} : memref<256xf32, #tpu.memory_space<vmem>>, vector<16xf32>,
      %slice3A_1583 = vector.extract_strided_slice %get3A_1582 {offsets = [0], sizes = [1], strides = [1]} : vector<16xf32> to vector<1xf32>
      %squeeze3A_1584 = vector.extract %slice3A_1583[0] : f32 from vector<1xf32>
      %add3A_1585 = arith.addf %add3A_1580, %squeeze3A_1584 : f32
      %get3A_1586 = arith.constant 160 : index
      %get3A_1587 = tpu.vector_load %arg19[%get3A_1586] {strides = array<i32>} : memref<256xf32, #tpu.memory_space<vmem>>, vector<16xf32>,
      %slice3A_1588 = vector.extract_strided_slice %get3A_1587 {offsets = [0], sizes = [1], strides = [1]} : vector<16xf32> to vector<1xf32>
      %squeeze3A_1589 = vector.extract %slice3A_1588[0] : f32 from vector<1xf32>
      %add3A_1590 = arith.addf %add3A_1585, %squeeze3A_1589 : f32
      %get3A_1591 = arith.constant 176 : index
      %get3A_1592 = tpu.vector_load %arg19[%get3A_1591] {strides = array<i32>} : memref<256xf32, #tpu.memory_space<vmem>>, vector<16xf32>,
      %slice3A_1593 = vector.extract_strided_slice %get3A_1592 {offsets = [0], sizes = [1], strides = [1]} : vector<16xf32> to vector<1xf32>
      %squeeze3A_1594 = vector.extract %slice3A_1593[0] : f32 from vector<1xf32>
      %add3A_1595 = arith.addf %add3A_1590, %squeeze3A_1594 : f32
      %get3A_1596 = arith.constant 192 : index
      %get3A_1597 = tpu.vector_load %arg19[%get3A_1596] {strides = array<i32>} : memref<256xf32, #tpu.memory_space<vmem>>, vector<16xf32>,
      %slice3A_1598 = vector.extract_strided_slice %get3A_1597 {offsets = [0], sizes = [1], strides = [1]} : vector<16xf32> to vector<1xf32>
      %squeeze3A_1599 = vector.extract %slice3A_1598[0] : f32 from vector<1xf32>
      %add3A_1600 = arith.addf %add3A_1595, %squeeze3A_1599 : f32
      %get3A_1601 = arith.constant 208 : index
      %get3A_1602 = tpu.vector_load %arg19[%get3A_1601] {strides = array<i32>} : memref<256xf32, #tpu.memory_space<vmem>>, vector<16xf32>,
      %slice3A_1603 = vector.extract_strided_slice %get3A_1602 {offsets = [0], sizes = [1], strides = [1]} : vector<16xf32> to vector<1xf32>
      %squeeze3A_1604 = vector.extract %slice3A_1603[0] : f32 from vector<1xf32>
      %add3A_1605 = arith.addf %add3A_1600, %squeeze3A_1604 : f32
      %get3A_1606 = arith.constant 224 : index
      %get3A_1607 = tpu.vector_load %arg19[%get3A_1606] {strides = array<i32>} : memref<256xf32, #tpu.memory_space<vmem>>, vector<16xf32>,
      %slice3A_1608 = vector.extract_strided_slice %get3A_1607 {offsets = [0], sizes = [1], strides = [1]} : vector<16xf32> to vector<1xf32>
      %squeeze3A_1609 = vector.extract %slice3A_1608[0] : f32 from vector<1xf32>
      %add3A_1610 = arith.addf %add3A_1605, %squeeze3A_1609 : f32
      %get3A_1611 = arith.constant 240 : index
      %get3A_1612 = tpu.vector_load %arg19[%get3A_1611] {strides = array<i32>} : memref<256xf32, #tpu.memory_space<vmem>>, vector<16xf32>,
      %slice3A_1613 = vector.extract_strided_slice %get3A_1612 {offsets = [0], sizes = [1], strides = [1]} : vector<16xf32> to vector<1xf32>
      %squeeze3A_1614 = vector.extract %slice3A_1613[0] : f32 from vector<1xf32>
      %add3A_1615 = arith.addf %add3A_1610, %squeeze3A_1614 : f32
      %sub3A_1616 = arith.subf %add3A_1615, %add3A_744 : f32
      %add3A_1617 = vector.broadcast %sub3A_1616 : f32 to vector<16xf32>
      %add3A_1618 = arith.addf %broadcast_in_dim3A_6, %add3A_1617 : vector<16xf32>
      %add3A_1619 = vector.broadcast %add3A_747 : f32 to vector<16xf32>
      %add3A_1620 = arith.addf %broadcast_in_dim3A_6, %add3A_1619 : vector<16xf32>
      %div3A_1621 = arith.divf %add3A_1618, %add3A_1620 : vector<16xf32>
      %swap3A_1622 = arith.constant 0 : index
      %swap3A_1623 = tpu.vector_load %arg15[%swap3A_1622] {strides = array<i32>} : memref<16xf32, #tpu.memory_space<vmem>>, vector<16xf32>,
      tpu.vector_store %arg15[%swap3A_1622], %div3A_1621 {strides = array<i32>} : memref<16xf32, #tpu.memory_space<vmem>>, vector<16xf32>,
      "tpu.region"() ({
        %run_scoped3A = tpu.sem_alloc : memref<!tpu.dma_semaphore, #tpu.memory_space<semaphore_mem>>
        tpu.enqueue_dma source(%arg15 : memref<16xf32, #tpu.memory_space<vmem>>) target(%arg5 : memref<16xf32, #tpu.memory_space<hbm>>) target_semaphore(%run_scoped3A : memref<!tpu.dma_semaphore, #tpu.memory_space<semaphore_mem>>)
        tpu.wait_dma2 semaphore(%run_scoped3A : memref<!tpu.dma_semaphore, #tpu.memory_space<semaphore_mem>>) src(%arg15 : memref<16xf32, #tpu.memory_space<vmem>>) dst(%arg5 : memref<16xf32, #tpu.memory_space<hbm>>)
        tpu.yield
      }) : () -> ()
    } else {
    }
    return
  }
}

</mosaic_0001>

<sc_bundles>
// kernel: kernel.3.cloned.1.call-start
scs
__scs_entry_jumppad:
0x0: {  	(pc) =	sbr.rel $0x88, $3  }
0x1: {  	(tag) =	ssettag $0x0;
	lr =	simm.s32 $0x1  }
0x2: {  	[smem:$0x3F9E] =	sst lr;
	_ =	strace $0xD0000000  }
0x3: {  	_ = 	snop  }
0x4: {  	_ = 	snop  }
0x5: {  	_ = 	snop  }
0x6: {  	_ = 	snop  }
0x7: {  	_ = 	snop  }
__scs_overlays_trampoline_lowered:
0x8: {  	[smem:$0x3FAD] =	sst s0  }
0x9: {  	[smem:$0x3FAE] =	sst s1  }
0xa: {  	[smem:$0x3FAF] =	sst s2  }
0xb: {  	[smem:$0x3FB0] =	sst s3  }
0xc: {  	[smem:$0x3FB1] =	sst s4  }
0xd: {  	[smem:$0x3FB2] =	sst s5  }
0xe: {  	[smem:$0x3FB3] =	sst s6  }
0xf: {  	[smem:$0x3FB4] =	sst s7  }
0x10: {  	[smem:$0x3FB5] =	sst s8  }
0x11: {  	[smem:$0x3FB6] =	sst s9;
	s0 =	simm.s32 @!p0 $0x0  }
0x12: {  	s1 =	sld [smem:$0x3F9C];
	s0 =	simm.s32 @p0 $0x1  }
0x13: {  	[smem:$0x3FB7] =	sst s0;
	s0 =	simm.s32 @!p1 $0x0  }
0x14: {  	s2 =	sld [smem:$0x3F9B];
	s0 =	simm.s32 @p1 $0x1  }
0x15: {  	[smem:$0x3FB8] =	sst s0;
	s0 =	simm.s32 @!p2 $0x0  }
0x16: {  	s3 =	sld [smem:$0x3FDB];
	s0 =	simm.s32 @p2 $0x1  }
0x17: {  	s4 =	simm.s32 $0x1BF5;
	[smem:$0x3FBA] =	sst s0  }
0x18: {  	s0 =	sld [smem:$0x3F9D];
	_ =	swait.ge [sflag:s4], $0x0  }
0x19: {  	s7 =	sld [smem:$0x3F9E]  }
0x1a: {  	s8 =	sadd.s32 $0xFFFFE003, lr  }
0x1b: {  	s9 =	sadd.s32 $0xFFFFFEF7, lr;
	s5 =	simm.s32 $0xFFFFFFFF;
	p2 =	slt.u32 s8, $0xFFFFF086  }
0x1c: {  	p1 =	slt.u32 s9, $0xF7A;
	s5 =	simm.s32 @!p2 $0x0  }
0x1d: {  	s5 =	simm.s32 @p1 $0x1;
	p0 =	seq.s32 s7, s2  }
0x1e: {  	s7 =	smul.u32 @!p0 $0xF7A, s2;
	p2 =	seq.s32 @!p0 s5, $0x0  }
0x1f: {  	s9 =	smul.u32 $0xF7A, s1;
	s8 =	simm.s32 @!p0 $0x1BF5;
	p2 =	por !p2, p0  }
0x20: {  	[sflag:s8] =	ssyncset.s32 @!p0 $0xFFFFF086;
	s6 =	sadd.s32 @!p0 s3, s7;
	s7 =	simm.s32 @!p0 $0x108  }
0x21: {  	s3 =	sadd.s32 s3, s9;
	s6 =	sadd.s32 @!p0 $0x88, s6;
	s7 =	simm.s32 @p2 $0x1082  }
0x22: {  	[simem:s7], [sflag:s8] =	dma.local @!p0 [hbm:s6], $0xF7A  }
0x23: {  	s9 =	sor.u32 $0xD0000000, s2;
	s6 =	simm.s32 $0x108;
	_ =	swait.ge @!p0 [sflag:s8], $0x0  }
0x24: {  	s3 =	sadd.s32 $0x88, s3;
	s6 =	simm.s32 @!p1 $0x1082;
	[sflag:s4] =	ssyncset.s32 $0xFFFFF086  }
0x25: {  	[simem:s6], [sflag:s4] =	dma.local [hbm:s3], $0xF7A  }
0x26: {  	[smem:$0x3F9E] =	sst s1;
	(tag) =	ssettag s2;
	_ =	strace s9  }
0x27: {  	s1 =	sld [smem:$0x3FAE]  }
0x28: {  	s2 =	sld [smem:$0x3FAF]  }
0x29: {  	s4 =	sld [smem:$0x3FB1]  }
0x2a: {  	p0 =	seq.s32 s5, $0x0;
	s5 =	sld [smem:$0x3FB2]  }
0x2b: {  	s6 =	sld [smem:$0x3FB3]  }
0x2c: {  	s7 =	sld [smem:$0x3FB4]  }
0x2d: {  	s3 =	simm.s32 $0x108;
	s8 =	sld [smem:$0x3FB5]  }
0x2e: {  	s3 =	simm.s32 @!p0 $0x1082;
	s9 =	sld [smem:$0x3FB6]  }
0x2f: {  	lr =	sadd.s32 s0, s3;
	s0 =	sld [smem:$0x3FAD]  }
0x30: {  	s3 =	sld [smem:$0x3FB0]  }
0x31: {  	[smem:$0x3FB9] =	sst s10  }
0x32: {  	s10 =	sld [smem:$0x3FB7];
	_ =	sdelay $0x3  }
0x33: {  	p0 =	seq.s32 s10, $0x1;
	s10 =	sld [smem:$0x3FB9];
	_ =	sdelay $0x3  }
0x34: {  	[smem:$0x3FB9] =	sst s10  }
0x35: {  	s10 =	sld [smem:$0x3FB8];
	_ =	sdelay $0x3  }
0x36: {  	p1 =	seq.s32 s10, $0x1;
	s10 =	sld [smem:$0x3FB9];
	_ =	sdelay $0x3  }
0x37: {  	[smem:$0x3FB9] =	sst s10  }
0x38: {  	s10 =	sld [smem:$0x3FBA]  }
0x39: {  	_ = 	snop;
	(pc) =	sbr.ind lr, $3  }
0x3a: {  	_ = 	snop  }
0x3b: {  	_ = 	snop  }
0x3c: {  	p2 =	seq.s32 s10, $0x1;
	s10 =	sld [smem:$0x3FB9]  }
0x3d: {  	_ =	shalt  }
0x3e: {  	_ =	shalt  }
0x3f: {  	_ =	shalt  }
0x40: {  	_ =	shalt  }
0x41: {  	_ =	shalt  }
0x42: {  	_ =	shalt  }
0x43: {  	_ =	shalt  }
0x44: {  	_ =	shalt  }
0x45: {  	_ =	shalt  }
0x46: {  	_ =	shalt  }
0x47: {  	_ =	shalt  }
0x48: {  	_ =	shalt  }
0x49: {  	_ =	shalt  }
0x4a: {  	_ =	shalt  }
0x4b: {  	_ =	shalt  }
0x4c: {  	_ =	shalt  }
0x4d: {  	_ =	shalt  }
0x4e: {  	_ =	shalt  }
0x4f: {  	_ =	shalt  }
0x50: {  	_ =	shalt  }
0x51: {  	_ =	shalt  }
0x52: {  	_ =	shalt  }
0x53: {  	_ =	shalt  }
0x54: {  	_ =	shalt  }
0x55: {  	_ =	shalt  }
0x56: {  	_ =	shalt  }
0x57: {  	_ =	shalt  }
0x58: {  	_ =	shalt  }
0x59: {  	_ =	shalt  }
0x5a: {  	_ =	shalt  }
0x5b: {  	_ =	shalt  }
0x5c: {  	_ =	shalt  }
0x5d: {  	_ =	shalt  }
0x5e: {  	_ =	shalt  }
0x5f: {  	_ =	shalt  }
0x60: {  	_ =	shalt  }
0x61: {  	_ =	shalt  }
0x62: {  	_ =	shalt  }
0x63: {  	_ =	shalt  }
0x64: {  	_ =	shalt  }
0x65: {  	_ =	shalt  }
0x66: {  	_ =	shalt  }
0x67: {  	_ =	shalt  }
0x68: {  	_ =	shalt  }
0x69: {  	_ =	shalt  }
0x6a: {  	_ =	shalt  }
0x6b: {  	_ =	shalt  }
0x6c: {  	_ =	shalt  }
0x6d: {  	_ =	shalt  }
0x6e: {  	_ =	shalt  }
0x6f: {  	_ =	shalt  }
0x70: {  	_ =	shalt  }
0x71: {  	_ =	shalt  }
0x72: {  	_ =	shalt  }
0x73: {  	_ =	shalt  }
0x74: {  	_ =	shalt  }
0x75: {  	_ =	shalt  }
0x76: {  	_ =	shalt  }
0x77: {  	_ =	shalt  }
0x78: {  	_ =	shalt  }
0x79: {  	_ =	shalt  }
0x7a: {  	_ =	shalt  }
0x7b: {  	_ =	shalt  }
0x7c: {  	_ =	shalt  }
0x7d: {  	_ =	shalt  }
0x7e: {  	_ =	shalt  }
0x7f: {  	_ =	shalt  }
0x80: {  	_ =	shalt  }
0x81: {  	_ =	shalt  }
0x82: {  	_ =	shalt  }
0x83: {  	_ =	shalt  }
0x84: {  	_ =	shalt  }
0x85: {  	_ =	shalt  }
0x86: {  	_ =	shalt  }
0x87: {  	_ =	shalt  }
.Lfunc_end0:
.L_simem_size_0:
called_computation_lowered:
.L_overlay_start_0:
0x88: {  	s0 =	sld [smem:$0x3FD9]  }
0x89: {  	s1 =	sld [smem:$0x3FFE];
	_ =	sdelay $0x3  }
0x8a: {  	s0 =	sadd.s32 s1, s0  }
0x8b: {  	[smem:$0x3FC5] =	sst s0  }
0x8c: {  	_ = 	snop  }
0x8d: {  	s0 =	sld [smem:$0x3FC9]  }
0x8e: {  	s17 =	sld [smem:$0x3FC8]  }
0x8f: {  	s2 =	sld [smem:$0x3FC7]  }
0x90: {  	s3 =	sld [smem:$0x3FD0];
	(tm) =	ssettm $0x1  }
0x91: {  	s4 =	sld [smem:$0x3FFB];
	_ =	sdelay $0x3  }
0x92: {  	_ =	strace s4  }
0x93: {  	s4 =	sld [smem:$0x3FFC];
	_ =	sdelay $0x3  }
0x94: {  	_ =	strace s4  }
0x95: {  	s4 =	sld [smem:$0x3FFD];
	_ =	sdelay $0x3  }
0x96: {  	_ =	strace s4  }
0x97: {  	_ =	strace $0x8FFFFFFF  }
0x98: {  	s18 =	sld [smem:$0x3FDB];
	_ =	sdelay $0x1  }
0x99: {  	s5 =	simm.s32 $_scs_section_size  }
0x9a: {  	s6 =	simm.s32 $_size__tile_overlayer_lowered;
	s7 =	simm.s32 $_tile_overlayer_lowered  }
0x9b: {  	s21 =	simm.s32 $0x1BFF;
	s20 =	sshll.u32 s7, $0x1;
	s4 =	sadd.s32 s5, s18  }
0x9c: {  	s8 =	simm.s32 $0x0;
	s19 =	sshll.u32 s6, $0x1;
	s6 =	sadd.s32 s20, s4  }
0x9d: {  	[timem:s8], [sflag:s21] =	dma.local [hbm:s6], s19  }
0x9e: {  	_ =	swait.ge [sflag:s21], s19  }
0x9f: {  	s5 =	ssub.s32 $0x0, s19;
	[sflag:s21] =	ssyncset.done $0x0  }
0xa0: {  	[sflag:s21] =	ssyncadd.s32 s5;
	_ =	sdelay $0x1  }
0xa1: {  	s22 =	simm.s32 $0x1B8B  }
0xa2: {  	_ =	swait.ge [sflag:s22], $0x1  }
0xa3: {  	[sflag:s22] =	ssyncset.done $0x0  }
0xa4: {  	s23 =	simm.s32 $0x1B8E;
	[sflag:s22] =	ssyncadd.s32 $0xFFFFFFFF  }
0xa5: {  	s24 =	simm.s32 $execute0_lowered;
	[smem:$0x3FD2] =	sst s23  }
0xa6: {  	s5 =	sshll.u32 s24, $0x1;
	_ =	strace $0x80000046;
	[dreg:$0x1] =	wrdreg $0xFFFFFFFF  }
0xa7: {  	s25 =	simm.s32 $_size_execute0_lowered;
	s4 =	sadd.s32 s4, s5;
	[dreg:$0x0] =	wrdreg $0x0  }
0xa8: {  	s5 =	sshll.u32 s25, $0x1;
	[dreg:$0x2] =	wrdreg s4  }
0xa9: {  	[dreg:$0x3] =	wrdreg s5  }
0xaa: {  	[dreg:$0x4] =	wrdreg $0xC0  }
0xab: {  	_ =	task [dreg:s8], $0x5FFFF  }
0xac: {  	[dreg:$0x1] =	wrdreg $0xFFFFFFFF  }
0xad: {  	[dreg:$0x0] =	wrdreg $0x60  }
0xae: {  	[dreg:$0x2] =	wrdreg s0  }
0xaf: {  	[dreg:$0x3] =	wrdreg s17  }
0xb0: {  	[dreg:$0x4] =	wrdreg s2  }
0xb1: {  	[dreg:$0x5] =	wrdreg s3  }
0xb2: {  	[dreg:$0x6] =	wrdreg $0x9B800  }
0xb3: {  	[dreg:$0x7] =	wrdreg $0x93800  }
0xb4: {  	[dreg:$0x8] =	wrdreg $0x97800  }
0xb5: {  	[dreg:$0x9] =	wrdreg $0x9B900  }
0xb6: {  	[dreg:$0xa] =	wrdreg $0x9  }
0xb7: {  	_ =	task.clear_ibuf [dreg:s8], $0xBFFFF;
	_ =	strace $0x90000046  }
0xb8: {  	s26 =	simm.s32 $0x9;
	_ =	strace $0x80000048  }
0xb9: {  	_ =	swait.ge [sflag:s26], $0x1  }
0xba: {  	[sflag:s26] =	ssyncadd.s32 $0xFFFFFFFF  }
0xbb: {  	_ =	strace $0x90000048  }
0xbc: {  	_ =	sfence  }
0xbd: {  	s28 =	sld [smem:$0x0];
	_ =	sdelay $0x1  }
0xbe: {  	s29 =	srdreg.scid  }
0xbf: {  	s30 =	sshll.u32 s29, $0xD;
	s31 =	sshrl.u32 s29, $0x2  }
0xc0: {  	s1 =	sand.u32 $0x1, s29;
	s2 =	sand.u32 $0x4000, s30;
	s0 =	sadd.s32 s31, s28  }
0xc1: {  	s1 =	sor.u32 s2, s1;
	s0 =	sshll.u32 s0, $0x11  }
0xc2: {  	s0 =	sor.u32 s0, s1  }
0xc3: {  	s0 =	sadd.s32 $0x8F2B, s0  }
0xc4: {  	[sflag:s0] =	ssyncadd.remote.s32 $0x1  }
0xc5: {  	_ =	sfence.sel $0xFFFF  }
0xc6: {  	[dreg:$0x0] =	wrdreg $0xFFFFFFFF;
	(pc) =	sbr.abs _section_cstart, $3  }
0xc7: {  	[dreg:$0x1] =	wrdreg $0xFFFFFFFF  }
0xc8: {  	_ =	task.clear_ibuf [dreg:s8], $0x2FFFF;
	_ =	strace $0x9FFFFFFF  }
0xc9: {  	(tm) =	ssettm $0x7FFFFFFF  }
tec
execute0_lowered:
.L_overlay_start_1:
0x0: {  	(tag) =	ssettag $0x1  }
0x1: {  	s7 =	rddreg [dreg:$0x0]  }
0x2: {  	s8 =	rddreg [dreg:$0x1]  }
0x3: {  	s9 =	rddreg [dreg:$0x2]  }
0x4: {  	s1 =	rddreg [dreg:$0x3]  }
0x5: {  	s6 =	rddreg [dreg:$0x4]  }
0x6: {  	s5 =	rddreg [dreg:$0x5]  }
0x7: {  	s4 =	rddreg [dreg:$0x6];
	s10 =	simm.s32 $0x0;
	s3 =	stileid.u32  }
0x8: {  	[smem:$0x7FF] =	sst s10;
	s11 =	sshll.u32 s3, $0x9  }
0x9: {  	s2 =	rddreg [dreg:$0x7];
	_ =	strace $0x80000047;
	s7 =	sadd.s32 s7, s11  }
0xa: {  	[tilespmem:s10], [sflag:$0x2] =	stream.linear.gather [hbm4b:s7+s10], $0x1000, $0x38;
	[tilespmem:$0x9BA0] =	vst v63  }
0xb: {  	s29 =	simm.s32 $0x1000;
	s31 =	simm.s32 $0x2000;
	s28 =	sadd.s32 s8, s11  }
0xc: {  	[tilespmem:s29], [sflag:$0x1] =	stream.linear.gather [hbm4b:s28+s10], $0x1000, $0x38;
	[tilespmem:$0x9BA0] =	vst v63  }
0xd: {  	s30 =	sadd.s32 s9, s11;
	s8 =	simm.s32 $0x200;
	s7 =	simm.s32 $0x0  }
0xe: {  	v0 =	vimm.f32 $-3.000000010e+38;
	[tilespmem:s31], [sflag:$0x1] =	stream.linear.gather [hbm4b:s30+s10], $0x1000, $0x38;
	[tilespmem:$0x9BA0] =	vst v63  }
.LBB2_1:
0xf: {  	p0 =	sne.s32 s8, $0xFE00;
	[tilespmem:s7+$0x4170] =	vst v0  }
0x10: {  	[tilespmem:s7+$0x4100] =	vst v0  }
0x11: {  	[tilespmem:s7+$0x4110] =	vst v0  }
.Ltmp0:
0x12: {  	[tilespmem:s7+$0x4120] =	vst v0;
	(pc) =	sbr.rel @p0 .LBB2_1-.Ltmp0, $4  }
0x13: {  	[tilespmem:s7+$0x4130] =	vst v0  }
0x14: {  	[tilespmem:s7+$0x4140] =	vst v0  }
0x15: {  	[tilespmem:s7+$0x4150] =	vst v0  }
0x16: {  	[tilespmem:s7+$0x4160] =	vst v0;
	s7 =	sshra.s32 s8, $0x2;
	s8 =	sadd.s32 $0x200, s8  }
0x17: {  	[tilespmem:s7+$0x4170] =	vst v0  }
0x18: {  	[tilespmem:s7+$0x4100] =	vst v0  }
0x19: {  	[tilespmem:s7+$0x4110] =	vst v0  }
0x1a: {  	[tilespmem:s7+$0x4120] =	vst v0  }
0x1b: {  	[tilespmem:s7+$0x4130] =	vst v0  }
0x1c: {  	[tilespmem:s7+$0x4140] =	vst v0  }
0x1d: {  	[tilespmem:s7+$0x4150] =	vst v0  }
0x1e: {  	[tilespmem:s7+$0x4160] =	vst v0;
	v0 =	vimm.f32 $0.0e+00;
	s7 =	simm.s32 $0x0;
	s8 =	simm.s32 $0x200  }
.LBB2_3:
0x1f: {  	p0 =	sne.s32 s8, $0xE00;
	[tilespmem:s7+$0x8170] =	vst v0  }
0x20: {  	[tilespmem:s7+$0x8100] =	vst v0  }
0x21: {  	[tilespmem:s7+$0x8110] =	vst v0  }
.Ltmp1:
0x22: {  	[tilespmem:s7+$0x8120] =	vst v0;
	(pc) =	sbr.rel @p0 .LBB2_3-.Ltmp1, $4  }
0x23: {  	[tilespmem:s7+$0x8130] =	vst v0  }
0x24: {  	[tilespmem:s7+$0x8140] =	vst v0  }
0x25: {  	[tilespmem:s7+$0x8150] =	vst v0  }
0x26: {  	[tilespmem:s7+$0x8160] =	vst v0;
	s7 =	sshra.s32 s8, $0x2;
	s8 =	sadd.s32 $0x200, s8  }
0x27: {  	[tilespmem:s7+$0x8170] =	vst v0  }
0x28: {  	[tilespmem:s7+$0x8100] =	vst v0  }
0x29: {  	[tilespmem:s7+$0x8110] =	vst v0  }
0x2a: {  	[tilespmem:s7+$0x8120] =	vst v0  }
0x2b: {  	[tilespmem:s7+$0x8130] =	vst v0  }
0x2c: {  	[tilespmem:s7+$0x8140] =	vst v0  }
0x2d: {  	[tilespmem:s7+$0x8150] =	vst v0  }
0x2e: {  	[tilespmem:s7+$0x8160] =	vst v0;
	s31 =	simm.s32 $0x2  }
0x2f: {  	_ =	swait.ge [sflag:s31], $0x1000  }
0x30: {  	[sflag:s31] =	ssyncset.done $0x0  }
0x31: {  	s7 =	simm.s32 $0x0;
	[sflag:s31] =	ssyncadd.s32 $0xFFFFF000  }
0x32: {  	v0 =	vld [tilespmem:s7+$0x0];
	_ =	sdelay $0x1  }
0x33: {  	v1 =	vld [tilespmem:s7+$0x20]  }
0x34: {  	v2 =	vld [tilespmem:s7+$0x10];
	_ =	sdelay $0x1  }
0x35: {  	v3 =	vld [tilespmem:s7+$0x30];
	v0 =	vmul.f32 $1.442695020e+00, v0;
	_ =	sdelay $0x1  }
0x36: {  	(erf) = vpow2.f32 v0;
	v0 =	vmul.f32 $1.442695020e+00, v1  }
0x37: {  	v1 =	vmul.f32 $1.442695020e+00, v2  }
0x38: {  	(erf) = vpow2.f32 v0  }
0x39: {  	v2 =	vld [tilespmem:s7+$0x50];
	v0 =	vmul.f32 $1.442695020e+00, v3;
	(erf) = vpow2.f32 v1;
	_ =	sdelay $0x1  }
0x3a: {  	v1 =	vld [tilespmem:s7+$0x40];
	(erf) = vpow2.f32 v0;
	_ =	sdelay $0x2  }
0x3b: {  	v2 =	vmul.f32 $1.442695020e+00, v2  }
0x3c: {  	v0 =	vld [tilespmem:s7+$0x60];
	v3 =	vpop (erf)  }
0x3d: {  	v1 =	vmul.f32 $1.442695020e+00, v1;
	(erf) = vpow2.f32 v2;
	(xrf2) =	vadd.scan.msk.f32 $0xffff, v3  }
0x3e: {  	v2 =	vld [tilespmem:s7+$0x80];
	v3 =	vpop (erf)  }
0x3f: {  	(erf) = vpow2.f32 v1;
	v4 =	vpop (erf);
	(xrf2) =	vadd.scan.msk.f32 $0xffff, v3  }
0x40: {  	(xrf2) =	vadd.scan.msk.f32 $0xffff, v4  }
0x41: {  	v0 =	vmul.f32 $1.442695020e+00, v0;
	v1 =	vpop (erf)  }
0x42: {  	(xrf2) =	vadd.scan.msk.f32 $0xffff, v1;
	v1 =	vld [tilespmem:s7+$0x70]  }
0x43: {  	(erf) = vpow2.f32 v0;
	v0 =	vmul.f32 $1.442695020e+00, v2;
	v2 =	vld [tilespmem:s7+$0x90];
	_ =	sdelay $0x1  }
0x44: {  	(erf) = vpow2.f32 v0  }
0x45: {  	vm0 =	vmmov $0x1;
	v4 =	vld [tilespmem:s7+$0xA0];
	v3 =	vpop (erf)  }
0x46: {  	vm14 =	vmmov $0x3;
	vm13 =	vmmov $0x7;
	v6 =	vmul.f32 $1.442695020e+00, v1;
	(xrf2) =	vadd.scan.msk.f32 $0xffff, v3;
	v0, _, _ =	vpop (xrf2)  }
0x47: {  	vm12 =	vmmov $0xf;
	vm11 =	vmmov $0x1f;
	v5 =	vld [tilespmem:s7+$0xB0];
	v2 =	vmul.f32 $1.442695020e+00, v2;
	v7 =	vpop (erf)  }
0x48: {  	vm10 =	vmmov $0x3f;
	vm9 =	vmmov $0x7f;
	(erf) = vpow2.f32 v6;
	v1, _, _ =	vpop (xrf2)  }
0x49: {  	vm8 =	vmmov $0xff;
	vm7 =	vmmov $0x1ff;
	v8 =	vld [tilespmem:s7+$0xC0];
	(erf) = vpow2.f32 v2;
	v3, _, _ =	vpop (xrf2);
	(xrf2) =	vadd.scan.msk.f32 $0xffff, v7  }
0x4a: {  	vm3 =	vmmov $0x3ff;
	vm6 =	vmmov $0x7ff;
	v2 =	vmul.f32 $1.442695020e+00, v4  }
0x4b: {  	vm1 =	vmmov $0xfff;
	vm4 =	vmmov $0x1fff;
	vm2 =	vmmov $0x3fff;
	[tilespmem:s7+$0x3000] =	vst v0;
	v4 =	vpop (erf)  }
0x4c: {  	v6 =	vmul.f32 $1.442695020e+00, v5;
	[tilespmem:s7+$0x3020] =	vst v1;
	v5, _, _ =	vpop (xrf2);
	(xrf2) =	vadd.scan.msk.f32 $0xffff, v4;
	(erf) = vpow2.f32 v2  }
0x4d: {  	vm5 =	vmmov $0x7fff;
	s10 =	simm.s32 $0x4000;
	[tilespmem:s7+$0x3010] =	vst v3;
	v3 =	vbroadcast v3, $0xF;
	v2 =	vbroadcast v5, $0xF;
	v7 =	vpop (erf)  }
0x4e: {  	s11 =	simm.s32 $0x400;
	s8 =	simm.s32 $0x0;
	s9 =	simm.s32 $0x4000;
	v4 =	vld [tilespmem:s7+$0xD0];
	[tilespmem:s7+$0x3030] =	vst v5;
	v5 =	vmul.f32 $1.442695020e+00, v8;
	(erf) = vpow2.f32 v6;
	(xrf2) =	vadd.scan.msk.f32 $0xffff, v7  }
.LBB2_5:
0x4f: {  	p0 =	sne.s32 s11, $0x3C00  }
0x50: {  	s10 =	sadd.s32 $0x10, s10;
	v6, _, _ =	vpop (xrf2);
	s12 =	smov.u32 s11;
	s11 =	sadd.s32 $0x400, s11  }
0x51: {  	[tilespmem:s8+$0x3050] =	vst v6;
	v7 =	vld [tilespmem:s8+$0xE0];
	v8 =	vpop (erf);
	(erf) = vpow2.f32 v5  }
0x52: {  	s12 =	sshra.s32 s12, $0x2;
	(xrf2) =	vadd.scan.msk.f32 $0xffff, v8;
	v5 =	vpop (erf)  }
0x53: {  	v0 =	vbroadcast v0, $0xF;
	v8 =	vld [tilespmem:s12+$0x0];
	v4 =	vmul.f32 $1.442695020e+00, v4;
	v9, _, _ =	vpop (xrf2)  }
0x54: {  	v1 =	vbroadcast v1, $0xF;
	v6 =	vbroadcast v6, $0xF;
	v10 =	vld [tilespmem:s12+$0x10];
	[tilespmem:s8+$0x3040] =	vst v9  }
0x55: {  	v0 =	vsel vm0, v0, v3;
	v11 =	vld [tilespmem:s12+$0x20];
	(xrf2) =	vadd.scan.msk.f32 $0xffff, v5;
	v3 =	vpop (erf);
	(erf) = vpow2.f32 v4  }
0x56: {  	v0 =	vsel vm14, v0, v1;
	v9 =	vbroadcast v9, $0xF;
	v12 =	vmul.f32 $1.442695020e+00, v7;
	v5 =	vld [tilespmem:s8+$0xF0];
	v7, _, _ =	vpop (xrf2)  }
0x57: {  	v0 =	vsel vm13, v0, v2;
	[tilespmem:s8+$0x3060] =	vst v7;
	v13 =	vbroadcast v7, $0xF  }
0x58: {  	v0 =	vsel vm12, v0, v9;
	v7 =	vmul.f32 $1.442695020e+00, v8;
	(xrf2) =	vadd.scan.msk.f32 $0xffff, v3;
	v1 =	vpop (erf);
	(erf) = vpow2.f32 v12  }
0x59: {  	v0 =	vsel vm11, v0, v6;
	v3 =	vmul.f32 $1.442695020e+00, v10;
	v4, _, _ =	vpop (xrf2)  }
0x5a: {  	v0 =	vsel vm10, v0, v13;
	v6 =	vld [tilespmem:s12+$0x30];
	(erf) = vpow2.f32 v7;
	[tilespmem:s8+$0x3080] =	vst v4;
	v2 =	vpop (erf)  }
0x5b: {  	v7 =	vmul.f32 $1.442695020e+00, v11;
	v5 =	vmul.f32 $1.442695020e+00, v5;
	(xrf2) =	vadd.scan.msk.f32 $0xffff, v2  }
0x5c: {  	v2 =	vbroadcast v4, $0xF;
	v4, _, _ =	vpop (xrf2)  }
0x5d: {  	[tilespmem:s8+$0x3070] =	vst v4;
	(erf) = vpow2.f32 v5  }
0x5e: {  	v5 =	vld [tilespmem:s12+$0x40];
	(erf) = vpow2.f32 v7;
	(xrf2) =	vadd.scan.msk.f32 $0xffff, v1;
	v1 =	vpop (erf)  }
0x5f: {  	v4 =	vbroadcast v4, $0xF;
	v6 =	vmul.f32 $1.442695020e+00, v6;
	v7, _, _ =	vpop (xrf2)  }
0x60: {  	[tilespmem:s8+$0x3090] =	vst v7  }
0x61: {  	v0 =	vsel vm9, v0, v4;
	(xrf2) =	vadd.scan.msk.f32 $0xffff, v1;
	v1 =	vpop (erf)  }
0x62: {  	v0 =	vsel vm8, v0, v2;
	v2 =	vbroadcast v7, $0xF;
	v4 =	vld [tilespmem:s12+$0x50];
	v7, _, _ =	vpop (xrf2)  }
0x63: {  	v5 =	vmul.f32 $1.442695020e+00, v5;
	v8 =	vpop (erf);
	(erf) = vpow2.f32 v3;
	[tilespmem:s8+$0x30A0] =	vst v7  }
0x64: {  	(xrf2) =	vadd.scan.msk.f32 $0xffff, v1  }
0x65: {  	v1 =	vbroadcast v7, $0xF;
	v3, _, _ =	vpop (xrf2)  }
0x66: {  	v7 =	vld [tilespmem:s12+$0x60];
	[tilespmem:s8+$0x30C0] =	vst v3;
	v9 =	vpop (erf)  }
0x67: {  	v4 =	vmul.f32 $1.442695020e+00, v4;
	v10 =	vpop (erf);
	(erf) = vpow2.f32 v6;
	(xrf2) =	vadd.scan.msk.f32 $0xffff, v9  }
0x68: {  	v6, _, _ =	vpop (xrf2)  }
0x69: {  	[tilespmem:s8+$0x30B0] =	vst v6  }
0x6a: {  	v3 =	vbroadcast v3, $0xF;
	v9 =	vld [tilespmem:s12+$0x70];
	(xrf2) =	vadd.scan.msk.f32 $0xffff, v8;
	(erf) = vpow2.f32 v4  }
0x6b: {  	v6 =	vbroadcast v6, $0xF;
	v4 =	vmul.f32 $1.442695020e+00, v7;
	v7, _, _ =	vpop (xrf2)  }
0x6c: {  	v0 =	vsel vm7, v0, v2;
	v8 =	vpop (erf);
	[tilespmem:s8+$0x30D0] =	vst v7  }
0x6d: {  	v0 =	vsel vm3, v0, v1;
	(xrf2) =	vadd.scan.msk.f32 $0xffff, v10;
	(erf) = vpow2.f32 v5  }
0x6e: {  	v0 =	vsel vm6, v0, v6;
	v7 =	vbroadcast v7, $0xF;
	v1 =	vld [tilespmem:s12+$0x80];
	v5, _, _ =	vpop (xrf2)  }
0x6f: {  	v0 =	vsel vm1, v0, v3;
	v6 =	vmul.f32 $1.442695020e+00, v9;
	[tilespmem:s8+$0x30E0] =	vst v5;
	v3 =	vbroadcast v5, $0xF  }
0x70: {  	v0 =	vsel vm4, v0, v7;
	(xrf2) =	vadd.scan.msk.f32 $0xffff, v8;
	v5 =	vpop (erf)  }
0x71: {  	v0 =	vsel vm2, v0, v3;
	v2, _, _ =	vpop (xrf2)  }
0x72: {  	v3 =	vld [tilespmem:s12+$0x90];
	(erf) = vpow2.f32 v4;
	v4 =	vsel vm5, v0, v2  }
0x73: {  	v1 =	vmul.f32 $1.442695020e+00, v1;
	(xrf2) =	vadd.scan.msk.f32 $0xffff, v5;
	v5 =	vpop (erf)  }
0x74: {  	v0, _, _ =	vpop (xrf2);
	[tilespmem:s8+$0x30F0] =	vst v2;
	s8 =	smov.u32 s12  }
0x75: {  	v2 =	vld [tilespmem:s8+$0xA0];
	(erf) = vpow2.f32 v1;
	[tilespmem:s9+$0x0] =	vst v4;
	s9 =	smov.u32 s10  }
0x76: {  	[tilespmem:s8+$0x3000] =	vst v0;
	v4 =	vpop (erf);
	(xrf2) =	vadd.scan.msk.f32 $0xffff, v5  }
0x77: {  	v7 =	vmul.f32 $1.442695020e+00, v3;
	v1, _, _ =	vpop (xrf2)  }
0x78: {  	[tilespmem:s8+$0x3020] =	vst v1;
	v5 =	vld [tilespmem:s8+$0xB0];
	(erf) = vpow2.f32 v6  }
0x79: {  	(xrf2) =	vadd.scan.msk.f32 $0xffff, v4;
	(erf) = vpow2.f32 v7  }
0x7a: {  	v8 =	vmul.f32 $1.442695020e+00, v2;
	v6 =	vld [tilespmem:s8+$0xC0];
	v3, _, _ =	vpop (xrf2)  }
.Ltmp2:
0x7b: {  	[tilespmem:s8+$0x3010] =	vst v3;
	v3 =	vbroadcast v3, $0xF;
	v4 =	vpop (erf);
	(pc) =	sbr.rel @p0 .LBB2_5-.Ltmp2, $4  }
0x7c: {  	(xrf2) =	vadd.scan.msk.f32 $0xffff, v4;
	(erf) = vpow2.f32 v8  }
0x7d: {  	v7 =	vmul.f32 $1.442695020e+00, v5;
	v2, _, _ =	vpop (xrf2)  }
0x7e: {  	[tilespmem:s8+$0x3030] =	vst v2;
	v2 =	vbroadcast v2, $0xF;
	v4 =	vld [tilespmem:s8+$0xD0];
	v8 =	vpop (erf)  }
0x7f: {  	v5 =	vmul.f32 $1.442695020e+00, v6;
	(xrf2) =	vadd.scan.msk.f32 $0xffff, v8;
	(erf) = vpow2.f32 v7  }
0x80: {  	v7 =	vld [tilespmem:s8+$0xE0]  }
0x81: {  	(erf) = vpow2.f32 v5  }
0x82: {  	v47 =	vld [tilespmem:s8+$0xF0]  }
0x83: {  	v4 =	vmul.f32 $1.442695020e+00, v4  }
0x84: {  	v6, _, _ =	vpop (xrf2)  }
0x85: {  	v48 =	vpop (erf);
	v7 =	vmul.f32 $1.442695020e+00, v7;
	(erf) = vpow2.f32 v4  }
0x86: {  	v49 =	vpop (erf)  }
0x87: {  	(xrf2) =	vadd.scan.msk.f32 $0xffff, v48;
	v8, _, _ =	vpop (xrf2);
	v5 =	vmul.f32 $1.442695020e+00, v47;
	(erf) = vpow2.f32 v7  }
0x88: {  	v50 =	vpop (erf)  }
0x89: {  	(xrf2) =	vadd.scan.msk.f32 $0xffff, v49;
	(erf) = vpow2.f32 v5;
	v51 =	vpop (erf)  }
0x8a: {  	v0 =	vbroadcast v0, $0xF;
	(xrf2) =	vadd.scan.msk.f32 $0xffff, v50;
	v52 =	vpop (erf)  }
0x8b: {  	v1 =	vbroadcast v1, $0xF;
	(xrf2) =	vadd.scan.msk.f32 $0xffff, v52  }
0x8c: {  	v0 =	vsel vm0, v0, v3;
	(xrf2) =	vadd.scan.msk.f32 $0xffff, v51  }
0x8d: {  	v0 =	vsel vm14, v0, v1;
	v1 =	vbroadcast v8, $0xF;
	v3, _, _ =	vpop (xrf2)  }
0x8e: {  	v53 =	vpop (erf)  }
0x8f: {  	v55, _, _ =	vpop (xrf2);
	(xrf2) =	vadd.scan.msk.f32 $0xffff, v53  }
0x90: {  	v0 =	vsel vm13, v0, v2;
	v54 =	vpop (erf)  }
0x91: {  	v56 =	vbroadcast v6, $0xF;
	v0 =	vsel vm12, v0, v1;
	v1, _, _ =	vpop (xrf2);
	(xrf2) =	vadd.scan.msk.f32 $0xffff, v54  }
0x92: {  	v57 =	vbroadcast v3, $0xF;
	[tilespmem:s8+$0x3060] =	vst v3;
	v3 =	vbroadcast v55, $0xF;
	v2 =	vpop (erf)  }
0x93: {  	v0 =	vsel vm11, v0, v56;
	v58 =	vbroadcast v1, $0xF;
	(xrf2) =	vadd.scan.msk.f32 $0xffff, v2;
	v2, _, _ =	vpop (xrf2)  }
0x94: {  	v0 =	vsel vm10, v0, v57;
	v59, _, _ =	vpop (xrf2)  }
0x95: {  	[tilespmem:s8+$0x3050] =	vst v6;
	v0 =	vsel vm9, v0, v58;
	v60, _, _ =	vpop (xrf2)  }
0x96: {  	[tilespmem:s8+$0x3040] =	vst v8;
	v0 =	vsel vm8, v0, v3;
	v3, _, _ =	vpop (xrf2)  }
0x97: {  	v61 =	vbroadcast v2, $0xF;
	[tilespmem:s8+$0x3090] =	vst v2;
	v2 =	vbroadcast v3, $0xF  }
0x98: {  	[tilespmem:s8+$0x3070] =	vst v1;
	v1 =	vbroadcast v59, $0xF  }
0x99: {  	[tilespmem:s8+$0x3080] =	vst v55;
	v0 =	vsel vm7, v0, v61;
	v63, _, _ =	vpop (xrf2)  }
0x9a: {  	[tilespmem:s8+$0x30A0] =	vst v59;
	v62 =	vbroadcast v60, $0xF;
	v0 =	vsel vm3, v0, v1;
	v1 =	vbroadcast v63, $0xF  }
0x9b: {  	[tilespmem:s8+$0x30C0] =	vst v60;
	v0 =	vsel vm6, v0, v2;
	v2, _, _ =	vpop (xrf2)  }
0x9c: {  	[tilespmem:s8+$0x30B0] =	vst v3;
	v0 =	vsel vm1, v0, v62;
	v3 =	vbroadcast v2, $0xF  }
0x9d: {  	[tilespmem:s8+$0x30D0] =	vst v63;
	v0 =	vsel vm4, v0, v1  }
0x9e: {  	[tilespmem:s8+$0x30E0] =	vst v2;
	v0 =	vsel vm2, v0, v3;
	v1, _, _ =	vpop (xrf2)  }
0x9f: {  	v0 =	vsel vm5, v0, v1;
	[tilespmem:s8+$0x30F0] =	vst v1  }
0xa0: {  	[tilespmem:s9+$0x0] =	vst v0  }
0xa1: {  	v0 =	vld [tilespmem:s7+$0x4000];
	_ =	sdelay $0x4  }
0xa2: {  	(xrf2) =	vadd.scan.msk.f32 $0xffff, v0;
	_ =	sdelay $0x9  }
0xa3: {  	v1, _, _ =	vpop (xrf2)  }
0xa4: {  	(v2sf) =	vpush v1, $0xF  }
0xa5: {  	v0 =	vsub.f32 v1, v0  }
0xa6: {  	s8 =	simm.f32 $0.0e+00  }
0xa7: {  	v0 =	vadd.f32 s8, v0;
	_ =	sdelay $0x1  }
0xa8: {  	s9 =	simm.s32 $0x10;
	[tilespmem:s7+$0x4000] =	vst v0  }
0xa9: {  	v0 =	vld [tilespmem:s9+$0x4000];
	_ =	sdelay $0x4  }
0xaa: {  	(xrf2) =	vadd.scan.msk.f32 $0xffff, v0;
	_ =	sdelay $0x3  }
0xab: {  	s7 =	simm.s32 $0x80;
	s10 =	spop (v2sf)  }
.LBB2_7:
0xac: {  	p0 =	sne.s32 s7, $0x3C0  }
0xad: {  	s8 =	sadd.f32 s10, s8;
	s10 =	smov.u32 s7;
	s7 =	sadd.s32 $0x40, s7  }
0xae: {  	_ =	sdelay $0x2  }
0xaf: {  	v1, _, _ =	vpop (xrf2)  }
0xb0: {  	v0 =	vsub.f32 v1, v0;
	(v2sf) =	vpush v1, $0xF;
	_ =	sdelay $0x1  }
0xb1: {  	v0 =	vadd.f32 s8, v0;
	_ =	sdelay $0x1  }
0xb2: {  	[tilespmem:s9+$0x4000] =	vst v0;
	s9 =	sshra.s32 s10, $0x2  }
0xb3: {  	v0 =	vld [tilespmem:s9+$0x4000];
	_ =	sdelay $0x4  }
0xb4: {  	(xrf2) =	vadd.scan.msk.f32 $0xffff, v0  }
.Ltmp3:
0xb5: {  	(pc) =	sbr.rel @p0 .LBB2_7-.Ltmp3, $2  }
0xb6: {  	_ =	sdelay $0x2  }
0xb7: {  	s10 =	spop (v2sf)  }
0xb8: {  	_ =	sdelay $0x3  }
0xb9: {  	v1, _, _ =	vpop (xrf2)  }
0xba: {  	(v2sf) =	vpush v1, $0xF;
	_ =	sdelay $0xa  }
0xbb: {  	s7 =	sadd.f32 s10, s8;
	v0 =	vsub.f32 v1, v0;
	_ =	sdelay $0x1  }
0xbc: {  	v0 =	vadd.f32 s7, v0;
	_ =	sdelay $0x1  }
0xbd: {  	s31 =	simm.s32 $0x1;
	[tilespmem:s9+$0x4000] =	vst v0;
	s30 =	spop (v2sf)  }
0xbe: {  	_ =	swait.ge [sflag:s31], $0x1000  }
0xbf: {  	[sflag:s31] =	ssyncset.done $0x0  }
0xc0: {  	[sflag:s31] =	ssyncadd.s32 $0xFFFFF000  }
0xc1: {  	s8 =	simm.s32 $0x0;
	s10 =	simm.s32 $0x8100;
	_ =	swait.ge [sflag:s31], $0x1000  }
0xc2: {  	s11 =	simm.s32 $0x0;
	s12 =	simm.s32 $0x4100;
	v1 =	vlaneseq.u32;
	[sflag:s31] =	ssyncset.done $0x0  }
0xc3: {  	v2 =	vmul.u32 $0x400, v1;
	v1 =	vimm.f32 $0.0e+00;
	v0 =	vimm.f32 $0.0e+00;
	s9 =	simm.s32 $0x4000;
	s7 =	sadd.f32 s30, s7;
	[sflag:s31] =	ssyncadd.s32 $0xFFFFF000  }
.LBB2_9:
0xc4: {  	v3 =	vld [tilespmem:s9+$0x0];
	s13 =	sshra.s32 s11, $0x2  }
0xc5: {  	v4 =	vld [tilespmem:s13+$0x3000]  }
0xc6: {  	v5 =	vld [tilespmem:s13+$0x2000]  }
0xc7: {  	v6 =	vld [tilespmem:s13+$0x1000]  }
0xc8: {  	v7 =	vld [tilespmem:s13+$0x0]  }
0xc9: {  	v8 =	vld [tilespmem:s13+$0x3010]  }
0xca: {  	v9 =	vld [tilespmem:s13+$0x2010]  }
0xcb: {  	v10 =	vld [tilespmem:s13+$0x1010]  }
0xcc: {  	v11 =	vld [tilespmem:s13+$0x10]  }
0xcd: {  	v12 =	vld [tilespmem:s13+$0x3020]  }
0xce: {  	v13 =	vld [tilespmem:s13+$0x2020]  }
0xcf: {  	v14 =	vld [tilespmem:s13+$0x1020]  }
0xd0: {  	v15 =	vld [tilespmem:s13+$0x20]  }
0xd1: {  	v16 =	vld [tilespmem:s13+$0x3030]  }
0xd2: {  	v17 =	vld [tilespmem:s13+$0x2030]  }
0xd3: {  	v18 =	vld [tilespmem:s13+$0x1030]  }
0xd4: {  	v19 =	vld [tilespmem:s13+$0x30]  }
0xd5: {  	v20 =	vld [tilespmem:s13+$0x3040]  }
0xd6: {  	v21 =	vld [tilespmem:s13+$0x2040]  }
0xd7: {  	v22 =	vld [tilespmem:s13+$0x1040]  }
0xd8: {  	v23 =	vld [tilespmem:s13+$0x40]  }
0xd9: {  	v24 =	vld [tilespmem:s13+$0x3050]  }
0xda: {  	v25 =	vld [tilespmem:s13+$0x2050]  }
0xdb: {  	v26 =	vld [tilespmem:s13+$0x1050]  }
0xdc: {  	v27 =	vld [tilespmem:s13+$0x50]  }
0xdd: {  	v28 =	vld [tilespmem:s13+$0x3060];
	v30 =	vsub.s32 $0x0, v5  }
0xde: {  	v29 =	vld [tilespmem:s13+$0x2060];
	v5 =	vmin.u32 v5, v30  }
0xdf: {  	v31 =	vld [tilespmem:s13+$0x1060];
	v33 =	vsub.s32 $0x0, v9;
	v32 =	vadd.s32 v2, v5  }
0xe0: {  	v34 =	vld [tilespmem:s13+$0x3070];
	v35 =	vbroadcast v3, $0x0;
	v9 =	vmin.u32 v9, v33  }
0xe1: {  	v38 =	vld [tilespmem:s13+$0x1070];
	v37 =	vsub.s32 $0x0, v13;
	v36 =	vadd.s32 v2, v9  }
0xe2: {  	v53 =	vbroadcast v3, $0x1;
	v30 =	vld [tilespmem:s13+$0x60];
	v4 =	vadd.f32 v35, v4;
	v13 =	vmin.u32 v13, v37  }
0xe3: {  	v6 =	vcvt.s32.f32 v6;
	v40 =	vsub.s32 $0x0, v17;
	v33 =	vld [tilespmem:s13+$0x2070];
	v39 =	vadd.s32 v2, v13  }
0xe4: {  	v55 =	vbroadcast v3, $0x2;
	v37 =	vld [tilespmem:s13+$0x70];
	v54 =	vadd.f32 v8, v53;
	v17 =	vmin.u32 v17, v40;
	[tilespmem:v32+s12+$0x0] =	vst.idx.msk $0xffff, v4  }
0xe5: {  	v57 =	vsub.s32 $0x0, v21;
	v56 =	vadd.s32 v2, v17;
	[tilespmem:v5+s10+$0x0] =	vst.idx.add.f32.msk $0xffff, v6;
	v5 =	vcvt.s32.f32 v10  }
0xe6: {  	v59 =	vbroadcast v3, $0x3;
	v58 =	vadd.f32 v12, v55;
	v60 =	vmin.u32 v21, v57;
	[tilespmem:v36+s12+$0x0] =	vst.idx.msk $0xffff, v54  }
0xe7: {  	v62 =	vsub.s32 $0x0, v25;
	v61 =	vadd.s32 v2, v60;
	[tilespmem:v9+s10+$0x0] =	vst.idx.add.f32.msk $0xffff, v5;
	v9 =	vcvt.s32.f32 v14  }
0xe8: {  	v63 =	vadd.f32 v16, v59;
	v35 =	vmin.u32 v25, v62;
	v32 =	vbroadcast v3, $0x4;
	[tilespmem:v39+s12+$0x0] =	vst.idx.msk $0xffff, v58  }
0xe9: {  	v45 =	vsub.s32 $0x0, v29;
	v44 =	vadd.s32 v2, v35;
	v36 =	vcvt.s32.f32 v18;
	[tilespmem:v13+s10+$0x0] =	vst.idx.add.f32.msk $0xffff, v9  }
0xea: {  	v47 =	vbroadcast v3, $0x5;
	v48 =	vmin.u32 v29, v45;
	v46 =	vadd.f32 v20, v32;
	[tilespmem:v56+s12+$0x0] =	vst.idx.msk $0xffff, v63  }
0xeb: {  	v49 =	vcvt.s32.f32 v22;
	v50 =	vadd.s32 v2, v48;
	v51 =	vsub.s32 $0x0, v33;
	[tilespmem:v17+s10+$0x0] =	vst.idx.add.f32.msk $0xffff, v36  }
0xec: {  	v52 =	vadd.f32 v24, v47;
	v53 =	vbroadcast v3, $0x6;
	v54 =	vmin.u32 v33, v51;
	[tilespmem:v61+s12+$0x0] =	vst.idx.msk $0xffff, v46  }
0xed: {  	v55 =	vcvt.s32.f32 v26;
	v21 =	vadd.s32 v2, v54;
	[tilespmem:v60+s10+$0x0] =	vst.idx.add.f32.msk $0xffff, v49  }
0xee: {  	v57 =	vbroadcast v3, $0x7;
	v56 =	vadd.f32 v28, v53;
	[tilespmem:v44+s12+$0x0] =	vst.idx.msk $0xffff, v52  }
0xef: {  	v58 =	vcvt.s32.f32 v31;
	[tilespmem:v35+s10+$0x0] =	vst.idx.add.f32.msk $0xffff, v55  }
0xf0: {  	v59 =	vadd.f32 v34, v57;
	[tilespmem:v50+s12+$0x0] =	vst.idx.msk $0xffff, v56  }
0xf1: {  	v60 =	vcvt.s32.f32 v38;
	[tilespmem:v48+s10+$0x0] =	vst.idx.add.f32.msk $0xffff, v58  }
0xf2: {  	[tilespmem:v21+s12+$0x0] =	vst.idx.msk $0xffff, v59  }
0xf3: {  	[tilespmem:v54+s10+$0x0] =	vst.idx.add.f32.msk $0xffff, v60  }
0xf4: {  	v4 =	vld [tilespmem:s13+$0x3080]  }
0xf5: {  	v10 =	vld [tilespmem:s13+$0x2080]  }
0xf6: {  	v14 =	vld [tilespmem:s13+$0x1080]  }
0xf7: {  	v18 =	vld [tilespmem:s13+$0x80]  }
0xf8: {  	v7 =	vmul.f32 v6, v7;
	v20 =	vld [tilespmem:s13+$0x3090]  }
0xf9: {  	v21 =	vld [tilespmem:s13+$0x2090]  }
0xfa: {  	v0 =	vadd.f32 v6, v0;
	v1 =	vadd.f32 v7, v1;
	v39 =	vmul.f32 v5, v11;
	v61 =	vld [tilespmem:s13+$0x1090]  }
0xfb: {  	v62 =	vld [tilespmem:s13+$0x90]  }
0xfc: {  	v0 =	vadd.f32 v5, v0;
	v41 =	vmul.f32 v9, v15;
	v1 =	vadd.f32 v39, v1;
	v25 =	vld [tilespmem:s13+$0x30A0]  }
0xfd: {  	v26 =	vld [tilespmem:s13+$0x20A0]  }
0xfe: {  	v0 =	vadd.f32 v9, v0;
	v1 =	vadd.f32 v41, v1;
	v44 =	vmul.f32 v36, v19;
	v63 =	vld [tilespmem:s13+$0x10A0]  }
0xff: {  	v40 =	vld [tilespmem:s13+$0xA0]  }
0x100: {  	v45 =	vmul.f32 v49, v23;
	v0 =	vadd.f32 v36, v0;
	v1 =	vadd.f32 v44, v1;
	v29 =	vld [tilespmem:s13+$0x30B0]  }
0x101: {  	v42 =	vld [tilespmem:s13+$0x20B0]  }
0x102: {  	v0 =	vadd.f32 v49, v0;
	v48 =	vmul.f32 v55, v27;
	v1 =	vadd.f32 v45, v1;
	v43 =	vld [tilespmem:s13+$0x10B0]  }
0x103: {  	v6 =	vld [tilespmem:s13+$0xB0]  }
0x104: {  	v49 =	vmul.f32 v58, v30;
	v0 =	vadd.f32 v55, v0;
	v19 =	vld [tilespmem:s13+$0x30C0];
	v1 =	vadd.f32 v48, v1  }
0x105: {  	v46 =	vld [tilespmem:s13+$0x20C0]  }
0x106: {  	v51 =	vmul.f32 v60, v37;
	v0 =	vadd.f32 v58, v0;
	v47 =	vld [tilespmem:s13+$0x10C0];
	v1 =	vadd.f32 v49, v1  }
0x107: {  	v44 =	vbroadcast v3, $0xB;
	v50 =	vld [tilespmem:s13+$0x20D0]  }
0x108: {  	v55 =	vbroadcast v3, $0x8;
	v0 =	vadd.f32 v60, v0;
	v13 =	vld [tilespmem:s13+$0xC0];
	v1 =	vadd.f32 v51, v1  }
0x109: {  	v27 =	vld [tilespmem:s13+$0x30D0];
	v14 =	vcvt.s32.f32 v14;
	v52 =	vsub.s32 $0x0, v10;
	v54 =	vcvt.s32.f32 v61  }
0x10a: {  	v30 =	vld [tilespmem:s13+$0x10D0];
	v57 =	vsub.s32 $0x0, v21;
	v4 =	vadd.f32 v4, v55;
	v28 =	vcvt.s32.f32 v63  }
0x10b: {  	v12 =	vld [tilespmem:s13+$0xD0];
	v63 =	vbroadcast v3, $0x9;
	v41 =	vcvt.s32.f32 v43;
	v43 =	vsub.s32 $0x0, v46  }
0x10c: {  	v31 =	vld [tilespmem:s13+$0x30E0];
	v15 =	vadd.f32 v29, v44;
	v47 =	vcvt.s32.f32 v47;
	v48 =	vsub.s32 $0x0, v50  }
0x10d: {  	v5 =	vld [tilespmem:s13+$0x20E0];
	v10 =	vmin.u32 v10, v52;
	v58 =	vmin.u32 v21, v57;
	v9 =	vmin.u32 v46, v43  }
0x10e: {  	v32 =	vld [tilespmem:s13+$0x10E0];
	v50 =	vmin.u32 v50, v48;
	v53 =	vmul.f32 v14, v18;
	v56 =	vadd.s32 v2, v10  }
0x10f: {  	v22 =	vld [tilespmem:s13+$0xE0];
	v59 =	vmul.f32 v54, v62;
	v61 =	vadd.s32 v2, v58;
	v62 =	vsub.s32 $0x0, v26  }
0x110: {  	v36 =	vld [tilespmem:s13+$0x30F0];
	v0 =	vadd.f32 v14, v0;
	v11 =	vmul.f32 v28, v40;
	v39 =	vadd.f32 v20, v63  }
0x111: {  	v60 =	vld [tilespmem:s13+$0x20F0];
	v40 =	vsub.s32 $0x0, v42;
	v45 =	vmul.f32 v41, v6;
	v21 =	vmin.u32 v26, v62  }
0x112: {  	v33 =	vld [tilespmem:s13+$0x10F0];
	v51 =	vmul.f32 v47, v13;
	v52 =	vadd.s32 v2, v50;
	v38 =	vadd.s32 v2, v21  }
0x113: {  	v37 =	vbroadcast v3, $0xA;
	v35 =	vld [tilespmem:s13+$0xF0];
	v7 =	vmin.u32 v42, v40;
	v1 =	vadd.f32 v53, v1;
	[tilespmem:v56+s12+$0x0] =	vst.idx.msk $0xffff, v4  }
0x114: {  	v0 =	vadd.f32 v54, v0;
	v42 =	vadd.s32 v2, v7;
	[tilespmem:v10+s10+$0x0] =	vst.idx.add.f32.msk $0xffff, v14  }
0x115: {  	v55 =	vcvt.s32.f32 v30;
	v1 =	vadd.f32 v59, v1;
	v4 =	vadd.f32 v25, v37;
	[tilespmem:v61+s12+$0x0] =	vst.idx.msk $0xffff, v39  }
0x116: {  	v53 =	vsub.s32 $0x0, v5;
	v0 =	vadd.f32 v28, v0;
	v14 =	vadd.s32 v2, v9;
	[tilespmem:v58+s10+$0x0] =	vst.idx.add.f32.msk $0xffff, v54  }
0x117: {  	v46 =	vbroadcast v3, $0xC;
	v12 =	vmul.f32 v55, v12;
	v5 =	vmin.u32 v5, v53;
	[tilespmem:v38+s12+$0x0] =	vst.idx.msk $0xffff, v4  }
0x118: {  	v57 =	vbroadcast v3, $0xE;
	v1 =	vadd.f32 v11, v1;
	v0 =	vadd.f32 v41, v0;
	[tilespmem:v21+s10+$0x0] =	vst.idx.add.f32.msk $0xffff, v28  }
0x119: {  	v49 =	vadd.f32 v19, v46;
	v56 =	vadd.s32 v2, v5;
	v54 =	vbroadcast v3, $0xD;
	[tilespmem:v42+s12+$0x0] =	vst.idx.msk $0xffff, v15  }
0x11a: {  	v1 =	vadd.f32 v45, v1;
	v58 =	vsub.s32 $0x0, v60;
	v0 =	vadd.f32 v47, v0;
	[tilespmem:v7+s10+$0x0] =	vst.idx.add.f32.msk $0xffff, v41  }
0x11b: {  	v62 =	vcvt.s32.f32 v33;
	v8 =	vmin.u32 v60, v58;
	v7 =	vadd.f32 v27, v54;
	[tilespmem:v14+s12+$0x0] =	vst.idx.msk $0xffff, v49  }
0x11c: {  	v60 =	vcvt.s32.f32 v32;
	v1 =	vadd.f32 v51, v1;
	v11 =	vadd.s32 v2, v8;
	[tilespmem:v9+s10+$0x0] =	vst.idx.add.f32.msk $0xffff, v47  }
0x11d: {  	p0 =	sne.s32 s11, $0x3C00;
	v59 =	vadd.f32 v31, v57;
	v3 =	vbroadcast v3, $0xF;
	v0 =	vadd.f32 v55, v0;
	[tilespmem:v52+s12+$0x0] =	vst.idx.msk $0xffff, v7  }
.Ltmp4:
0x11e: {  	v61 =	vmul.f32 v60, v22;
	v1 =	vadd.f32 v12, v1;
	[tilespmem:v50+s10+$0x0] =	vst.idx.add.f32.msk $0xffff, v55;
	(pc) =	sbr.rel @p0 .LBB2_9-.Ltmp4, $4  }
0x11f: {  	v63 =	vmul.f32 v62, v35;
	v3 =	vadd.f32 v36, v3;
	[tilespmem:v56+s12+$0x0] =	vst.idx.msk $0xffff, v59  }
0x120: {  	v0 =	vadd.f32 v60, v0;
	v1 =	vadd.f32 v61, v1;
	[tilespmem:v5+s10+$0x0] =	vst.idx.add.f32.msk $0xffff, v60  }
0x121: {  	[tilespmem:v11+s12+$0x0] =	vst.idx.msk $0xffff, v3  }
0x122: {  	s9 =	sadd.s32 $0x10, s9;
	s11 =	sadd.s32 $0x400, s11;
	v0 =	vadd.f32 v62, v0;
	v1 =	vadd.f32 v63, v1;
	[tilespmem:v8+s10+$0x0] =	vst.idx.add.f32.msk $0xffff, v62  }
0x123: {  	v2 =	vld [tilespmem:s12+$0x0];
	s8 =	sand.u32 $0x3F0, s8  }
0x124: {  	v3 =	vld [tilespmem:s8+$0x4500]  }
0x125: {  	v4 =	vld [tilespmem:s8+$0x4900]  }
0x126: {  	v5 =	vld [tilespmem:s8+$0x4D00]  }
0x127: {  	v6 =	vld [tilespmem:s8+$0x5100]  }
0x128: {  	v7 =	vld [tilespmem:s8+$0x5500]  }
0x129: {  	v8 =	vld [tilespmem:s8+$0x5900]  }
0x12a: {  	v9 =	vld [tilespmem:s8+$0x5D00]  }
0x12b: {  	v10 =	vld [tilespmem:s8+$0x6100]  }
0x12c: {  	v11 =	vld [tilespmem:s8+$0x6500]  }
0x12d: {  	v12 =	vld [tilespmem:s8+$0x6900]  }
0x12e: {  	v13 =	vld [tilespmem:s8+$0x6D00]  }
0x12f: {  	v14 =	vld [tilespmem:s8+$0x7100]  }
0x130: {  	v15 =	vld [tilespmem:s8+$0x7500]  }
0x131: {  	v16 =	vld [tilespmem:s8+$0x7900]  }
0x132: {  	s9 =	simm.s32 $0x10;
	s31 =	simm.s32 $0x4110;
	v17 =	vld [tilespmem:s8+$0x7D00]  }
0x133: {  	v18 =	vld [tilespmem:s31+$0x0];
	s9 =	sand.u32 $0x3F0, s9  }
0x134: {  	v2 =	vmax.f32 v2, v3;
	v3 =	vld [tilespmem:s9+$0x4500]  }
0x135: {  	v2 =	vmax.f32 v2, v4;
	v4 =	vld [tilespmem:s9+$0x4900]  }
0x136: {  	v2 =	vmax.f32 v2, v5;
	v5 =	vld [tilespmem:s9+$0x4D00]  }
0x137: {  	v2 =	vmax.f32 v2, v6;
	v6 =	vld [tilespmem:s9+$0x5100]  }
0x138: {  	v2 =	vmax.f32 v2, v7;
	v7 =	vld [tilespmem:s9+$0x5500]  }
0x139: {  	v2 =	vmax.f32 v2, v8;
	v3 =	vmax.f32 v18, v3;
	v8 =	vld [tilespmem:s9+$0x5900]  }
0x13a: {  	v2 =	vmax.f32 v2, v9;
	v3 =	vmax.f32 v3, v4;
	v4 =	vld [tilespmem:s9+$0x5D00]  }
0x13b: {  	v2 =	vmax.f32 v2, v10;
	v3 =	vmax.f32 v3, v5;
	v5 =	vld [tilespmem:s9+$0x6100]  }
0x13c: {  	v2 =	vmax.f32 v2, v11;
	v3 =	vmax.f32 v3, v6;
	v6 =	vld [tilespmem:s9+$0x6500]  }
0x13d: {  	v2 =	vmax.f32 v2, v12;
	v3 =	vmax.f32 v3, v7;
	v7 =	vld [tilespmem:s9+$0x6900]  }
0x13e: {  	v2 =	vmax.f32 v2, v13;
	v3 =	vmax.f32 v3, v8;
	v8 =	vld [tilespmem:s9+$0x6D00]  }
0x13f: {  	v63 =	vmax.f32 v2, v14;
	v3 =	vmax.f32 v3, v4;
	v2 =	vld [tilespmem:s9+$0x7100]  }
0x140: {  	v4 =	vmax.f32 v63, v15;
	v5 =	vmax.f32 v3, v5;
	v3 =	vld [tilespmem:s9+$0x7500]  }
0x141: {  	v9 =	vmax.f32 v4, v16;
	v5 =	vmax.f32 v5, v6;
	v4 =	vld [tilespmem:s9+$0x7900]  }
0x142: {  	s11 =	simm.s32 $0x20;
	s10 =	simm.s32 $0x4120;
	s8 =	simm.s32 $0x8500;
	v6 =	vmax.f32 v9, v17;
	v7 =	vmax.f32 v5, v7;
	v5 =	vld [tilespmem:s9+$0x7D00]  }
0x143: {  	s9 =	sand.u32 $0x3F0, s11;
	s11 =	simm.s32 $0x30;
	[tilespmem:s8+$0x0] =	vst v6;
	v6 =	vld [tilespmem:s10+$0x0];
	v7 =	vmax.f32 v7, v8  }
.LBB2_11:
0x144: {  	p0 =	sne.s32 s11, $0x3F0;
	v8 =	vld [tilespmem:s9+$0x4500];
	v2 =	vmax.f32 v7, v2  }
0x145: {  	v7 =	vld [tilespmem:s9+$0x4900];
	v2 =	vmax.f32 v2, v3  }
0x146: {  	v3 =	vld [tilespmem:s9+$0x4D00];
	v2 =	vmax.f32 v2, v4  }
0x147: {  	s8 =	sadd.s32 $0x10, s8;
	v4 =	vld [tilespmem:s9+$0x5100];
	v2 =	vmax.f32 v2, v5  }
0x148: {  	v5 =	vld [tilespmem:s9+$0x5500];
	[tilespmem:s8+$0x0] =	vst v2  }
0x149: {  	v2 =	vmax.f32 v6, v8;
	v6 =	vld [tilespmem:s9+$0x5900]  }
0x14a: {  	v2 =	vmax.f32 v2, v7;
	v7 =	vld [tilespmem:s9+$0x5D00]  }
0x14b: {  	v2 =	vmax.f32 v2, v3;
	v3 =	vld [tilespmem:s9+$0x6100]  }
0x14c: {  	v2 =	vmax.f32 v2, v4;
	v4 =	vld [tilespmem:s9+$0x6500]  }
0x14d: {  	v2 =	vmax.f32 v2, v5;
	v5 =	vld [tilespmem:s9+$0x6900]  }
0x14e: {  	v2 =	vmax.f32 v2, v6;
	v8 =	vld [tilespmem:s9+$0x6D00]  }
.Ltmp5:
0x14f: {  	v6 =	vmax.f32 v2, v7;
	v2 =	vld [tilespmem:s9+$0x7100];
	(pc) =	sbr.rel @p0 .LBB2_11-.Ltmp5, $4  }
0x150: {  	v6 =	vmax.f32 v6, v3;
	v3 =	vld [tilespmem:s9+$0x7500]  }
0x151: {  	v6 =	vmax.f32 v6, v4;
	v4 =	vld [tilespmem:s9+$0x7900]  }
0x152: {  	s10 =	sadd.s32 $0x10, s10;
	v7 =	vmax.f32 v6, v5;
	v5 =	vld [tilespmem:s9+$0x7D00]  }
0x153: {  	s9 =	sand.u32 $0x3F0, s11;
	s11 =	sadd.s32 $0x10, s11;
	v6 =	vld [tilespmem:s10+$0x0];
	v7 =	vmax.f32 v7, v8  }
0x154: {  	v8 =	vld [tilespmem:s9+$0x4500]  }
0x155: {  	v9 =	vld [tilespmem:s9+$0x4900]  }
0x156: {  	v10 =	vld [tilespmem:s9+$0x4D00]  }
0x157: {  	v11 =	vld [tilespmem:s9+$0x5100]  }
0x158: {  	v12 =	vld [tilespmem:s9+$0x5500]  }
0x159: {  	(xrf2) =	vadd.scan.msk.f32 $0xffff, v1;
	v6 =	vmax.f32 v6, v8;
	v8 =	vld [tilespmem:s9+$0x5900]  }
0x15a: {  	(xrf2) =	vadd.scan.msk.f32 $0xffff, v0;
	v1 =	vmax.f32 v6, v9;
	v6 =	vld [tilespmem:s9+$0x5D00]  }
0x15b: {  	v0 =	vmax.f32 v1, v10;
	v1 =	vld [tilespmem:s9+$0x6100]  }
0x15c: {  	v9 =	vld [tilespmem:s9+$0x6500];
	v0 =	vmax.f32 v0, v11  }
0x15d: {  	v10 =	vld [tilespmem:s9+$0x6900];
	v0 =	vmax.f32 v0, v12  }
0x15e: {  	v0 =	vmax.f32 v0, v8;
	v8 =	vld [tilespmem:s9+$0x6D00]  }
0x15f: {  	v0 =	vmax.f32 v0, v6;
	v6 =	vld [tilespmem:s9+$0x7100]  }
0x160: {  	v0 =	vmax.f32 v0, v1;
	v1 =	vld [tilespmem:s9+$0x7500]  }
0x161: {  	v0 =	vmax.f32 v0, v9  }
0x162: {  	v2 =	vmax.f32 v7, v2;
	v9 =	vld [tilespmem:s9+$0x7900];
	v0 =	vmax.f32 v0, v10  }
0x163: {  	v2 =	vmax.f32 v2, v3;
	v3 =	vld [tilespmem:s9+$0x7D00];
	v7, _, _ =	vpop (xrf2);
	v0 =	vmax.f32 v0, v8  }
0x164: {  	v2 =	vmax.f32 v2, v4;
	v4, _, _ =	vpop (xrf2);
	v0 =	vmax.f32 v0, v6  }
0x165: {  	vm1 =	vcmask $0xB08;
	v0 =	vmax.f32 v0, v1;
	v1 =	vbroadcast v4, $0xF  }
0x166: {  	vm11 =	vcmask $0x3F08;
	v2 =	vmax.f32 v2, v5;
	v4 =	vbroadcast v7, $0xF  }
0x167: {  	s8 =	sadd.s32 $0x10, s8;
	v5 =	vlaneseq.u32;
	v0 =	vmax.f32 v0, v9;
	v1 =	vnsel vm1, $0x0, v1  }
0x168: {  	[tilespmem:s8+$0x0] =	vst v2;
	s8 =	sadd.s32 $0x10, s8;
	vm12 =	veq.s32 v5, $0x0;
	v0 =	vmax.f32 v0, v3;
	v1 =	vsel vm11, v1, v4  }
0x169: {  	s9 =	sshll.u32 s3, $0x4;
	[tilespmem:s8+$0x0] =	vst v0;
	v0 =	vsel vm12, s7, v1  }
0x16a: {  	s24 =	sadd.s32 s9, s6;
	s8 =	simm.s32 $0x8900;
	s7 =	simm.s32 $0x3;
	[tilespmem:$0x8900] =	vst v0  }
0x16b: {  	[spmem:s24] =	stream.linear.scatter [tilespmem:s8], [sflag:$0x3], $0x10, $0x38;
	[tilespmem:$0x9BA0] =	vst v63  }
0x16c: {  	_ =	swait.ge [sflag:s7], $0x10  }
0x16d: {  	s10 =	sshll.u32 s3, $0x6;
	[sflag:s7] =	ssyncset.done $0x0  }
0x16e: {  	s12 =	simm.s32 $0x8500;
	s11 =	sadd.s32 s10, s5;
	[sflag:s7] =	ssyncadd.s32 $0xFFFFFFF0  }
0x16f: {  	[spmem:s11] =	stream.linear.scatter [tilespmem:s12], [sflag:$0x1], $0x40, $0x38;
	[tilespmem:$0x9BA0] =	vst v63  }
0x170: {  	s13 =	simm.s32 $0x8100;
	s25 =	sadd.s32 s10, s4;
	s26 =	sor.u32 $0x400, s10  }
0x171: {  	[spmem:s25] =	stream.linear.scatter [tilespmem:s13], [sflag:$0x1], $0x40, $0x38;
	[tilespmem:$0x9BA0] =	vst v63  }
0x172: {  	s29 =	simm.s32 $0x8540;
	s28 =	sadd.s32 s26, s5  }
0x173: {  	[spmem:s28] =	stream.linear.scatter [tilespmem:s29], [sflag:$0x1], $0x40, $0x38;
	[tilespmem:$0x9BA0] =	vst v63  }
0x174: {  	s0 =	simm.s32 $0x8140;
	s31 =	sor.u32 $0x800, s10;
	s30 =	sadd.s32 s26, s4  }
0x175: {  	[spmem:s30] =	stream.linear.scatter [tilespmem:s0], [sflag:$0x1], $0x40, $0x38;
	[tilespmem:$0x9BA0] =	vst v63  }
0x176: {  	s14 =	simm.s32 $0x8580;
	s13 =	sadd.s32 s31, s5  }
0x177: {  	[spmem:s13] =	stream.linear.scatter [tilespmem:s14], [sflag:$0x1], $0x40, $0x38;
	[tilespmem:$0x9BA0] =	vst v63  }
0x178: {  	s17 =	simm.s32 $0x8180;
	s16 =	sor.u32 $0xC00, s10;
	s15 =	sadd.s32 s31, s4  }
0x179: {  	[spmem:s15] =	stream.linear.scatter [tilespmem:s17], [sflag:$0x1], $0x40, $0x38;
	[tilespmem:$0x9BA0] =	vst v63  }
0x17a: {  	s19 =	simm.s32 $0x85C0;
	s18 =	sadd.s32 s16, s5  }
0x17b: {  	[spmem:s18] =	stream.linear.scatter [tilespmem:s19], [sflag:$0x1], $0x40, $0x38;
	[tilespmem:$0x9BA0] =	vst v63  }
0x17c: {  	s22 =	simm.s32 $0x81C0;
	s21 =	sor.u32 $0x1000, s10;
	s20 =	sadd.s32 s16, s4  }
0x17d: {  	[spmem:s20] =	stream.linear.scatter [tilespmem:s22], [sflag:$0x1], $0x40, $0x38;
	[tilespmem:$0x9BA0] =	vst v63  }
0x17e: {  	s23 =	sadd.s32 s21, s5;
	s24 =	simm.s32 $0x8600  }
0x17f: {  	[spmem:s23] =	stream.linear.scatter [tilespmem:s24], [sflag:$0x1], $0x40, $0x38;
	[tilespmem:$0x9BA0] =	vst v63  }
0x180: {  	s26 =	sor.u32 $0x1400, s10;
	s25 =	sadd.s32 s21, s4;
	s28 =	simm.s32 $0x8200  }
0x181: {  	[spmem:s25] =	stream.linear.scatter [tilespmem:s28], [sflag:$0x1], $0x40, $0x38;
	[tilespmem:$0x9BA0] =	vst v63  }
0x182: {  	s29 =	sadd.s32 s26, s5;
	s30 =	simm.s32 $0x8640  }
0x183: {  	[spmem:s29] =	stream.linear.scatter [tilespmem:s30], [sflag:$0x1], $0x40, $0x38;
	[tilespmem:$0x9BA0] =	vst v63  }
0x184: {  	s31 =	sadd.s32 s26, s4;
	s0 =	sor.u32 $0x1800, s10;
	s14 =	simm.s32 $0x8240  }
0x185: {  	[spmem:s31] =	stream.linear.scatter [tilespmem:s14], [sflag:$0x1], $0x40, $0x38;
	[tilespmem:$0x9BA0] =	vst v63  }
0x186: {  	s16 =	simm.s32 $0x8680;
	s15 =	sadd.s32 s0, s5  }
0x187: {  	[spmem:s15] =	stream.linear.scatter [tilespmem:s16], [sflag:$0x1], $0x40, $0x38;
	[tilespmem:$0x9BA0] =	vst v63  }
0x188: {  	s17 =	sadd.s32 s0, s4;
	s18 =	sor.u32 $0x1C00, s10;
	s19 =	simm.s32 $0x8280  }
0x189: {  	[spmem:s17] =	stream.linear.scatter [tilespmem:s19], [sflag:$0x1], $0x40, $0x38;
	[tilespmem:$0x9BA0] =	vst v63  }
0x18a: {  	s21 =	simm.s32 $0x86C0;
	s20 =	sadd.s32 s18, s5  }
0x18b: {  	[spmem:s20] =	stream.linear.scatter [tilespmem:s21], [sflag:$0x1], $0x40, $0x38;
	[tilespmem:$0x9BA0] =	vst v63  }
0x18c: {  	s22 =	sadd.s32 s18, s4;
	s23 =	sor.u32 $0x2000, s10;
	s24 =	simm.s32 $0x82C0  }
0x18d: {  	[spmem:s22] =	stream.linear.scatter [tilespmem:s24], [sflag:$0x1], $0x40, $0x38;
	[tilespmem:$0x9BA0] =	vst v63  }
0x18e: {  	s26 =	simm.s32 $0x8700;
	s25 =	sadd.s32 s23, s5  }
0x18f: {  	[spmem:s25] =	stream.linear.scatter [tilespmem:s26], [sflag:$0x1], $0x40, $0x38;
	[tilespmem:$0x9BA0] =	vst v63  }
0x190: {  	s28 =	sadd.s32 s23, s4;
	s29 =	sor.u32 $0x2400, s10;
	s30 =	simm.s32 $0x8300  }
0x191: {  	[spmem:s28] =	stream.linear.scatter [tilespmem:s30], [sflag:$0x1], $0x40, $0x38;
	[tilespmem:$0x9BA0] =	vst v63  }
0x192: {  	s0 =	simm.s32 $0x8740;
	s31 =	sadd.s32 s29, s5  }
0x193: {  	[spmem:s31] =	stream.linear.scatter [tilespmem:s0], [sflag:$0x1], $0x40, $0x38;
	[tilespmem:$0x9BA0] =	vst v63  }
0x194: {  	s14 =	sadd.s32 s29, s4;
	s15 =	sor.u32 $0x2800, s10;
	s16 =	simm.s32 $0x8340  }
0x195: {  	[spmem:s14] =	stream.linear.scatter [tilespmem:s16], [sflag:$0x1], $0x40, $0x38;
	[tilespmem:$0x9BA0] =	vst v63  }
0x196: {  	s18 =	simm.s32 $0x8780;
	s17 =	sadd.s32 s15, s5  }
0x197: {  	[spmem:s17] =	stream.linear.scatter [tilespmem:s18], [sflag:$0x1], $0x40, $0x38;
	[tilespmem:$0x9BA0] =	vst v63  }
0x198: {  	s19 =	sadd.s32 s15, s4;
	s20 =	sor.u32 $0x2C00, s10;
	s21 =	simm.s32 $0x8380  }
0x199: {  	[spmem:s19] =	stream.linear.scatter [tilespmem:s21], [sflag:$0x1], $0x40, $0x38;
	[tilespmem:$0x9BA0] =	vst v63  }
0x19a: {  	s23 =	simm.s32 $0x87C0;
	s22 =	sadd.s32 s20, s5  }
0x19b: {  	[spmem:s22] =	stream.linear.scatter [tilespmem:s23], [sflag:$0x1], $0x40, $0x38;
	[tilespmem:$0x9BA0] =	vst v63  }
0x19c: {  	s24 =	sadd.s32 s20, s4;
	s25 =	sor.u32 $0x3000, s10;
	s26 =	simm.s32 $0x83C0  }
0x19d: {  	[spmem:s24] =	stream.linear.scatter [tilespmem:s26], [sflag:$0x1], $0x40, $0x38;
	[tilespmem:$0x9BA0] =	vst v63  }
0x19e: {  	s29 =	simm.s32 $0x8800;
	s28 =	sadd.s32 s25, s5  }
0x19f: {  	[spmem:s28] =	stream.linear.scatter [tilespmem:s29], [sflag:$0x1], $0x40, $0x38;
	[tilespmem:$0x9BA0] =	vst v63  }
0x1a0: {  	s30 =	sadd.s32 s25, s4;
	s31 =	sor.u32 $0x3400, s10;
	s0 =	simm.s32 $0x8400  }
0x1a1: {  	[spmem:s30] =	stream.linear.scatter [tilespmem:s0], [sflag:$0x1], $0x40, $0x38;
	[tilespmem:$0x9BA0] =	vst v63  }
0x1a2: {  	s15 =	simm.s32 $0x8840;
	s14 =	sadd.s32 s31, s5  }
0x1a3: {  	[spmem:s14] =	stream.linear.scatter [tilespmem:s15], [sflag:$0x1], $0x40, $0x38;
	[tilespmem:$0x9BA0] =	vst v63  }
0x1a4: {  	s16 =	sadd.s32 s31, s4;
	s17 =	sor.u32 $0x3800, s10;
	s18 =	simm.s32 $0x8440  }
0x1a5: {  	[spmem:s16] =	stream.linear.scatter [tilespmem:s18], [sflag:$0x1], $0x40, $0x38;
	[tilespmem:$0x9BA0] =	vst v63  }
0x1a6: {  	s20 =	simm.s32 $0x8880;
	s19 =	sadd.s32 s17, s5  }
0x1a7: {  	[spmem:s19] =	stream.linear.scatter [tilespmem:s20], [sflag:$0x1], $0x40, $0x38;
	[tilespmem:$0x9BA0] =	vst v63  }
0x1a8: {  	s10 =	sor.u32 $0x3C00, s10;
	s21 =	sadd.s32 s17, s4;
	s22 =	simm.s32 $0x8480  }
0x1a9: {  	[spmem:s21] =	stream.linear.scatter [tilespmem:s22], [sflag:$0x1], $0x40, $0x38;
	[tilespmem:$0x9BA0] =	vst v63  }
0x1aa: {  	s23 =	sadd.s32 s10, s5;
	s24 =	simm.s32 $0x88C0  }
0x1ab: {  	[spmem:s23] =	stream.linear.scatter [tilespmem:s24], [sflag:$0x1], $0x40, $0x38;
	[tilespmem:$0x9BA0] =	vst v63  }
0x1ac: {  	s25 =	simm.s32 $0x84C0;
	s10 =	sadd.s32 s10, s4;
	s26 =	simm.s32 $0x1  }
0x1ad: {  	[spmem:s10] =	stream.linear.scatter [tilespmem:s25], [sflag:$0x1], $0x40, $0x38;
	[tilespmem:$0x9BA0] =	vst v63  }
0x1ae: {  	_ =	swait.ge [sflag:s26], $0x40  }
0x1af: {  	[sflag:s26] =	ssyncset.done $0x0  }
0x1b0: {  	[sflag:s26] =	ssyncadd.s32 $0xFFFFFFC0  }
0x1b1: {  	_ =	swait.ge [sflag:s26], $0x40  }
0x1b2: {  	[sflag:s26] =	ssyncset.done $0x0  }
0x1b3: {  	[sflag:s26] =	ssyncadd.s32 $0xFFFFFFC0  }
0x1b4: {  	_ =	swait.ge [sflag:s26], $0x40  }
0x1b5: {  	[sflag:s26] =	ssyncset.done $0x0  }
0x1b6: {  	[sflag:s26] =	ssyncadd.s32 $0xFFFFFFC0  }
0x1b7: {  	_ =	swait.ge [sflag:s26], $0x40  }
0x1b8: {  	[sflag:s26] =	ssyncset.done $0x0  }
0x1b9: {  	[sflag:s26] =	ssyncadd.s32 $0xFFFFFFC0  }
0x1ba: {  	_ =	swait.ge [sflag:s26], $0x40  }
0x1bb: {  	[sflag:s26] =	ssyncset.done $0x0  }
0x1bc: {  	[sflag:s26] =	ssyncadd.s32 $0xFFFFFFC0  }
0x1bd: {  	_ =	swait.ge [sflag:s26], $0x40  }
0x1be: {  	[sflag:s26] =	ssyncset.done $0x0  }
0x1bf: {  	[sflag:s26] =	ssyncadd.s32 $0xFFFFFFC0  }
0x1c0: {  	_ =	swait.ge [sflag:s26], $0x40  }
0x1c1: {  	[sflag:s26] =	ssyncset.done $0x0  }
0x1c2: {  	[sflag:s26] =	ssyncadd.s32 $0xFFFFFFC0  }
0x1c3: {  	_ =	swait.ge [sflag:s26], $0x40  }
0x1c4: {  	[sflag:s26] =	ssyncset.done $0x0  }
0x1c5: {  	[sflag:s26] =	ssyncadd.s32 $0xFFFFFFC0  }
0x1c6: {  	_ =	swait.ge [sflag:s26], $0x40  }
0x1c7: {  	[sflag:s26] =	ssyncset.done $0x0  }
0x1c8: {  	[sflag:s26] =	ssyncadd.s32 $0xFFFFFFC0  }
0x1c9: {  	_ =	swait.ge [sflag:s26], $0x40  }
0x1ca: {  	[sflag:s26] =	ssyncset.done $0x0  }
0x1cb: {  	[sflag:s26] =	ssyncadd.s32 $0xFFFFFFC0  }
0x1cc: {  	_ =	swait.ge [sflag:s26], $0x40  }
0x1cd: {  	[sflag:s26] =	ssyncset.done $0x0  }
0x1ce: {  	[sflag:s26] =	ssyncadd.s32 $0xFFFFFFC0  }
0x1cf: {  	_ =	swait.ge [sflag:s26], $0x40  }
0x1d0: {  	[sflag:s26] =	ssyncset.done $0x0  }
0x1d1: {  	[sflag:s26] =	ssyncadd.s32 $0xFFFFFFC0  }
0x1d2: {  	_ =	swait.ge [sflag:s26], $0x40  }
0x1d3: {  	[sflag:s26] =	ssyncset.done $0x0  }
0x1d4: {  	[sflag:s26] =	ssyncadd.s32 $0xFFFFFFC0  }
0x1d5: {  	_ =	swait.ge [sflag:s26], $0x40  }
0x1d6: {  	[sflag:s26] =	ssyncset.done $0x0  }
0x1d7: {  	[sflag:s26] =	ssyncadd.s32 $0xFFFFFFC0  }
0x1d8: {  	_ =	swait.ge [sflag:s26], $0x40  }
0x1d9: {  	[sflag:s26] =	ssyncset.done $0x0  }
0x1da: {  	[sflag:s26] =	ssyncadd.s32 $0xFFFFFFC0  }
0x1db: {  	_ =	swait.ge [sflag:s26], $0x40  }
0x1dc: {  	[sflag:s26] =	ssyncset.done $0x0  }
0x1dd: {  	[sflag:s26] =	ssyncadd.s32 $0xFFFFFFC0  }
0x1de: {  	_ =	swait.ge [sflag:s26], $0x40  }
0x1df: {  	[sflag:s26] =	ssyncset.done $0x0  }
0x1e0: {  	[sflag:s26] =	ssyncadd.s32 $0xFFFFFFC0  }
0x1e1: {  	_ =	swait.ge [sflag:s26], $0x40  }
0x1e2: {  	[sflag:s26] =	ssyncset.done $0x0  }
0x1e3: {  	[sflag:s26] =	ssyncadd.s32 $0xFFFFFFC0  }
0x1e4: {  	_ =	swait.ge [sflag:s26], $0x40  }
0x1e5: {  	[sflag:s26] =	ssyncset.done $0x0  }
0x1e6: {  	[sflag:s26] =	ssyncadd.s32 $0xFFFFFFC0  }
0x1e7: {  	_ =	swait.ge [sflag:s26], $0x40  }
0x1e8: {  	[sflag:s26] =	ssyncset.done $0x0  }
0x1e9: {  	[sflag:s26] =	ssyncadd.s32 $0xFFFFFFC0  }
0x1ea: {  	_ =	swait.ge [sflag:s26], $0x40  }
0x1eb: {  	[sflag:s26] =	ssyncset.done $0x0  }
0x1ec: {  	[sflag:s26] =	ssyncadd.s32 $0xFFFFFFC0  }
0x1ed: {  	_ =	swait.ge [sflag:s26], $0x40  }
0x1ee: {  	[sflag:s26] =	ssyncset.done $0x0  }
0x1ef: {  	[sflag:s26] =	ssyncadd.s32 $0xFFFFFFC0  }
0x1f0: {  	_ =	swait.ge [sflag:s26], $0x40  }
0x1f1: {  	[sflag:s26] =	ssyncset.done $0x0  }
0x1f2: {  	[sflag:s26] =	ssyncadd.s32 $0xFFFFFFC0  }
0x1f3: {  	_ =	swait.ge [sflag:s26], $0x40  }
0x1f4: {  	[sflag:s26] =	ssyncset.done $0x0  }
0x1f5: {  	[sflag:s26] =	ssyncadd.s32 $0xFFFFFFC0  }
0x1f6: {  	_ =	swait.ge [sflag:s26], $0x40  }
0x1f7: {  	[sflag:s26] =	ssyncset.done $0x0  }
0x1f8: {  	[sflag:s26] =	ssyncadd.s32 $0xFFFFFFC0  }
0x1f9: {  	_ =	swait.ge [sflag:s26], $0x40  }
0x1fa: {  	[sflag:s26] =	ssyncset.done $0x0  }
0x1fb: {  	[sflag:s26] =	ssyncadd.s32 $0xFFFFFFC0  }
0x1fc: {  	_ =	swait.ge [sflag:s26], $0x40  }
0x1fd: {  	[sflag:s26] =	ssyncset.done $0x0  }
0x1fe: {  	[sflag:s26] =	ssyncadd.s32 $0xFFFFFFC0  }
0x1ff: {  	_ =	swait.ge [sflag:s26], $0x40  }
0x200: {  	[sflag:s26] =	ssyncset.done $0x0  }
0x201: {  	[sflag:s26] =	ssyncadd.s32 $0xFFFFFFC0  }
0x202: {  	_ =	swait.ge [sflag:s26], $0x40  }
0x203: {  	[sflag:s26] =	ssyncset.done $0x0  }
0x204: {  	[sflag:s26] =	ssyncadd.s32 $0xFFFFFFC0  }
0x205: {  	_ =	swait.ge [sflag:s26], $0x40  }
0x206: {  	[sflag:s26] =	ssyncset.done $0x0  }
0x207: {  	[sflag:s26] =	ssyncadd.s32 $0xFFFFFFC0  }
0x208: {  	_ =	swait.ge [sflag:s26], $0x40  }
0x209: {  	[sflag:s26] =	ssyncset.done $0x0  }
0x20a: {  	[sflag:s26] =	ssyncadd.s32 $0xFFFFFFC0  }
0x20b: {  	_ =	swait.ge [sflag:s26], $0x40  }
0x20c: {  	[sflag:s26] =	ssyncset.done $0x0  }
0x20d: {  	[sflag:s26] =	ssyncadd.s32 $0xFFFFFFC0  }
0x20e: {  	s28 =	simm.s32 $0x8980;
	[bflag:$0x0] =	sbarrier.arrive $0xFFFF  }
0x20f: {  	[tilespmem:s28], [sflag:$0x3] =	stream.linear.gather [spmem:s6], $0x100, $0x38;
	[tilespmem:$0x9BA0] =	vst v63  }
0x210: {  	_ =	swait.ge [sflag:s7], $0x100  }
0x211: {  	[sflag:s7] =	ssyncset.done $0x0  }
0x212: {  	[sflag:s7] =	ssyncadd.s32 $0xFFFFFF00  }
0x213: {  	v14 =	vld [tilespmem:$0x8980];
	_ =	sdelay $0x1  }
0x214: {  	v13 =	vld [tilespmem:$0x8990]  }
0x215: {  	v12 =	vld [tilespmem:$0x89A0]  }
0x216: {  	v11 =	vld [tilespmem:$0x89B0]  }
0x217: {  	v0 =	vld [tilespmem:$0x89C0];
	(v2sf) =	vpush v14, $0x0  }
0x218: {  	v1 =	vld [tilespmem:$0x89D0]  }
0x219: {  	v2 =	vld [tilespmem:$0x89E0];
	(v2sf) =	vpush v13, $0x0  }
0x21a: {  	v3 =	vld [tilespmem:$0x89F0];
	(v2sf) =	vpush v12, $0x0  }
0x21b: {  	v4 =	vld [tilespmem:$0x8A00];
	(v2sf) =	vpush v11, $0x0  }
0x21c: {  	v5 =	vld [tilespmem:$0x8A10];
	(v2sf) =	vpush v0, $0x0  }
0x21d: {  	v6 =	vld [tilespmem:$0x8A20];
	(v2sf) =	vpush v1, $0x0  }
0x21e: {  	v7 =	vld [tilespmem:$0x8A30];
	(v2sf) =	vpush v2, $0x0  }
0x21f: {  	v8 =	vld [tilespmem:$0x8A40];
	(v2sf) =	vpush v3, $0x0  }
0x220: {  	v9 =	vld [tilespmem:$0x8A50];
	(v2sf) =	vpush v4, $0x0  }
0x221: {  	v10 =	vld [tilespmem:$0x8A60];
	(v2sf) =	vpush v5, $0x0  }
0x222: {  	(v2sf) =	vpush v6, $0x0  }
0x223: {  	(v2sf) =	vpush v7, $0x0  }
0x224: {  	(v2sf) =	vpush v8, $0x0  }
0x225: {  	s21 =	sshll.u32 s3, $0xA;
	(v2sf) =	vpush v9, $0x0  }
0x226: {  	s30 =	simm.s32 $0x8A80;
	s29 =	sadd.s32 s21, s5;
	s17 =	spop (v2sf);
	(v2sf) =	vpush v10, $0x0  }
0x227: {  	v15 =	vld [tilespmem:$0x8A70];
	[tilespmem:s30], [sflag:$0x3] =	stream.linear.gather [spmem:s29], $0x400, $0x38  }
0x228: {  	s18 =	spop (v2sf)  }
0x229: {  	s19 =	spop (v2sf)  }
0x22a: {  	s24 =	spop (v2sf)  }
0x22b: {  	s25 =	spop (v2sf)  }
0x22c: {  	s16 =	spop (v2sf)  }
0x22d: {  	s15 =	spop (v2sf)  }
0x22e: {  	s14 =	spop (v2sf)  }
0x22f: {  	s13 =	spop (v2sf)  }
0x230: {  	s11 =	spop (v2sf)  }
0x231: {  	s12 =	spop (v2sf)  }
0x232: {  	s22 =	spop (v2sf)  }
0x233: {  	s20 =	spop (v2sf)  }
0x234: {  	s6 =	spop (v2sf)  }
0x235: {  	[tilespmem:$0x1FFF0] =	vst v15;
	s10 =	spop (v2sf)  }
0x236: {  	_ =	swait.ge [sflag:s7], $0x400  }
0x237: {  	[sflag:s7] =	ssyncset.done $0x0  }
0x238: {  	s0 =	simm.s32 $0x8E80;
	s31 =	sadd.s32 s21, s4;
	[sflag:s7] =	ssyncadd.s32 $0xFFFFFC00  }
0x239: {  	[tilespmem:s0], [sflag:$0x3] =	stream.linear.gather [spmem:s31], $0x400, $0x38;
	[tilespmem:$0x9BA0] =	vst v63  }
0x23a: {  	_ =	swait.ge [sflag:s7], $0x400  }
0x23b: {  	[sflag:s7] =	ssyncset.done $0x0  }
0x23c: {  	[sflag:s7] =	ssyncadd.s32 $0xFFFFFC00  }
0x23d: {  	v23 =	vld [tilespmem:$0x8A80]  }
0x23e: {  	v24 =	vld [tilespmem:$0x8E80]  }
0x23f: {  	v25 =	vld [tilespmem:$0x8AC0]  }
0x240: {  	v26 =	vld [tilespmem:$0x8EC0]  }
0x241: {  	v27 =	vld [tilespmem:$0x8B00]  }
0x242: {  	v28 =	vld [tilespmem:$0x8F00]  }
0x243: {  	v29 =	vld [tilespmem:$0x8B40]  }
0x244: {  	v30 =	vld [tilespmem:$0x8F40]  }
0x245: {  	v31 =	vld [tilespmem:$0x8B80]  }
0x246: {  	v32 =	vld [tilespmem:$0x8F80]  }
0x247: {  	v33 =	vld [tilespmem:$0x8BC0]  }
0x248: {  	v34 =	vld [tilespmem:$0x8FC0]  }
0x249: {  	v35 =	vld [tilespmem:$0x8C00]  }
0x24a: {  	v36 =	vld [tilespmem:$0x9000]  }
0x24b: {  	v37 =	vld [tilespmem:$0x8C40]  }
0x24c: {  	v38 =	vld [tilespmem:$0x9040]  }
0x24d: {  	v39 =	vld [tilespmem:$0x8C80]  }
0x24e: {  	v40 =	vld [tilespmem:$0x9080]  }
0x24f: {  	v41 =	vld [tilespmem:$0x8CC0]  }
0x250: {  	v42 =	vld [tilespmem:$0x90C0]  }
0x251: {  	v43 =	vld [tilespmem:$0x8D00]  }
0x252: {  	v44 =	vld [tilespmem:$0x9100]  }
0x253: {  	v45 =	vld [tilespmem:$0x8D40]  }
0x254: {  	s23 =	sadd.f32 $0.0e+00, s17;
	v46 =	vld [tilespmem:$0x9140]  }
0x255: {  	v47 =	vld [tilespmem:$0x8D80]  }
0x256: {  	s18 =	sadd.f32 s18, s23;
	v48 =	vld [tilespmem:$0x9180]  }
0x257: {  	v49 =	vld [tilespmem:$0x8DC0]  }
0x258: {  	s19 =	sadd.f32 s19, s18;
	v50 =	vld [tilespmem:$0x91C0]  }
0x259: {  	v51 =	vld [tilespmem:$0x8E00]  }
0x25a: {  	s26 =	sadd.f32 s24, s19;
	v16 =	vld [tilespmem:$0x9200]  }
0x25b: {  	v52 =	vld [tilespmem:$0x8E40]  }
0x25c: {  	s28 =	sadd.f32 s25, s26;
	v18 =	vld [tilespmem:$0x9240]  }
0x25d: {  	v22 =	vld [tilespmem:$0x8A90]  }
0x25e: {  	s16 =	sadd.f32 s16, s28;
	v20 =	vld [tilespmem:$0x8E90]  }
0x25f: {  	v53 =	vld [tilespmem:$0x8AD0]  }
0x260: {  	s15 =	sadd.f32 s15, s16;
	v21 =	vld [tilespmem:$0x8ED0]  }
0x261: {  	v54 =	vld [tilespmem:$0x8B10]  }
0x262: {  	s14 =	sadd.f32 s14, s15;
	v19 =	vld [tilespmem:$0x8F10]  }
0x263: {  	v55 =	vld [tilespmem:$0x8B50]  }
0x264: {  	s13 =	sadd.f32 s13, s14;
	v17 =	vld [tilespmem:$0x8F50];
	v23 =	vadd.f32 $0.0e+00, v23  }
0x265: {  	v56 =	vld [tilespmem:$0x8B90];
	v25 =	vadd.f32 s23, v25;
	v27 =	vadd.f32 s18, v27  }
0x266: {  	s11 =	sadd.f32 s11, s13;
	v15 =	vld [tilespmem:$0x8DA0];
	v60 =	vadd.f32 s19, v29;
	v61 =	vadd.f32 s26, v31  }
0x267: {  	v29 =	vld [tilespmem:$0x8C10];
	v62 =	vadd.f32 s28, v33;
	v24 =	vadd.f32 v26, v24  }
0x268: {  	s12 =	sadd.f32 s12, s11;
	v31 =	vld [tilespmem:$0x8C50];
	v63 =	vadd.f32 s16, v35;
	v37 =	vadd.f32 s15, v37  }
0x269: {  	v58 =	vadd.f32 s14, v39;
	v39 =	vld [tilespmem:$0x8AE0];
	v20 =	vadd.f32 v21, v20  }
0x26a: {  	s29 =	sadd.f32 s22, s12;
	v59 =	vadd.f32 s13, v41;
	v41 =	vld [tilespmem:$0x8B20];
	v24 =	vadd.f32 v28, v24  }
0x26b: {  	v33 =	vld [tilespmem:$0x8C90];
	v22 =	vadd.f32 $0.0e+00, v22;
	v23 =	vmax.f32 v23, v25;
	v19 =	vadd.f32 v19, v20  }
0x26c: {  	v35 =	vld [tilespmem:$0x8D10];
	v15 =	vadd.f32 s29, v15;
	v23 =	vmax.f32 v23, v27;
	v24 =	vadd.f32 v30, v24  }
0x26d: {  	v57 =	vld [tilespmem:$0x8BD0];
	v23 =	vmax.f32 v23, v60;
	v60 =	vadd.f32 s11, v43;
	v17 =	vadd.f32 v17, v19  }
0x26e: {  	v28 =	vld [tilespmem:$0x8D50];
	v23 =	vmax.f32 v23, v61;
	v61 =	vadd.f32 s12, v45;
	v39 =	vadd.f32 s23, v39  }
0x26f: {  	v27 =	vld [tilespmem:$0x8CD0];
	v41 =	vadd.f32 s18, v41;
	v29 =	vadd.f32 s16, v29;
	v23 =	vmax.f32 v23, v62  }
0x270: {  	v30 =	vld [tilespmem:$0x8DD0];
	v31 =	vadd.f32 s15, v31;
	v33 =	vadd.f32 s14, v33;
	v23 =	vmax.f32 v23, v63  }
0x271: {  	s30 =	sadd.f32 s20, s29;
	v45 =	vld [tilespmem:$0x8C30];
	v35 =	vadd.f32 s11, v35;
	v24 =	vadd.f32 v32, v24;
	v23 =	vmax.f32 v23, v37  }
0x272: {  	v62 =	vadd.f32 s29, v47;
	v47 =	vadd.f32 s18, v54;
	v54 =	vld [tilespmem:$0x8C20];
	v23 =	vmax.f32 v23, v58  }
0x273: {  	s6 =	sadd.f32 s6, s30;
	v21 =	vadd.f32 s12, v28;
	v28 =	vld [tilespmem:$0x8DE0];
	v24 =	vadd.f32 v34, v24;
	v23 =	vmax.f32 v23, v59  }
0x274: {  	v37 =	vld [tilespmem:$0x8D90];
	v27 =	vadd.f32 s13, v27;
	v58 =	vadd.f32 s30, v49;
	v23 =	vmax.f32 v23, v60  }
0x275: {  	s10 =	sadd.f32 s10, s6;
	v34 =	vld [tilespmem:$0x8B30];
	v59 =	vadd.f32 s6, v51;
	v24 =	vadd.f32 v36, v24;
	v23 =	vmax.f32 v23, v61  }
0x276: {  	v63 =	vld [tilespmem:$0x8AF0];
	v36 =	vadd.f32 s23, v53;
	v51 =	vadd.f32 s19, v55;
	v23 =	vmax.f32 v23, v62  }
0x277: {  	v45 =	vadd.f32 s16, v45;
	v60 =	vadd.f32 s10, v52;
	v52 =	vld [tilespmem:$0x8BE0];
	v23 =	vmax.f32 v23, v58  }
0x278: {  	v61 =	vld [tilespmem:$0x8B60];
	v22 =	vmax.f32 v22, v36;
	v28 =	vadd.f32 s30, v28;
	v26 =	vmax.f32 v23, v59  }
0x279: {  	v62 =	vld [tilespmem:$0x8B70];
	v22 =	vmax.f32 v22, v47;
	v58 =	vadd.f32 v38, v24;
	v25 =	vmax.f32 v26, v60  }
0x27a: {  	v47 =	vld [tilespmem:$0x8DF0];
	v37 =	vadd.f32 s29, v37;
	v24 =	vadd.f32 s18, v34;
	v38 =	vmax.f32 v25, $1.000000000e+00  }
0x27b: {  	v23 =	vadd.f32 s23, v63;
	v63 =	vld [tilespmem:$0x8BA0];
	v32 =	vadd.f32 v40, v58;
	v25 =	vand.u32 $0x7FFFFF, v38  }
0x27c: {  	v22 =	vmax.f32 v22, v51;
	v59 =	vld [tilespmem:$0x8BB0];
	v52 =	vadd.f32 s28, v52;
	v60 =	vor.u32 $0x3F800000, v25  }
0x27d: {  	v34 =	vld [tilespmem:$0x8E10];
	v43 =	vadd.f32 s19, v61;
	v32 =	vadd.f32 v42, v32;
	v61 =	vmul.f32 $5.000000000e-01, v60  }
0x27e: {  	v51 =	vld [tilespmem:$0x8E20];
	v42 =	vadd.f32 s26, v56;
	v56 =	vadd.f32 s28, v57;
	vm13 =	vgt.f32 v60, $1.414213540e+00  }
0x27f: {  	v58 =	vld [tilespmem:$0x8CF0];
	v25 =	vadd.f32 s19, v62;
	v32 =	vadd.f32 v44, v32;
	v40 =	vsel vm13, v61, v60  }
0x280: {  	v38 =	vshrl.u32 v38, $0x17;
	v62 =	vld [tilespmem:$0x8BF0];
	v26 =	vadd.f32 s26, v63;
	v63 =	vadd.f32 $1.000000000e+00, v40  }
0x281: {  	v49 =	vadd.f32 s26, v59;
	v59 =	vld [tilespmem:$0x8D20];
	v22 =	vmax.f32 v22, v42;
	v32 =	vadd.f32 v46, v32  }
0x282: {  	v38 =	vand.u32 $0xFF, v38;
	v42 =	vld [tilespmem:$0x8E30];
	v22 =	vmax.f32 v22, v56;
	(erf) = vrcp.f32 v63  }
0x283: {  	v34 =	vadd.f32 s6, v34;
	v60 =	vld [tilespmem:$0x8C60];
	v22 =	vmax.f32 v22, v29;
	v32 =	vadd.f32 v48, v32  }
0x284: {  	v51 =	vadd.f32 s6, v51;
	v38 =	vadd.s32 $0xFFFFFF81, v38;
	v61 =	vld [tilespmem:$0x8C70];
	v22 =	vmax.f32 v22, v31  }
0x285: {  	v29 =	vadd.f32 s30, v30;
	v30 =	vld [tilespmem:$0x8E70];
	v22 =	vmax.f32 v22, v33;
	v32 =	vadd.f32 v50, v32  }
0x286: {  	v44 =	vadd.f32 s16, v54;
	v38 =	vcvt.s32.f32 v38;
	v63 =	vld [tilespmem:$0x8CB0];
	v22 =	vmax.f32 v22, v27  }
0x287: {  	v58 =	vadd.f32 s13, v58;
	v35 =	vmax.f32 v22, v35;
	v22 =	vld [tilespmem:$0x8AB0];
	v32 =	vadd.f32 v16, v32  }
0x288: {  	v31 =	vadd.f32 s30, v47;
	v53 =	vadd.f32 s28, v62;
	v62 =	vld [tilespmem:$0x8CA0];
	v16 =	vimm.f32 $0.0e+00  }
0x289: {  	v48 =	vld [tilespmem:$0x8CE0];
	v59 =	vadd.f32 s11, v59;
	v18 =	vadd.f32 v18, v32;
	v32 =	vsel vm13, $0x3F800000, v16  }
0x28a: {  	v33 =	vld [tilespmem:$0x8F90];
	v32 =	vadd.f32 v38, v32;
	v38 =	vadd.f32 $-1.000000000e+00, v40  }
0x28b: {  	v42 =	vadd.f32 s6, v42;
	v27 =	vld [tilespmem:$0x8FD0];
	v54 =	vadd.f32 s14, v63;
	v63 =	vpop (erf)  }
0x28c: {  	v50 =	vld [tilespmem:$0x8E50];
	v55 =	vadd.f32 s15, v60;
	v22 =	vadd.f32 $0.0e+00, v22;
	v38 =	vmul.f32 v63, v38  }
0x28d: {  	v57 =	vadd.f32 s15, v61;
	v60 =	vld [tilespmem:$0x8D30];
	v30 =	vadd.f32 s10, v30;
	v19 =	vmax.f32 v35, v21  }
0x28e: {  	v61 =	vld [tilespmem:$0x8D60];
	v19 =	vmax.f32 v19, v37;
	v22 =	vmax.f32 v22, v23;
	v20 =	vmul.f32 v38, v38  }
0x28f: {  	v46 =	vadd.f32 s14, v62;
	v48 =	vadd.f32 s13, v48;
	v40 =	vld [tilespmem:$0x8AA0];
	v22 =	vmax.f32 v22, v24  }
0x290: {  	v62 =	vld [tilespmem:$0x8D70];
	v19 =	vmax.f32 v19, v29;
	v22 =	vmax.f32 v22, v25;
	v56 =	vmul.f32 $1.428571490e-01, v20  }
0x291: {  	v17 =	vadd.f32 v33, v17;
	v19 =	vmax.f32 v19, v34;
	v22 =	vmax.f32 v22, v49  }
0x292: {  	v50 =	vadd.f32 s10, v50;
	v63 =	vld [tilespmem:$0x8DB0];
	v22 =	vmax.f32 v22, v53;
	v56 =	vadd.f32 $2.000000030e-01, v56  }
0x293: {  	v17 =	vadd.f32 v27, v17;
	v60 =	vadd.f32 s11, v60;
	v22 =	vmax.f32 v22, v45  }
0x294: {  	v40 =	vadd.f32 $0.0e+00, v40;
	v22 =	vmax.f32 v22, v57;
	v47 =	vmul.f32 v56, v20  }
0x295: {  	v36 =	vadd.f32 s12, v61;
	v61 =	vadd.f32 s12, v62;
	v22 =	vmax.f32 v22, v54  }
0x296: {  	v22 =	vmax.f32 v22, v58;
	v21 =	vadd.f32 $3.333333430e-01, v47;
	v47 =	vmax.f32 v40, v39  }
0x297: {  	v62 =	vadd.f32 s29, v63;
	v63 =	vld [tilespmem:$0x8E60];
	v22 =	vmax.f32 v22, v60;
	v41 =	vmax.f32 v47, v41  }
0x298: {  	v19 =	vmax.f32 v19, v50;
	v58 =	vld [tilespmem:$0x8EB0];
	v22 =	vmax.f32 v22, v61;
	v43 =	vmax.f32 v41, v43  }
0x299: {  	v61 =	vld [tilespmem:$0x8EF0];
	v22 =	vmax.f32 v22, v62;
	v20 =	vmul.f32 v21, v20;
	v21 =	vmax.f32 v43, v26  }
0x29a: {  	v32 =	vmul.f32 $6.931471820e-01, v32;
	v22 =	vmax.f32 v22, v31;
	v21 =	vmax.f32 v21, v52  }
0x29b: {  	v19 =	vmax.f32 v19, $1.000000000e+00;
	v22 =	vmax.f32 v22, v42;
	v21 =	vmax.f32 v21, v44  }
0x29c: {  	v56 =	vadd.f32 s10, v63;
	v22 =	vmax.f32 v22, v30;
	v21 =	vmax.f32 v21, v55  }
0x29d: {  	v22 =	vmax.f32 v22, $1.000000000e+00;
	v52 =	vand.u32 $0x7FFFFF, v19;
	v21 =	vmax.f32 v21, v46  }
0x29e: {  	v63 =	vld [tilespmem:$0x9010];
	v31 =	vadd.f32 v61, v58;
	v23 =	vor.u32 $0x3F800000, v52;
	v21 =	vmax.f32 v21, v48  }
0x29f: {  	v33 =	vld [tilespmem:$0x91D0];
	v20 =	vadd.f32 $1.000000000e+00, v20;
	v40 =	vmul.f32 $5.000000000e-01, v23;
	v21 =	vmax.f32 v21, v59  }
0x2a0: {  	v50 =	vld [tilespmem:$0x8EE0];
	v62 =	vand.u32 $0x7FFFFF, v22;
	vm14 =	vgt.f32 v23, $1.414213540e+00;
	v21 =	vmax.f32 v21, v36  }
0x2a1: {  	v49 =	vld [tilespmem:$0x8EA0];
	v19 =	vshrl.u32 v19, $0x17;
	v23 =	vsel vm14, v40, v23;
	v15 =	vmax.f32 v21, v15  }
0x2a2: {  	v45 =	vld [tilespmem:$0x8F30];
	v22 =	vshrl.u32 v22, $0x17;
	v47 =	vadd.f32 $1.000000000e+00, v23;
	v15 =	vmax.f32 v15, v28  }
0x2a3: {  	v17 =	vadd.f32 v63, v17;
	v44 =	vld [tilespmem:$0x9050];
	v19 =	vand.u32 $0xFF, v19;
	v15 =	vmax.f32 v15, v51  }
0x2a4: {  	v57 =	vld [tilespmem:$0x8FE0];
	v22 =	vand.u32 $0xFF, v22;
	(erf) = vrcp.f32 v47;
	v15 =	vmax.f32 v15, v56  }
0x2a5: {  	v55 =	vld [tilespmem:$0x9090];
	v19 =	vadd.s32 $0xFFFFFF81, v19;
	v22 =	vadd.s32 $0xFFFFFF81, v22;
	v15 =	vmax.f32 v15, $1.000000000e+00  }
0x2a6: {  	v25 =	vsel vm14, $0x3F800000, v16;
	v48 =	vadd.f32 v38, v38;
	v51 =	vld [tilespmem:$0x8F20];
	v53 =	vand.u32 $0x7FFFFF, v15  }
0x2a7: {  	v63 =	vld [tilespmem:$0x90D0];
	v19 =	vcvt.s32.f32 v19;
	v23 =	vadd.f32 $-1.000000000e+00, v23;
	v54 =	vor.u32 $0x3F800000, v53  }
0x2a8: {  	v52 =	vld [tilespmem:$0x8F60];
	v20 =	vmul.f32 v20, v48;
	v17 =	vadd.f32 v44, v17;
	v56 =	vmul.f32 $5.000000000e-01, v54  }
0x2a9: {  	v41 =	vld [tilespmem:$0x9110];
	v44 =	vor.u32 $0x3F800000, v62;
	v28 =	vadd.f32 v50, v49;
	vm2 =	vgt.f32 v54, $1.414213540e+00  }
0x2aa: {  	v46 =	vmul.f32 $5.000000000e-01, v44;
	v17 =	vadd.f32 v55, v17;
	v55 =	vld [tilespmem:$0x8FA0];
	v30 =	vsel vm2, v56, v54  }
0x2ab: {  	v43 =	vld [tilespmem:$0x9150];
	vm15 =	vgt.f32 v44, $1.414213540e+00;
	v26 =	vadd.f32 v51, v28;
	v60 =	vadd.f32 $1.000000000e+00, v30  }
0x2ac: {  	v21 =	vld [tilespmem:$0x9190];
	v20 =	vadd.f32 v20, v32;
	v27 =	vsel vm15, v46, v44;
	v17 =	vadd.f32 v63, v17  }
0x2ad: {  	v49 =	vld [tilespmem:$0x8F70];
	v51 =	vadd.f32 $1.000000000e+00, v27;
	v59 =	vpop (erf);
	v24 =	vadd.f32 v52, v26;
	(erf) = vrcp.f32 v60  }
0x2ae: {  	v19 =	vadd.f32 v19, v25;
	v63 =	vld [tilespmem:$0x9020];
	v17 =	vadd.f32 v41, v17;
	v23 =	vmul.f32 v59, v23  }
0x2af: {  	v18 =	vmul.f32 v20, v18;
	v53 =	vld [tilespmem:$0x8FB0];
	v24 =	vadd.f32 v55, v24;
	(erf) = vrcp.f32 v51  }
0x2b0: {  	v47 =	vld [tilespmem:$0x9060];
	v17 =	vadd.f32 v43, v17;
	v54 =	vadd.f32 v45, v31;
	v48 =	vmul.f32 v23, v23  }
0x2b1: {  	v22 =	vcvt.s32.f32 v22;
	v18 =	vadd.f32 $0.0e+00, v18;
	v24 =	vadd.f32 v57, v24;
	v57 =	vld [tilespmem:$0x8FF0]  }
0x2b2: {  	v50 =	vld [tilespmem:$0x90A0];
	v17 =	vadd.f32 v21, v17;
	v21 =	vadd.f32 v49, v54;
	v52 =	vmul.f32 $1.428571490e-01, v48  }
0x2b3: {  	v19 =	vmul.f32 $6.931471820e-01, v19;
	v27 =	vadd.f32 $-1.000000000e+00, v27;
	v60 =	vld [tilespmem:$0x9030];
	v24 =	vadd.f32 v63, v24  }
0x2b4: {  	v15 =	vshrl.u32 v15, $0x17;
	v55 =	vld [tilespmem:$0x90E0];
	v21 =	vadd.f32 v53, v21;
	v56 =	vadd.f32 $2.000000030e-01, v52  }
0x2b5: {  	v40 =	vld [tilespmem:$0x9070];
	v35 =	vsel vm2, $0x3F800000, v16;
	v59 =	vadd.f32 $-1.000000000e+00, v30;
	v24 =	vadd.f32 v47, v24  }
0x2b6: {  	v58 =	vld [tilespmem:$0x9120];
	v16 =	vsel vm15, $0x3F800000, v16;
	v20 =	vmul.f32 v56, v48;
	v21 =	vadd.f32 v57, v21;
	v61 =	vpop (erf)  }
0x2b7: {  	v43 =	vld [tilespmem:$0x90B0];
	v16 =	vadd.f32 v22, v16;
	v24 =	vadd.f32 v50, v24;
	v63 =	vmul.f32 v61, v59  }
0x2b8: {  	v62 =	vld [tilespmem:$0x9160];
	v15 =	vand.u32 $0xFF, v15;
	v20 =	vadd.f32 $3.333333430e-01, v20;
	v21 =	vadd.f32 v60, v21;
	v36 =	vpop (erf)  }
0x2b9: {  	v46 =	vld [tilespmem:$0x90F0];
	v24 =	vadd.f32 v55, v24;
	v47 =	vmul.f32 v36, v27;
	v42 =	vmul.f32 v63, v63  }
0x2ba: {  	v41 =	vld [tilespmem:$0x91A0];
	v23 =	vadd.f32 v23, v23;
	v20 =	vmul.f32 v20, v48;
	v21 =	vadd.f32 v40, v21  }
0x2bb: {  	v34 =	vld [tilespmem:$0x9210];
	v24 =	vadd.f32 v58, v24;
	v53 =	vmul.f32 v47, v47;
	v45 =	vmul.f32 $1.428571490e-01, v42  }
0x2bc: {  	v15 =	vadd.s32 $0xFFFFFF81, v15;
	v51 =	vld [tilespmem:$0x9130];
	v20 =	vadd.f32 $1.000000000e+00, v20;
	v21 =	vadd.f32 v43, v21  }
0x2bd: {  	v37 =	vld [tilespmem:$0x9250];
	v24 =	vadd.f32 v62, v24;
	v56 =	vmul.f32 $1.428571490e-01, v53;
	v50 =	vadd.f32 $2.000000030e-01, v45  }
0x2be: {  	v17 =	vadd.f32 v33, v17;
	v54 =	vld [tilespmem:$0x9170];
	v20 =	vmul.f32 v20, v23;
	v55 =	vadd.f32 v46, v21  }
0x2bf: {  	v44 =	vld [tilespmem:$0x91E0];
	v49 =	vadd.f32 v41, v24;
	v21 =	vadd.f32 $2.000000030e-01, v56;
	v24 =	vmul.f32 v50, v42  }
0x2c0: {  	v15 =	vcvt.s32.f32 v15;
	v17 =	vadd.f32 v34, v17;
	v57 =	vld [tilespmem:$0x91B0];
	v19 =	vadd.f32 v20, v19  }
0x2c1: {  	v48 =	vld [tilespmem:$0x9220];
	v20 =	vadd.f32 v51, v55;
	v21 =	vmul.f32 v21, v53;
	v24 =	vadd.f32 $3.333333430e-01, v24  }
0x2c2: {  	v15 =	vadd.f32 v15, v35;
	v17 =	vadd.f32 v37, v17;
	v58 =	vld [tilespmem:$0x91F0]  }
0x2c3: {  	v52 =	vld [tilespmem:$0x9260];
	v20 =	vadd.f32 v54, v20;
	v21 =	vadd.f32 $3.333333430e-01, v21;
	v24 =	vmul.f32 v24, v42  }
0x2c4: {  	v59 =	vld [tilespmem:$0x9230];
	v26 =	vadd.f32 v63, v63;
	v23 =	vadd.f32 v44, v49  }
0x2c5: {  	v20 =	vadd.f32 v57, v20;
	v21 =	vmul.f32 v21, v53;
	v24 =	vadd.f32 $1.000000000e+00, v24  }
0x2c6: {  	v15 =	vmul.f32 $6.931471820e-01, v15;
	v60 =	vld [tilespmem:$0x9270];
	v25 =	vadd.f32 v47, v47;
	v23 =	vadd.f32 v48, v23  }
0x2c7: {  	v20 =	vadd.f32 v58, v20;
	v21 =	vadd.f32 $1.000000000e+00, v21;
	v24 =	vmul.f32 v24, v26  }
0x2c8: {  	v16 =	vmul.f32 $6.931471820e-01, v16;
	v17 =	vmul.f32 v19, v17;
	v23 =	vadd.f32 v52, v23  }
0x2c9: {  	v61 =	vadd.f32 v59, v20;
	v62 =	vmul.f32 v21, v25;
	v15 =	vadd.f32 v24, v15  }
0x2ca: {  	v17 =	vadd.f32 v17, v18  }
0x2cb: {  	v63 =	vadd.f32 v60, v61;
	v16 =	vadd.f32 v62, v16;
	v15 =	vmul.f32 v15, v23;
	_ =	sdelay $0x1  }
0x2cc: {  	v16 =	vmul.f32 v16, v63;
	v15 =	vadd.f32 v15, v17;
	_ =	sdelay $0x1  }
0x2cd: {  	v15 =	vadd.f32 v16, v15;
	_ =	sdelay $0x1  }
0x2ce: {  	(xrf2) =	vadd.scan.msk.f32 $0xffff, v15;
	_ =	sdelay $0x9  }
0x2cf: {  	v15, _, _ =	vpop (xrf2)  }
0x2d0: {  	v15 =	vbroadcast v15, $0xF;
	_ =	sdelay $0x1  }
0x2d1: {  	v15 =	vnsel vm0, $0x0, v15  }
0x2d2: {  	s31 =	sadd.s32 s9, s2;
	[tilespmem:$0x8900] =	vst v15  }
0x2d3: {  	[spmem:s31] =	stream.linear.scatter [tilespmem:s8], [sflag:$0x3], $0x10, $0x38;
	[tilespmem:$0x9BA0] =	vst v63  }
0x2d4: {  	_ =	swait.ge [sflag:s7], $0x10  }
0x2d5: {  	[sflag:s7] =	ssyncset.done $0x0  }
0x2d6: {  	[sflag:s7] =	ssyncadd.s32 $0xFFFFFFF0  }
0x2d7: {  	p0 =	sne.s32 s3, $0x0;
	[bflag:$0x0] =	sbarrier.arrive $0xFFFF  }
0x2d8: {  	_ =	sfence.sel @p0 $0x180000  }
0x2d9: {  	[bflag:$0x0] =	sbarrier.arrive @p0 $0xFFFF  }
0x2da: {  	_ =	strace @p0 $0x90000047  }
0x2db: {  	[bflag:$0x2] =	sbarrier.arrive @p0 $0xFFFF  }
0x2dc: {  	_ =	shalt @p0  }
.LBB2_13:
0x2dd: {  	(v2sf) =	vpush v14, $0x2  }
0x2de: {  	(v2sf) =	vpush v13, $0x2  }
0x2df: {  	(v2sf) =	vpush v12, $0x2  }
0x2e0: {  	(v2sf) =	vpush v11, $0x2  }
0x2e1: {  	(v2sf) =	vpush v0, $0x2  }
0x2e2: {  	(v2sf) =	vpush v1, $0x2  }
0x2e3: {  	(v2sf) =	vpush v2, $0x2  }
0x2e4: {  	(v2sf) =	vpush v3, $0x2  }
0x2e5: {  	(v2sf) =	vpush v4, $0x2  }
0x2e6: {  	(v2sf) =	vpush v5, $0x2  }
0x2e7: {  	v15 =	vld [tilespmem:$0x1FFF0];
	(v2sf) =	vpush v6, $0x2  }
0x2e8: {  	(v2sf) =	vpush v7, $0x2  }
0x2e9: {  	(v2sf) =	vpush v8, $0x2  }
0x2ea: {  	(v2sf) =	vpush v9, $0x2  }
0x2eb: {  	(v2sf) =	vpush v10, $0x2  }
0x2ec: {  	s3 =	spop (v2sf);
	(v2sf) =	vpush v15, $0x2  }
0x2ed: {  	s4 =	spop (v2sf);
	(v2sf) =	vpush v14, $0x1  }
0x2ee: {  	s5 =	spop (v2sf);
	(v2sf) =	vpush v13, $0x1  }
0x2ef: {  	s18 =	spop (v2sf)  }
0x2f0: {  	(v2sf) =	vpush v12, $0x1;
	s19 =	spop (v2sf)  }
0x2f1: {  	(v2sf) =	vpush v11, $0x1;
	s20 =	spop (v2sf)  }
0x2f2: {  	(v2sf) =	vpush v0, $0x1;
	s21 =	spop (v2sf)  }
0x2f3: {  	(v2sf) =	vpush v1, $0x1;
	s22 =	spop (v2sf)  }
0x2f4: {  	(v2sf) =	vpush v2, $0x1;
	s23 =	spop (v2sf)  }
0x2f5: {  	(v2sf) =	vpush v3, $0x1;
	s24 =	spop (v2sf)  }
0x2f6: {  	(v2sf) =	vpush v4, $0x1;
	s25 =	spop (v2sf)  }
0x2f7: {  	(v2sf) =	vpush v5, $0x1;
	s26 =	spop (v2sf)  }
0x2f8: {  	(v2sf) =	vpush v6, $0x1;
	s28 =	spop (v2sf)  }
0x2f9: {  	(v2sf) =	vpush v7, $0x1;
	s29 =	spop (v2sf)  }
0x2fa: {  	(v2sf) =	vpush v8, $0x1;
	s30 =	spop (v2sf)  }
0x2fb: {  	s31 =	spop (v2sf);
	(v2sf) =	vpush v9, $0x1  }
0x2fc: {  	s0 =	spop (v2sf);
	(v2sf) =	vpush v10, $0x1  }
0x2fd: {  	s8 =	smov.u32 s1;
	s6 =	simm.s32 $0x9280;
	s1 =	spop (v2sf);
	(v2sf) =	vpush v15, $0x1  }
0x2fe: {  	[tilespmem:s6], [sflag:$0x3] =	stream.linear.gather [spmem:s2], $0x100, $0x38;
	[tilespmem:$0x9BA0] =	vst v63  }
0x2ff: {  	s17 =	spop (v2sf)  }
0x300: {  	s16 =	spop (v2sf)  }
0x301: {  	s15 =	spop (v2sf)  }
0x302: {  	s14 =	spop (v2sf)  }
0x303: {  	s13 =	spop (v2sf)  }
0x304: {  	s12 =	spop (v2sf)  }
0x305: {  	s9 =	sadd.f32 $0.0e+00, s3;
	s11 =	spop (v2sf)  }
0x306: {  	s10 =	spop (v2sf)  }
0x307: {  	s2 =	sadd.f32 s4, s9;
	s9 =	spop (v2sf)  }
0x308: {  	s6 =	spop (v2sf)  }
0x309: {  	s2 =	sadd.f32 s5, s2;
	s5 =	spop (v2sf)  }
0x30a: {  	s4 =	spop (v2sf)  }
0x30b: {  	s3 =	spop (v2sf)  }
0x30c: {  	s18 =	sadd.f32 s18, s2;
	s2 =	spop (v2sf)  }
0x30d: {  	_ =	swait.ge [sflag:s7], $0x100  }
0x30e: {  	[sflag:s7] =	ssyncset.done $0x0  }
0x30f: {  	[sflag:s7] =	ssyncadd.s32 $0xFFFFFF00  }
0x310: {  	v45 =	vld [tilespmem:$0x9280];
	_ =	sdelay $0x1  }
0x311: {  	v46 =	vld [tilespmem:$0x9290];
	_ =	sdelay $0x1  }
0x312: {  	s18 =	sadd.f32 s19, s18;
	v47 =	vld [tilespmem:$0x92A0]  }
0x313: {  	(v2sf) =	vpush v45, $0x0  }
0x314: {  	s18 =	sadd.f32 s20, s18;
	v48 =	vld [tilespmem:$0x92B0]  }
0x315: {  	(v2sf) =	vpush v46, $0x0  }
0x316: {  	s18 =	sadd.f32 s21, s18;
	v49 =	vld [tilespmem:$0x92C0]  }
0x317: {  	(v2sf) =	vpush v47, $0x0  }
0x318: {  	s18 =	sadd.f32 s22, s18;
	v50 =	vld [tilespmem:$0x92D0]  }
0x319: {  	(v2sf) =	vpush v48, $0x0  }
0x31a: {  	s18 =	sadd.f32 s23, s18;
	v51 =	vld [tilespmem:$0x92E0]  }
0x31b: {  	s0 =	sadd.f32 $0.0e+00, s0;
	(v2sf) =	vpush v49, $0x0  }
0x31c: {  	s18 =	sadd.f32 s24, s18;
	v52 =	vld [tilespmem:$0x92F0]  }
0x31d: {  	s0 =	sadd.f32 s1, s0;
	(v2sf) =	vpush v50, $0x0  }
0x31e: {  	s18 =	sadd.f32 s25, s18;
	v53 =	vld [tilespmem:$0x9300]  }
0x31f: {  	s0 =	sadd.f32 s17, s0;
	(v2sf) =	vpush v51, $0x0  }
0x320: {  	s18 =	sadd.f32 s26, s18;
	v54 =	vld [tilespmem:$0x9310]  }
0x321: {  	s0 =	sadd.f32 s16, s0;
	(v2sf) =	vpush v52, $0x0  }
0x322: {  	s18 =	sadd.f32 s28, s18;
	v55 =	vld [tilespmem:$0x9320];
	s26 =	spop (v2sf)  }
0x323: {  	(v2sf) =	vpush v53, $0x0;
	s19 =	sadd.f32 $0.0e+00, s26  }
0x324: {  	s0 =	sadd.f32 s15, s0;
	v56 =	vld [tilespmem:$0x9330];
	s28 =	spop (v2sf)  }
0x325: {  	(v2sf) =	vpush v54, $0x0;
	s1 =	sadd.f32 s28, s19  }
0x326: {  	s18 =	sadd.f32 s29, s18;
	v57 =	vld [tilespmem:$0x9340];
	s29 =	spop (v2sf)  }
0x327: {  	(v2sf) =	vpush v55, $0x0;
	s1 =	sadd.f32 s29, s1  }
0x328: {  	s18 =	sadd.f32 s30, s18;
	v58 =	vld [tilespmem:$0x9350];
	s30 =	spop (v2sf)  }
0x329: {  	(v2sf) =	vpush v56, $0x0;
	s1 =	sadd.f32 s30, s1  }
0x32a: {  	s18 =	sadd.f32 s31, s18;
	v59 =	vld [tilespmem:$0x9360];
	s31 =	spop (v2sf)  }
0x32b: {  	(v2sf) =	vpush v57, $0x0;
	s1 =	sadd.f32 s31, s1  }
0x32c: {  	s0 =	sadd.f32 s14, s0;
	v60 =	vld [tilespmem:$0x9370];
	s16 =	spop (v2sf)  }
0x32d: {  	(v2sf) =	vpush v58, $0x0;
	s1 =	sadd.f32 s16, s1  }
0x32e: {  	s0 =	sadd.f32 s13, s0;
	s17 =	spop (v2sf)  }
0x32f: {  	(v2sf) =	vpush v59, $0x0;
	s1 =	sadd.f32 s17, s1  }
0x330: {  	s0 =	sadd.f32 s12, s0;
	s19 =	spop (v2sf)  }
0x331: {  	(v2sf) =	vpush v60, $0x0;
	s1 =	sadd.f32 s19, s1  }
0x332: {  	s0 =	sadd.f32 s11, s0;
	s20 =	spop (v2sf)  }
0x333: {  	s1 =	sadd.f32 s20, s1  }
0x334: {  	s0 =	sadd.f32 s10, s0;
	s21 =	spop (v2sf)  }
0x335: {  	s1 =	sadd.f32 s21, s1  }
0x336: {  	s0 =	sadd.f32 s9, s0;
	s22 =	spop (v2sf)  }
0x337: {  	s1 =	sadd.f32 s22, s1  }
0x338: {  	s0 =	sadd.f32 s6, s0;
	s23 =	spop (v2sf)  }
0x339: {  	s1 =	sadd.f32 s23, s1  }
0x33a: {  	s0 =	sadd.f32 s5, s0;
	s24 =	spop (v2sf)  }
0x33b: {  	v61 =	vmov s18;
	s1 =	sadd.f32 s24, s1  }
0x33c: {  	v0 =	vadd.f32 $0.0e+00, v61;
	s0 =	sadd.f32 s4, s0;
	s25 =	spop (v2sf)  }
0x33d: {  	s1 =	sadd.f32 s25, s1  }
0x33e: {  	v0 =	vbroadcast v0, $0x0;
	s0 =	sadd.f32 s3, s0;
	s26 =	spop (v2sf)  }
0x33f: {  	s1 =	sadd.f32 s26, s1  }
0x340: {  	(erf) = vrcp.f32 v0;
	s0 =	sadd.f32 s2, s0;
	s28 =	spop (v2sf)  }
0x341: {  	s1 =	sadd.f32 s28, s1;
	_ =	sdelay $0x1  }
0x342: {  	s0 =	ssub.f32 s1, s0;
	_ =	sdelay $0x1  }
0x343: {  	v62 =	vmov s0  }
0x344: {  	v0 =	vadd.f32 $0.0e+00, v62;
	_ =	sdelay $0x1  }
0x345: {  	v0 =	vbroadcast v0, $0x0  }
0x346: {  	v63 =	vpop (erf)  }
0x347: {  	v0 =	vmul.f32 v0, v63;
	_ =	sdelay $0x1  }
0x348: {  	s29 =	simm.s32 $0x0;
	s30 =	simm.s32 $0x8900;
	[tilespmem:$0x8900] =	vst v0  }
0x349: {  	[hbm4b:s8+s29] =	stream.linear.scatter [tilespmem:s30], [sflag:$0x3], $0x80, $0x38;
	[tilespmem:$0x9BA0] =	vst v63  }
0x34a: {  	_ =	swait.ge [sflag:s7], $0x80  }
0x34b: {  	[sflag:s7] =	ssyncset.done $0x0  }
0x34c: {  	[sflag:s7] =	ssyncadd.s32 $0xFFFFFF80  }
0x34d: {  	_ =	sfence.sel $0x180000  }
0x34e: {  	[bflag:$0x0] =	sbarrier.arrive $0xFFFF  }
0x34f: {  	_ =	strace $0x90000047  }
0x350: {  	[bflag:$0x2] =	sbarrier.arrive $0xFFFF  }
0x351: {  	s31 =	rddreg [dreg:$0x8]  }
0x352: {  	s0 =	sadd.s32 $0x100000, s31  }
0x353: {  	[sflag:s0] =	ssyncadd.tile.s32 $0x1;
	_ =	shalt  }
.Lfunc_end2:
_tile_overlayer_lowered:
.L_overlay_start_2:
0x354: {  	(tag) =	ssettag $0x2  }
0x355: {  	s0 =	rddreg [dreg:$0x0];
	s2 =	stileid.u32  }
0x356: {  	s1 =	rddreg [dreg:$0x1];
	p0 =	sne.s32 s2, $0x0  }
0x357: {  	s3 =	rddreg [dreg:$0x2];
	[bflag:$0x3] =	sbarrier.arrive $0xFFFF;
	s2 =	simm.s32 @!p0 $0x1C03  }
0x358: {  	[timem:s3], [sflag:s2] =	dma.local @!p0 [hbm:s0], s1  }
0x359: {  	s0 =	simm.s32 @!p0 $0x3  }
0x35a: {  	_ =	swait.ge @!p0 [sflag:s0], s1  }
0x35b: {  	s1 =	ssub.s32 @!p0 $0x0, s1;
	[sflag:s0] =	ssyncset.done @!p0 $0x0  }
0x35c: {  	[sflag:s0] =	ssyncadd.s32 @!p0 s1  }
0x35d: {  	[bflag:$0x3] =	sbarrier.arrive $0xFFFF  }
0x35e: {  	_ =	shalt  }

</sc_bundles>
